<compile_context>
chip_gen: v7x
topology: tpu7x:2x2x1
jax: 0.10.2.dev20260603
libtpu: 0.0.44.dev20260713+nightly
codegen_flags: <defaults>
</compile_context>

<pallas_src>
import functools

import jax
import jax.numpy as jnp
import numpy as np
from jax import lax
from jax.experimental import pallas as pl
from jax.experimental.pallas import tpu as pltpu
from jax.experimental.pallas import tpu_sc as plsc

_B = 32
_N = 8192
_D = 64
_K = 64
_TK = 512
_NCH = _N // _TK
_NC = 2
_UNROLL = 1
_SBIG = 1e38

_U32 = np.uint32
_ROT1 = (13, 15, 26, 6)
_ROT2 = (17, 29, 16, 24)


def _tf_rounds(x0, x1, rots):
    for r in rots:
        x0 = (x0 + x1).astype(_U32)
        x1 = (np.left_shift(x1, _U32(r))
              | np.right_shift(x1, _U32(32 - r))).astype(_U32)
        x1 = x0 ^ x1
    return x0, x1


def _tf_cipher(k1, k2, x0, x1):
    ks2 = (k1 ^ k2 ^ _U32(0x1BD11BDA)).astype(_U32)
    x0 = (np.asarray(x0, _U32) + k1).astype(_U32)
    x1 = (np.asarray(x1, _U32) + k2).astype(_U32)
    x0, x1 = _tf_rounds(x0, x1, _ROT1)
    x0 = (x0 + k2).astype(_U32); x1 = (x1 + ks2 + _U32(1)).astype(_U32)
    x0, x1 = _tf_rounds(x0, x1, _ROT2)
    x0 = (x0 + ks2).astype(_U32); x1 = (x1 + k1 + _U32(2)).astype(_U32)
    x0, x1 = _tf_rounds(x0, x1, _ROT1)
    x0 = (x0 + k1).astype(_U32); x1 = (x1 + k2 + _U32(3)).astype(_U32)
    x0, x1 = _tf_rounds(x0, x1, _ROT2)
    x0 = (x0 + k2).astype(_U32); x1 = (x1 + ks2 + _U32(4)).astype(_U32)
    x0, x1 = _tf_rounds(x0, x1, _ROT1)
    x0 = (x0 + ks2).astype(_U32); x1 = (x1 + k1 + _U32(5)).astype(_U32)
    return x0, x1


def _tf_split(key, n):
    lo = np.arange(n, dtype=_U32)
    hi = np.zeros(n, _U32)
    b1, b2 = _tf_cipher(key[..., 0, None], key[..., 1, None], hi, lo)
    return np.stack([b1, b2], -1)


def _tf_bits32(key, n):
    lo = np.arange(n, dtype=_U32)
    hi = np.zeros(n, _U32)
    b1, b2 = _tf_cipher(key[..., 0, None], key[..., 1, None], hi, lo)
    return b1 ^ b2


def _tf_gumbel(key, n):
    bits = _tf_bits32(key, n)
    fb = (np.right_shift(bits, _U32(9)) | _U32(0x3F800000)).astype(_U32)
    f = fb.view(np.float32) - np.float32(1.0)
    tiny = np.float32(np.finfo(np.float32).tiny)
    u = np.maximum(tiny, (f * (np.float32(1.0) - tiny) + tiny))
    return -np.log(-np.log(u))


def _sampling_weights():
    keys = _tf_split(np.array([0, 42], _U32), _B)
    ks = _tf_split(keys, 2)
    k, sub = ks[:, 0], ks[:, 1]
    first = (_tf_bits32(_tf_split(sub, 2)[:, 1], 1)[:, 0] % _U32(_N))
    w = np.zeros((_B, _K, _N), np.float32)
    w[np.arange(_B), 0, first] = 1.0
    for t in range(1, _K):
        ks = _tf_split(k, 2)
        k, sub = ks[:, 0], ks[:, 1]
        w[:, t] = np.exp(np.float32(2.0) * _tf_gumbel(sub, _N))
    return w


_W_TABLE = _sampling_weights()


def _chunk_copy(xt_hbm, b, ci, buf, sem):
    return pltpu.make_async_copy(
        xt_hbm.at[b, :, pl.ds(ci * _TK, _TK)], buf, sem)


def _broadcast16(cv):
    return [jnp.full((16,), cv[dd], jnp.float32) for dd in range(16)]


def _process_chunk(buf, chunk_base, c_ref, s_ref, w_ref, acc_ref, scan):
    mv, iv = scan
    for db in range(4):
        cb = _broadcast16(c_ref[pl.ds(db * 16, 16)])

        def gbody(g, carry, db=db, cb=cb):
            mv, iv = carry
            for u in range(_UNROLL):
                base = (g * _UNROLL + u) * 16
                a = [jnp.zeros((16,), jnp.float32) for _ in range(4)]
                for dd in range(16):
                    xv = buf[db * 16 + dd, pl.ds(base, 16)]
                    d_ = xv - cb[dd]
                    a[dd % 4] = a[dd % 4] + d_ * d_
                acc = (a[0] + a[1]) + (a[2] + a[3])
                if db > 0:
                    acc = acc + acc_ref[pl.ds(base, 16)]
                if db < 3:
                    acc_ref[pl.ds(base, 16)] = acc
                else:
                    so = chunk_base + base
                    s = jnp.minimum(s_ref[pl.ds(so, 16)], acc)
                    s_ref[pl.ds(so, 16)] = s
                    p = s * w_ref[pl.ds(so, 16)]
                    upd = p > mv
                    mv = jnp.where(upd, p, mv)
                    iv = jnp.where(upd, so + _LANE, iv)
            return mv, iv

        mv, iv = plsc.parallel_loop(
            0, _TK // 16 // _UNROLL, 1, unroll=2, carry=(mv, iv))(gbody)
    return mv, iv


_LANE = None


def _scan_to_index(mv, iv):
    m = jnp.max(mv)
    return jnp.min(jnp.where(mv == m, iv, jnp.int32(2 ** 30)))


def _body(x_hbm, xt_hbm, w_hbm, out_hbm,
          s_ref, w_ref, xa_ref, xb_ref, acc_ref, c_ref,
          sem_a, sem_b, sem_w):
    global _LANE
    b = lax.axis_index("s") * _NC + lax.axis_index("c")
    _LANE = lax.iota(jnp.int32, 16)

    big16 = jnp.full((16,), _SBIG, jnp.float32)

    def init_body(g, _):
        s_ref[pl.ds(g * 16, 16)] = big16
        return 0
    lax.fori_loop(0, _N // 16, init_body, 0)

    _chunk_copy(xt_hbm, b, 0, xa_ref, sem_a).start()

    pltpu.sync_copy(w_hbm.at[b, 0], w_ref)

    def abody(g, carry):
        mv, iv = carry
        p = s_ref[pl.ds(g * 16, 16)] * w_ref[pl.ds(g * 16, 16)]
        upd = p > mv
        return (jnp.where(upd, p, mv),
                jnp.where(upd, g * 16 + _LANE, iv))

    mv0, iv0 = lax.fori_loop(
        0, _N // 16, abody,
        (jnp.full((16,), -1.0, jnp.float32), jnp.zeros((16,), jnp.int32)))
    idx0 = _scan_to_index(mv0, iv0)

    def step(t, idx):
        pltpu.make_async_copy(w_hbm.at[b, t + 1], w_ref, sem_w).start()
        pltpu.sync_copy(x_hbm.at[b, idx], c_ref)
        pltpu.sync_copy(c_ref, out_hbm.at[b, t])
        pltpu.make_async_copy(w_hbm.at[b, t + 1], w_ref, sem_w).wait()

        def pair(g, carry):
            c0 = 2 * g
            c1 = 2 * g + 1
            nxt = (2 * g + 2) % _NCH
            _chunk_copy(xt_hbm, b, c1, xb_ref, sem_b).start()
            _chunk_copy(xt_hbm, b, c0, xa_ref, sem_a).wait()
            carry = _process_chunk(
                xa_ref, c0 * _TK, c_ref, s_ref, w_ref, acc_ref, carry)
            _chunk_copy(xt_hbm, b, nxt, xa_ref, sem_a).start()
            _chunk_copy(xt_hbm, b, c1, xb_ref, sem_b).wait()
            return _process_chunk(
                xb_ref, c1 * _TK, c_ref, s_ref, w_ref, acc_ref, carry)

        mv, iv = lax.fori_loop(
            0, _NCH // 2, pair,
            (jnp.full((16,), -1.0, jnp.float32), jnp.zeros((16,), jnp.int32)))
        return _scan_to_index(mv, iv)

    idx_last = lax.fori_loop(0, _K - 1, step, idx0)

    pltpu.sync_copy(x_hbm.at[b, idx_last], c_ref)
    pltpu.sync_copy(c_ref, out_hbm.at[b, _K - 1])

    _chunk_copy(xt_hbm, b, 0, xa_ref, sem_a).wait()


_KERNEL_CACHE = []


def _diverse_sc():
    if _KERNEL_CACHE:
        return _KERNEL_CACHE[0]
    f = functools.partial(
        pl.kernel,
        mesh=plsc.VectorSubcoreMesh(core_axis_name="c", subcore_axis_name="s"),
        compiler_params=pltpu.CompilerParams(needs_layout_passes=False),
        out_type=jax.ShapeDtypeStruct((_B, _K, _D), jnp.float32),
        scratch_types=[
            pltpu.VMEM((_N,), jnp.float32),
            pltpu.VMEM((_N,), jnp.float32),
            pltpu.VMEM((_D, _TK), jnp.float32),
            pltpu.VMEM((_D, _TK), jnp.float32),
            pltpu.VMEM((_TK,), jnp.float32),
            pltpu.VMEM((_D,), jnp.float32),
            pltpu.SemaphoreType.DMA,
            pltpu.SemaphoreType.DMA,
            pltpu.SemaphoreType.DMA,
        ],
    )(_body)
    _KERNEL_CACHE.append(f)
    return f


def kernel(x):
    w = jnp.asarray(_W_TABLE)
    xt = jnp.swapaxes(x, 1, 2)
    tokens = _diverse_sc()(x, xt, w)
    return tokens, jnp.float32(0.0)

# --- scband reference (transcript-rebuilt; emitter-appended) ---
"""Pipeline reference for scband-diverse-sampler-10634339025303 (READ-ONLY COPY).

The authoritative reference and input builder live on the scoring server;
editing this copy changes nothing except your own understanding.
"""

import jax, jax.numpy as jnp
import numpy as np

K = 64


def k_means_plus_plus(key, x, k):
    # x: [n, d]. Faithful jax port of the torch k-means++ seeding:
    # pick a random first index, then repeatedly sample the next index
    # proportional to the current min-distance, updating distances with min().
    n = x.shape[0]
    key, sub = jax.random.split(key)
    first_index = jax.random.randint(sub, (), 0, n)
    selected = jnp.zeros((k,), dtype=jnp.int32).at[0].set(first_index.astype(jnp.int32))
    distances = jnp.linalg.norm(x - x[first_index], axis=-1)

    def body(i, carry):
        selected, distances, key = carry
        key, sub = jax.random.split(key)
        # torch.multinomial(distances, 1) samples proportional to weights;
        # categorical over log-weights is equivalent.
        logits = jnp.log(jnp.maximum(distances, 1e-30))
        next_index = jax.random.categorical(sub, logits)
        selected = selected.at[i].set(next_index.astype(jnp.int32))
        new_distances = jnp.linalg.norm(x - x[next_index], axis=-1)
        distances = jnp.minimum(distances, new_distances)
        return (selected, distances, key)

    selected, _, _ = jax.lax.fori_loop(1, k, body, (selected, distances, key))
    return selected


def setup_inputs(seed: int = 0) -> dict:
    key = jax.random.key(seed)
    x = jax.random.normal(key, (32, 8192, 64), dtype=jnp.float32)
    return {"x": x}


def reference(x):
    batch = x.shape[0]
    keys = jax.random.split(jax.random.key(42), batch)
    indices = jax.vmap(lambda k_, xi: k_means_plus_plus(k_, xi, K))(keys, x)
    diverse_tokens = jax.vmap(lambda xi, idx: jnp.take(xi, idx, axis=0))(x, indices)
    return (diverse_tokens, 0.0)

if __name__ == "__main__":
    import jax
    _d = setup_inputs()
    print(jax.jit(kernel)(*tuple(_d.values())))

</pallas_src>

<mosaic_0001>
#map = affine_map<(d0, d1) -> (0, 0, 0)>
module attributes {stable_mosaic.version = 14 : i64} {
  func.func @_body(%arg0: i32, %arg1: i32, %arg2: memref<32x8192x64xf32, #tpu.memory_space<hbm>>, %arg3: memref<32x64x8192xf32, #tpu.memory_space<hbm>>, %arg4: memref<32x64x8192xf32, #tpu.memory_space<hbm>>, %arg5: memref<32x64x64xf32, #tpu.memory_space<hbm>>, %arg6: memref<8192xf32, #tpu.memory_space<vmem>>, %arg7: memref<8192xf32, #tpu.memory_space<vmem>>, %arg8: memref<64x512xf32, #tpu.memory_space<vmem>>, %arg9: memref<64x512xf32, #tpu.memory_space<vmem>>, %arg10: memref<512xf32, #tpu.memory_space<vmem>>, %arg11: memref<64xf32, #tpu.memory_space<vmem>>, %arg12: memref<!tpu.dma_semaphore, #tpu.memory_space<semaphore_mem>>, %arg13: memref<!tpu.dma_semaphore, #tpu.memory_space<semaphore_mem>>, %arg14: memref<!tpu.dma_semaphore, #tpu.memory_space<semaphore_mem>>) attributes {dimension_semantics = [#tpu.dimension_semantics<core_parallel>, #tpu.dimension_semantics<subcore_parallel>], iteration_bounds = array<i64: 2, 16>, scalar_prefetch = 0 : i64, scratch_operands = 9 : i64, tpu.core_type = #tpu.core_type<sc_vector_subcore>, window_params = [{transform_indices = #map}, {transform_indices = #map}, {transform_indices = #map}, {transform_indices = #map}]} {
    %mul3A = arith.constant 2 : i32
    %mul3A_0 = arith.muli %arg1, %mul3A : i32
    %add3A = arith.addi %mul3A_0, %arg0 : i32
    %iota3A = tpu.iota {dimensions = array<i32: 0>} : vector<16xi32>
    %broadcast_in_dim3A = arith.constant 9.99999968E+37 : f32
    %broadcast_in_dim3A_1 = vector.broadcast %broadcast_in_dim3A : f32 to vector<16xf32>
    %scan3A = arith.constant 0 : i32
    %scan3A_2 = arith.constant 0 : i32
    %scan3A_3 = arith.constant 512 : i32
    %scan3A_4 = arith.addi %scan3A_2, %scan3A_3 : i32
    %scan3A_5 = arith.constant 1 : i32
    %scan3A_6 = scf.for %scan3A_51 = %scan3A_2 to %scan3A_4 step %scan3A_5 iter_args(%scan3A_52 = %scan3A) -> (i32)  : i32 {
      %mul3A_53 = arith.constant 16 : i32
      %mul3A_54 = arith.muli %scan3A_51, %mul3A_53 : i32
      %swap3A = arith.index_cast %mul3A_54 : i32 to index
      %swap3A_55 = tpu.vector_load %arg6[%swap3A] {strides = array<i32>} : memref<8192xf32, #tpu.memory_space<vmem>>, vector<16xf32>,
      tpu.vector_store %arg6[%swap3A], %broadcast_in_dim3A_1 {strides = array<i32>} : memref<8192xf32, #tpu.memory_space<vmem>>, vector<16xf32>,
      %scan3A_56 = arith.constant 0 : i32
      scf.yield %scan3A_56 : i32
    }
    %scan3A_7 = arith.constant 512 : i32
    %dma_start3A = arith.constant 0 : i32
    %dma_start3A_8 = arith.constant 0 : i32
    %dma_start3A_9 = tpu.memref_slice %arg3[%add3A, %dma_start3A, %dma_start3A_8] : memref<32x64x8192xf32, #tpu.memory_space<hbm>> -> memref<1x64x512xf32, #tpu.memory_space<hbm>>
    %dma_start3A_10 = tpu.memref_squeeze %dma_start3A_9 : memref<1x64x512xf32, #tpu.memory_space<hbm>> -> memref<64x512xf32, #tpu.memory_space<hbm>>
    %dma_start3A_11 = arith.constant 0 : i32
    %dma_start3A_12 = arith.constant 0 : i32
    %dma_start3A_13 = tpu.memref_slice %arg3[%add3A, %dma_start3A_11, %dma_start3A_12] : memref<32x64x8192xf32, #tpu.memory_space<hbm>> -> memref<1x64x512xf32, #tpu.memory_space<hbm>>
    %dma_start3A_14 = tpu.memref_squeeze %dma_start3A_13 : memref<1x64x512xf32, #tpu.memory_space<hbm>> -> memref<64x512xf32, #tpu.memory_space<hbm>>
    tpu.enqueue_dma source(%dma_start3A_14 : memref<64x512xf32, #tpu.memory_space<hbm>>) target(%arg8 : memref<64x512xf32, #tpu.memory_space<vmem>>) target_semaphore(%arg12 : memref<!tpu.dma_semaphore, #tpu.memory_space<semaphore_mem>>)
    %run_scoped3A = arith.constant 0 : i32
    "tpu.region"() ({
      %run_scoped3A_51 = tpu.sem_alloc : memref<!tpu.dma_semaphore, #tpu.memory_space<semaphore_mem>>
      %dma_start3A_52 = arith.constant 0 : i32
      %dma_start3A_53 = tpu.memref_slice %arg4[%add3A, %run_scoped3A, %dma_start3A_52] : memref<32x64x8192xf32, #tpu.memory_space<hbm>> -> memref<1x1x8192xf32, #tpu.memory_space<hbm>>
      %dma_start3A_54 = tpu.memref_squeeze %dma_start3A_53 : memref<1x1x8192xf32, #tpu.memory_space<hbm>> -> memref<8192xf32, #tpu.memory_space<hbm>>
      %dma_start3A_55 = arith.constant 0 : i32
      %dma_start3A_56 = tpu.memref_slice %arg4[%add3A, %run_scoped3A, %dma_start3A_55] : memref<32x64x8192xf32, #tpu.memory_space<hbm>> -> memref<1x1x8192xf32, #tpu.memory_space<hbm>>
      %dma_start3A_57 = tpu.memref_squeeze %dma_start3A_56 : memref<1x1x8192xf32, #tpu.memory_space<hbm>> -> memref<8192xf32, #tpu.memory_space<hbm>>
      tpu.enqueue_dma source(%dma_start3A_57 : memref<8192xf32, #tpu.memory_space<hbm>>) target(%arg7 : memref<8192xf32, #tpu.memory_space<vmem>>) target_semaphore(%run_scoped3A_51 : memref<!tpu.dma_semaphore, #tpu.memory_space<semaphore_mem>>)
      %dma_wait3A_58 = arith.constant 0 : i32
      %dma_wait3A_59 = tpu.memref_slice %arg4[%add3A, %run_scoped3A, %dma_wait3A_58] : memref<32x64x8192xf32, #tpu.memory_space<hbm>> -> memref<1x1x8192xf32, #tpu.memory_space<hbm>>
      %dma_wait3A_60 = tpu.memref_squeeze %dma_wait3A_59 : memref<1x1x8192xf32, #tpu.memory_space<hbm>> -> memref<8192xf32, #tpu.memory_space<hbm>>
      %dma_wait3A_61 = arith.constant 0 : i32
      %dma_wait3A_62 = tpu.memref_slice %arg4[%add3A, %run_scoped3A, %dma_wait3A_61] : memref<32x64x8192xf32, #tpu.memory_space<hbm>> -> memref<1x1x8192xf32, #tpu.memory_space<hbm>>
      %dma_wait3A_63 = tpu.memref_squeeze %dma_wait3A_62 : memref<1x1x8192xf32, #tpu.memory_space<hbm>> -> memref<8192xf32, #tpu.memory_space<hbm>>
      tpu.wait_dma2 semaphore(%run_scoped3A_51 : memref<!tpu.dma_semaphore, #tpu.memory_space<semaphore_mem>>) src(%dma_wait3A_63 : memref<8192xf32, #tpu.memory_space<hbm>>) dst(%arg7 : memref<8192xf32, #tpu.memory_space<vmem>>)
      tpu.yield
    }) : () -> ()
    %broadcast_in_dim3A_15 = arith.constant -1.000000e+00 : f32
    %broadcast_in_dim3A_16 = vector.broadcast %broadcast_in_dim3A_15 : f32 to vector<16xf32>
    %broadcast_in_dim3A_17 = arith.constant 0 : i32
    %broadcast_in_dim3A_18 = vector.broadcast %broadcast_in_dim3A_17 : i32 to vector<16xi32>
    %scan3A_19 = arith.constant 0 : i32
    %scan3A_20 = arith.constant 512 : i32
    %scan3A_21 = arith.addi %scan3A_19, %scan3A_20 : i32
    %scan3A_22 = arith.constant 1 : i32
    %scan3A_23:2 = scf.for %scan3A_51 = %scan3A_19 to %scan3A_21 step %scan3A_22 iter_args(%scan3A_52 = %broadcast_in_dim3A_16, %scan3A_53 = %broadcast_in_dim3A_18) -> (vector<16xf32>, vector<16xi32>)  : i32 {
      %mul3A_54 = arith.constant 16 : i32
      %mul3A_55 = arith.muli %scan3A_51, %mul3A_54 : i32
      %get3A = arith.index_cast %mul3A_55 : i32 to index
      %get3A_56 = tpu.vector_load %arg6[%get3A] {strides = array<i32>} : memref<8192xf32, #tpu.memory_space<vmem>>, vector<16xf32>,
      %mul3A_57 = arith.constant 16 : i32
      %mul3A_58 = arith.muli %scan3A_51, %mul3A_57 : i32
      %get3A_59 = arith.index_cast %mul3A_58 : i32 to index
      %get3A_60 = tpu.vector_load %arg7[%get3A_59] {strides = array<i32>} : memref<8192xf32, #tpu.memory_space<vmem>>, vector<16xf32>,
      %mul3A_61 = arith.mulf %get3A_56, %get3A_60 : vector<16xf32>
      %gt3A = arith.cmpf ogt, %mul3A_61, %scan3A_52 : vector<16xf32>
      %select_n3A_62 = arith.select %gt3A, %mul3A_61, %scan3A_52 : vector<16xi1>, vector<16xf32>
      %mul3A_63 = arith.constant 16 : i32
      %mul3A_64 = arith.muli %scan3A_51, %mul3A_63 : i32
      %add3A_65 = vector.broadcast %mul3A_64 : i32 to vector<16xi32>
      %add3A_66 = arith.addi %add3A_65, %iota3A : vector<16xi32>
      %select_n3A_67 = arith.select %gt3A, %add3A_66, %scan3A_53 : vector<16xi1>, vector<16xi32>
      scf.yield %select_n3A_62, %select_n3A_67 : vector<16xf32>, vector<16xi32>
    }
    %scan3A_24 = arith.constant 512 : i32
    %reduce_max3A = arith.constant true
    %reduce_max3A_25 = vector.broadcast %reduce_max3A : i1 to vector<16xi1>
    %reduce_max3A_26 = tpu.scan <max>, %scan3A_23#0 masked %reduce_max3A_25 : vector<16xf32>, vector<16xi1> -> vector<16xf32>
    %reduce_max3A_27 = vector.extract %reduce_max3A_26[15] : f32 from vector<16xf32>
    %eq3A = vector.broadcast %reduce_max3A_27 : f32 to vector<16xf32>
    %eq3A_28 = arith.cmpf oeq, %scan3A_23#0, %eq3A : vector<16xf32>
    %jit3A = arith.constant 1073741824 : i32
    %broadcast_in_dim3A_29 = vector.broadcast %jit3A : i32 to vector<16xi32>
    %select_n3A = arith.select %eq3A_28, %scan3A_23#1, %broadcast_in_dim3A_29 : vector<16xi1>, vector<16xi32>
    %reduce_min3A = arith.constant true
    %reduce_min3A_30 = vector.broadcast %reduce_min3A : i1 to vector<16xi1>
    %reduce_min3A_31 = arith.constant -2147483648 : i32
    %reduce_min3A_32 = vector.broadcast %reduce_min3A_31 : i32 to vector<16xi32>
    %reduce_min3A_33 = arith.xori %select_n3A, %reduce_min3A_32 : vector<16xi32>
    %reduce_min3A_34 = tpu.scan <min>, %reduce_min3A_33 masked %reduce_min3A_30 : vector<16xi32>, vector<16xi1> -> vector<16xi32>
    %reduce_min3A_35 = arith.xori %reduce_min3A_34, %reduce_min3A_32 : vector<16xi32>
    %reduce_min3A_36 = vector.extract %reduce_min3A_35[15] : i32 from vector<16xi32>
    %scan3A_37 = arith.constant 0 : i32
    %scan3A_38 = arith.constant 63 : i32
    %scan3A_39 = arith.addi %scan3A_37, %scan3A_38 : i32
    %scan3A_40 = arith.constant 1 : i32
    %scan3A_41 = scf.for %scan3A_51 = %scan3A_37 to %scan3A_39 step %scan3A_40 iter_args(%scan3A_52 = %reduce_min3A_36) -> (i32)  : i32 {
      %add3A_53 = arith.constant 1 : i32
      %add3A_54 = arith.addi %scan3A_51, %add3A_53 : i32
      %dma_start3A_55 = arith.constant 0 : i32
      %dma_start3A_56 = tpu.memref_slice %arg4[%add3A, %add3A_54, %dma_start3A_55] : memref<32x64x8192xf32, #tpu.memory_space<hbm>> -> memref<1x1x8192xf32, #tpu.memory_space<hbm>>
      %dma_start3A_57 = tpu.memref_squeeze %dma_start3A_56 : memref<1x1x8192xf32, #tpu.memory_space<hbm>> -> memref<8192xf32, #tpu.memory_space<hbm>>
      %dma_start3A_58 = arith.constant 0 : i32
      %dma_start3A_59 = tpu.memref_slice %arg4[%add3A, %add3A_54, %dma_start3A_58] : memref<32x64x8192xf32, #tpu.memory_space<hbm>> -> memref<1x1x8192xf32, #tpu.memory_space<hbm>>
      %dma_start3A_60 = tpu.memref_squeeze %dma_start3A_59 : memref<1x1x8192xf32, #tpu.memory_space<hbm>> -> memref<8192xf32, #tpu.memory_space<hbm>>
      tpu.enqueue_dma source(%dma_start3A_60 : memref<8192xf32, #tpu.memory_space<hbm>>) target(%arg7 : memref<8192xf32, #tpu.memory_space<vmem>>) target_semaphore(%arg14 : memref<!tpu.dma_semaphore, #tpu.memory_space<semaphore_mem>>)
      "tpu.region"() ({
        %run_scoped3A_96 = tpu.sem_alloc : memref<!tpu.dma_semaphore, #tpu.memory_space<semaphore_mem>>
        %dma_start3A_97 = arith.constant 0 : i32
        %dma_start3A_98 = tpu.memref_slice %arg2[%add3A, %scan3A_52, %dma_start3A_97] : memref<32x8192x64xf32, #tpu.memory_space<hbm>> -> memref<1x1x64xf32, #tpu.memory_space<hbm>>
        %dma_start3A_99 = tpu.memref_squeeze %dma_start3A_98 : memref<1x1x64xf32, #tpu.memory_space<hbm>> -> memref<64xf32, #tpu.memory_space<hbm>>
        %dma_start3A_100 = arith.constant 0 : i32
        %dma_start3A_101 = tpu.memref_slice %arg2[%add3A, %scan3A_52, %dma_start3A_100] : memref<32x8192x64xf32, #tpu.memory_space<hbm>> -> memref<1x1x64xf32, #tpu.memory_space<hbm>>
        %dma_start3A_102 = tpu.memref_squeeze %dma_start3A_101 : memref<1x1x64xf32, #tpu.memory_space<hbm>> -> memref<64xf32, #tpu.memory_space<hbm>>
        tpu.enqueue_dma source(%dma_start3A_102 : memref<64xf32, #tpu.memory_space<hbm>>) target(%arg11 : memref<64xf32, #tpu.memory_space<vmem>>) target_semaphore(%run_scoped3A_96 : memref<!tpu.dma_semaphore, #tpu.memory_space<semaphore_mem>>)
        %dma_wait3A_103 = arith.constant 0 : i32
        %dma_wait3A_104 = tpu.memref_slice %arg2[%add3A, %scan3A_52, %dma_wait3A_103] : memref<32x8192x64xf32, #tpu.memory_space<hbm>> -> memref<1x1x64xf32, #tpu.memory_space<hbm>>
        %dma_wait3A_105 = tpu.memref_squeeze %dma_wait3A_104 : memref<1x1x64xf32, #tpu.memory_space<hbm>> -> memref<64xf32, #tpu.memory_space<hbm>>
        %dma_wait3A_106 = arith.constant 0 : i32
        %dma_wait3A_107 = tpu.memref_slice %arg2[%add3A, %scan3A_52, %dma_wait3A_106] : memref<32x8192x64xf32, #tpu.memory_space<hbm>> -> memref<1x1x64xf32, #tpu.memory_space<hbm>>
        %dma_wait3A_108 = tpu.memref_squeeze %dma_wait3A_107 : memref<1x1x64xf32, #tpu.memory_space<hbm>> -> memref<64xf32, #tpu.memory_space<hbm>>
        tpu.wait_dma2 semaphore(%run_scoped3A_96 : memref<!tpu.dma_semaphore, #tpu.memory_space<semaphore_mem>>) src(%dma_wait3A_108 : memref<64xf32, #tpu.memory_space<hbm>>) dst(%arg11 : memref<64xf32, #tpu.memory_space<vmem>>)
        tpu.yield
      }) : () -> ()
      "tpu.region"() ({
        %run_scoped3A_96 = tpu.sem_alloc : memref<!tpu.dma_semaphore, #tpu.memory_space<semaphore_mem>>
        %dma_start3A_97 = arith.constant 0 : i32
        %dma_start3A_98 = tpu.memref_slice %arg5[%add3A, %scan3A_51, %dma_start3A_97] : memref<32x64x64xf32, #tpu.memory_space<hbm>> -> memref<1x1x64xf32, #tpu.memory_space<hbm>>
        %dma_start3A_99 = tpu.memref_squeeze %dma_start3A_98 : memref<1x1x64xf32, #tpu.memory_space<hbm>> -> memref<64xf32, #tpu.memory_space<hbm>>
        %dma_start3A_100 = arith.constant 0 : i32
        %dma_start3A_101 = tpu.memref_slice %arg5[%add3A, %scan3A_51, %dma_start3A_100] : memref<32x64x64xf32, #tpu.memory_space<hbm>> -> memref<1x1x64xf32, #tpu.memory_space<hbm>>
        %dma_start3A_102 = tpu.memref_squeeze %dma_start3A_101 : memref<1x1x64xf32, #tpu.memory_space<hbm>> -> memref<64xf32, #tpu.memory_space<hbm>>
        tpu.enqueue_dma source(%arg11 : memref<64xf32, #tpu.memory_space<vmem>>) target(%dma_start3A_102 : memref<64xf32, #tpu.memory_space<hbm>>) target_semaphore(%run_scoped3A_96 : memref<!tpu.dma_semaphore, #tpu.memory_space<semaphore_mem>>)
        %dma_wait3A_103 = arith.constant 0 : i32
        %dma_wait3A_104 = tpu.memref_slice %arg5[%add3A, %scan3A_51, %dma_wait3A_103] : memref<32x64x64xf32, #tpu.memory_space<hbm>> -> memref<1x1x64xf32, #tpu.memory_space<hbm>>
        %dma_wait3A_105 = tpu.memref_squeeze %dma_wait3A_104 : memref<1x1x64xf32, #tpu.memory_space<hbm>> -> memref<64xf32, #tpu.memory_space<hbm>>
        %dma_wait3A_106 = arith.constant 0 : i32
        %dma_wait3A_107 = tpu.memref_slice %arg5[%add3A, %scan3A_51, %dma_wait3A_106] : memref<32x64x64xf32, #tpu.memory_space<hbm>> -> memref<1x1x64xf32, #tpu.memory_space<hbm>>
        %dma_wait3A_108 = tpu.memref_squeeze %dma_wait3A_107 : memref<1x1x64xf32, #tpu.memory_space<hbm>> -> memref<64xf32, #tpu.memory_space<hbm>>
        tpu.wait_dma2 semaphore(%run_scoped3A_96 : memref<!tpu.dma_semaphore, #tpu.memory_space<semaphore_mem>>) src(%arg11 : memref<64xf32, #tpu.memory_space<vmem>>) dst(%dma_wait3A_108 : memref<64xf32, #tpu.memory_space<hbm>>)
        tpu.yield
      }) : () -> ()
      %add3A_61 = arith.constant 1 : i32
      %add3A_62 = arith.addi %scan3A_51, %add3A_61 : i32
      %dma_wait3A_63 = arith.constant 0 : i32
      %dma_wait3A_64 = tpu.memref_slice %arg4[%add3A, %add3A_62, %dma_wait3A_63] : memref<32x64x8192xf32, #tpu.memory_space<hbm>> -> memref<1x1x8192xf32, #tpu.memory_space<hbm>>
      %dma_wait3A_65 = tpu.memref_squeeze %dma_wait3A_64 : memref<1x1x8192xf32, #tpu.memory_space<hbm>> -> memref<8192xf32, #tpu.memory_space<hbm>>
      %dma_wait3A_66 = arith.constant 0 : i32
      %dma_wait3A_67 = tpu.memref_slice %arg4[%add3A, %add3A_62, %dma_wait3A_66] : memref<32x64x8192xf32, #tpu.memory_space<hbm>> -> memref<1x1x8192xf32, #tpu.memory_space<hbm>>
      %dma_wait3A_68 = tpu.memref_squeeze %dma_wait3A_67 : memref<1x1x8192xf32, #tpu.memory_space<hbm>> -> memref<8192xf32, #tpu.memory_space<hbm>>
      tpu.wait_dma2 semaphore(%arg14 : memref<!tpu.dma_semaphore, #tpu.memory_space<semaphore_mem>>) src(%dma_wait3A_68 : memref<8192xf32, #tpu.memory_space<hbm>>) dst(%arg7 : memref<8192xf32, #tpu.memory_space<vmem>>)
      %broadcast_in_dim3A_69 = arith.constant -1.000000e+00 : f32
      %broadcast_in_dim3A_70 = vector.broadcast %broadcast_in_dim3A_69 : f32 to vector<16xf32>
      %broadcast_in_dim3A_71 = arith.constant 0 : i32
      %broadcast_in_dim3A_72 = vector.broadcast %broadcast_in_dim3A_71 : i32 to vector<16xi32>
      %scan3A_73 = arith.constant 0 : i32
      %scan3A_74 = arith.constant 8 : i32
      %scan3A_75 = arith.addi %scan3A_73, %scan3A_74 : i32
      %scan3A_76 = arith.constant 1 : i32
      %scan3A_77:2 = scf.for %scan3A_96 = %scan3A_73 to %scan3A_75 step %scan3A_76 iter_args(%scan3A_97 = %broadcast_in_dim3A_70, %scan3A_98 = %broadcast_in_dim3A_72) -> (vector<16xf32>, vector<16xi32>)  : i32 {
        %mul3A_99 = arith.constant 2 : i32
        %mul3A_100 = arith.muli %mul3A_99, %scan3A_96 : i32
        %mul3A_101 = arith.constant 2 : i32
        %mul3A_102 = arith.muli %mul3A_101, %scan3A_96 : i32
        %add3A_103 = arith.constant 1 : i32
        %add3A_104 = arith.addi %mul3A_102, %add3A_103 : i32
        %mul3A_105 = arith.constant 2 : i32
        %mul3A_106 = arith.muli %mul3A_105, %scan3A_96 : i32
        %add3A_107 = arith.constant 2 : i32
        %add3A_108 = arith.addi %mul3A_106, %add3A_107 : i32
        %jit3A_109 = arith.constant 16 : i32
        %eq3A_110 = arith.constant 0 : i32
        %eq3A_111 = arith.cmpi eq, %jit3A_109, %eq3A_110 : i32
        %jit3A_112 = arith.constant 1 : i32
        %select_n3A_113 = arith.select %eq3A_111, %jit3A_112, %jit3A_109 : i32
        %rem3A = arith.remsi %add3A_108, %select_n3A_113 : i32
        %ne3A = arith.constant 0 : i32
        %ne3A_114 = arith.cmpi ne, %rem3A, %ne3A : i32
        %lt3A = arith.constant 0 : i32
        %lt3A_115 = arith.cmpi slt, %rem3A, %lt3A : i32
        %lt3A_116 = arith.constant 0 : i32
        %lt3A_117 = arith.cmpi slt, %select_n3A_113, %lt3A_116 : i32
        %ne3A_118 = arith.xori %lt3A_115, %lt3A_117 : i1
        %and3A = arith.andi %ne3A_118, %ne3A_114 : i1
        %add3A_119 = arith.addi %rem3A, %select_n3A_113 : i32
        %select_n3A_120 = arith.select %and3A, %add3A_119, %rem3A : i32
        %mul3A_121 = arith.constant 512 : i32
        %mul3A_122 = arith.muli %add3A_104, %mul3A_121 : i32
        %dma_start3A_123 = arith.constant 0 : i32
        %dma_start3A_124 = tpu.memref_slice %arg3[%add3A, %dma_start3A_123, %mul3A_122] : memref<32x64x8192xf32, #tpu.memory_space<hbm>> -> memref<1x64x512xf32, #tpu.memory_space<hbm>>
        %dma_start3A_125 = tpu.memref_squeeze %dma_start3A_124 : memref<1x64x512xf32, #tpu.memory_space<hbm>> -> memref<64x512xf32, #tpu.memory_space<hbm>>
        %dma_start3A_126 = arith.constant 0 : i32
        %dma_start3A_127 = tpu.memref_slice %arg3[%add3A, %dma_start3A_126, %mul3A_122] : memref<32x64x8192xf32, #tpu.memory_space<hbm>> -> memref<1x64x512xf32, #tpu.memory_space<hbm>>
        %dma_start3A_128 = tpu.memref_squeeze %dma_start3A_127 : memref<1x64x512xf32, #tpu.memory_space<hbm>> -> memref<64x512xf32, #tpu.memory_space<hbm>>
        tpu.enqueue_dma source(%dma_start3A_128 : memref<64x512xf32, #tpu.memory_space<hbm>>) target(%arg9 : memref<64x512xf32, #tpu.memory_space<vmem>>) target_semaphore(%arg13 : memref<!tpu.dma_semaphore, #tpu.memory_space<semaphore_mem>>)
        %mul3A_129 = arith.constant 512 : i32
        %mul3A_130 = arith.muli %mul3A_100, %mul3A_129 : i32
        %dma_wait3A_131 = arith.constant 0 : i32
        %dma_wait3A_132 = tpu.memref_slice %arg3[%add3A, %dma_wait3A_131, %mul3A_130] : memref<32x64x8192xf32, #tpu.memory_space<hbm>> -> memref<1x64x512xf32, #tpu.memory_space<hbm>>
        %dma_wait3A_133 = tpu.memref_squeeze %dma_wait3A_132 : memref<1x64x512xf32, #tpu.memory_space<hbm>> -> memref<64x512xf32, #tpu.memory_space<hbm>>
        %dma_wait3A_134 = arith.constant 0 : i32
        %dma_wait3A_135 = tpu.memref_slice %arg3[%add3A, %dma_wait3A_134, %mul3A_130] : memref<32x64x8192xf32, #tpu.memory_space<hbm>> -> memref<1x64x512xf32, #tpu.memory_space<hbm>>
        %dma_wait3A_136 = tpu.memref_squeeze %dma_wait3A_135 : memref<1x64x512xf32, #tpu.memory_space<hbm>> -> memref<64x512xf32, #tpu.memory_space<hbm>>
        tpu.wait_dma2 semaphore(%arg12 : memref<!tpu.dma_semaphore, #tpu.memory_space<semaphore_mem>>) src(%dma_wait3A_136 : memref<64x512xf32, #tpu.memory_space<hbm>>) dst(%arg8 : memref<64x512xf32, #tpu.memory_space<vmem>>)
        %mul3A_137 = arith.constant 512 : i32
        %mul3A_138 = arith.muli %mul3A_100, %mul3A_137 : i32
        %get3A = arith.constant 0 : index
        %get3A_139 = tpu.vector_load %arg11[%get3A] {strides = array<i32>} : memref<64xf32, #tpu.memory_space<vmem>>, vector<16xf32>,
        %slice3A = vector.extract_strided_slice %get3A_139 {offsets = [0], sizes = [1], strides = [1]} : vector<16xf32> to vector<1xf32>
        %squeeze3A = vector.extract %slice3A[0] : f32 from vector<1xf32>
        %broadcast_in_dim3A_140 = vector.broadcast %squeeze3A : f32 to vector<16xf32>
        %slice3A_141 = vector.extract_strided_slice %get3A_139 {offsets = [1], sizes = [1], strides = [1]} : vector<16xf32> to vector<1xf32>
        %squeeze3A_142 = vector.extract %slice3A_141[0] : f32 from vector<1xf32>
        %broadcast_in_dim3A_143 = vector.broadcast %squeeze3A_142 : f32 to vector<16xf32>
        %slice3A_144 = vector.extract_strided_slice %get3A_139 {offsets = [2], sizes = [1], strides = [1]} : vector<16xf32> to vector<1xf32>
        %squeeze3A_145 = vector.extract %slice3A_144[0] : f32 from vector<1xf32>
        %broadcast_in_dim3A_146 = vector.broadcast %squeeze3A_145 : f32 to vector<16xf32>
        %slice3A_147 = vector.extract_strided_slice %get3A_139 {offsets = [3], sizes = [1], strides = [1]} : vector<16xf32> to vector<1xf32>
        %squeeze3A_148 = vector.extract %slice3A_147[0] : f32 from vector<1xf32>
        %broadcast_in_dim3A_149 = vector.broadcast %squeeze3A_148 : f32 to vector<16xf32>
        %slice3A_150 = vector.extract_strided_slice %get3A_139 {offsets = [4], sizes = [1], strides = [1]} : vector<16xf32> to vector<1xf32>
        %squeeze3A_151 = vector.extract %slice3A_150[0] : f32 from vector<1xf32>
        %broadcast_in_dim3A_152 = vector.broadcast %squeeze3A_151 : f32 to vector<16xf32>
        %slice3A_153 = vector.extract_strided_slice %get3A_139 {offsets = [5], sizes = [1], strides = [1]} : vector<16xf32> to vector<1xf32>
        %squeeze3A_154 = vector.extract %slice3A_153[0] : f32 from vector<1xf32>
        %broadcast_in_dim3A_155 = vector.broadcast %squeeze3A_154 : f32 to vector<16xf32>
        %slice3A_156 = vector.extract_strided_slice %get3A_139 {offsets = [6], sizes = [1], strides = [1]} : vector<16xf32> to vector<1xf32>
        %squeeze3A_157 = vector.extract %slice3A_156[0] : f32 from vector<1xf32>
        %broadcast_in_dim3A_158 = vector.broadcast %squeeze3A_157 : f32 to vector<16xf32>
        %slice3A_159 = vector.extract_strided_slice %get3A_139 {offsets = [7], sizes = [1], strides = [1]} : vector<16xf32> to vector<1xf32>
        %squeeze3A_160 = vector.extract %slice3A_159[0] : f32 from vector<1xf32>
        %broadcast_in_dim3A_161 = vector.broadcast %squeeze3A_160 : f32 to vector<16xf32>
        %slice3A_162 = vector.extract_strided_slice %get3A_139 {offsets = [8], sizes = [1], strides = [1]} : vector<16xf32> to vector<1xf32>
        %squeeze3A_163 = vector.extract %slice3A_162[0] : f32 from vector<1xf32>
        %broadcast_in_dim3A_164 = vector.broadcast %squeeze3A_163 : f32 to vector<16xf32>
        %slice3A_165 = vector.extract_strided_slice %get3A_139 {offsets = [9], sizes = [1], strides = [1]} : vector<16xf32> to vector<1xf32>
        %squeeze3A_166 = vector.extract %slice3A_165[0] : f32 from vector<1xf32>
        %broadcast_in_dim3A_167 = vector.broadcast %squeeze3A_166 : f32 to vector<16xf32>
        %slice3A_168 = vector.extract_strided_slice %get3A_139 {offsets = [10], sizes = [1], strides = [1]} : vector<16xf32> to vector<1xf32>
        %squeeze3A_169 = vector.extract %slice3A_168[0] : f32 from vector<1xf32>
        %broadcast_in_dim3A_170 = vector.broadcast %squeeze3A_169 : f32 to vector<16xf32>
        %slice3A_171 = vector.extract_strided_slice %get3A_139 {offsets = [11], sizes = [1], strides = [1]} : vector<16xf32> to vector<1xf32>
        %squeeze3A_172 = vector.extract %slice3A_171[0] : f32 from vector<1xf32>
        %broadcast_in_dim3A_173 = vector.broadcast %squeeze3A_172 : f32 to vector<16xf32>
        %slice3A_174 = vector.extract_strided_slice %get3A_139 {offsets = [12], sizes = [1], strides = [1]} : vector<16xf32> to vector<1xf32>
        %squeeze3A_175 = vector.extract %slice3A_174[0] : f32 from vector<1xf32>
        %broadcast_in_dim3A_176 = vector.broadcast %squeeze3A_175 : f32 to vector<16xf32>
        %slice3A_177 = vector.extract_strided_slice %get3A_139 {offsets = [13], sizes = [1], strides = [1]} : vector<16xf32> to vector<1xf32>
        %squeeze3A_178 = vector.extract %slice3A_177[0] : f32 from vector<1xf32>
        %broadcast_in_dim3A_179 = vector.broadcast %squeeze3A_178 : f32 to vector<16xf32>
        %slice3A_180 = vector.extract_strided_slice %get3A_139 {offsets = [14], sizes = [1], strides = [1]} : vector<16xf32> to vector<1xf32>
        %squeeze3A_181 = vector.extract %slice3A_180[0] : f32 from vector<1xf32>
        %broadcast_in_dim3A_182 = vector.broadcast %squeeze3A_181 : f32 to vector<16xf32>
        %slice3A_183 = vector.extract_strided_slice %get3A_139 {offsets = [15], sizes = [1], strides = [1]} : vector<16xf32> to vector<1xf32>
        %squeeze3A_184 = vector.extract %slice3A_183[0] : f32 from vector<1xf32>
        %broadcast_in_dim3A_185 = vector.broadcast %squeeze3A_184 : f32 to vector<16xf32>
        %parallel_loop3A = arith.constant 0 : i32
        %parallel_loop3A_186 = arith.constant 32 : i32
        %parallel_loop3A_187 = arith.constant 1 : i32
        %parallel_loop3A_188:2 = scf.for %parallel_loop3A_585 = %parallel_loop3A to %parallel_loop3A_186 step %parallel_loop3A_187 iter_args(%parallel_loop3A_586 = %scan3A_97, %parallel_loop3A_587 = %scan3A_98) -> (vector<16xf32>, vector<16xi32>)  : i32 {
          %parallel_loop3A_588 = arith.constant 1 : i32
          %parallel_loop3A_589 = arith.muli %parallel_loop3A_585, %parallel_loop3A_588 : i32
          %parallel_loop3A_590 = arith.constant 0 : i32
          %parallel_loop3A_591 = arith.addi %parallel_loop3A_589, %parallel_loop3A_590 : i32
          %parallel_loop3A_592 = arith.constant 16 : i32
          %parallel_loop3A_593 = arith.muli %parallel_loop3A_591, %parallel_loop3A_592 : i32
          %parallel_loop3A_594 = arith.constant 0.000000e+00 : f32
          %parallel_loop3A_595 = vector.broadcast %parallel_loop3A_594 : f32 to vector<16xf32>
          %parallel_loop3A_596 = arith.constant 0.000000e+00 : f32
          %parallel_loop3A_597 = vector.broadcast %parallel_loop3A_596 : f32 to vector<16xf32>
          %parallel_loop3A_598 = arith.constant 0.000000e+00 : f32
          %parallel_loop3A_599 = vector.broadcast %parallel_loop3A_598 : f32 to vector<16xf32>
          %parallel_loop3A_600 = arith.constant 0.000000e+00 : f32
          %parallel_loop3A_601 = vector.broadcast %parallel_loop3A_600 : f32 to vector<16xf32>
          %parallel_loop3A_602 = arith.constant 0 : i32
          %parallel_loop3A_603 = arith.index_cast %parallel_loop3A_602 : i32 to index
          %parallel_loop3A_604 = arith.index_cast %parallel_loop3A_593 : i32 to index
          %parallel_loop3A_605 = tpu.vector_load %arg8[%parallel_loop3A_603, %parallel_loop3A_604] {strides = array<i32>} : memref<64x512xf32, #tpu.memory_space<vmem>>, vector<16xf32>,
          %parallel_loop3A_606 = arith.subf %parallel_loop3A_605, %broadcast_in_dim3A_140 : vector<16xf32>
          %parallel_loop3A_607 = arith.mulf %parallel_loop3A_606, %parallel_loop3A_606 : vector<16xf32>
          %parallel_loop3A_608 = arith.addf %parallel_loop3A_595, %parallel_loop3A_607 : vector<16xf32>
          %parallel_loop3A_609 = arith.constant 1 : i32
          %parallel_loop3A_610 = arith.index_cast %parallel_loop3A_609 : i32 to index
          %parallel_loop3A_611 = arith.index_cast %parallel_loop3A_593 : i32 to index
          %parallel_loop3A_612 = tpu.vector_load %arg8[%parallel_loop3A_610, %parallel_loop3A_611] {strides = array<i32>} : memref<64x512xf32, #tpu.memory_space<vmem>>, vector<16xf32>,
          %parallel_loop3A_613 = arith.subf %parallel_loop3A_612, %broadcast_in_dim3A_143 : vector<16xf32>
          %parallel_loop3A_614 = arith.mulf %parallel_loop3A_613, %parallel_loop3A_613 : vector<16xf32>
          %parallel_loop3A_615 = arith.addf %parallel_loop3A_597, %parallel_loop3A_614 : vector<16xf32>
          %parallel_loop3A_616 = arith.constant 2 : i32
          %parallel_loop3A_617 = arith.index_cast %parallel_loop3A_616 : i32 to index
          %parallel_loop3A_618 = arith.index_cast %parallel_loop3A_593 : i32 to index
          %parallel_loop3A_619 = tpu.vector_load %arg8[%parallel_loop3A_617, %parallel_loop3A_618] {strides = array<i32>} : memref<64x512xf32, #tpu.memory_space<vmem>>, vector<16xf32>,
          %parallel_loop3A_620 = arith.subf %parallel_loop3A_619, %broadcast_in_dim3A_146 : vector<16xf32>
          %parallel_loop3A_621 = arith.mulf %parallel_loop3A_620, %parallel_loop3A_620 : vector<16xf32>
          %parallel_loop3A_622 = arith.addf %parallel_loop3A_599, %parallel_loop3A_621 : vector<16xf32>
          %parallel_loop3A_623 = arith.constant 3 : i32
          %parallel_loop3A_624 = arith.index_cast %parallel_loop3A_623 : i32 to index
          %parallel_loop3A_625 = arith.index_cast %parallel_loop3A_593 : i32 to index
          %parallel_loop3A_626 = tpu.vector_load %arg8[%parallel_loop3A_624, %parallel_loop3A_625] {strides = array<i32>} : memref<64x512xf32, #tpu.memory_space<vmem>>, vector<16xf32>,
          %parallel_loop3A_627 = arith.subf %parallel_loop3A_626, %broadcast_in_dim3A_149 : vector<16xf32>
          %parallel_loop3A_628 = arith.mulf %parallel_loop3A_627, %parallel_loop3A_627 : vector<16xf32>
          %parallel_loop3A_629 = arith.addf %parallel_loop3A_601, %parallel_loop3A_628 : vector<16xf32>
          %parallel_loop3A_630 = arith.constant 4 : i32
          %parallel_loop3A_631 = arith.index_cast %parallel_loop3A_630 : i32 to index
          %parallel_loop3A_632 = arith.index_cast %parallel_loop3A_593 : i32 to index
          %parallel_loop3A_633 = tpu.vector_load %arg8[%parallel_loop3A_631, %parallel_loop3A_632] {strides = array<i32>} : memref<64x512xf32, #tpu.memory_space<vmem>>, vector<16xf32>,
          %parallel_loop3A_634 = arith.subf %parallel_loop3A_633, %broadcast_in_dim3A_152 : vector<16xf32>
          %parallel_loop3A_635 = arith.mulf %parallel_loop3A_634, %parallel_loop3A_634 : vector<16xf32>
          %parallel_loop3A_636 = arith.addf %parallel_loop3A_608, %parallel_loop3A_635 : vector<16xf32>
          %parallel_loop3A_637 = arith.constant 5 : i32
          %parallel_loop3A_638 = arith.index_cast %parallel_loop3A_637 : i32 to index
          %parallel_loop3A_639 = arith.index_cast %parallel_loop3A_593 : i32 to index
          %parallel_loop3A_640 = tpu.vector_load %arg8[%parallel_loop3A_638, %parallel_loop3A_639] {strides = array<i32>} : memref<64x512xf32, #tpu.memory_space<vmem>>, vector<16xf32>,
          %parallel_loop3A_641 = arith.subf %parallel_loop3A_640, %broadcast_in_dim3A_155 : vector<16xf32>
          %parallel_loop3A_642 = arith.mulf %parallel_loop3A_641, %parallel_loop3A_641 : vector<16xf32>
          %parallel_loop3A_643 = arith.addf %parallel_loop3A_615, %parallel_loop3A_642 : vector<16xf32>
          %parallel_loop3A_644 = arith.constant 6 : i32
          %parallel_loop3A_645 = arith.index_cast %parallel_loop3A_644 : i32 to index
          %parallel_loop3A_646 = arith.index_cast %parallel_loop3A_593 : i32 to index
          %parallel_loop3A_647 = tpu.vector_load %arg8[%parallel_loop3A_645, %parallel_loop3A_646] {strides = array<i32>} : memref<64x512xf32, #tpu.memory_space<vmem>>, vector<16xf32>,
          %parallel_loop3A_648 = arith.subf %parallel_loop3A_647, %broadcast_in_dim3A_158 : vector<16xf32>
          %parallel_loop3A_649 = arith.mulf %parallel_loop3A_648, %parallel_loop3A_648 : vector<16xf32>
          %parallel_loop3A_650 = arith.addf %parallel_loop3A_622, %parallel_loop3A_649 : vector<16xf32>
          %parallel_loop3A_651 = arith.constant 7 : i32
          %parallel_loop3A_652 = arith.index_cast %parallel_loop3A_651 : i32 to index
          %parallel_loop3A_653 = arith.index_cast %parallel_loop3A_593 : i32 to index
          %parallel_loop3A_654 = tpu.vector_load %arg8[%parallel_loop3A_652, %parallel_loop3A_653] {strides = array<i32>} : memref<64x512xf32, #tpu.memory_space<vmem>>, vector<16xf32>,
          %parallel_loop3A_655 = arith.subf %parallel_loop3A_654, %broadcast_in_dim3A_161 : vector<16xf32>
          %parallel_loop3A_656 = arith.mulf %parallel_loop3A_655, %parallel_loop3A_655 : vector<16xf32>
          %parallel_loop3A_657 = arith.addf %parallel_loop3A_629, %parallel_loop3A_656 : vector<16xf32>
          %parallel_loop3A_658 = arith.constant 8 : i32
          %parallel_loop3A_659 = arith.index_cast %parallel_loop3A_658 : i32 to index
          %parallel_loop3A_660 = arith.index_cast %parallel_loop3A_593 : i32 to index
          %parallel_loop3A_661 = tpu.vector_load %arg8[%parallel_loop3A_659, %parallel_loop3A_660] {strides = array<i32>} : memref<64x512xf32, #tpu.memory_space<vmem>>, vector<16xf32>,
          %parallel_loop3A_662 = arith.subf %parallel_loop3A_661, %broadcast_in_dim3A_164 : vector<16xf32>
          %parallel_loop3A_663 = arith.mulf %parallel_loop3A_662, %parallel_loop3A_662 : vector<16xf32>
          %parallel_loop3A_664 = arith.addf %parallel_loop3A_636, %parallel_loop3A_663 : vector<16xf32>
          %parallel_loop3A_665 = arith.constant 9 : i32
          %parallel_loop3A_666 = arith.index_cast %parallel_loop3A_665 : i32 to index
          %parallel_loop3A_667 = arith.index_cast %parallel_loop3A_593 : i32 to index
          %parallel_loop3A_668 = tpu.vector_load %arg8[%parallel_loop3A_666, %parallel_loop3A_667] {strides = array<i32>} : memref<64x512xf32, #tpu.memory_space<vmem>>, vector<16xf32>,
          %parallel_loop3A_669 = arith.subf %parallel_loop3A_668, %broadcast_in_dim3A_167 : vector<16xf32>
          %parallel_loop3A_670 = arith.mulf %parallel_loop3A_669, %parallel_loop3A_669 : vector<16xf32>
          %parallel_loop3A_671 = arith.addf %parallel_loop3A_643, %parallel_loop3A_670 : vector<16xf32>
          %parallel_loop3A_672 = arith.constant 10 : i32
          %parallel_loop3A_673 = arith.index_cast %parallel_loop3A_672 : i32 to index
          %parallel_loop3A_674 = arith.index_cast %parallel_loop3A_593 : i32 to index
          %parallel_loop3A_675 = tpu.vector_load %arg8[%parallel_loop3A_673, %parallel_loop3A_674] {strides = array<i32>} : memref<64x512xf32, #tpu.memory_space<vmem>>, vector<16xf32>,
          %parallel_loop3A_676 = arith.subf %parallel_loop3A_675, %broadcast_in_dim3A_170 : vector<16xf32>
          %parallel_loop3A_677 = arith.mulf %parallel_loop3A_676, %parallel_loop3A_676 : vector<16xf32>
          %parallel_loop3A_678 = arith.addf %parallel_loop3A_650, %parallel_loop3A_677 : vector<16xf32>
          %parallel_loop3A_679 = arith.constant 11 : i32
          %parallel_loop3A_680 = arith.index_cast %parallel_loop3A_679 : i32 to index
          %parallel_loop3A_681 = arith.index_cast %parallel_loop3A_593 : i32 to index
          %parallel_loop3A_682 = tpu.vector_load %arg8[%parallel_loop3A_680, %parallel_loop3A_681] {strides = array<i32>} : memref<64x512xf32, #tpu.memory_space<vmem>>, vector<16xf32>,
          %parallel_loop3A_683 = arith.subf %parallel_loop3A_682, %broadcast_in_dim3A_173 : vector<16xf32>
          %parallel_loop3A_684 = arith.mulf %parallel_loop3A_683, %parallel_loop3A_683 : vector<16xf32>
          %parallel_loop3A_685 = arith.addf %parallel_loop3A_657, %parallel_loop3A_684 : vector<16xf32>
          %parallel_loop3A_686 = arith.constant 12 : i32
          %parallel_loop3A_687 = arith.index_cast %parallel_loop3A_686 : i32 to index
          %parallel_loop3A_688 = arith.index_cast %parallel_loop3A_593 : i32 to index
          %parallel_loop3A_689 = tpu.vector_load %arg8[%parallel_loop3A_687, %parallel_loop3A_688] {strides = array<i32>} : memref<64x512xf32, #tpu.memory_space<vmem>>, vector<16xf32>,
          %parallel_loop3A_690 = arith.subf %parallel_loop3A_689, %broadcast_in_dim3A_176 : vector<16xf32>
          %parallel_loop3A_691 = arith.mulf %parallel_loop3A_690, %parallel_loop3A_690 : vector<16xf32>
          %parallel_loop3A_692 = arith.addf %parallel_loop3A_664, %parallel_loop3A_691 : vector<16xf32>
          %parallel_loop3A_693 = arith.constant 13 : i32
          %parallel_loop3A_694 = arith.index_cast %parallel_loop3A_693 : i32 to index
          %parallel_loop3A_695 = arith.index_cast %parallel_loop3A_593 : i32 to index
          %parallel_loop3A_696 = tpu.vector_load %arg8[%parallel_loop3A_694, %parallel_loop3A_695] {strides = array<i32>} : memref<64x512xf32, #tpu.memory_space<vmem>>, vector<16xf32>,
          %parallel_loop3A_697 = arith.subf %parallel_loop3A_696, %broadcast_in_dim3A_179 : vector<16xf32>
          %parallel_loop3A_698 = arith.mulf %parallel_loop3A_697, %parallel_loop3A_697 : vector<16xf32>
          %parallel_loop3A_699 = arith.addf %parallel_loop3A_671, %parallel_loop3A_698 : vector<16xf32>
          %parallel_loop3A_700 = arith.constant 14 : i32
          %parallel_loop3A_701 = arith.index_cast %parallel_loop3A_700 : i32 to index
          %parallel_loop3A_702 = arith.index_cast %parallel_loop3A_593 : i32 to index
          %parallel_loop3A_703 = tpu.vector_load %arg8[%parallel_loop3A_701, %parallel_loop3A_702] {strides = array<i32>} : memref<64x512xf32, #tpu.memory_space<vmem>>, vector<16xf32>,
          %parallel_loop3A_704 = arith.subf %parallel_loop3A_703, %broadcast_in_dim3A_182 : vector<16xf32>
          %parallel_loop3A_705 = arith.mulf %parallel_loop3A_704, %parallel_loop3A_704 : vector<16xf32>
          %parallel_loop3A_706 = arith.addf %parallel_loop3A_678, %parallel_loop3A_705 : vector<16xf32>
          %parallel_loop3A_707 = arith.constant 15 : i32
          %parallel_loop3A_708 = arith.index_cast %parallel_loop3A_707 : i32 to index
          %parallel_loop3A_709 = arith.index_cast %parallel_loop3A_593 : i32 to index
          %parallel_loop3A_710 = tpu.vector_load %arg8[%parallel_loop3A_708, %parallel_loop3A_709] {strides = array<i32>} : memref<64x512xf32, #tpu.memory_space<vmem>>, vector<16xf32>,
          %parallel_loop3A_711 = arith.subf %parallel_loop3A_710, %broadcast_in_dim3A_185 : vector<16xf32>
          %parallel_loop3A_712 = arith.mulf %parallel_loop3A_711, %parallel_loop3A_711 : vector<16xf32>
          %parallel_loop3A_713 = arith.addf %parallel_loop3A_685, %parallel_loop3A_712 : vector<16xf32>
          %parallel_loop3A_714 = arith.addf %parallel_loop3A_692, %parallel_loop3A_699 : vector<16xf32>
          %parallel_loop3A_715 = arith.addf %parallel_loop3A_706, %parallel_loop3A_713 : vector<16xf32>
          %parallel_loop3A_716 = arith.addf %parallel_loop3A_714, %parallel_loop3A_715 : vector<16xf32>
          %parallel_loop3A_717 = arith.index_cast %parallel_loop3A_593 : i32 to index
          %parallel_loop3A_718 = tpu.vector_load %arg10[%parallel_loop3A_717] {strides = array<i32>} : memref<512xf32, #tpu.memory_space<vmem>>, vector<16xf32>,
          tpu.vector_store %arg10[%parallel_loop3A_717], %parallel_loop3A_716 {strides = array<i32>} : memref<512xf32, #tpu.memory_space<vmem>>, vector<16xf32>,
          scf.yield %parallel_loop3A_586, %parallel_loop3A_587 : vector<16xf32>, vector<16xi32>
        } {sc.loop_unroll_factor = 2 : i64, sc.parallel_access}
        %get3A_189 = arith.constant 16 : index
        %get3A_190 = tpu.vector_load %arg11[%get3A_189] {strides = array<i32>} : memref<64xf32, #tpu.memory_space<vmem>>, vector<16xf32>,
        %slice3A_191 = vector.extract_strided_slice %get3A_190 {offsets = [0], sizes = [1], strides = [1]} : vector<16xf32> to vector<1xf32>
        %squeeze3A_192 = vector.extract %slice3A_191[0] : f32 from vector<1xf32>
        %broadcast_in_dim3A_193 = vector.broadcast %squeeze3A_192 : f32 to vector<16xf32>
        %slice3A_194 = vector.extract_strided_slice %get3A_190 {offsets = [1], sizes = [1], strides = [1]} : vector<16xf32> to vector<1xf32>
        %squeeze3A_195 = vector.extract %slice3A_194[0] : f32 from vector<1xf32>
        %broadcast_in_dim3A_196 = vector.broadcast %squeeze3A_195 : f32 to vector<16xf32>
        %slice3A_197 = vector.extract_strided_slice %get3A_190 {offsets = [2], sizes = [1], strides = [1]} : vector<16xf32> to vector<1xf32>
        %squeeze3A_198 = vector.extract %slice3A_197[0] : f32 from vector<1xf32>
        %broadcast_in_dim3A_199 = vector.broadcast %squeeze3A_198 : f32 to vector<16xf32>
        %slice3A_200 = vector.extract_strided_slice %get3A_190 {offsets = [3], sizes = [1], strides = [1]} : vector<16xf32> to vector<1xf32>
        %squeeze3A_201 = vector.extract %slice3A_200[0] : f32 from vector<1xf32>
        %broadcast_in_dim3A_202 = vector.broadcast %squeeze3A_201 : f32 to vector<16xf32>
        %slice3A_203 = vector.extract_strided_slice %get3A_190 {offsets = [4], sizes = [1], strides = [1]} : vector<16xf32> to vector<1xf32>
        %squeeze3A_204 = vector.extract %slice3A_203[0] : f32 from vector<1xf32>
        %broadcast_in_dim3A_205 = vector.broadcast %squeeze3A_204 : f32 to vector<16xf32>
        %slice3A_206 = vector.extract_strided_slice %get3A_190 {offsets = [5], sizes = [1], strides = [1]} : vector<16xf32> to vector<1xf32>
        %squeeze3A_207 = vector.extract %slice3A_206[0] : f32 from vector<1xf32>
        %broadcast_in_dim3A_208 = vector.broadcast %squeeze3A_207 : f32 to vector<16xf32>
        %slice3A_209 = vector.extract_strided_slice %get3A_190 {offsets = [6], sizes = [1], strides = [1]} : vector<16xf32> to vector<1xf32>
        %squeeze3A_210 = vector.extract %slice3A_209[0] : f32 from vector<1xf32>
        %broadcast_in_dim3A_211 = vector.broadcast %squeeze3A_210 : f32 to vector<16xf32>
        %slice3A_212 = vector.extract_strided_slice %get3A_190 {offsets = [7], sizes = [1], strides = [1]} : vector<16xf32> to vector<1xf32>
        %squeeze3A_213 = vector.extract %slice3A_212[0] : f32 from vector<1xf32>
        %broadcast_in_dim3A_214 = vector.broadcast %squeeze3A_213 : f32 to vector<16xf32>
        %slice3A_215 = vector.extract_strided_slice %get3A_190 {offsets = [8], sizes = [1], strides = [1]} : vector<16xf32> to vector<1xf32>
        %squeeze3A_216 = vector.extract %slice3A_215[0] : f32 from vector<1xf32>
        %broadcast_in_dim3A_217 = vector.broadcast %squeeze3A_216 : f32 to vector<16xf32>
        %slice3A_218 = vector.extract_strided_slice %get3A_190 {offsets = [9], sizes = [1], strides = [1]} : vector<16xf32> to vector<1xf32>
        %squeeze3A_219 = vector.extract %slice3A_218[0] : f32 from vector<1xf32>
        %broadcast_in_dim3A_220 = vector.broadcast %squeeze3A_219 : f32 to vector<16xf32>
        %slice3A_221 = vector.extract_strided_slice %get3A_190 {offsets = [10], sizes = [1], strides = [1]} : vector<16xf32> to vector<1xf32>
        %squeeze3A_222 = vector.extract %slice3A_221[0] : f32 from vector<1xf32>
        %broadcast_in_dim3A_223 = vector.broadcast %squeeze3A_222 : f32 to vector<16xf32>
        %slice3A_224 = vector.extract_strided_slice %get3A_190 {offsets = [11], sizes = [1], strides = [1]} : vector<16xf32> to vector<1xf32>
        %squeeze3A_225 = vector.extract %slice3A_224[0] : f32 from vector<1xf32>
        %broadcast_in_dim3A_226 = vector.broadcast %squeeze3A_225 : f32 to vector<16xf32>
        %slice3A_227 = vector.extract_strided_slice %get3A_190 {offsets = [12], sizes = [1], strides = [1]} : vector<16xf32> to vector<1xf32>
        %squeeze3A_228 = vector.extract %slice3A_227[0] : f32 from vector<1xf32>
        %broadcast_in_dim3A_229 = vector.broadcast %squeeze3A_228 : f32 to vector<16xf32>
        %slice3A_230 = vector.extract_strided_slice %get3A_190 {offsets = [13], sizes = [1], strides = [1]} : vector<16xf32> to vector<1xf32>
        %squeeze3A_231 = vector.extract %slice3A_230[0] : f32 from vector<1xf32>
        %broadcast_in_dim3A_232 = vector.broadcast %squeeze3A_231 : f32 to vector<16xf32>
        %slice3A_233 = vector.extract_strided_slice %get3A_190 {offsets = [14], sizes = [1], strides = [1]} : vector<16xf32> to vector<1xf32>
        %squeeze3A_234 = vector.extract %slice3A_233[0] : f32 from vector<1xf32>
        %broadcast_in_dim3A_235 = vector.broadcast %squeeze3A_234 : f32 to vector<16xf32>
        %slice3A_236 = vector.extract_strided_slice %get3A_190 {offsets = [15], sizes = [1], strides = [1]} : vector<16xf32> to vector<1xf32>
        %squeeze3A_237 = vector.extract %slice3A_236[0] : f32 from vector<1xf32>
        %broadcast_in_dim3A_238 = vector.broadcast %squeeze3A_237 : f32 to vector<16xf32>
        %parallel_loop3A_239 = arith.constant 0 : i32
        %parallel_loop3A_240 = arith.constant 32 : i32
        %parallel_loop3A_241 = arith.constant 1 : i32
        %parallel_loop3A_242:2 = scf.for %parallel_loop3A_585 = %parallel_loop3A_239 to %parallel_loop3A_240 step %parallel_loop3A_241 iter_args(%parallel_loop3A_586 = %parallel_loop3A_188#0, %parallel_loop3A_587 = %parallel_loop3A_188#1) -> (vector<16xf32>, vector<16xi32>)  : i32 {
          %parallel_loop3A_588 = arith.constant 1 : i32
          %parallel_loop3A_589 = arith.muli %parallel_loop3A_585, %parallel_loop3A_588 : i32
          %parallel_loop3A_590 = arith.constant 0 : i32
          %parallel_loop3A_591 = arith.addi %parallel_loop3A_589, %parallel_loop3A_590 : i32
          %parallel_loop3A_592 = arith.constant 16 : i32
          %parallel_loop3A_593 = arith.muli %parallel_loop3A_591, %parallel_loop3A_592 : i32
          %parallel_loop3A_594 = arith.constant 0.000000e+00 : f32
          %parallel_loop3A_595 = vector.broadcast %parallel_loop3A_594 : f32 to vector<16xf32>
          %parallel_loop3A_596 = arith.constant 0.000000e+00 : f32
          %parallel_loop3A_597 = vector.broadcast %parallel_loop3A_596 : f32 to vector<16xf32>
          %parallel_loop3A_598 = arith.constant 0.000000e+00 : f32
          %parallel_loop3A_599 = vector.broadcast %parallel_loop3A_598 : f32 to vector<16xf32>
          %parallel_loop3A_600 = arith.constant 0.000000e+00 : f32
          %parallel_loop3A_601 = vector.broadcast %parallel_loop3A_600 : f32 to vector<16xf32>
          %parallel_loop3A_602 = arith.constant 16 : i32
          %parallel_loop3A_603 = arith.index_cast %parallel_loop3A_602 : i32 to index
          %parallel_loop3A_604 = arith.index_cast %parallel_loop3A_593 : i32 to index
          %parallel_loop3A_605 = tpu.vector_load %arg8[%parallel_loop3A_603, %parallel_loop3A_604] {strides = array<i32>} : memref<64x512xf32, #tpu.memory_space<vmem>>, vector<16xf32>,
          %parallel_loop3A_606 = arith.subf %parallel_loop3A_605, %broadcast_in_dim3A_193 : vector<16xf32>
          %parallel_loop3A_607 = arith.mulf %parallel_loop3A_606, %parallel_loop3A_606 : vector<16xf32>
          %parallel_loop3A_608 = arith.addf %parallel_loop3A_595, %parallel_loop3A_607 : vector<16xf32>
          %parallel_loop3A_609 = arith.constant 17 : i32
          %parallel_loop3A_610 = arith.index_cast %parallel_loop3A_609 : i32 to index
          %parallel_loop3A_611 = arith.index_cast %parallel_loop3A_593 : i32 to index
          %parallel_loop3A_612 = tpu.vector_load %arg8[%parallel_loop3A_610, %parallel_loop3A_611] {strides = array<i32>} : memref<64x512xf32, #tpu.memory_space<vmem>>, vector<16xf32>,
          %parallel_loop3A_613 = arith.subf %parallel_loop3A_612, %broadcast_in_dim3A_196 : vector<16xf32>
          %parallel_loop3A_614 = arith.mulf %parallel_loop3A_613, %parallel_loop3A_613 : vector<16xf32>
          %parallel_loop3A_615 = arith.addf %parallel_loop3A_597, %parallel_loop3A_614 : vector<16xf32>
          %parallel_loop3A_616 = arith.constant 18 : i32
          %parallel_loop3A_617 = arith.index_cast %parallel_loop3A_616 : i32 to index
          %parallel_loop3A_618 = arith.index_cast %parallel_loop3A_593 : i32 to index
          %parallel_loop3A_619 = tpu.vector_load %arg8[%parallel_loop3A_617, %parallel_loop3A_618] {strides = array<i32>} : memref<64x512xf32, #tpu.memory_space<vmem>>, vector<16xf32>,
          %parallel_loop3A_620 = arith.subf %parallel_loop3A_619, %broadcast_in_dim3A_199 : vector<16xf32>
          %parallel_loop3A_621 = arith.mulf %parallel_loop3A_620, %parallel_loop3A_620 : vector<16xf32>
          %parallel_loop3A_622 = arith.addf %parallel_loop3A_599, %parallel_loop3A_621 : vector<16xf32>
          %parallel_loop3A_623 = arith.constant 19 : i32
          %parallel_loop3A_624 = arith.index_cast %parallel_loop3A_623 : i32 to index
          %parallel_loop3A_625 = arith.index_cast %parallel_loop3A_593 : i32 to index
          %parallel_loop3A_626 = tpu.vector_load %arg8[%parallel_loop3A_624, %parallel_loop3A_625] {strides = array<i32>} : memref<64x512xf32, #tpu.memory_space<vmem>>, vector<16xf32>,
          %parallel_loop3A_627 = arith.subf %parallel_loop3A_626, %broadcast_in_dim3A_202 : vector<16xf32>
          %parallel_loop3A_628 = arith.mulf %parallel_loop3A_627, %parallel_loop3A_627 : vector<16xf32>
          %parallel_loop3A_629 = arith.addf %parallel_loop3A_601, %parallel_loop3A_628 : vector<16xf32>
          %parallel_loop3A_630 = arith.constant 20 : i32
          %parallel_loop3A_631 = arith.index_cast %parallel_loop3A_630 : i32 to index
          %parallel_loop3A_632 = arith.index_cast %parallel_loop3A_593 : i32 to index
          %parallel_loop3A_633 = tpu.vector_load %arg8[%parallel_loop3A_631, %parallel_loop3A_632] {strides = array<i32>} : memref<64x512xf32, #tpu.memory_space<vmem>>, vector<16xf32>,
          %parallel_loop3A_634 = arith.subf %parallel_loop3A_633, %broadcast_in_dim3A_205 : vector<16xf32>
          %parallel_loop3A_635 = arith.mulf %parallel_loop3A_634, %parallel_loop3A_634 : vector<16xf32>
          %parallel_loop3A_636 = arith.addf %parallel_loop3A_608, %parallel_loop3A_635 : vector<16xf32>
          %parallel_loop3A_637 = arith.constant 21 : i32
          %parallel_loop3A_638 = arith.index_cast %parallel_loop3A_637 : i32 to index
          %parallel_loop3A_639 = arith.index_cast %parallel_loop3A_593 : i32 to index
          %parallel_loop3A_640 = tpu.vector_load %arg8[%parallel_loop3A_638, %parallel_loop3A_639] {strides = array<i32>} : memref<64x512xf32, #tpu.memory_space<vmem>>, vector<16xf32>,
          %parallel_loop3A_641 = arith.subf %parallel_loop3A_640, %broadcast_in_dim3A_208 : vector<16xf32>
          %parallel_loop3A_642 = arith.mulf %parallel_loop3A_641, %parallel_loop3A_641 : vector<16xf32>
          %parallel_loop3A_643 = arith.addf %parallel_loop3A_615, %parallel_loop3A_642 : vector<16xf32>
          %parallel_loop3A_644 = arith.constant 22 : i32
          %parallel_loop3A_645 = arith.index_cast %parallel_loop3A_644 : i32 to index
          %parallel_loop3A_646 = arith.index_cast %parallel_loop3A_593 : i32 to index
          %parallel_loop3A_647 = tpu.vector_load %arg8[%parallel_loop3A_645, %parallel_loop3A_646] {strides = array<i32>} : memref<64x512xf32, #tpu.memory_space<vmem>>, vector<16xf32>,
          %parallel_loop3A_648 = arith.subf %parallel_loop3A_647, %broadcast_in_dim3A_211 : vector<16xf32>
          %parallel_loop3A_649 = arith.mulf %parallel_loop3A_648, %parallel_loop3A_648 : vector<16xf32>
          %parallel_loop3A_650 = arith.addf %parallel_loop3A_622, %parallel_loop3A_649 : vector<16xf32>
          %parallel_loop3A_651 = arith.constant 23 : i32
          %parallel_loop3A_652 = arith.index_cast %parallel_loop3A_651 : i32 to index
          %parallel_loop3A_653 = arith.index_cast %parallel_loop3A_593 : i32 to index
          %parallel_loop3A_654 = tpu.vector_load %arg8[%parallel_loop3A_652, %parallel_loop3A_653] {strides = array<i32>} : memref<64x512xf32, #tpu.memory_space<vmem>>, vector<16xf32>,
          %parallel_loop3A_655 = arith.subf %parallel_loop3A_654, %broadcast_in_dim3A_214 : vector<16xf32>
          %parallel_loop3A_656 = arith.mulf %parallel_loop3A_655, %parallel_loop3A_655 : vector<16xf32>
          %parallel_loop3A_657 = arith.addf %parallel_loop3A_629, %parallel_loop3A_656 : vector<16xf32>
          %parallel_loop3A_658 = arith.constant 24 : i32
          %parallel_loop3A_659 = arith.index_cast %parallel_loop3A_658 : i32 to index
          %parallel_loop3A_660 = arith.index_cast %parallel_loop3A_593 : i32 to index
          %parallel_loop3A_661 = tpu.vector_load %arg8[%parallel_loop3A_659, %parallel_loop3A_660] {strides = array<i32>} : memref<64x512xf32, #tpu.memory_space<vmem>>, vector<16xf32>,
          %parallel_loop3A_662 = arith.subf %parallel_loop3A_661, %broadcast_in_dim3A_217 : vector<16xf32>
          %parallel_loop3A_663 = arith.mulf %parallel_loop3A_662, %parallel_loop3A_662 : vector<16xf32>
          %parallel_loop3A_664 = arith.addf %parallel_loop3A_636, %parallel_loop3A_663 : vector<16xf32>
          %parallel_loop3A_665 = arith.constant 25 : i32
          %parallel_loop3A_666 = arith.index_cast %parallel_loop3A_665 : i32 to index
          %parallel_loop3A_667 = arith.index_cast %parallel_loop3A_593 : i32 to index
          %parallel_loop3A_668 = tpu.vector_load %arg8[%parallel_loop3A_666, %parallel_loop3A_667] {strides = array<i32>} : memref<64x512xf32, #tpu.memory_space<vmem>>, vector<16xf32>,
          %parallel_loop3A_669 = arith.subf %parallel_loop3A_668, %broadcast_in_dim3A_220 : vector<16xf32>
          %parallel_loop3A_670 = arith.mulf %parallel_loop3A_669, %parallel_loop3A_669 : vector<16xf32>
          %parallel_loop3A_671 = arith.addf %parallel_loop3A_643, %parallel_loop3A_670 : vector<16xf32>
          %parallel_loop3A_672 = arith.constant 26 : i32
          %parallel_loop3A_673 = arith.index_cast %parallel_loop3A_672 : i32 to index
          %parallel_loop3A_674 = arith.index_cast %parallel_loop3A_593 : i32 to index
          %parallel_loop3A_675 = tpu.vector_load %arg8[%parallel_loop3A_673, %parallel_loop3A_674] {strides = array<i32>} : memref<64x512xf32, #tpu.memory_space<vmem>>, vector<16xf32>,
          %parallel_loop3A_676 = arith.subf %parallel_loop3A_675, %broadcast_in_dim3A_223 : vector<16xf32>
          %parallel_loop3A_677 = arith.mulf %parallel_loop3A_676, %parallel_loop3A_676 : vector<16xf32>
          %parallel_loop3A_678 = arith.addf %parallel_loop3A_650, %parallel_loop3A_677 : vector<16xf32>
          %parallel_loop3A_679 = arith.constant 27 : i32
          %parallel_loop3A_680 = arith.index_cast %parallel_loop3A_679 : i32 to index
          %parallel_loop3A_681 = arith.index_cast %parallel_loop3A_593 : i32 to index
          %parallel_loop3A_682 = tpu.vector_load %arg8[%parallel_loop3A_680, %parallel_loop3A_681] {strides = array<i32>} : memref<64x512xf32, #tpu.memory_space<vmem>>, vector<16xf32>,
          %parallel_loop3A_683 = arith.subf %parallel_loop3A_682, %broadcast_in_dim3A_226 : vector<16xf32>
          %parallel_loop3A_684 = arith.mulf %parallel_loop3A_683, %parallel_loop3A_683 : vector<16xf32>
          %parallel_loop3A_685 = arith.addf %parallel_loop3A_657, %parallel_loop3A_684 : vector<16xf32>
          %parallel_loop3A_686 = arith.constant 28 : i32
          %parallel_loop3A_687 = arith.index_cast %parallel_loop3A_686 : i32 to index
          %parallel_loop3A_688 = arith.index_cast %parallel_loop3A_593 : i32 to index
          %parallel_loop3A_689 = tpu.vector_load %arg8[%parallel_loop3A_687, %parallel_loop3A_688] {strides = array<i32>} : memref<64x512xf32, #tpu.memory_space<vmem>>, vector<16xf32>,
          %parallel_loop3A_690 = arith.subf %parallel_loop3A_689, %broadcast_in_dim3A_229 : vector<16xf32>
          %parallel_loop3A_691 = arith.mulf %parallel_loop3A_690, %parallel_loop3A_690 : vector<16xf32>
          %parallel_loop3A_692 = arith.addf %parallel_loop3A_664, %parallel_loop3A_691 : vector<16xf32>
          %parallel_loop3A_693 = arith.constant 29 : i32
          %parallel_loop3A_694 = arith.index_cast %parallel_loop3A_693 : i32 to index
          %parallel_loop3A_695 = arith.index_cast %parallel_loop3A_593 : i32 to index
          %parallel_loop3A_696 = tpu.vector_load %arg8[%parallel_loop3A_694, %parallel_loop3A_695] {strides = array<i32>} : memref<64x512xf32, #tpu.memory_space<vmem>>, vector<16xf32>,
          %parallel_loop3A_697 = arith.subf %parallel_loop3A_696, %broadcast_in_dim3A_232 : vector<16xf32>
          %parallel_loop3A_698 = arith.mulf %parallel_loop3A_697, %parallel_loop3A_697 : vector<16xf32>
          %parallel_loop3A_699 = arith.addf %parallel_loop3A_671, %parallel_loop3A_698 : vector<16xf32>
          %parallel_loop3A_700 = arith.constant 30 : i32
          %parallel_loop3A_701 = arith.index_cast %parallel_loop3A_700 : i32 to index
          %parallel_loop3A_702 = arith.index_cast %parallel_loop3A_593 : i32 to index
          %parallel_loop3A_703 = tpu.vector_load %arg8[%parallel_loop3A_701, %parallel_loop3A_702] {strides = array<i32>} : memref<64x512xf32, #tpu.memory_space<vmem>>, vector<16xf32>,
          %parallel_loop3A_704 = arith.subf %parallel_loop3A_703, %broadcast_in_dim3A_235 : vector<16xf32>
          %parallel_loop3A_705 = arith.mulf %parallel_loop3A_704, %parallel_loop3A_704 : vector<16xf32>
          %parallel_loop3A_706 = arith.addf %parallel_loop3A_678, %parallel_loop3A_705 : vector<16xf32>
          %parallel_loop3A_707 = arith.constant 31 : i32
          %parallel_loop3A_708 = arith.index_cast %parallel_loop3A_707 : i32 to index
          %parallel_loop3A_709 = arith.index_cast %parallel_loop3A_593 : i32 to index
          %parallel_loop3A_710 = tpu.vector_load %arg8[%parallel_loop3A_708, %parallel_loop3A_709] {strides = array<i32>} : memref<64x512xf32, #tpu.memory_space<vmem>>, vector<16xf32>,
          %parallel_loop3A_711 = arith.subf %parallel_loop3A_710, %broadcast_in_dim3A_238 : vector<16xf32>
          %parallel_loop3A_712 = arith.mulf %parallel_loop3A_711, %parallel_loop3A_711 : vector<16xf32>
          %parallel_loop3A_713 = arith.addf %parallel_loop3A_685, %parallel_loop3A_712 : vector<16xf32>
          %parallel_loop3A_714 = arith.addf %parallel_loop3A_692, %parallel_loop3A_699 : vector<16xf32>
          %parallel_loop3A_715 = arith.addf %parallel_loop3A_706, %parallel_loop3A_713 : vector<16xf32>
          %parallel_loop3A_716 = arith.addf %parallel_loop3A_714, %parallel_loop3A_715 : vector<16xf32>
          %parallel_loop3A_717 = arith.index_cast %parallel_loop3A_593 : i32 to index
          %parallel_loop3A_718 = tpu.vector_load %arg10[%parallel_loop3A_717] {strides = array<i32>} : memref<512xf32, #tpu.memory_space<vmem>>, vector<16xf32>,
          %parallel_loop3A_719 = arith.addf %parallel_loop3A_716, %parallel_loop3A_718 : vector<16xf32>
          %parallel_loop3A_720 = arith.index_cast %parallel_loop3A_593 : i32 to index
          %parallel_loop3A_721 = tpu.vector_load %arg10[%parallel_loop3A_720] {strides = array<i32>} : memref<512xf32, #tpu.memory_space<vmem>>, vector<16xf32>,
          tpu.vector_store %arg10[%parallel_loop3A_720], %parallel_loop3A_719 {strides = array<i32>} : memref<512xf32, #tpu.memory_space<vmem>>, vector<16xf32>,
          scf.yield %parallel_loop3A_586, %parallel_loop3A_587 : vector<16xf32>, vector<16xi32>
        } {sc.loop_unroll_factor = 2 : i64, sc.parallel_access}
        %get3A_243 = arith.constant 32 : index
        %get3A_244 = tpu.vector_load %arg11[%get3A_243] {strides = array<i32>} : memref<64xf32, #tpu.memory_space<vmem>>, vector<16xf32>,
        %slice3A_245 = vector.extract_strided_slice %get3A_244 {offsets = [0], sizes = [1], strides = [1]} : vector<16xf32> to vector<1xf32>
        %squeeze3A_246 = vector.extract %slice3A_245[0] : f32 from vector<1xf32>
        %broadcast_in_dim3A_247 = vector.broadcast %squeeze3A_246 : f32 to vector<16xf32>
        %slice3A_248 = vector.extract_strided_slice %get3A_244 {offsets = [1], sizes = [1], strides = [1]} : vector<16xf32> to vector<1xf32>
        %squeeze3A_249 = vector.extract %slice3A_248[0] : f32 from vector<1xf32>
        %broadcast_in_dim3A_250 = vector.broadcast %squeeze3A_249 : f32 to vector<16xf32>
        %slice3A_251 = vector.extract_strided_slice %get3A_244 {offsets = [2], sizes = [1], strides = [1]} : vector<16xf32> to vector<1xf32>
        %squeeze3A_252 = vector.extract %slice3A_251[0] : f32 from vector<1xf32>
        %broadcast_in_dim3A_253 = vector.broadcast %squeeze3A_252 : f32 to vector<16xf32>
        %slice3A_254 = vector.extract_strided_slice %get3A_244 {offsets = [3], sizes = [1], strides = [1]} : vector<16xf32> to vector<1xf32>
        %squeeze3A_255 = vector.extract %slice3A_254[0] : f32 from vector<1xf32>
        %broadcast_in_dim3A_256 = vector.broadcast %squeeze3A_255 : f32 to vector<16xf32>
        %slice3A_257 = vector.extract_strided_slice %get3A_244 {offsets = [4], sizes = [1], strides = [1]} : vector<16xf32> to vector<1xf32>
        %squeeze3A_258 = vector.extract %slice3A_257[0] : f32 from vector<1xf32>
        %broadcast_in_dim3A_259 = vector.broadcast %squeeze3A_258 : f32 to vector<16xf32>
        %slice3A_260 = vector.extract_strided_slice %get3A_244 {offsets = [5], sizes = [1], strides = [1]} : vector<16xf32> to vector<1xf32>
        %squeeze3A_261 = vector.extract %slice3A_260[0] : f32 from vector<1xf32>
        %broadcast_in_dim3A_262 = vector.broadcast %squeeze3A_261 : f32 to vector<16xf32>
        %slice3A_263 = vector.extract_strided_slice %get3A_244 {offsets = [6], sizes = [1], strides = [1]} : vector<16xf32> to vector<1xf32>
        %squeeze3A_264 = vector.extract %slice3A_263[0] : f32 from vector<1xf32>
        %broadcast_in_dim3A_265 = vector.broadcast %squeeze3A_264 : f32 to vector<16xf32>
        %slice3A_266 = vector.extract_strided_slice %get3A_244 {offsets = [7], sizes = [1], strides = [1]} : vector<16xf32> to vector<1xf32>
        %squeeze3A_267 = vector.extract %slice3A_266[0] : f32 from vector<1xf32>
        %broadcast_in_dim3A_268 = vector.broadcast %squeeze3A_267 : f32 to vector<16xf32>
        %slice3A_269 = vector.extract_strided_slice %get3A_244 {offsets = [8], sizes = [1], strides = [1]} : vector<16xf32> to vector<1xf32>
        %squeeze3A_270 = vector.extract %slice3A_269[0] : f32 from vector<1xf32>
        %broadcast_in_dim3A_271 = vector.broadcast %squeeze3A_270 : f32 to vector<16xf32>
        %slice3A_272 = vector.extract_strided_slice %get3A_244 {offsets = [9], sizes = [1], strides = [1]} : vector<16xf32> to vector<1xf32>
        %squeeze3A_273 = vector.extract %slice3A_272[0] : f32 from vector<1xf32>
        %broadcast_in_dim3A_274 = vector.broadcast %squeeze3A_273 : f32 to vector<16xf32>
        %slice3A_275 = vector.extract_strided_slice %get3A_244 {offsets = [10], sizes = [1], strides = [1]} : vector<16xf32> to vector<1xf32>
        %squeeze3A_276 = vector.extract %slice3A_275[0] : f32 from vector<1xf32>
        %broadcast_in_dim3A_277 = vector.broadcast %squeeze3A_276 : f32 to vector<16xf32>
        %slice3A_278 = vector.extract_strided_slice %get3A_244 {offsets = [11], sizes = [1], strides = [1]} : vector<16xf32> to vector<1xf32>
        %squeeze3A_279 = vector.extract %slice3A_278[0] : f32 from vector<1xf32>
        %broadcast_in_dim3A_280 = vector.broadcast %squeeze3A_279 : f32 to vector<16xf32>
        %slice3A_281 = vector.extract_strided_slice %get3A_244 {offsets = [12], sizes = [1], strides = [1]} : vector<16xf32> to vector<1xf32>
        %squeeze3A_282 = vector.extract %slice3A_281[0] : f32 from vector<1xf32>
        %broadcast_in_dim3A_283 = vector.broadcast %squeeze3A_282 : f32 to vector<16xf32>
        %slice3A_284 = vector.extract_strided_slice %get3A_244 {offsets = [13], sizes = [1], strides = [1]} : vector<16xf32> to vector<1xf32>
        %squeeze3A_285 = vector.extract %slice3A_284[0] : f32 from vector<1xf32>
        %broadcast_in_dim3A_286 = vector.broadcast %squeeze3A_285 : f32 to vector<16xf32>
        %slice3A_287 = vector.extract_strided_slice %get3A_244 {offsets = [14], sizes = [1], strides = [1]} : vector<16xf32> to vector<1xf32>
        %squeeze3A_288 = vector.extract %slice3A_287[0] : f32 from vector<1xf32>
        %broadcast_in_dim3A_289 = vector.broadcast %squeeze3A_288 : f32 to vector<16xf32>
        %slice3A_290 = vector.extract_strided_slice %get3A_244 {offsets = [15], sizes = [1], strides = [1]} : vector<16xf32> to vector<1xf32>
        %squeeze3A_291 = vector.extract %slice3A_290[0] : f32 from vector<1xf32>
        %broadcast_in_dim3A_292 = vector.broadcast %squeeze3A_291 : f32 to vector<16xf32>
        %parallel_loop3A_293 = arith.constant 0 : i32
        %parallel_loop3A_294 = arith.constant 32 : i32
        %parallel_loop3A_295 = arith.constant 1 : i32
        %parallel_loop3A_296:2 = scf.for %parallel_loop3A_585 = %parallel_loop3A_293 to %parallel_loop3A_294 step %parallel_loop3A_295 iter_args(%parallel_loop3A_586 = %parallel_loop3A_242#0, %parallel_loop3A_587 = %parallel_loop3A_242#1) -> (vector<16xf32>, vector<16xi32>)  : i32 {
          %parallel_loop3A_588 = arith.constant 1 : i32
          %parallel_loop3A_589 = arith.muli %parallel_loop3A_585, %parallel_loop3A_588 : i32
          %parallel_loop3A_590 = arith.constant 0 : i32
          %parallel_loop3A_591 = arith.addi %parallel_loop3A_589, %parallel_loop3A_590 : i32
          %parallel_loop3A_592 = arith.constant 16 : i32
          %parallel_loop3A_593 = arith.muli %parallel_loop3A_591, %parallel_loop3A_592 : i32
          %parallel_loop3A_594 = arith.constant 0.000000e+00 : f32
          %parallel_loop3A_595 = vector.broadcast %parallel_loop3A_594 : f32 to vector<16xf32>
          %parallel_loop3A_596 = arith.constant 0.000000e+00 : f32
          %parallel_loop3A_597 = vector.broadcast %parallel_loop3A_596 : f32 to vector<16xf32>
          %parallel_loop3A_598 = arith.constant 0.000000e+00 : f32
          %parallel_loop3A_599 = vector.broadcast %parallel_loop3A_598 : f32 to vector<16xf32>
          %parallel_loop3A_600 = arith.constant 0.000000e+00 : f32
          %parallel_loop3A_601 = vector.broadcast %parallel_loop3A_600 : f32 to vector<16xf32>
          %parallel_loop3A_602 = arith.constant 32 : i32
          %parallel_loop3A_603 = arith.index_cast %parallel_loop3A_602 : i32 to index
          %parallel_loop3A_604 = arith.index_cast %parallel_loop3A_593 : i32 to index
          %parallel_loop3A_605 = tpu.vector_load %arg8[%parallel_loop3A_603, %parallel_loop3A_604] {strides = array<i32>} : memref<64x512xf32, #tpu.memory_space<vmem>>, vector<16xf32>,
          %parallel_loop3A_606 = arith.subf %parallel_loop3A_605, %broadcast_in_dim3A_247 : vector<16xf32>
          %parallel_loop3A_607 = arith.mulf %parallel_loop3A_606, %parallel_loop3A_606 : vector<16xf32>
          %parallel_loop3A_608 = arith.addf %parallel_loop3A_595, %parallel_loop3A_607 : vector<16xf32>
          %parallel_loop3A_609 = arith.constant 33 : i32
          %parallel_loop3A_610 = arith.index_cast %parallel_loop3A_609 : i32 to index
          %parallel_loop3A_611 = arith.index_cast %parallel_loop3A_593 : i32 to index
          %parallel_loop3A_612 = tpu.vector_load %arg8[%parallel_loop3A_610, %parallel_loop3A_611] {strides = array<i32>} : memref<64x512xf32, #tpu.memory_space<vmem>>, vector<16xf32>,
          %parallel_loop3A_613 = arith.subf %parallel_loop3A_612, %broadcast_in_dim3A_250 : vector<16xf32>
          %parallel_loop3A_614 = arith.mulf %parallel_loop3A_613, %parallel_loop3A_613 : vector<16xf32>
          %parallel_loop3A_615 = arith.addf %parallel_loop3A_597, %parallel_loop3A_614 : vector<16xf32>
          %parallel_loop3A_616 = arith.constant 34 : i32
          %parallel_loop3A_617 = arith.index_cast %parallel_loop3A_616 : i32 to index
          %parallel_loop3A_618 = arith.index_cast %parallel_loop3A_593 : i32 to index
          %parallel_loop3A_619 = tpu.vector_load %arg8[%parallel_loop3A_617, %parallel_loop3A_618] {strides = array<i32>} : memref<64x512xf32, #tpu.memory_space<vmem>>, vector<16xf32>,
          %parallel_loop3A_620 = arith.subf %parallel_loop3A_619, %broadcast_in_dim3A_253 : vector<16xf32>
          %parallel_loop3A_621 = arith.mulf %parallel_loop3A_620, %parallel_loop3A_620 : vector<16xf32>
          %parallel_loop3A_622 = arith.addf %parallel_loop3A_599, %parallel_loop3A_621 : vector<16xf32>
          %parallel_loop3A_623 = arith.constant 35 : i32
          %parallel_loop3A_624 = arith.index_cast %parallel_loop3A_623 : i32 to index
          %parallel_loop3A_625 = arith.index_cast %parallel_loop3A_593 : i32 to index
          %parallel_loop3A_626 = tpu.vector_load %arg8[%parallel_loop3A_624, %parallel_loop3A_625] {strides = array<i32>} : memref<64x512xf32, #tpu.memory_space<vmem>>, vector<16xf32>,
          %parallel_loop3A_627 = arith.subf %parallel_loop3A_626, %broadcast_in_dim3A_256 : vector<16xf32>
          %parallel_loop3A_628 = arith.mulf %parallel_loop3A_627, %parallel_loop3A_627 : vector<16xf32>
          %parallel_loop3A_629 = arith.addf %parallel_loop3A_601, %parallel_loop3A_628 : vector<16xf32>
          %parallel_loop3A_630 = arith.constant 36 : i32
          %parallel_loop3A_631 = arith.index_cast %parallel_loop3A_630 : i32 to index
          %parallel_loop3A_632 = arith.index_cast %parallel_loop3A_593 : i32 to index
          %parallel_loop3A_633 = tpu.vector_load %arg8[%parallel_loop3A_631, %parallel_loop3A_632] {strides = array<i32>} : memref<64x512xf32, #tpu.memory_space<vmem>>, vector<16xf32>,
          %parallel_loop3A_634 = arith.subf %parallel_loop3A_633, %broadcast_in_dim3A_259 : vector<16xf32>
          %parallel_loop3A_635 = arith.mulf %parallel_loop3A_634, %parallel_loop3A_634 : vector<16xf32>
          %parallel_loop3A_636 = arith.addf %parallel_loop3A_608, %parallel_loop3A_635 : vector<16xf32>
          %parallel_loop3A_637 = arith.constant 37 : i32
          %parallel_loop3A_638 = arith.index_cast %parallel_loop3A_637 : i32 to index
          %parallel_loop3A_639 = arith.index_cast %parallel_loop3A_593 : i32 to index
          %parallel_loop3A_640 = tpu.vector_load %arg8[%parallel_loop3A_638, %parallel_loop3A_639] {strides = array<i32>} : memref<64x512xf32, #tpu.memory_space<vmem>>, vector<16xf32>,
          %parallel_loop3A_641 = arith.subf %parallel_loop3A_640, %broadcast_in_dim3A_262 : vector<16xf32>
          %parallel_loop3A_642 = arith.mulf %parallel_loop3A_641, %parallel_loop3A_641 : vector<16xf32>
          %parallel_loop3A_643 = arith.addf %parallel_loop3A_615, %parallel_loop3A_642 : vector<16xf32>
          %parallel_loop3A_644 = arith.constant 38 : i32
          %parallel_loop3A_645 = arith.index_cast %parallel_loop3A_644 : i32 to index
          %parallel_loop3A_646 = arith.index_cast %parallel_loop3A_593 : i32 to index
          %parallel_loop3A_647 = tpu.vector_load %arg8[%parallel_loop3A_645, %parallel_loop3A_646] {strides = array<i32>} : memref<64x512xf32, #tpu.memory_space<vmem>>, vector<16xf32>,
          %parallel_loop3A_648 = arith.subf %parallel_loop3A_647, %broadcast_in_dim3A_265 : vector<16xf32>
          %parallel_loop3A_649 = arith.mulf %parallel_loop3A_648, %parallel_loop3A_648 : vector<16xf32>
          %parallel_loop3A_650 = arith.addf %parallel_loop3A_622, %parallel_loop3A_649 : vector<16xf32>
          %parallel_loop3A_651 = arith.constant 39 : i32
          %parallel_loop3A_652 = arith.index_cast %parallel_loop3A_651 : i32 to index
          %parallel_loop3A_653 = arith.index_cast %parallel_loop3A_593 : i32 to index
          %parallel_loop3A_654 = tpu.vector_load %arg8[%parallel_loop3A_652, %parallel_loop3A_653] {strides = array<i32>} : memref<64x512xf32, #tpu.memory_space<vmem>>, vector<16xf32>,
          %parallel_loop3A_655 = arith.subf %parallel_loop3A_654, %broadcast_in_dim3A_268 : vector<16xf32>
          %parallel_loop3A_656 = arith.mulf %parallel_loop3A_655, %parallel_loop3A_655 : vector<16xf32>
          %parallel_loop3A_657 = arith.addf %parallel_loop3A_629, %parallel_loop3A_656 : vector<16xf32>
          %parallel_loop3A_658 = arith.constant 40 : i32
          %parallel_loop3A_659 = arith.index_cast %parallel_loop3A_658 : i32 to index
          %parallel_loop3A_660 = arith.index_cast %parallel_loop3A_593 : i32 to index
          %parallel_loop3A_661 = tpu.vector_load %arg8[%parallel_loop3A_659, %parallel_loop3A_660] {strides = array<i32>} : memref<64x512xf32, #tpu.memory_space<vmem>>, vector<16xf32>,
          %parallel_loop3A_662 = arith.subf %parallel_loop3A_661, %broadcast_in_dim3A_271 : vector<16xf32>
          %parallel_loop3A_663 = arith.mulf %parallel_loop3A_662, %parallel_loop3A_662 : vector<16xf32>
          %parallel_loop3A_664 = arith.addf %parallel_loop3A_636, %parallel_loop3A_663 : vector<16xf32>
          %parallel_loop3A_665 = arith.constant 41 : i32
          %parallel_loop3A_666 = arith.index_cast %parallel_loop3A_665 : i32 to index
          %parallel_loop3A_667 = arith.index_cast %parallel_loop3A_593 : i32 to index
          %parallel_loop3A_668 = tpu.vector_load %arg8[%parallel_loop3A_666, %parallel_loop3A_667] {strides = array<i32>} : memref<64x512xf32, #tpu.memory_space<vmem>>, vector<16xf32>,
          %parallel_loop3A_669 = arith.subf %parallel_loop3A_668, %broadcast_in_dim3A_274 : vector<16xf32>
          %parallel_loop3A_670 = arith.mulf %parallel_loop3A_669, %parallel_loop3A_669 : vector<16xf32>
          %parallel_loop3A_671 = arith.addf %parallel_loop3A_643, %parallel_loop3A_670 : vector<16xf32>
          %parallel_loop3A_672 = arith.constant 42 : i32
          %parallel_loop3A_673 = arith.index_cast %parallel_loop3A_672 : i32 to index
          %parallel_loop3A_674 = arith.index_cast %parallel_loop3A_593 : i32 to index
          %parallel_loop3A_675 = tpu.vector_load %arg8[%parallel_loop3A_673, %parallel_loop3A_674] {strides = array<i32>} : memref<64x512xf32, #tpu.memory_space<vmem>>, vector<16xf32>,
          %parallel_loop3A_676 = arith.subf %parallel_loop3A_675, %broadcast_in_dim3A_277 : vector<16xf32>
          %parallel_loop3A_677 = arith.mulf %parallel_loop3A_676, %parallel_loop3A_676 : vector<16xf32>
          %parallel_loop3A_678 = arith.addf %parallel_loop3A_650, %parallel_loop3A_677 : vector<16xf32>
          %parallel_loop3A_679 = arith.constant 43 : i32
          %parallel_loop3A_680 = arith.index_cast %parallel_loop3A_679 : i32 to index
          %parallel_loop3A_681 = arith.index_cast %parallel_loop3A_593 : i32 to index
          %parallel_loop3A_682 = tpu.vector_load %arg8[%parallel_loop3A_680, %parallel_loop3A_681] {strides = array<i32>} : memref<64x512xf32, #tpu.memory_space<vmem>>, vector<16xf32>,
          %parallel_loop3A_683 = arith.subf %parallel_loop3A_682, %broadcast_in_dim3A_280 : vector<16xf32>
          %parallel_loop3A_684 = arith.mulf %parallel_loop3A_683, %parallel_loop3A_683 : vector<16xf32>
          %parallel_loop3A_685 = arith.addf %parallel_loop3A_657, %parallel_loop3A_684 : vector<16xf32>
          %parallel_loop3A_686 = arith.constant 44 : i32
          %parallel_loop3A_687 = arith.index_cast %parallel_loop3A_686 : i32 to index
          %parallel_loop3A_688 = arith.index_cast %parallel_loop3A_593 : i32 to index
          %parallel_loop3A_689 = tpu.vector_load %arg8[%parallel_loop3A_687, %parallel_loop3A_688] {strides = array<i32>} : memref<64x512xf32, #tpu.memory_space<vmem>>, vector<16xf32>,
          %parallel_loop3A_690 = arith.subf %parallel_loop3A_689, %broadcast_in_dim3A_283 : vector<16xf32>
          %parallel_loop3A_691 = arith.mulf %parallel_loop3A_690, %parallel_loop3A_690 : vector<16xf32>
          %parallel_loop3A_692 = arith.addf %parallel_loop3A_664, %parallel_loop3A_691 : vector<16xf32>
          %parallel_loop3A_693 = arith.constant 45 : i32
          %parallel_loop3A_694 = arith.index_cast %parallel_loop3A_693 : i32 to index
          %parallel_loop3A_695 = arith.index_cast %parallel_loop3A_593 : i32 to index
          %parallel_loop3A_696 = tpu.vector_load %arg8[%parallel_loop3A_694, %parallel_loop3A_695] {strides = array<i32>} : memref<64x512xf32, #tpu.memory_space<vmem>>, vector<16xf32>,
          %parallel_loop3A_697 = arith.subf %parallel_loop3A_696, %broadcast_in_dim3A_286 : vector<16xf32>
          %parallel_loop3A_698 = arith.mulf %parallel_loop3A_697, %parallel_loop3A_697 : vector<16xf32>
          %parallel_loop3A_699 = arith.addf %parallel_loop3A_671, %parallel_loop3A_698 : vector<16xf32>
          %parallel_loop3A_700 = arith.constant 46 : i32
          %parallel_loop3A_701 = arith.index_cast %parallel_loop3A_700 : i32 to index
          %parallel_loop3A_702 = arith.index_cast %parallel_loop3A_593 : i32 to index
          %parallel_loop3A_703 = tpu.vector_load %arg8[%parallel_loop3A_701, %parallel_loop3A_702] {strides = array<i32>} : memref<64x512xf32, #tpu.memory_space<vmem>>, vector<16xf32>,
          %parallel_loop3A_704 = arith.subf %parallel_loop3A_703, %broadcast_in_dim3A_289 : vector<16xf32>
          %parallel_loop3A_705 = arith.mulf %parallel_loop3A_704, %parallel_loop3A_704 : vector<16xf32>
          %parallel_loop3A_706 = arith.addf %parallel_loop3A_678, %parallel_loop3A_705 : vector<16xf32>
          %parallel_loop3A_707 = arith.constant 47 : i32
          %parallel_loop3A_708 = arith.index_cast %parallel_loop3A_707 : i32 to index
          %parallel_loop3A_709 = arith.index_cast %parallel_loop3A_593 : i32 to index
          %parallel_loop3A_710 = tpu.vector_load %arg8[%parallel_loop3A_708, %parallel_loop3A_709] {strides = array<i32>} : memref<64x512xf32, #tpu.memory_space<vmem>>, vector<16xf32>,
          %parallel_loop3A_711 = arith.subf %parallel_loop3A_710, %broadcast_in_dim3A_292 : vector<16xf32>
          %parallel_loop3A_712 = arith.mulf %parallel_loop3A_711, %parallel_loop3A_711 : vector<16xf32>
          %parallel_loop3A_713 = arith.addf %parallel_loop3A_685, %parallel_loop3A_712 : vector<16xf32>
          %parallel_loop3A_714 = arith.addf %parallel_loop3A_692, %parallel_loop3A_699 : vector<16xf32>
          %parallel_loop3A_715 = arith.addf %parallel_loop3A_706, %parallel_loop3A_713 : vector<16xf32>
          %parallel_loop3A_716 = arith.addf %parallel_loop3A_714, %parallel_loop3A_715 : vector<16xf32>
          %parallel_loop3A_717 = arith.index_cast %parallel_loop3A_593 : i32 to index
          %parallel_loop3A_718 = tpu.vector_load %arg10[%parallel_loop3A_717] {strides = array<i32>} : memref<512xf32, #tpu.memory_space<vmem>>, vector<16xf32>,
          %parallel_loop3A_719 = arith.addf %parallel_loop3A_716, %parallel_loop3A_718 : vector<16xf32>
          %parallel_loop3A_720 = arith.index_cast %parallel_loop3A_593 : i32 to index
          %parallel_loop3A_721 = tpu.vector_load %arg10[%parallel_loop3A_720] {strides = array<i32>} : memref<512xf32, #tpu.memory_space<vmem>>, vector<16xf32>,
          tpu.vector_store %arg10[%parallel_loop3A_720], %parallel_loop3A_719 {strides = array<i32>} : memref<512xf32, #tpu.memory_space<vmem>>, vector<16xf32>,
          scf.yield %parallel_loop3A_586, %parallel_loop3A_587 : vector<16xf32>, vector<16xi32>
        } {sc.loop_unroll_factor = 2 : i64, sc.parallel_access}
        %get3A_297 = arith.constant 48 : index
        %get3A_298 = tpu.vector_load %arg11[%get3A_297] {strides = array<i32>} : memref<64xf32, #tpu.memory_space<vmem>>, vector<16xf32>,
        %slice3A_299 = vector.extract_strided_slice %get3A_298 {offsets = [0], sizes = [1], strides = [1]} : vector<16xf32> to vector<1xf32>
        %squeeze3A_300 = vector.extract %slice3A_299[0] : f32 from vector<1xf32>
        %broadcast_in_dim3A_301 = vector.broadcast %squeeze3A_300 : f32 to vector<16xf32>
        %slice3A_302 = vector.extract_strided_slice %get3A_298 {offsets = [1], sizes = [1], strides = [1]} : vector<16xf32> to vector<1xf32>
        %squeeze3A_303 = vector.extract %slice3A_302[0] : f32 from vector<1xf32>
        %broadcast_in_dim3A_304 = vector.broadcast %squeeze3A_303 : f32 to vector<16xf32>
        %slice3A_305 = vector.extract_strided_slice %get3A_298 {offsets = [2], sizes = [1], strides = [1]} : vector<16xf32> to vector<1xf32>
        %squeeze3A_306 = vector.extract %slice3A_305[0] : f32 from vector<1xf32>
        %broadcast_in_dim3A_307 = vector.broadcast %squeeze3A_306 : f32 to vector<16xf32>
        %slice3A_308 = vector.extract_strided_slice %get3A_298 {offsets = [3], sizes = [1], strides = [1]} : vector<16xf32> to vector<1xf32>
        %squeeze3A_309 = vector.extract %slice3A_308[0] : f32 from vector<1xf32>
        %broadcast_in_dim3A_310 = vector.broadcast %squeeze3A_309 : f32 to vector<16xf32>
        %slice3A_311 = vector.extract_strided_slice %get3A_298 {offsets = [4], sizes = [1], strides = [1]} : vector<16xf32> to vector<1xf32>
        %squeeze3A_312 = vector.extract %slice3A_311[0] : f32 from vector<1xf32>
        %broadcast_in_dim3A_313 = vector.broadcast %squeeze3A_312 : f32 to vector<16xf32>
        %slice3A_314 = vector.extract_strided_slice %get3A_298 {offsets = [5], sizes = [1], strides = [1]} : vector<16xf32> to vector<1xf32>
        %squeeze3A_315 = vector.extract %slice3A_314[0] : f32 from vector<1xf32>
        %broadcast_in_dim3A_316 = vector.broadcast %squeeze3A_315 : f32 to vector<16xf32>
        %slice3A_317 = vector.extract_strided_slice %get3A_298 {offsets = [6], sizes = [1], strides = [1]} : vector<16xf32> to vector<1xf32>
        %squeeze3A_318 = vector.extract %slice3A_317[0] : f32 from vector<1xf32>
        %broadcast_in_dim3A_319 = vector.broadcast %squeeze3A_318 : f32 to vector<16xf32>
        %slice3A_320 = vector.extract_strided_slice %get3A_298 {offsets = [7], sizes = [1], strides = [1]} : vector<16xf32> to vector<1xf32>
        %squeeze3A_321 = vector.extract %slice3A_320[0] : f32 from vector<1xf32>
        %broadcast_in_dim3A_322 = vector.broadcast %squeeze3A_321 : f32 to vector<16xf32>
        %slice3A_323 = vector.extract_strided_slice %get3A_298 {offsets = [8], sizes = [1], strides = [1]} : vector<16xf32> to vector<1xf32>
        %squeeze3A_324 = vector.extract %slice3A_323[0] : f32 from vector<1xf32>
        %broadcast_in_dim3A_325 = vector.broadcast %squeeze3A_324 : f32 to vector<16xf32>
        %slice3A_326 = vector.extract_strided_slice %get3A_298 {offsets = [9], sizes = [1], strides = [1]} : vector<16xf32> to vector<1xf32>
        %squeeze3A_327 = vector.extract %slice3A_326[0] : f32 from vector<1xf32>
        %broadcast_in_dim3A_328 = vector.broadcast %squeeze3A_327 : f32 to vector<16xf32>
        %slice3A_329 = vector.extract_strided_slice %get3A_298 {offsets = [10], sizes = [1], strides = [1]} : vector<16xf32> to vector<1xf32>
        %squeeze3A_330 = vector.extract %slice3A_329[0] : f32 from vector<1xf32>
        %broadcast_in_dim3A_331 = vector.broadcast %squeeze3A_330 : f32 to vector<16xf32>
        %slice3A_332 = vector.extract_strided_slice %get3A_298 {offsets = [11], sizes = [1], strides = [1]} : vector<16xf32> to vector<1xf32>
        %squeeze3A_333 = vector.extract %slice3A_332[0] : f32 from vector<1xf32>
        %broadcast_in_dim3A_334 = vector.broadcast %squeeze3A_333 : f32 to vector<16xf32>
        %slice3A_335 = vector.extract_strided_slice %get3A_298 {offsets = [12], sizes = [1], strides = [1]} : vector<16xf32> to vector<1xf32>
        %squeeze3A_336 = vector.extract %slice3A_335[0] : f32 from vector<1xf32>
        %broadcast_in_dim3A_337 = vector.broadcast %squeeze3A_336 : f32 to vector<16xf32>
        %slice3A_338 = vector.extract_strided_slice %get3A_298 {offsets = [13], sizes = [1], strides = [1]} : vector<16xf32> to vector<1xf32>
        %squeeze3A_339 = vector.extract %slice3A_338[0] : f32 from vector<1xf32>
        %broadcast_in_dim3A_340 = vector.broadcast %squeeze3A_339 : f32 to vector<16xf32>
        %slice3A_341 = vector.extract_strided_slice %get3A_298 {offsets = [14], sizes = [1], strides = [1]} : vector<16xf32> to vector<1xf32>
        %squeeze3A_342 = vector.extract %slice3A_341[0] : f32 from vector<1xf32>
        %broadcast_in_dim3A_343 = vector.broadcast %squeeze3A_342 : f32 to vector<16xf32>
        %slice3A_344 = vector.extract_strided_slice %get3A_298 {offsets = [15], sizes = [1], strides = [1]} : vector<16xf32> to vector<1xf32>
        %squeeze3A_345 = vector.extract %slice3A_344[0] : f32 from vector<1xf32>
        %broadcast_in_dim3A_346 = vector.broadcast %squeeze3A_345 : f32 to vector<16xf32>
        %parallel_loop3A_347 = arith.constant 0 : i32
        %parallel_loop3A_348 = arith.constant 32 : i32
        %parallel_loop3A_349 = arith.constant 1 : i32
        %parallel_loop3A_350:2 = scf.for %parallel_loop3A_585 = %parallel_loop3A_347 to %parallel_loop3A_348 step %parallel_loop3A_349 iter_args(%parallel_loop3A_586 = %parallel_loop3A_296#0, %parallel_loop3A_587 = %parallel_loop3A_296#1) -> (vector<16xf32>, vector<16xi32>)  : i32 {
          %parallel_loop3A_588 = arith.constant 1 : i32
          %parallel_loop3A_589 = arith.muli %parallel_loop3A_585, %parallel_loop3A_588 : i32
          %parallel_loop3A_590 = arith.constant 0 : i32
          %parallel_loop3A_591 = arith.addi %parallel_loop3A_589, %parallel_loop3A_590 : i32
          %parallel_loop3A_592 = arith.constant 16 : i32
          %parallel_loop3A_593 = arith.muli %parallel_loop3A_591, %parallel_loop3A_592 : i32
          %parallel_loop3A_594 = arith.constant 0.000000e+00 : f32
          %parallel_loop3A_595 = vector.broadcast %parallel_loop3A_594 : f32 to vector<16xf32>
          %parallel_loop3A_596 = arith.constant 0.000000e+00 : f32
          %parallel_loop3A_597 = vector.broadcast %parallel_loop3A_596 : f32 to vector<16xf32>
          %parallel_loop3A_598 = arith.constant 0.000000e+00 : f32
          %parallel_loop3A_599 = vector.broadcast %parallel_loop3A_598 : f32 to vector<16xf32>
          %parallel_loop3A_600 = arith.constant 0.000000e+00 : f32
          %parallel_loop3A_601 = vector.broadcast %parallel_loop3A_600 : f32 to vector<16xf32>
          %parallel_loop3A_602 = arith.constant 48 : i32
          %parallel_loop3A_603 = arith.index_cast %parallel_loop3A_602 : i32 to index
          %parallel_loop3A_604 = arith.index_cast %parallel_loop3A_593 : i32 to index
          %parallel_loop3A_605 = tpu.vector_load %arg8[%parallel_loop3A_603, %parallel_loop3A_604] {strides = array<i32>} : memref<64x512xf32, #tpu.memory_space<vmem>>, vector<16xf32>,
          %parallel_loop3A_606 = arith.subf %parallel_loop3A_605, %broadcast_in_dim3A_301 : vector<16xf32>
          %parallel_loop3A_607 = arith.mulf %parallel_loop3A_606, %parallel_loop3A_606 : vector<16xf32>
          %parallel_loop3A_608 = arith.addf %parallel_loop3A_595, %parallel_loop3A_607 : vector<16xf32>
          %parallel_loop3A_609 = arith.constant 49 : i32
          %parallel_loop3A_610 = arith.index_cast %parallel_loop3A_609 : i32 to index
          %parallel_loop3A_611 = arith.index_cast %parallel_loop3A_593 : i32 to index
          %parallel_loop3A_612 = tpu.vector_load %arg8[%parallel_loop3A_610, %parallel_loop3A_611] {strides = array<i32>} : memref<64x512xf32, #tpu.memory_space<vmem>>, vector<16xf32>,
          %parallel_loop3A_613 = arith.subf %parallel_loop3A_612, %broadcast_in_dim3A_304 : vector<16xf32>
          %parallel_loop3A_614 = arith.mulf %parallel_loop3A_613, %parallel_loop3A_613 : vector<16xf32>
          %parallel_loop3A_615 = arith.addf %parallel_loop3A_597, %parallel_loop3A_614 : vector<16xf32>
          %parallel_loop3A_616 = arith.constant 50 : i32
          %parallel_loop3A_617 = arith.index_cast %parallel_loop3A_616 : i32 to index
          %parallel_loop3A_618 = arith.index_cast %parallel_loop3A_593 : i32 to index
          %parallel_loop3A_619 = tpu.vector_load %arg8[%parallel_loop3A_617, %parallel_loop3A_618] {strides = array<i32>} : memref<64x512xf32, #tpu.memory_space<vmem>>, vector<16xf32>,
          %parallel_loop3A_620 = arith.subf %parallel_loop3A_619, %broadcast_in_dim3A_307 : vector<16xf32>
          %parallel_loop3A_621 = arith.mulf %parallel_loop3A_620, %parallel_loop3A_620 : vector<16xf32>
          %parallel_loop3A_622 = arith.addf %parallel_loop3A_599, %parallel_loop3A_621 : vector<16xf32>
          %parallel_loop3A_623 = arith.constant 51 : i32
          %parallel_loop3A_624 = arith.index_cast %parallel_loop3A_623 : i32 to index
          %parallel_loop3A_625 = arith.index_cast %parallel_loop3A_593 : i32 to index
          %parallel_loop3A_626 = tpu.vector_load %arg8[%parallel_loop3A_624, %parallel_loop3A_625] {strides = array<i32>} : memref<64x512xf32, #tpu.memory_space<vmem>>, vector<16xf32>,
          %parallel_loop3A_627 = arith.subf %parallel_loop3A_626, %broadcast_in_dim3A_310 : vector<16xf32>
          %parallel_loop3A_628 = arith.mulf %parallel_loop3A_627, %parallel_loop3A_627 : vector<16xf32>
          %parallel_loop3A_629 = arith.addf %parallel_loop3A_601, %parallel_loop3A_628 : vector<16xf32>
          %parallel_loop3A_630 = arith.constant 52 : i32
          %parallel_loop3A_631 = arith.index_cast %parallel_loop3A_630 : i32 to index
          %parallel_loop3A_632 = arith.index_cast %parallel_loop3A_593 : i32 to index
          %parallel_loop3A_633 = tpu.vector_load %arg8[%parallel_loop3A_631, %parallel_loop3A_632] {strides = array<i32>} : memref<64x512xf32, #tpu.memory_space<vmem>>, vector<16xf32>,
          %parallel_loop3A_634 = arith.subf %parallel_loop3A_633, %broadcast_in_dim3A_313 : vector<16xf32>
          %parallel_loop3A_635 = arith.mulf %parallel_loop3A_634, %parallel_loop3A_634 : vector<16xf32>
          %parallel_loop3A_636 = arith.addf %parallel_loop3A_608, %parallel_loop3A_635 : vector<16xf32>
          %parallel_loop3A_637 = arith.constant 53 : i32
          %parallel_loop3A_638 = arith.index_cast %parallel_loop3A_637 : i32 to index
          %parallel_loop3A_639 = arith.index_cast %parallel_loop3A_593 : i32 to index
          %parallel_loop3A_640 = tpu.vector_load %arg8[%parallel_loop3A_638, %parallel_loop3A_639] {strides = array<i32>} : memref<64x512xf32, #tpu.memory_space<vmem>>, vector<16xf32>,
          %parallel_loop3A_641 = arith.subf %parallel_loop3A_640, %broadcast_in_dim3A_316 : vector<16xf32>
          %parallel_loop3A_642 = arith.mulf %parallel_loop3A_641, %parallel_loop3A_641 : vector<16xf32>
          %parallel_loop3A_643 = arith.addf %parallel_loop3A_615, %parallel_loop3A_642 : vector<16xf32>
          %parallel_loop3A_644 = arith.constant 54 : i32
          %parallel_loop3A_645 = arith.index_cast %parallel_loop3A_644 : i32 to index
          %parallel_loop3A_646 = arith.index_cast %parallel_loop3A_593 : i32 to index
          %parallel_loop3A_647 = tpu.vector_load %arg8[%parallel_loop3A_645, %parallel_loop3A_646] {strides = array<i32>} : memref<64x512xf32, #tpu.memory_space<vmem>>, vector<16xf32>,
          %parallel_loop3A_648 = arith.subf %parallel_loop3A_647, %broadcast_in_dim3A_319 : vector<16xf32>
          %parallel_loop3A_649 = arith.mulf %parallel_loop3A_648, %parallel_loop3A_648 : vector<16xf32>
          %parallel_loop3A_650 = arith.addf %parallel_loop3A_622, %parallel_loop3A_649 : vector<16xf32>
          %parallel_loop3A_651 = arith.constant 55 : i32
          %parallel_loop3A_652 = arith.index_cast %parallel_loop3A_651 : i32 to index
          %parallel_loop3A_653 = arith.index_cast %parallel_loop3A_593 : i32 to index
          %parallel_loop3A_654 = tpu.vector_load %arg8[%parallel_loop3A_652, %parallel_loop3A_653] {strides = array<i32>} : memref<64x512xf32, #tpu.memory_space<vmem>>, vector<16xf32>,
          %parallel_loop3A_655 = arith.subf %parallel_loop3A_654, %broadcast_in_dim3A_322 : vector<16xf32>
          %parallel_loop3A_656 = arith.mulf %parallel_loop3A_655, %parallel_loop3A_655 : vector<16xf32>
          %parallel_loop3A_657 = arith.addf %parallel_loop3A_629, %parallel_loop3A_656 : vector<16xf32>
          %parallel_loop3A_658 = arith.constant 56 : i32
          %parallel_loop3A_659 = arith.index_cast %parallel_loop3A_658 : i32 to index
          %parallel_loop3A_660 = arith.index_cast %parallel_loop3A_593 : i32 to index
          %parallel_loop3A_661 = tpu.vector_load %arg8[%parallel_loop3A_659, %parallel_loop3A_660] {strides = array<i32>} : memref<64x512xf32, #tpu.memory_space<vmem>>, vector<16xf32>,
          %parallel_loop3A_662 = arith.subf %parallel_loop3A_661, %broadcast_in_dim3A_325 : vector<16xf32>
          %parallel_loop3A_663 = arith.mulf %parallel_loop3A_662, %parallel_loop3A_662 : vector<16xf32>
          %parallel_loop3A_664 = arith.addf %parallel_loop3A_636, %parallel_loop3A_663 : vector<16xf32>
          %parallel_loop3A_665 = arith.constant 57 : i32
          %parallel_loop3A_666 = arith.index_cast %parallel_loop3A_665 : i32 to index
          %parallel_loop3A_667 = arith.index_cast %parallel_loop3A_593 : i32 to index
          %parallel_loop3A_668 = tpu.vector_load %arg8[%parallel_loop3A_666, %parallel_loop3A_667] {strides = array<i32>} : memref<64x512xf32, #tpu.memory_space<vmem>>, vector<16xf32>,
          %parallel_loop3A_669 = arith.subf %parallel_loop3A_668, %broadcast_in_dim3A_328 : vector<16xf32>
          %parallel_loop3A_670 = arith.mulf %parallel_loop3A_669, %parallel_loop3A_669 : vector<16xf32>
          %parallel_loop3A_671 = arith.addf %parallel_loop3A_643, %parallel_loop3A_670 : vector<16xf32>
          %parallel_loop3A_672 = arith.constant 58 : i32
          %parallel_loop3A_673 = arith.index_cast %parallel_loop3A_672 : i32 to index
          %parallel_loop3A_674 = arith.index_cast %parallel_loop3A_593 : i32 to index
          %parallel_loop3A_675 = tpu.vector_load %arg8[%parallel_loop3A_673, %parallel_loop3A_674] {strides = array<i32>} : memref<64x512xf32, #tpu.memory_space<vmem>>, vector<16xf32>,
          %parallel_loop3A_676 = arith.subf %parallel_loop3A_675, %broadcast_in_dim3A_331 : vector<16xf32>
          %parallel_loop3A_677 = arith.mulf %parallel_loop3A_676, %parallel_loop3A_676 : vector<16xf32>
          %parallel_loop3A_678 = arith.addf %parallel_loop3A_650, %parallel_loop3A_677 : vector<16xf32>
          %parallel_loop3A_679 = arith.constant 59 : i32
          %parallel_loop3A_680 = arith.index_cast %parallel_loop3A_679 : i32 to index
          %parallel_loop3A_681 = arith.index_cast %parallel_loop3A_593 : i32 to index
          %parallel_loop3A_682 = tpu.vector_load %arg8[%parallel_loop3A_680, %parallel_loop3A_681] {strides = array<i32>} : memref<64x512xf32, #tpu.memory_space<vmem>>, vector<16xf32>,
          %parallel_loop3A_683 = arith.subf %parallel_loop3A_682, %broadcast_in_dim3A_334 : vector<16xf32>
          %parallel_loop3A_684 = arith.mulf %parallel_loop3A_683, %parallel_loop3A_683 : vector<16xf32>
          %parallel_loop3A_685 = arith.addf %parallel_loop3A_657, %parallel_loop3A_684 : vector<16xf32>
          %parallel_loop3A_686 = arith.constant 60 : i32
          %parallel_loop3A_687 = arith.index_cast %parallel_loop3A_686 : i32 to index
          %parallel_loop3A_688 = arith.index_cast %parallel_loop3A_593 : i32 to index
          %parallel_loop3A_689 = tpu.vector_load %arg8[%parallel_loop3A_687, %parallel_loop3A_688] {strides = array<i32>} : memref<64x512xf32, #tpu.memory_space<vmem>>, vector<16xf32>,
          %parallel_loop3A_690 = arith.subf %parallel_loop3A_689, %broadcast_in_dim3A_337 : vector<16xf32>
          %parallel_loop3A_691 = arith.mulf %parallel_loop3A_690, %parallel_loop3A_690 : vector<16xf32>
          %parallel_loop3A_692 = arith.addf %parallel_loop3A_664, %parallel_loop3A_691 : vector<16xf32>
          %parallel_loop3A_693 = arith.constant 61 : i32
          %parallel_loop3A_694 = arith.index_cast %parallel_loop3A_693 : i32 to index
          %parallel_loop3A_695 = arith.index_cast %parallel_loop3A_593 : i32 to index
          %parallel_loop3A_696 = tpu.vector_load %arg8[%parallel_loop3A_694, %parallel_loop3A_695] {strides = array<i32>} : memref<64x512xf32, #tpu.memory_space<vmem>>, vector<16xf32>,
          %parallel_loop3A_697 = arith.subf %parallel_loop3A_696, %broadcast_in_dim3A_340 : vector<16xf32>
          %parallel_loop3A_698 = arith.mulf %parallel_loop3A_697, %parallel_loop3A_697 : vector<16xf32>
          %parallel_loop3A_699 = arith.addf %parallel_loop3A_671, %parallel_loop3A_698 : vector<16xf32>
          %parallel_loop3A_700 = arith.constant 62 : i32
          %parallel_loop3A_701 = arith.index_cast %parallel_loop3A_700 : i32 to index
          %parallel_loop3A_702 = arith.index_cast %parallel_loop3A_593 : i32 to index
          %parallel_loop3A_703 = tpu.vector_load %arg8[%parallel_loop3A_701, %parallel_loop3A_702] {strides = array<i32>} : memref<64x512xf32, #tpu.memory_space<vmem>>, vector<16xf32>,
          %parallel_loop3A_704 = arith.subf %parallel_loop3A_703, %broadcast_in_dim3A_343 : vector<16xf32>
          %parallel_loop3A_705 = arith.mulf %parallel_loop3A_704, %parallel_loop3A_704 : vector<16xf32>
          %parallel_loop3A_706 = arith.addf %parallel_loop3A_678, %parallel_loop3A_705 : vector<16xf32>
          %parallel_loop3A_707 = arith.constant 63 : i32
          %parallel_loop3A_708 = arith.index_cast %parallel_loop3A_707 : i32 to index
          %parallel_loop3A_709 = arith.index_cast %parallel_loop3A_593 : i32 to index
          %parallel_loop3A_710 = tpu.vector_load %arg8[%parallel_loop3A_708, %parallel_loop3A_709] {strides = array<i32>} : memref<64x512xf32, #tpu.memory_space<vmem>>, vector<16xf32>,
          %parallel_loop3A_711 = arith.subf %parallel_loop3A_710, %broadcast_in_dim3A_346 : vector<16xf32>
          %parallel_loop3A_712 = arith.mulf %parallel_loop3A_711, %parallel_loop3A_711 : vector<16xf32>
          %parallel_loop3A_713 = arith.addf %parallel_loop3A_685, %parallel_loop3A_712 : vector<16xf32>
          %parallel_loop3A_714 = arith.addf %parallel_loop3A_692, %parallel_loop3A_699 : vector<16xf32>
          %parallel_loop3A_715 = arith.addf %parallel_loop3A_706, %parallel_loop3A_713 : vector<16xf32>
          %parallel_loop3A_716 = arith.addf %parallel_loop3A_714, %parallel_loop3A_715 : vector<16xf32>
          %parallel_loop3A_717 = arith.index_cast %parallel_loop3A_593 : i32 to index
          %parallel_loop3A_718 = tpu.vector_load %arg10[%parallel_loop3A_717] {strides = array<i32>} : memref<512xf32, #tpu.memory_space<vmem>>, vector<16xf32>,
          %parallel_loop3A_719 = arith.addf %parallel_loop3A_716, %parallel_loop3A_718 : vector<16xf32>
          %parallel_loop3A_720 = arith.addi %mul3A_138, %parallel_loop3A_593 : i32
          %parallel_loop3A_721 = arith.index_cast %parallel_loop3A_720 : i32 to index
          %parallel_loop3A_722 = tpu.vector_load %arg6[%parallel_loop3A_721] {strides = array<i32>} : memref<8192xf32, #tpu.memory_space<vmem>>, vector<16xf32>,
          %parallel_loop3A_723 = arith.minimumf %parallel_loop3A_722, %parallel_loop3A_719 : vector<16xf32>
          %parallel_loop3A_724 = arith.index_cast %parallel_loop3A_720 : i32 to index
          %parallel_loop3A_725 = tpu.vector_load %arg6[%parallel_loop3A_724] {strides = array<i32>} : memref<8192xf32, #tpu.memory_space<vmem>>, vector<16xf32>,
          tpu.vector_store %arg6[%parallel_loop3A_724], %parallel_loop3A_723 {strides = array<i32>} : memref<8192xf32, #tpu.memory_space<vmem>>, vector<16xf32>,
          %parallel_loop3A_726 = arith.index_cast %parallel_loop3A_720 : i32 to index
          %parallel_loop3A_727 = tpu.vector_load %arg7[%parallel_loop3A_726] {strides = array<i32>} : memref<8192xf32, #tpu.memory_space<vmem>>, vector<16xf32>,
          %parallel_loop3A_728 = arith.mulf %parallel_loop3A_723, %parallel_loop3A_727 : vector<16xf32>
          %parallel_loop3A_729 = arith.cmpf ogt, %parallel_loop3A_728, %parallel_loop3A_586 : vector<16xf32>
          %parallel_loop3A_730 = arith.select %parallel_loop3A_729, %parallel_loop3A_728, %parallel_loop3A_586 : vector<16xi1>, vector<16xf32>
          %parallel_loop3A_731 = vector.broadcast %parallel_loop3A_720 : i32 to vector<16xi32>
          %parallel_loop3A_732 = arith.addi %parallel_loop3A_731, %iota3A : vector<16xi32>
          %parallel_loop3A_733 = arith.select %parallel_loop3A_729, %parallel_loop3A_732, %parallel_loop3A_587 : vector<16xi1>, vector<16xi32>
          scf.yield %parallel_loop3A_730, %parallel_loop3A_733 : vector<16xf32>, vector<16xi32>
        } {sc.loop_unroll_factor = 2 : i64, sc.parallel_access}
        %mul3A_351 = arith.constant 512 : i32
        %mul3A_352 = arith.muli %select_n3A_120, %mul3A_351 : i32
        %dma_start3A_353 = arith.constant 0 : i32
        %dma_start3A_354 = tpu.memref_slice %arg3[%add3A, %dma_start3A_353, %mul3A_352] : memref<32x64x8192xf32, #tpu.memory_space<hbm>> -> memref<1x64x512xf32, #tpu.memory_space<hbm>>
        %dma_start3A_355 = tpu.memref_squeeze %dma_start3A_354 : memref<1x64x512xf32, #tpu.memory_space<hbm>> -> memref<64x512xf32, #tpu.memory_space<hbm>>
        %dma_start3A_356 = arith.constant 0 : i32
        %dma_start3A_357 = tpu.memref_slice %arg3[%add3A, %dma_start3A_356, %mul3A_352] : memref<32x64x8192xf32, #tpu.memory_space<hbm>> -> memref<1x64x512xf32, #tpu.memory_space<hbm>>
        %dma_start3A_358 = tpu.memref_squeeze %dma_start3A_357 : memref<1x64x512xf32, #tpu.memory_space<hbm>> -> memref<64x512xf32, #tpu.memory_space<hbm>>
        tpu.enqueue_dma source(%dma_start3A_358 : memref<64x512xf32, #tpu.memory_space<hbm>>) target(%arg8 : memref<64x512xf32, #tpu.memory_space<vmem>>) target_semaphore(%arg12 : memref<!tpu.dma_semaphore, #tpu.memory_space<semaphore_mem>>)
        %mul3A_359 = arith.constant 512 : i32
        %mul3A_360 = arith.muli %add3A_104, %mul3A_359 : i32
        %dma_wait3A_361 = arith.constant 0 : i32
        %dma_wait3A_362 = tpu.memref_slice %arg3[%add3A, %dma_wait3A_361, %mul3A_360] : memref<32x64x8192xf32, #tpu.memory_space<hbm>> -> memref<1x64x512xf32, #tpu.memory_space<hbm>>
        %dma_wait3A_363 = tpu.memref_squeeze %dma_wait3A_362 : memref<1x64x512xf32, #tpu.memory_space<hbm>> -> memref<64x512xf32, #tpu.memory_space<hbm>>
        %dma_wait3A_364 = arith.constant 0 : i32
        %dma_wait3A_365 = tpu.memref_slice %arg3[%add3A, %dma_wait3A_364, %mul3A_360] : memref<32x64x8192xf32, #tpu.memory_space<hbm>> -> memref<1x64x512xf32, #tpu.memory_space<hbm>>
        %dma_wait3A_366 = tpu.memref_squeeze %dma_wait3A_365 : memref<1x64x512xf32, #tpu.memory_space<hbm>> -> memref<64x512xf32, #tpu.memory_space<hbm>>
        tpu.wait_dma2 semaphore(%arg13 : memref<!tpu.dma_semaphore, #tpu.memory_space<semaphore_mem>>) src(%dma_wait3A_366 : memref<64x512xf32, #tpu.memory_space<hbm>>) dst(%arg9 : memref<64x512xf32, #tpu.memory_space<vmem>>)
        %mul3A_367 = arith.constant 512 : i32
        %mul3A_368 = arith.muli %add3A_104, %mul3A_367 : i32
        %get3A_369 = arith.constant 0 : index
        %get3A_370 = tpu.vector_load %arg11[%get3A_369] {strides = array<i32>} : memref<64xf32, #tpu.memory_space<vmem>>, vector<16xf32>,
        %slice3A_371 = vector.extract_strided_slice %get3A_370 {offsets = [0], sizes = [1], strides = [1]} : vector<16xf32> to vector<1xf32>
        %squeeze3A_372 = vector.extract %slice3A_371[0] : f32 from vector<1xf32>
        %broadcast_in_dim3A_373 = vector.broadcast %squeeze3A_372 : f32 to vector<16xf32>
        %slice3A_374 = vector.extract_strided_slice %get3A_370 {offsets = [1], sizes = [1], strides = [1]} : vector<16xf32> to vector<1xf32>
        %squeeze3A_375 = vector.extract %slice3A_374[0] : f32 from vector<1xf32>
        %broadcast_in_dim3A_376 = vector.broadcast %squeeze3A_375 : f32 to vector<16xf32>
        %slice3A_377 = vector.extract_strided_slice %get3A_370 {offsets = [2], sizes = [1], strides = [1]} : vector<16xf32> to vector<1xf32>
        %squeeze3A_378 = vector.extract %slice3A_377[0] : f32 from vector<1xf32>
        %broadcast_in_dim3A_379 = vector.broadcast %squeeze3A_378 : f32 to vector<16xf32>
        %slice3A_380 = vector.extract_strided_slice %get3A_370 {offsets = [3], sizes = [1], strides = [1]} : vector<16xf32> to vector<1xf32>
        %squeeze3A_381 = vector.extract %slice3A_380[0] : f32 from vector<1xf32>
        %broadcast_in_dim3A_382 = vector.broadcast %squeeze3A_381 : f32 to vector<16xf32>
        %slice3A_383 = vector.extract_strided_slice %get3A_370 {offsets = [4], sizes = [1], strides = [1]} : vector<16xf32> to vector<1xf32>
        %squeeze3A_384 = vector.extract %slice3A_383[0] : f32 from vector<1xf32>
        %broadcast_in_dim3A_385 = vector.broadcast %squeeze3A_384 : f32 to vector<16xf32>
        %slice3A_386 = vector.extract_strided_slice %get3A_370 {offsets = [5], sizes = [1], strides = [1]} : vector<16xf32> to vector<1xf32>
        %squeeze3A_387 = vector.extract %slice3A_386[0] : f32 from vector<1xf32>
        %broadcast_in_dim3A_388 = vector.broadcast %squeeze3A_387 : f32 to vector<16xf32>
        %slice3A_389 = vector.extract_strided_slice %get3A_370 {offsets = [6], sizes = [1], strides = [1]} : vector<16xf32> to vector<1xf32>
        %squeeze3A_390 = vector.extract %slice3A_389[0] : f32 from vector<1xf32>
        %broadcast_in_dim3A_391 = vector.broadcast %squeeze3A_390 : f32 to vector<16xf32>
        %slice3A_392 = vector.extract_strided_slice %get3A_370 {offsets = [7], sizes = [1], strides = [1]} : vector<16xf32> to vector<1xf32>
        %squeeze3A_393 = vector.extract %slice3A_392[0] : f32 from vector<1xf32>
        %broadcast_in_dim3A_394 = vector.broadcast %squeeze3A_393 : f32 to vector<16xf32>
        %slice3A_395 = vector.extract_strided_slice %get3A_370 {offsets = [8], sizes = [1], strides = [1]} : vector<16xf32> to vector<1xf32>
        %squeeze3A_396 = vector.extract %slice3A_395[0] : f32 from vector<1xf32>
        %broadcast_in_dim3A_397 = vector.broadcast %squeeze3A_396 : f32 to vector<16xf32>
        %slice3A_398 = vector.extract_strided_slice %get3A_370 {offsets = [9], sizes = [1], strides = [1]} : vector<16xf32> to vector<1xf32>
        %squeeze3A_399 = vector.extract %slice3A_398[0] : f32 from vector<1xf32>
        %broadcast_in_dim3A_400 = vector.broadcast %squeeze3A_399 : f32 to vector<16xf32>
        %slice3A_401 = vector.extract_strided_slice %get3A_370 {offsets = [10], sizes = [1], strides = [1]} : vector<16xf32> to vector<1xf32>
        %squeeze3A_402 = vector.extract %slice3A_401[0] : f32 from vector<1xf32>
        %broadcast_in_dim3A_403 = vector.broadcast %squeeze3A_402 : f32 to vector<16xf32>
        %slice3A_404 = vector.extract_strided_slice %get3A_370 {offsets = [11], sizes = [1], strides = [1]} : vector<16xf32> to vector<1xf32>
        %squeeze3A_405 = vector.extract %slice3A_404[0] : f32 from vector<1xf32>
        %broadcast_in_dim3A_406 = vector.broadcast %squeeze3A_405 : f32 to vector<16xf32>
        %slice3A_407 = vector.extract_strided_slice %get3A_370 {offsets = [12], sizes = [1], strides = [1]} : vector<16xf32> to vector<1xf32>
        %squeeze3A_408 = vector.extract %slice3A_407[0] : f32 from vector<1xf32>
        %broadcast_in_dim3A_409 = vector.broadcast %squeeze3A_408 : f32 to vector<16xf32>
        %slice3A_410 = vector.extract_strided_slice %get3A_370 {offsets = [13], sizes = [1], strides = [1]} : vector<16xf32> to vector<1xf32>
        %squeeze3A_411 = vector.extract %slice3A_410[0] : f32 from vector<1xf32>
        %broadcast_in_dim3A_412 = vector.broadcast %squeeze3A_411 : f32 to vector<16xf32>
        %slice3A_413 = vector.extract_strided_slice %get3A_370 {offsets = [14], sizes = [1], strides = [1]} : vector<16xf32> to vector<1xf32>
        %squeeze3A_414 = vector.extract %slice3A_413[0] : f32 from vector<1xf32>
        %broadcast_in_dim3A_415 = vector.broadcast %squeeze3A_414 : f32 to vector<16xf32>
        %slice3A_416 = vector.extract_strided_slice %get3A_370 {offsets = [15], sizes = [1], strides = [1]} : vector<16xf32> to vector<1xf32>
        %squeeze3A_417 = vector.extract %slice3A_416[0] : f32 from vector<1xf32>
        %broadcast_in_dim3A_418 = vector.broadcast %squeeze3A_417 : f32 to vector<16xf32>
        %parallel_loop3A_419 = arith.constant 0 : i32
        %parallel_loop3A_420 = arith.constant 32 : i32
        %parallel_loop3A_421 = arith.constant 1 : i32
        %parallel_loop3A_422:2 = scf.for %parallel_loop3A_585 = %parallel_loop3A_419 to %parallel_loop3A_420 step %parallel_loop3A_421 iter_args(%parallel_loop3A_586 = %parallel_loop3A_350#0, %parallel_loop3A_587 = %parallel_loop3A_350#1) -> (vector<16xf32>, vector<16xi32>)  : i32 {
          %parallel_loop3A_588 = arith.constant 1 : i32
          %parallel_loop3A_589 = arith.muli %parallel_loop3A_585, %parallel_loop3A_588 : i32
          %parallel_loop3A_590 = arith.constant 0 : i32
          %parallel_loop3A_591 = arith.addi %parallel_loop3A_589, %parallel_loop3A_590 : i32
          %parallel_loop3A_592 = arith.constant 16 : i32
          %parallel_loop3A_593 = arith.muli %parallel_loop3A_591, %parallel_loop3A_592 : i32
          %parallel_loop3A_594 = arith.constant 0.000000e+00 : f32
          %parallel_loop3A_595 = vector.broadcast %parallel_loop3A_594 : f32 to vector<16xf32>
          %parallel_loop3A_596 = arith.constant 0.000000e+00 : f32
          %parallel_loop3A_597 = vector.broadcast %parallel_loop3A_596 : f32 to vector<16xf32>
          %parallel_loop3A_598 = arith.constant 0.000000e+00 : f32
          %parallel_loop3A_599 = vector.broadcast %parallel_loop3A_598 : f32 to vector<16xf32>
          %parallel_loop3A_600 = arith.constant 0.000000e+00 : f32
          %parallel_loop3A_601 = vector.broadcast %parallel_loop3A_600 : f32 to vector<16xf32>
          %parallel_loop3A_602 = arith.constant 0 : i32
          %parallel_loop3A_603 = arith.index_cast %parallel_loop3A_602 : i32 to index
          %parallel_loop3A_604 = arith.index_cast %parallel_loop3A_593 : i32 to index
          %parallel_loop3A_605 = tpu.vector_load %arg9[%parallel_loop3A_603, %parallel_loop3A_604] {strides = array<i32>} : memref<64x512xf32, #tpu.memory_space<vmem>>, vector<16xf32>,
          %parallel_loop3A_606 = arith.subf %parallel_loop3A_605, %broadcast_in_dim3A_373 : vector<16xf32>
          %parallel_loop3A_607 = arith.mulf %parallel_loop3A_606, %parallel_loop3A_606 : vector<16xf32>
          %parallel_loop3A_608 = arith.addf %parallel_loop3A_595, %parallel_loop3A_607 : vector<16xf32>
          %parallel_loop3A_609 = arith.constant 1 : i32
          %parallel_loop3A_610 = arith.index_cast %parallel_loop3A_609 : i32 to index
          %parallel_loop3A_611 = arith.index_cast %parallel_loop3A_593 : i32 to index
          %parallel_loop3A_612 = tpu.vector_load %arg9[%parallel_loop3A_610, %parallel_loop3A_611] {strides = array<i32>} : memref<64x512xf32, #tpu.memory_space<vmem>>, vector<16xf32>,
          %parallel_loop3A_613 = arith.subf %parallel_loop3A_612, %broadcast_in_dim3A_376 : vector<16xf32>
          %parallel_loop3A_614 = arith.mulf %parallel_loop3A_613, %parallel_loop3A_613 : vector<16xf32>
          %parallel_loop3A_615 = arith.addf %parallel_loop3A_597, %parallel_loop3A_614 : vector<16xf32>
          %parallel_loop3A_616 = arith.constant 2 : i32
          %parallel_loop3A_617 = arith.index_cast %parallel_loop3A_616 : i32 to index
          %parallel_loop3A_618 = arith.index_cast %parallel_loop3A_593 : i32 to index
          %parallel_loop3A_619 = tpu.vector_load %arg9[%parallel_loop3A_617, %parallel_loop3A_618] {strides = array<i32>} : memref<64x512xf32, #tpu.memory_space<vmem>>, vector<16xf32>,
          %parallel_loop3A_620 = arith.subf %parallel_loop3A_619, %broadcast_in_dim3A_379 : vector<16xf32>
          %parallel_loop3A_621 = arith.mulf %parallel_loop3A_620, %parallel_loop3A_620 : vector<16xf32>
          %parallel_loop3A_622 = arith.addf %parallel_loop3A_599, %parallel_loop3A_621 : vector<16xf32>
          %parallel_loop3A_623 = arith.constant 3 : i32
          %parallel_loop3A_624 = arith.index_cast %parallel_loop3A_623 : i32 to index
          %parallel_loop3A_625 = arith.index_cast %parallel_loop3A_593 : i32 to index
          %parallel_loop3A_626 = tpu.vector_load %arg9[%parallel_loop3A_624, %parallel_loop3A_625] {strides = array<i32>} : memref<64x512xf32, #tpu.memory_space<vmem>>, vector<16xf32>,
          %parallel_loop3A_627 = arith.subf %parallel_loop3A_626, %broadcast_in_dim3A_382 : vector<16xf32>
          %parallel_loop3A_628 = arith.mulf %parallel_loop3A_627, %parallel_loop3A_627 : vector<16xf32>
          %parallel_loop3A_629 = arith.addf %parallel_loop3A_601, %parallel_loop3A_628 : vector<16xf32>
          %parallel_loop3A_630 = arith.constant 4 : i32
          %parallel_loop3A_631 = arith.index_cast %parallel_loop3A_630 : i32 to index
          %parallel_loop3A_632 = arith.index_cast %parallel_loop3A_593 : i32 to index
          %parallel_loop3A_633 = tpu.vector_load %arg9[%parallel_loop3A_631, %parallel_loop3A_632] {strides = array<i32>} : memref<64x512xf32, #tpu.memory_space<vmem>>, vector<16xf32>,
          %parallel_loop3A_634 = arith.subf %parallel_loop3A_633, %broadcast_in_dim3A_385 : vector<16xf32>
          %parallel_loop3A_635 = arith.mulf %parallel_loop3A_634, %parallel_loop3A_634 : vector<16xf32>
          %parallel_loop3A_636 = arith.addf %parallel_loop3A_608, %parallel_loop3A_635 : vector<16xf32>
          %parallel_loop3A_637 = arith.constant 5 : i32
          %parallel_loop3A_638 = arith.index_cast %parallel_loop3A_637 : i32 to index
          %parallel_loop3A_639 = arith.index_cast %parallel_loop3A_593 : i32 to index
          %parallel_loop3A_640 = tpu.vector_load %arg9[%parallel_loop3A_638, %parallel_loop3A_639] {strides = array<i32>} : memref<64x512xf32, #tpu.memory_space<vmem>>, vector<16xf32>,
          %parallel_loop3A_641 = arith.subf %parallel_loop3A_640, %broadcast_in_dim3A_388 : vector<16xf32>
          %parallel_loop3A_642 = arith.mulf %parallel_loop3A_641, %parallel_loop3A_641 : vector<16xf32>
          %parallel_loop3A_643 = arith.addf %parallel_loop3A_615, %parallel_loop3A_642 : vector<16xf32>
          %parallel_loop3A_644 = arith.constant 6 : i32
          %parallel_loop3A_645 = arith.index_cast %parallel_loop3A_644 : i32 to index
          %parallel_loop3A_646 = arith.index_cast %parallel_loop3A_593 : i32 to index
          %parallel_loop3A_647 = tpu.vector_load %arg9[%parallel_loop3A_645, %parallel_loop3A_646] {strides = array<i32>} : memref<64x512xf32, #tpu.memory_space<vmem>>, vector<16xf32>,
          %parallel_loop3A_648 = arith.subf %parallel_loop3A_647, %broadcast_in_dim3A_391 : vector<16xf32>
          %parallel_loop3A_649 = arith.mulf %parallel_loop3A_648, %parallel_loop3A_648 : vector<16xf32>
          %parallel_loop3A_650 = arith.addf %parallel_loop3A_622, %parallel_loop3A_649 : vector<16xf32>
          %parallel_loop3A_651 = arith.constant 7 : i32
          %parallel_loop3A_652 = arith.index_cast %parallel_loop3A_651 : i32 to index
          %parallel_loop3A_653 = arith.index_cast %parallel_loop3A_593 : i32 to index
          %parallel_loop3A_654 = tpu.vector_load %arg9[%parallel_loop3A_652, %parallel_loop3A_653] {strides = array<i32>} : memref<64x512xf32, #tpu.memory_space<vmem>>, vector<16xf32>,
          %parallel_loop3A_655 = arith.subf %parallel_loop3A_654, %broadcast_in_dim3A_394 : vector<16xf32>
          %parallel_loop3A_656 = arith.mulf %parallel_loop3A_655, %parallel_loop3A_655 : vector<16xf32>
          %parallel_loop3A_657 = arith.addf %parallel_loop3A_629, %parallel_loop3A_656 : vector<16xf32>
          %parallel_loop3A_658 = arith.constant 8 : i32
          %parallel_loop3A_659 = arith.index_cast %parallel_loop3A_658 : i32 to index
          %parallel_loop3A_660 = arith.index_cast %parallel_loop3A_593 : i32 to index
          %parallel_loop3A_661 = tpu.vector_load %arg9[%parallel_loop3A_659, %parallel_loop3A_660] {strides = array<i32>} : memref<64x512xf32, #tpu.memory_space<vmem>>, vector<16xf32>,
          %parallel_loop3A_662 = arith.subf %parallel_loop3A_661, %broadcast_in_dim3A_397 : vector<16xf32>
          %parallel_loop3A_663 = arith.mulf %parallel_loop3A_662, %parallel_loop3A_662 : vector<16xf32>
          %parallel_loop3A_664 = arith.addf %parallel_loop3A_636, %parallel_loop3A_663 : vector<16xf32>
          %parallel_loop3A_665 = arith.constant 9 : i32
          %parallel_loop3A_666 = arith.index_cast %parallel_loop3A_665 : i32 to index
          %parallel_loop3A_667 = arith.index_cast %parallel_loop3A_593 : i32 to index
          %parallel_loop3A_668 = tpu.vector_load %arg9[%parallel_loop3A_666, %parallel_loop3A_667] {strides = array<i32>} : memref<64x512xf32, #tpu.memory_space<vmem>>, vector<16xf32>,
          %parallel_loop3A_669 = arith.subf %parallel_loop3A_668, %broadcast_in_dim3A_400 : vector<16xf32>
          %parallel_loop3A_670 = arith.mulf %parallel_loop3A_669, %parallel_loop3A_669 : vector<16xf32>
          %parallel_loop3A_671 = arith.addf %parallel_loop3A_643, %parallel_loop3A_670 : vector<16xf32>
          %parallel_loop3A_672 = arith.constant 10 : i32
          %parallel_loop3A_673 = arith.index_cast %parallel_loop3A_672 : i32 to index
          %parallel_loop3A_674 = arith.index_cast %parallel_loop3A_593 : i32 to index
          %parallel_loop3A_675 = tpu.vector_load %arg9[%parallel_loop3A_673, %parallel_loop3A_674] {strides = array<i32>} : memref<64x512xf32, #tpu.memory_space<vmem>>, vector<16xf32>,
          %parallel_loop3A_676 = arith.subf %parallel_loop3A_675, %broadcast_in_dim3A_403 : vector<16xf32>
          %parallel_loop3A_677 = arith.mulf %parallel_loop3A_676, %parallel_loop3A_676 : vector<16xf32>
          %parallel_loop3A_678 = arith.addf %parallel_loop3A_650, %parallel_loop3A_677 : vector<16xf32>
          %parallel_loop3A_679 = arith.constant 11 : i32
          %parallel_loop3A_680 = arith.index_cast %parallel_loop3A_679 : i32 to index
          %parallel_loop3A_681 = arith.index_cast %parallel_loop3A_593 : i32 to index
          %parallel_loop3A_682 = tpu.vector_load %arg9[%parallel_loop3A_680, %parallel_loop3A_681] {strides = array<i32>} : memref<64x512xf32, #tpu.memory_space<vmem>>, vector<16xf32>,
          %parallel_loop3A_683 = arith.subf %parallel_loop3A_682, %broadcast_in_dim3A_406 : vector<16xf32>
          %parallel_loop3A_684 = arith.mulf %parallel_loop3A_683, %parallel_loop3A_683 : vector<16xf32>
          %parallel_loop3A_685 = arith.addf %parallel_loop3A_657, %parallel_loop3A_684 : vector<16xf32>
          %parallel_loop3A_686 = arith.constant 12 : i32
          %parallel_loop3A_687 = arith.index_cast %parallel_loop3A_686 : i32 to index
          %parallel_loop3A_688 = arith.index_cast %parallel_loop3A_593 : i32 to index
          %parallel_loop3A_689 = tpu.vector_load %arg9[%parallel_loop3A_687, %parallel_loop3A_688] {strides = array<i32>} : memref<64x512xf32, #tpu.memory_space<vmem>>, vector<16xf32>,
          %parallel_loop3A_690 = arith.subf %parallel_loop3A_689, %broadcast_in_dim3A_409 : vector<16xf32>
          %parallel_loop3A_691 = arith.mulf %parallel_loop3A_690, %parallel_loop3A_690 : vector<16xf32>
          %parallel_loop3A_692 = arith.addf %parallel_loop3A_664, %parallel_loop3A_691 : vector<16xf32>
          %parallel_loop3A_693 = arith.constant 13 : i32
          %parallel_loop3A_694 = arith.index_cast %parallel_loop3A_693 : i32 to index
          %parallel_loop3A_695 = arith.index_cast %parallel_loop3A_593 : i32 to index
          %parallel_loop3A_696 = tpu.vector_load %arg9[%parallel_loop3A_694, %parallel_loop3A_695] {strides = array<i32>} : memref<64x512xf32, #tpu.memory_space<vmem>>, vector<16xf32>,
          %parallel_loop3A_697 = arith.subf %parallel_loop3A_696, %broadcast_in_dim3A_412 : vector<16xf32>
          %parallel_loop3A_698 = arith.mulf %parallel_loop3A_697, %parallel_loop3A_697 : vector<16xf32>
          %parallel_loop3A_699 = arith.addf %parallel_loop3A_671, %parallel_loop3A_698 : vector<16xf32>
          %parallel_loop3A_700 = arith.constant 14 : i32
          %parallel_loop3A_701 = arith.index_cast %parallel_loop3A_700 : i32 to index
          %parallel_loop3A_702 = arith.index_cast %parallel_loop3A_593 : i32 to index
          %parallel_loop3A_703 = tpu.vector_load %arg9[%parallel_loop3A_701, %parallel_loop3A_702] {strides = array<i32>} : memref<64x512xf32, #tpu.memory_space<vmem>>, vector<16xf32>,
          %parallel_loop3A_704 = arith.subf %parallel_loop3A_703, %broadcast_in_dim3A_415 : vector<16xf32>
          %parallel_loop3A_705 = arith.mulf %parallel_loop3A_704, %parallel_loop3A_704 : vector<16xf32>
          %parallel_loop3A_706 = arith.addf %parallel_loop3A_678, %parallel_loop3A_705 : vector<16xf32>
          %parallel_loop3A_707 = arith.constant 15 : i32
          %parallel_loop3A_708 = arith.index_cast %parallel_loop3A_707 : i32 to index
          %parallel_loop3A_709 = arith.index_cast %parallel_loop3A_593 : i32 to index
          %parallel_loop3A_710 = tpu.vector_load %arg9[%parallel_loop3A_708, %parallel_loop3A_709] {strides = array<i32>} : memref<64x512xf32, #tpu.memory_space<vmem>>, vector<16xf32>,
          %parallel_loop3A_711 = arith.subf %parallel_loop3A_710, %broadcast_in_dim3A_418 : vector<16xf32>
          %parallel_loop3A_712 = arith.mulf %parallel_loop3A_711, %parallel_loop3A_711 : vector<16xf32>
          %parallel_loop3A_713 = arith.addf %parallel_loop3A_685, %parallel_loop3A_712 : vector<16xf32>
          %parallel_loop3A_714 = arith.addf %parallel_loop3A_692, %parallel_loop3A_699 : vector<16xf32>
          %parallel_loop3A_715 = arith.addf %parallel_loop3A_706, %parallel_loop3A_713 : vector<16xf32>
          %parallel_loop3A_716 = arith.addf %parallel_loop3A_714, %parallel_loop3A_715 : vector<16xf32>
          %parallel_loop3A_717 = arith.index_cast %parallel_loop3A_593 : i32 to index
          %parallel_loop3A_718 = tpu.vector_load %arg10[%parallel_loop3A_717] {strides = array<i32>} : memref<512xf32, #tpu.memory_space<vmem>>, vector<16xf32>,
          tpu.vector_store %arg10[%parallel_loop3A_717], %parallel_loop3A_716 {strides = array<i32>} : memref<512xf32, #tpu.memory_space<vmem>>, vector<16xf32>,
          scf.yield %parallel_loop3A_586, %parallel_loop3A_587 : vector<16xf32>, vector<16xi32>
        } {sc.loop_unroll_factor = 2 : i64, sc.parallel_access}
        %get3A_423 = arith.constant 16 : index
        %get3A_424 = tpu.vector_load %arg11[%get3A_423] {strides = array<i32>} : memref<64xf32, #tpu.memory_space<vmem>>, vector<16xf32>,
        %slice3A_425 = vector.extract_strided_slice %get3A_424 {offsets = [0], sizes = [1], strides = [1]} : vector<16xf32> to vector<1xf32>
        %squeeze3A_426 = vector.extract %slice3A_425[0] : f32 from vector<1xf32>
        %broadcast_in_dim3A_427 = vector.broadcast %squeeze3A_426 : f32 to vector<16xf32>
        %slice3A_428 = vector.extract_strided_slice %get3A_424 {offsets = [1], sizes = [1], strides = [1]} : vector<16xf32> to vector<1xf32>
        %squeeze3A_429 = vector.extract %slice3A_428[0] : f32 from vector<1xf32>
        %broadcast_in_dim3A_430 = vector.broadcast %squeeze3A_429 : f32 to vector<16xf32>
        %slice3A_431 = vector.extract_strided_slice %get3A_424 {offsets = [2], sizes = [1], strides = [1]} : vector<16xf32> to vector<1xf32>
        %squeeze3A_432 = vector.extract %slice3A_431[0] : f32 from vector<1xf32>
        %broadcast_in_dim3A_433 = vector.broadcast %squeeze3A_432 : f32 to vector<16xf32>
        %slice3A_434 = vector.extract_strided_slice %get3A_424 {offsets = [3], sizes = [1], strides = [1]} : vector<16xf32> to vector<1xf32>
        %squeeze3A_435 = vector.extract %slice3A_434[0] : f32 from vector<1xf32>
        %broadcast_in_dim3A_436 = vector.broadcast %squeeze3A_435 : f32 to vector<16xf32>
        %slice3A_437 = vector.extract_strided_slice %get3A_424 {offsets = [4], sizes = [1], strides = [1]} : vector<16xf32> to vector<1xf32>
        %squeeze3A_438 = vector.extract %slice3A_437[0] : f32 from vector<1xf32>
        %broadcast_in_dim3A_439 = vector.broadcast %squeeze3A_438 : f32 to vector<16xf32>
        %slice3A_440 = vector.extract_strided_slice %get3A_424 {offsets = [5], sizes = [1], strides = [1]} : vector<16xf32> to vector<1xf32>
        %squeeze3A_441 = vector.extract %slice3A_440[0] : f32 from vector<1xf32>
        %broadcast_in_dim3A_442 = vector.broadcast %squeeze3A_441 : f32 to vector<16xf32>
        %slice3A_443 = vector.extract_strided_slice %get3A_424 {offsets = [6], sizes = [1], strides = [1]} : vector<16xf32> to vector<1xf32>
        %squeeze3A_444 = vector.extract %slice3A_443[0] : f32 from vector<1xf32>
        %broadcast_in_dim3A_445 = vector.broadcast %squeeze3A_444 : f32 to vector<16xf32>
        %slice3A_446 = vector.extract_strided_slice %get3A_424 {offsets = [7], sizes = [1], strides = [1]} : vector<16xf32> to vector<1xf32>
        %squeeze3A_447 = vector.extract %slice3A_446[0] : f32 from vector<1xf32>
        %broadcast_in_dim3A_448 = vector.broadcast %squeeze3A_447 : f32 to vector<16xf32>
        %slice3A_449 = vector.extract_strided_slice %get3A_424 {offsets = [8], sizes = [1], strides = [1]} : vector<16xf32> to vector<1xf32>
        %squeeze3A_450 = vector.extract %slice3A_449[0] : f32 from vector<1xf32>
        %broadcast_in_dim3A_451 = vector.broadcast %squeeze3A_450 : f32 to vector<16xf32>
        %slice3A_452 = vector.extract_strided_slice %get3A_424 {offsets = [9], sizes = [1], strides = [1]} : vector<16xf32> to vector<1xf32>
        %squeeze3A_453 = vector.extract %slice3A_452[0] : f32 from vector<1xf32>
        %broadcast_in_dim3A_454 = vector.broadcast %squeeze3A_453 : f32 to vector<16xf32>
        %slice3A_455 = vector.extract_strided_slice %get3A_424 {offsets = [10], sizes = [1], strides = [1]} : vector<16xf32> to vector<1xf32>
        %squeeze3A_456 = vector.extract %slice3A_455[0] : f32 from vector<1xf32>
        %broadcast_in_dim3A_457 = vector.broadcast %squeeze3A_456 : f32 to vector<16xf32>
        %slice3A_458 = vector.extract_strided_slice %get3A_424 {offsets = [11], sizes = [1], strides = [1]} : vector<16xf32> to vector<1xf32>
        %squeeze3A_459 = vector.extract %slice3A_458[0] : f32 from vector<1xf32>
        %broadcast_in_dim3A_460 = vector.broadcast %squeeze3A_459 : f32 to vector<16xf32>
        %slice3A_461 = vector.extract_strided_slice %get3A_424 {offsets = [12], sizes = [1], strides = [1]} : vector<16xf32> to vector<1xf32>
        %squeeze3A_462 = vector.extract %slice3A_461[0] : f32 from vector<1xf32>
        %broadcast_in_dim3A_463 = vector.broadcast %squeeze3A_462 : f32 to vector<16xf32>
        %slice3A_464 = vector.extract_strided_slice %get3A_424 {offsets = [13], sizes = [1], strides = [1]} : vector<16xf32> to vector<1xf32>
        %squeeze3A_465 = vector.extract %slice3A_464[0] : f32 from vector<1xf32>
        %broadcast_in_dim3A_466 = vector.broadcast %squeeze3A_465 : f32 to vector<16xf32>
        %slice3A_467 = vector.extract_strided_slice %get3A_424 {offsets = [14], sizes = [1], strides = [1]} : vector<16xf32> to vector<1xf32>
        %squeeze3A_468 = vector.extract %slice3A_467[0] : f32 from vector<1xf32>
        %broadcast_in_dim3A_469 = vector.broadcast %squeeze3A_468 : f32 to vector<16xf32>
        %slice3A_470 = vector.extract_strided_slice %get3A_424 {offsets = [15], sizes = [1], strides = [1]} : vector<16xf32> to vector<1xf32>
        %squeeze3A_471 = vector.extract %slice3A_470[0] : f32 from vector<1xf32>
        %broadcast_in_dim3A_472 = vector.broadcast %squeeze3A_471 : f32 to vector<16xf32>
        %parallel_loop3A_473 = arith.constant 0 : i32
        %parallel_loop3A_474 = arith.constant 32 : i32
        %parallel_loop3A_475 = arith.constant 1 : i32
        %parallel_loop3A_476:2 = scf.for %parallel_loop3A_585 = %parallel_loop3A_473 to %parallel_loop3A_474 step %parallel_loop3A_475 iter_args(%parallel_loop3A_586 = %parallel_loop3A_422#0, %parallel_loop3A_587 = %parallel_loop3A_422#1) -> (vector<16xf32>, vector<16xi32>)  : i32 {
          %parallel_loop3A_588 = arith.constant 1 : i32
          %parallel_loop3A_589 = arith.muli %parallel_loop3A_585, %parallel_loop3A_588 : i32
          %parallel_loop3A_590 = arith.constant 0 : i32
          %parallel_loop3A_591 = arith.addi %parallel_loop3A_589, %parallel_loop3A_590 : i32
          %parallel_loop3A_592 = arith.constant 16 : i32
          %parallel_loop3A_593 = arith.muli %parallel_loop3A_591, %parallel_loop3A_592 : i32
          %parallel_loop3A_594 = arith.constant 0.000000e+00 : f32
          %parallel_loop3A_595 = vector.broadcast %parallel_loop3A_594 : f32 to vector<16xf32>
          %parallel_loop3A_596 = arith.constant 0.000000e+00 : f32
          %parallel_loop3A_597 = vector.broadcast %parallel_loop3A_596 : f32 to vector<16xf32>
          %parallel_loop3A_598 = arith.constant 0.000000e+00 : f32
          %parallel_loop3A_599 = vector.broadcast %parallel_loop3A_598 : f32 to vector<16xf32>
          %parallel_loop3A_600 = arith.constant 0.000000e+00 : f32
          %parallel_loop3A_601 = vector.broadcast %parallel_loop3A_600 : f32 to vector<16xf32>
          %parallel_loop3A_602 = arith.constant 16 : i32
          %parallel_loop3A_603 = arith.index_cast %parallel_loop3A_602 : i32 to index
          %parallel_loop3A_604 = arith.index_cast %parallel_loop3A_593 : i32 to index
          %parallel_loop3A_605 = tpu.vector_load %arg9[%parallel_loop3A_603, %parallel_loop3A_604] {strides = array<i32>} : memref<64x512xf32, #tpu.memory_space<vmem>>, vector<16xf32>,
          %parallel_loop3A_606 = arith.subf %parallel_loop3A_605, %broadcast_in_dim3A_427 : vector<16xf32>
          %parallel_loop3A_607 = arith.mulf %parallel_loop3A_606, %parallel_loop3A_606 : vector<16xf32>
          %parallel_loop3A_608 = arith.addf %parallel_loop3A_595, %parallel_loop3A_607 : vector<16xf32>
          %parallel_loop3A_609 = arith.constant 17 : i32
          %parallel_loop3A_610 = arith.index_cast %parallel_loop3A_609 : i32 to index
          %parallel_loop3A_611 = arith.index_cast %parallel_loop3A_593 : i32 to index
          %parallel_loop3A_612 = tpu.vector_load %arg9[%parallel_loop3A_610, %parallel_loop3A_611] {strides = array<i32>} : memref<64x512xf32, #tpu.memory_space<vmem>>, vector<16xf32>,
          %parallel_loop3A_613 = arith.subf %parallel_loop3A_612, %broadcast_in_dim3A_430 : vector<16xf32>
          %parallel_loop3A_614 = arith.mulf %parallel_loop3A_613, %parallel_loop3A_613 : vector<16xf32>
          %parallel_loop3A_615 = arith.addf %parallel_loop3A_597, %parallel_loop3A_614 : vector<16xf32>
          %parallel_loop3A_616 = arith.constant 18 : i32
          %parallel_loop3A_617 = arith.index_cast %parallel_loop3A_616 : i32 to index
          %parallel_loop3A_618 = arith.index_cast %parallel_loop3A_593 : i32 to index
          %parallel_loop3A_619 = tpu.vector_load %arg9[%parallel_loop3A_617, %parallel_loop3A_618] {strides = array<i32>} : memref<64x512xf32, #tpu.memory_space<vmem>>, vector<16xf32>,
          %parallel_loop3A_620 = arith.subf %parallel_loop3A_619, %broadcast_in_dim3A_433 : vector<16xf32>
          %parallel_loop3A_621 = arith.mulf %parallel_loop3A_620, %parallel_loop3A_620 : vector<16xf32>
          %parallel_loop3A_622 = arith.addf %parallel_loop3A_599, %parallel_loop3A_621 : vector<16xf32>
          %parallel_loop3A_623 = arith.constant 19 : i32
          %parallel_loop3A_624 = arith.index_cast %parallel_loop3A_623 : i32 to index
          %parallel_loop3A_625 = arith.index_cast %parallel_loop3A_593 : i32 to index
          %parallel_loop3A_626 = tpu.vector_load %arg9[%parallel_loop3A_624, %parallel_loop3A_625] {strides = array<i32>} : memref<64x512xf32, #tpu.memory_space<vmem>>, vector<16xf32>,
          %parallel_loop3A_627 = arith.subf %parallel_loop3A_626, %broadcast_in_dim3A_436 : vector<16xf32>
          %parallel_loop3A_628 = arith.mulf %parallel_loop3A_627, %parallel_loop3A_627 : vector<16xf32>
          %parallel_loop3A_629 = arith.addf %parallel_loop3A_601, %parallel_loop3A_628 : vector<16xf32>
          %parallel_loop3A_630 = arith.constant 20 : i32
          %parallel_loop3A_631 = arith.index_cast %parallel_loop3A_630 : i32 to index
          %parallel_loop3A_632 = arith.index_cast %parallel_loop3A_593 : i32 to index
          %parallel_loop3A_633 = tpu.vector_load %arg9[%parallel_loop3A_631, %parallel_loop3A_632] {strides = array<i32>} : memref<64x512xf32, #tpu.memory_space<vmem>>, vector<16xf32>,
          %parallel_loop3A_634 = arith.subf %parallel_loop3A_633, %broadcast_in_dim3A_439 : vector<16xf32>
          %parallel_loop3A_635 = arith.mulf %parallel_loop3A_634, %parallel_loop3A_634 : vector<16xf32>
          %parallel_loop3A_636 = arith.addf %parallel_loop3A_608, %parallel_loop3A_635 : vector<16xf32>
          %parallel_loop3A_637 = arith.constant 21 : i32
          %parallel_loop3A_638 = arith.index_cast %parallel_loop3A_637 : i32 to index
          %parallel_loop3A_639 = arith.index_cast %parallel_loop3A_593 : i32 to index
          %parallel_loop3A_640 = tpu.vector_load %arg9[%parallel_loop3A_638, %parallel_loop3A_639] {strides = array<i32>} : memref<64x512xf32, #tpu.memory_space<vmem>>, vector<16xf32>,
          %parallel_loop3A_641 = arith.subf %parallel_loop3A_640, %broadcast_in_dim3A_442 : vector<16xf32>
          %parallel_loop3A_642 = arith.mulf %parallel_loop3A_641, %parallel_loop3A_641 : vector<16xf32>
          %parallel_loop3A_643 = arith.addf %parallel_loop3A_615, %parallel_loop3A_642 : vector<16xf32>
          %parallel_loop3A_644 = arith.constant 22 : i32
          %parallel_loop3A_645 = arith.index_cast %parallel_loop3A_644 : i32 to index
          %parallel_loop3A_646 = arith.index_cast %parallel_loop3A_593 : i32 to index
          %parallel_loop3A_647 = tpu.vector_load %arg9[%parallel_loop3A_645, %parallel_loop3A_646] {strides = array<i32>} : memref<64x512xf32, #tpu.memory_space<vmem>>, vector<16xf32>,
          %parallel_loop3A_648 = arith.subf %parallel_loop3A_647, %broadcast_in_dim3A_445 : vector<16xf32>
          %parallel_loop3A_649 = arith.mulf %parallel_loop3A_648, %parallel_loop3A_648 : vector<16xf32>
          %parallel_loop3A_650 = arith.addf %parallel_loop3A_622, %parallel_loop3A_649 : vector<16xf32>
          %parallel_loop3A_651 = arith.constant 23 : i32
          %parallel_loop3A_652 = arith.index_cast %parallel_loop3A_651 : i32 to index
          %parallel_loop3A_653 = arith.index_cast %parallel_loop3A_593 : i32 to index
          %parallel_loop3A_654 = tpu.vector_load %arg9[%parallel_loop3A_652, %parallel_loop3A_653] {strides = array<i32>} : memref<64x512xf32, #tpu.memory_space<vmem>>, vector<16xf32>,
          %parallel_loop3A_655 = arith.subf %parallel_loop3A_654, %broadcast_in_dim3A_448 : vector<16xf32>
          %parallel_loop3A_656 = arith.mulf %parallel_loop3A_655, %parallel_loop3A_655 : vector<16xf32>
          %parallel_loop3A_657 = arith.addf %parallel_loop3A_629, %parallel_loop3A_656 : vector<16xf32>
          %parallel_loop3A_658 = arith.constant 24 : i32
          %parallel_loop3A_659 = arith.index_cast %parallel_loop3A_658 : i32 to index
          %parallel_loop3A_660 = arith.index_cast %parallel_loop3A_593 : i32 to index
          %parallel_loop3A_661 = tpu.vector_load %arg9[%parallel_loop3A_659, %parallel_loop3A_660] {strides = array<i32>} : memref<64x512xf32, #tpu.memory_space<vmem>>, vector<16xf32>,
          %parallel_loop3A_662 = arith.subf %parallel_loop3A_661, %broadcast_in_dim3A_451 : vector<16xf32>
          %parallel_loop3A_663 = arith.mulf %parallel_loop3A_662, %parallel_loop3A_662 : vector<16xf32>
          %parallel_loop3A_664 = arith.addf %parallel_loop3A_636, %parallel_loop3A_663 : vector<16xf32>
          %parallel_loop3A_665 = arith.constant 25 : i32
          %parallel_loop3A_666 = arith.index_cast %parallel_loop3A_665 : i32 to index
          %parallel_loop3A_667 = arith.index_cast %parallel_loop3A_593 : i32 to index
          %parallel_loop3A_668 = tpu.vector_load %arg9[%parallel_loop3A_666, %parallel_loop3A_667] {strides = array<i32>} : memref<64x512xf32, #tpu.memory_space<vmem>>, vector<16xf32>,
          %parallel_loop3A_669 = arith.subf %parallel_loop3A_668, %broadcast_in_dim3A_454 : vector<16xf32>
          %parallel_loop3A_670 = arith.mulf %parallel_loop3A_669, %parallel_loop3A_669 : vector<16xf32>
          %parallel_loop3A_671 = arith.addf %parallel_loop3A_643, %parallel_loop3A_670 : vector<16xf32>
          %parallel_loop3A_672 = arith.constant 26 : i32
          %parallel_loop3A_673 = arith.index_cast %parallel_loop3A_672 : i32 to index
          %parallel_loop3A_674 = arith.index_cast %parallel_loop3A_593 : i32 to index
          %parallel_loop3A_675 = tpu.vector_load %arg9[%parallel_loop3A_673, %parallel_loop3A_674] {strides = array<i32>} : memref<64x512xf32, #tpu.memory_space<vmem>>, vector<16xf32>,
          %parallel_loop3A_676 = arith.subf %parallel_loop3A_675, %broadcast_in_dim3A_457 : vector<16xf32>
          %parallel_loop3A_677 = arith.mulf %parallel_loop3A_676, %parallel_loop3A_676 : vector<16xf32>
          %parallel_loop3A_678 = arith.addf %parallel_loop3A_650, %parallel_loop3A_677 : vector<16xf32>
          %parallel_loop3A_679 = arith.constant 27 : i32
          %parallel_loop3A_680 = arith.index_cast %parallel_loop3A_679 : i32 to index
          %parallel_loop3A_681 = arith.index_cast %parallel_loop3A_593 : i32 to index
          %parallel_loop3A_682 = tpu.vector_load %arg9[%parallel_loop3A_680, %parallel_loop3A_681] {strides = array<i32>} : memref<64x512xf32, #tpu.memory_space<vmem>>, vector<16xf32>,
          %parallel_loop3A_683 = arith.subf %parallel_loop3A_682, %broadcast_in_dim3A_460 : vector<16xf32>
          %parallel_loop3A_684 = arith.mulf %parallel_loop3A_683, %parallel_loop3A_683 : vector<16xf32>
          %parallel_loop3A_685 = arith.addf %parallel_loop3A_657, %parallel_loop3A_684 : vector<16xf32>
          %parallel_loop3A_686 = arith.constant 28 : i32
          %parallel_loop3A_687 = arith.index_cast %parallel_loop3A_686 : i32 to index
          %parallel_loop3A_688 = arith.index_cast %parallel_loop3A_593 : i32 to index
          %parallel_loop3A_689 = tpu.vector_load %arg9[%parallel_loop3A_687, %parallel_loop3A_688] {strides = array<i32>} : memref<64x512xf32, #tpu.memory_space<vmem>>, vector<16xf32>,
          %parallel_loop3A_690 = arith.subf %parallel_loop3A_689, %broadcast_in_dim3A_463 : vector<16xf32>
          %parallel_loop3A_691 = arith.mulf %parallel_loop3A_690, %parallel_loop3A_690 : vector<16xf32>
          %parallel_loop3A_692 = arith.addf %parallel_loop3A_664, %parallel_loop3A_691 : vector<16xf32>
          %parallel_loop3A_693 = arith.constant 29 : i32
          %parallel_loop3A_694 = arith.index_cast %parallel_loop3A_693 : i32 to index
          %parallel_loop3A_695 = arith.index_cast %parallel_loop3A_593 : i32 to index
          %parallel_loop3A_696 = tpu.vector_load %arg9[%parallel_loop3A_694, %parallel_loop3A_695] {strides = array<i32>} : memref<64x512xf32, #tpu.memory_space<vmem>>, vector<16xf32>,
          %parallel_loop3A_697 = arith.subf %parallel_loop3A_696, %broadcast_in_dim3A_466 : vector<16xf32>
          %parallel_loop3A_698 = arith.mulf %parallel_loop3A_697, %parallel_loop3A_697 : vector<16xf32>
          %parallel_loop3A_699 = arith.addf %parallel_loop3A_671, %parallel_loop3A_698 : vector<16xf32>
          %parallel_loop3A_700 = arith.constant 30 : i32
          %parallel_loop3A_701 = arith.index_cast %parallel_loop3A_700 : i32 to index
          %parallel_loop3A_702 = arith.index_cast %parallel_loop3A_593 : i32 to index
          %parallel_loop3A_703 = tpu.vector_load %arg9[%parallel_loop3A_701, %parallel_loop3A_702] {strides = array<i32>} : memref<64x512xf32, #tpu.memory_space<vmem>>, vector<16xf32>,
          %parallel_loop3A_704 = arith.subf %parallel_loop3A_703, %broadcast_in_dim3A_469 : vector<16xf32>
          %parallel_loop3A_705 = arith.mulf %parallel_loop3A_704, %parallel_loop3A_704 : vector<16xf32>
          %parallel_loop3A_706 = arith.addf %parallel_loop3A_678, %parallel_loop3A_705 : vector<16xf32>
          %parallel_loop3A_707 = arith.constant 31 : i32
          %parallel_loop3A_708 = arith.index_cast %parallel_loop3A_707 : i32 to index
          %parallel_loop3A_709 = arith.index_cast %parallel_loop3A_593 : i32 to index
          %parallel_loop3A_710 = tpu.vector_load %arg9[%parallel_loop3A_708, %parallel_loop3A_709] {strides = array<i32>} : memref<64x512xf32, #tpu.memory_space<vmem>>, vector<16xf32>,
          %parallel_loop3A_711 = arith.subf %parallel_loop3A_710, %broadcast_in_dim3A_472 : vector<16xf32>
          %parallel_loop3A_712 = arith.mulf %parallel_loop3A_711, %parallel_loop3A_711 : vector<16xf32>
          %parallel_loop3A_713 = arith.addf %parallel_loop3A_685, %parallel_loop3A_712 : vector<16xf32>
          %parallel_loop3A_714 = arith.addf %parallel_loop3A_692, %parallel_loop3A_699 : vector<16xf32>
          %parallel_loop3A_715 = arith.addf %parallel_loop3A_706, %parallel_loop3A_713 : vector<16xf32>
          %parallel_loop3A_716 = arith.addf %parallel_loop3A_714, %parallel_loop3A_715 : vector<16xf32>
          %parallel_loop3A_717 = arith.index_cast %parallel_loop3A_593 : i32 to index
          %parallel_loop3A_718 = tpu.vector_load %arg10[%parallel_loop3A_717] {strides = array<i32>} : memref<512xf32, #tpu.memory_space<vmem>>, vector<16xf32>,
          %parallel_loop3A_719 = arith.addf %parallel_loop3A_716, %parallel_loop3A_718 : vector<16xf32>
          %parallel_loop3A_720 = arith.index_cast %parallel_loop3A_593 : i32 to index
          %parallel_loop3A_721 = tpu.vector_load %arg10[%parallel_loop3A_720] {strides = array<i32>} : memref<512xf32, #tpu.memory_space<vmem>>, vector<16xf32>,
          tpu.vector_store %arg10[%parallel_loop3A_720], %parallel_loop3A_719 {strides = array<i32>} : memref<512xf32, #tpu.memory_space<vmem>>, vector<16xf32>,
          scf.yield %parallel_loop3A_586, %parallel_loop3A_587 : vector<16xf32>, vector<16xi32>
        } {sc.loop_unroll_factor = 2 : i64, sc.parallel_access}
        %get3A_477 = arith.constant 32 : index
        %get3A_478 = tpu.vector_load %arg11[%get3A_477] {strides = array<i32>} : memref<64xf32, #tpu.memory_space<vmem>>, vector<16xf32>,
        %slice3A_479 = vector.extract_strided_slice %get3A_478 {offsets = [0], sizes = [1], strides = [1]} : vector<16xf32> to vector<1xf32>
        %squeeze3A_480 = vector.extract %slice3A_479[0] : f32 from vector<1xf32>
        %broadcast_in_dim3A_481 = vector.broadcast %squeeze3A_480 : f32 to vector<16xf32>
        %slice3A_482 = vector.extract_strided_slice %get3A_478 {offsets = [1], sizes = [1], strides = [1]} : vector<16xf32> to vector<1xf32>
        %squeeze3A_483 = vector.extract %slice3A_482[0] : f32 from vector<1xf32>
        %broadcast_in_dim3A_484 = vector.broadcast %squeeze3A_483 : f32 to vector<16xf32>
        %slice3A_485 = vector.extract_strided_slice %get3A_478 {offsets = [2], sizes = [1], strides = [1]} : vector<16xf32> to vector<1xf32>
        %squeeze3A_486 = vector.extract %slice3A_485[0] : f32 from vector<1xf32>
        %broadcast_in_dim3A_487 = vector.broadcast %squeeze3A_486 : f32 to vector<16xf32>
        %slice3A_488 = vector.extract_strided_slice %get3A_478 {offsets = [3], sizes = [1], strides = [1]} : vector<16xf32> to vector<1xf32>
        %squeeze3A_489 = vector.extract %slice3A_488[0] : f32 from vector<1xf32>
        %broadcast_in_dim3A_490 = vector.broadcast %squeeze3A_489 : f32 to vector<16xf32>
        %slice3A_491 = vector.extract_strided_slice %get3A_478 {offsets = [4], sizes = [1], strides = [1]} : vector<16xf32> to vector<1xf32>
        %squeeze3A_492 = vector.extract %slice3A_491[0] : f32 from vector<1xf32>
        %broadcast_in_dim3A_493 = vector.broadcast %squeeze3A_492 : f32 to vector<16xf32>
        %slice3A_494 = vector.extract_strided_slice %get3A_478 {offsets = [5], sizes = [1], strides = [1]} : vector<16xf32> to vector<1xf32>
        %squeeze3A_495 = vector.extract %slice3A_494[0] : f32 from vector<1xf32>
        %broadcast_in_dim3A_496 = vector.broadcast %squeeze3A_495 : f32 to vector<16xf32>
        %slice3A_497 = vector.extract_strided_slice %get3A_478 {offsets = [6], sizes = [1], strides = [1]} : vector<16xf32> to vector<1xf32>
        %squeeze3A_498 = vector.extract %slice3A_497[0] : f32 from vector<1xf32>
        %broadcast_in_dim3A_499 = vector.broadcast %squeeze3A_498 : f32 to vector<16xf32>
        %slice3A_500 = vector.extract_strided_slice %get3A_478 {offsets = [7], sizes = [1], strides = [1]} : vector<16xf32> to vector<1xf32>
        %squeeze3A_501 = vector.extract %slice3A_500[0] : f32 from vector<1xf32>
        %broadcast_in_dim3A_502 = vector.broadcast %squeeze3A_501 : f32 to vector<16xf32>
        %slice3A_503 = vector.extract_strided_slice %get3A_478 {offsets = [8], sizes = [1], strides = [1]} : vector<16xf32> to vector<1xf32>
        %squeeze3A_504 = vector.extract %slice3A_503[0] : f32 from vector<1xf32>
        %broadcast_in_dim3A_505 = vector.broadcast %squeeze3A_504 : f32 to vector<16xf32>
        %slice3A_506 = vector.extract_strided_slice %get3A_478 {offsets = [9], sizes = [1], strides = [1]} : vector<16xf32> to vector<1xf32>
        %squeeze3A_507 = vector.extract %slice3A_506[0] : f32 from vector<1xf32>
        %broadcast_in_dim3A_508 = vector.broadcast %squeeze3A_507 : f32 to vector<16xf32>
        %slice3A_509 = vector.extract_strided_slice %get3A_478 {offsets = [10], sizes = [1], strides = [1]} : vector<16xf32> to vector<1xf32>
        %squeeze3A_510 = vector.extract %slice3A_509[0] : f32 from vector<1xf32>
        %broadcast_in_dim3A_511 = vector.broadcast %squeeze3A_510 : f32 to vector<16xf32>
        %slice3A_512 = vector.extract_strided_slice %get3A_478 {offsets = [11], sizes = [1], strides = [1]} : vector<16xf32> to vector<1xf32>
        %squeeze3A_513 = vector.extract %slice3A_512[0] : f32 from vector<1xf32>
        %broadcast_in_dim3A_514 = vector.broadcast %squeeze3A_513 : f32 to vector<16xf32>
        %slice3A_515 = vector.extract_strided_slice %get3A_478 {offsets = [12], sizes = [1], strides = [1]} : vector<16xf32> to vector<1xf32>
        %squeeze3A_516 = vector.extract %slice3A_515[0] : f32 from vector<1xf32>
        %broadcast_in_dim3A_517 = vector.broadcast %squeeze3A_516 : f32 to vector<16xf32>
        %slice3A_518 = vector.extract_strided_slice %get3A_478 {offsets = [13], sizes = [1], strides = [1]} : vector<16xf32> to vector<1xf32>
        %squeeze3A_519 = vector.extract %slice3A_518[0] : f32 from vector<1xf32>
        %broadcast_in_dim3A_520 = vector.broadcast %squeeze3A_519 : f32 to vector<16xf32>
        %slice3A_521 = vector.extract_strided_slice %get3A_478 {offsets = [14], sizes = [1], strides = [1]} : vector<16xf32> to vector<1xf32>
        %squeeze3A_522 = vector.extract %slice3A_521[0] : f32 from vector<1xf32>
        %broadcast_in_dim3A_523 = vector.broadcast %squeeze3A_522 : f32 to vector<16xf32>
        %slice3A_524 = vector.extract_strided_slice %get3A_478 {offsets = [15], sizes = [1], strides = [1]} : vector<16xf32> to vector<1xf32>
        %squeeze3A_525 = vector.extract %slice3A_524[0] : f32 from vector<1xf32>
        %broadcast_in_dim3A_526 = vector.broadcast %squeeze3A_525 : f32 to vector<16xf32>
        %parallel_loop3A_527 = arith.constant 0 : i32
        %parallel_loop3A_528 = arith.constant 32 : i32
        %parallel_loop3A_529 = arith.constant 1 : i32
        %parallel_loop3A_530:2 = scf.for %parallel_loop3A_585 = %parallel_loop3A_527 to %parallel_loop3A_528 step %parallel_loop3A_529 iter_args(%parallel_loop3A_586 = %parallel_loop3A_476#0, %parallel_loop3A_587 = %parallel_loop3A_476#1) -> (vector<16xf32>, vector<16xi32>)  : i32 {
          %parallel_loop3A_588 = arith.constant 1 : i32
          %parallel_loop3A_589 = arith.muli %parallel_loop3A_585, %parallel_loop3A_588 : i32
          %parallel_loop3A_590 = arith.constant 0 : i32
          %parallel_loop3A_591 = arith.addi %parallel_loop3A_589, %parallel_loop3A_590 : i32
          %parallel_loop3A_592 = arith.constant 16 : i32
          %parallel_loop3A_593 = arith.muli %parallel_loop3A_591, %parallel_loop3A_592 : i32
          %parallel_loop3A_594 = arith.constant 0.000000e+00 : f32
          %parallel_loop3A_595 = vector.broadcast %parallel_loop3A_594 : f32 to vector<16xf32>
          %parallel_loop3A_596 = arith.constant 0.000000e+00 : f32
          %parallel_loop3A_597 = vector.broadcast %parallel_loop3A_596 : f32 to vector<16xf32>
          %parallel_loop3A_598 = arith.constant 0.000000e+00 : f32
          %parallel_loop3A_599 = vector.broadcast %parallel_loop3A_598 : f32 to vector<16xf32>
          %parallel_loop3A_600 = arith.constant 0.000000e+00 : f32
          %parallel_loop3A_601 = vector.broadcast %parallel_loop3A_600 : f32 to vector<16xf32>
          %parallel_loop3A_602 = arith.constant 32 : i32
          %parallel_loop3A_603 = arith.index_cast %parallel_loop3A_602 : i32 to index
          %parallel_loop3A_604 = arith.index_cast %parallel_loop3A_593 : i32 to index
          %parallel_loop3A_605 = tpu.vector_load %arg9[%parallel_loop3A_603, %parallel_loop3A_604] {strides = array<i32>} : memref<64x512xf32, #tpu.memory_space<vmem>>, vector<16xf32>,
          %parallel_loop3A_606 = arith.subf %parallel_loop3A_605, %broadcast_in_dim3A_481 : vector<16xf32>
          %parallel_loop3A_607 = arith.mulf %parallel_loop3A_606, %parallel_loop3A_606 : vector<16xf32>
          %parallel_loop3A_608 = arith.addf %parallel_loop3A_595, %parallel_loop3A_607 : vector<16xf32>
          %parallel_loop3A_609 = arith.constant 33 : i32
          %parallel_loop3A_610 = arith.index_cast %parallel_loop3A_609 : i32 to index
          %parallel_loop3A_611 = arith.index_cast %parallel_loop3A_593 : i32 to index
          %parallel_loop3A_612 = tpu.vector_load %arg9[%parallel_loop3A_610, %parallel_loop3A_611] {strides = array<i32>} : memref<64x512xf32, #tpu.memory_space<vmem>>, vector<16xf32>,
          %parallel_loop3A_613 = arith.subf %parallel_loop3A_612, %broadcast_in_dim3A_484 : vector<16xf32>
          %parallel_loop3A_614 = arith.mulf %parallel_loop3A_613, %parallel_loop3A_613 : vector<16xf32>
          %parallel_loop3A_615 = arith.addf %parallel_loop3A_597, %parallel_loop3A_614 : vector<16xf32>
          %parallel_loop3A_616 = arith.constant 34 : i32
          %parallel_loop3A_617 = arith.index_cast %parallel_loop3A_616 : i32 to index
          %parallel_loop3A_618 = arith.index_cast %parallel_loop3A_593 : i32 to index
          %parallel_loop3A_619 = tpu.vector_load %arg9[%parallel_loop3A_617, %parallel_loop3A_618] {strides = array<i32>} : memref<64x512xf32, #tpu.memory_space<vmem>>, vector<16xf32>,
          %parallel_loop3A_620 = arith.subf %parallel_loop3A_619, %broadcast_in_dim3A_487 : vector<16xf32>
          %parallel_loop3A_621 = arith.mulf %parallel_loop3A_620, %parallel_loop3A_620 : vector<16xf32>
          %parallel_loop3A_622 = arith.addf %parallel_loop3A_599, %parallel_loop3A_621 : vector<16xf32>
          %parallel_loop3A_623 = arith.constant 35 : i32
          %parallel_loop3A_624 = arith.index_cast %parallel_loop3A_623 : i32 to index
          %parallel_loop3A_625 = arith.index_cast %parallel_loop3A_593 : i32 to index
          %parallel_loop3A_626 = tpu.vector_load %arg9[%parallel_loop3A_624, %parallel_loop3A_625] {strides = array<i32>} : memref<64x512xf32, #tpu.memory_space<vmem>>, vector<16xf32>,
          %parallel_loop3A_627 = arith.subf %parallel_loop3A_626, %broadcast_in_dim3A_490 : vector<16xf32>
          %parallel_loop3A_628 = arith.mulf %parallel_loop3A_627, %parallel_loop3A_627 : vector<16xf32>
          %parallel_loop3A_629 = arith.addf %parallel_loop3A_601, %parallel_loop3A_628 : vector<16xf32>
          %parallel_loop3A_630 = arith.constant 36 : i32
          %parallel_loop3A_631 = arith.index_cast %parallel_loop3A_630 : i32 to index
          %parallel_loop3A_632 = arith.index_cast %parallel_loop3A_593 : i32 to index
          %parallel_loop3A_633 = tpu.vector_load %arg9[%parallel_loop3A_631, %parallel_loop3A_632] {strides = array<i32>} : memref<64x512xf32, #tpu.memory_space<vmem>>, vector<16xf32>,
          %parallel_loop3A_634 = arith.subf %parallel_loop3A_633, %broadcast_in_dim3A_493 : vector<16xf32>
          %parallel_loop3A_635 = arith.mulf %parallel_loop3A_634, %parallel_loop3A_634 : vector<16xf32>
          %parallel_loop3A_636 = arith.addf %parallel_loop3A_608, %parallel_loop3A_635 : vector<16xf32>
          %parallel_loop3A_637 = arith.constant 37 : i32
          %parallel_loop3A_638 = arith.index_cast %parallel_loop3A_637 : i32 to index
          %parallel_loop3A_639 = arith.index_cast %parallel_loop3A_593 : i32 to index
          %parallel_loop3A_640 = tpu.vector_load %arg9[%parallel_loop3A_638, %parallel_loop3A_639] {strides = array<i32>} : memref<64x512xf32, #tpu.memory_space<vmem>>, vector<16xf32>,
          %parallel_loop3A_641 = arith.subf %parallel_loop3A_640, %broadcast_in_dim3A_496 : vector<16xf32>
          %parallel_loop3A_642 = arith.mulf %parallel_loop3A_641, %parallel_loop3A_641 : vector<16xf32>
          %parallel_loop3A_643 = arith.addf %parallel_loop3A_615, %parallel_loop3A_642 : vector<16xf32>
          %parallel_loop3A_644 = arith.constant 38 : i32
          %parallel_loop3A_645 = arith.index_cast %parallel_loop3A_644 : i32 to index
          %parallel_loop3A_646 = arith.index_cast %parallel_loop3A_593 : i32 to index
          %parallel_loop3A_647 = tpu.vector_load %arg9[%parallel_loop3A_645, %parallel_loop3A_646] {strides = array<i32>} : memref<64x512xf32, #tpu.memory_space<vmem>>, vector<16xf32>,
          %parallel_loop3A_648 = arith.subf %parallel_loop3A_647, %broadcast_in_dim3A_499 : vector<16xf32>
          %parallel_loop3A_649 = arith.mulf %parallel_loop3A_648, %parallel_loop3A_648 : vector<16xf32>
          %parallel_loop3A_650 = arith.addf %parallel_loop3A_622, %parallel_loop3A_649 : vector<16xf32>
          %parallel_loop3A_651 = arith.constant 39 : i32
          %parallel_loop3A_652 = arith.index_cast %parallel_loop3A_651 : i32 to index
          %parallel_loop3A_653 = arith.index_cast %parallel_loop3A_593 : i32 to index
          %parallel_loop3A_654 = tpu.vector_load %arg9[%parallel_loop3A_652, %parallel_loop3A_653] {strides = array<i32>} : memref<64x512xf32, #tpu.memory_space<vmem>>, vector<16xf32>,
          %parallel_loop3A_655 = arith.subf %parallel_loop3A_654, %broadcast_in_dim3A_502 : vector<16xf32>
          %parallel_loop3A_656 = arith.mulf %parallel_loop3A_655, %parallel_loop3A_655 : vector<16xf32>
          %parallel_loop3A_657 = arith.addf %parallel_loop3A_629, %parallel_loop3A_656 : vector<16xf32>
          %parallel_loop3A_658 = arith.constant 40 : i32
          %parallel_loop3A_659 = arith.index_cast %parallel_loop3A_658 : i32 to index
          %parallel_loop3A_660 = arith.index_cast %parallel_loop3A_593 : i32 to index
          %parallel_loop3A_661 = tpu.vector_load %arg9[%parallel_loop3A_659, %parallel_loop3A_660] {strides = array<i32>} : memref<64x512xf32, #tpu.memory_space<vmem>>, vector<16xf32>,
          %parallel_loop3A_662 = arith.subf %parallel_loop3A_661, %broadcast_in_dim3A_505 : vector<16xf32>
          %parallel_loop3A_663 = arith.mulf %parallel_loop3A_662, %parallel_loop3A_662 : vector<16xf32>
          %parallel_loop3A_664 = arith.addf %parallel_loop3A_636, %parallel_loop3A_663 : vector<16xf32>
          %parallel_loop3A_665 = arith.constant 41 : i32
          %parallel_loop3A_666 = arith.index_cast %parallel_loop3A_665 : i32 to index
          %parallel_loop3A_667 = arith.index_cast %parallel_loop3A_593 : i32 to index
          %parallel_loop3A_668 = tpu.vector_load %arg9[%parallel_loop3A_666, %parallel_loop3A_667] {strides = array<i32>} : memref<64x512xf32, #tpu.memory_space<vmem>>, vector<16xf32>,
          %parallel_loop3A_669 = arith.subf %parallel_loop3A_668, %broadcast_in_dim3A_508 : vector<16xf32>
          %parallel_loop3A_670 = arith.mulf %parallel_loop3A_669, %parallel_loop3A_669 : vector<16xf32>
          %parallel_loop3A_671 = arith.addf %parallel_loop3A_643, %parallel_loop3A_670 : vector<16xf32>
          %parallel_loop3A_672 = arith.constant 42 : i32
          %parallel_loop3A_673 = arith.index_cast %parallel_loop3A_672 : i32 to index
          %parallel_loop3A_674 = arith.index_cast %parallel_loop3A_593 : i32 to index
          %parallel_loop3A_675 = tpu.vector_load %arg9[%parallel_loop3A_673, %parallel_loop3A_674] {strides = array<i32>} : memref<64x512xf32, #tpu.memory_space<vmem>>, vector<16xf32>,
          %parallel_loop3A_676 = arith.subf %parallel_loop3A_675, %broadcast_in_dim3A_511 : vector<16xf32>
          %parallel_loop3A_677 = arith.mulf %parallel_loop3A_676, %parallel_loop3A_676 : vector<16xf32>
          %parallel_loop3A_678 = arith.addf %parallel_loop3A_650, %parallel_loop3A_677 : vector<16xf32>
          %parallel_loop3A_679 = arith.constant 43 : i32
          %parallel_loop3A_680 = arith.index_cast %parallel_loop3A_679 : i32 to index
          %parallel_loop3A_681 = arith.index_cast %parallel_loop3A_593 : i32 to index
          %parallel_loop3A_682 = tpu.vector_load %arg9[%parallel_loop3A_680, %parallel_loop3A_681] {strides = array<i32>} : memref<64x512xf32, #tpu.memory_space<vmem>>, vector<16xf32>,
          %parallel_loop3A_683 = arith.subf %parallel_loop3A_682, %broadcast_in_dim3A_514 : vector<16xf32>
          %parallel_loop3A_684 = arith.mulf %parallel_loop3A_683, %parallel_loop3A_683 : vector<16xf32>
          %parallel_loop3A_685 = arith.addf %parallel_loop3A_657, %parallel_loop3A_684 : vector<16xf32>
          %parallel_loop3A_686 = arith.constant 44 : i32
          %parallel_loop3A_687 = arith.index_cast %parallel_loop3A_686 : i32 to index
          %parallel_loop3A_688 = arith.index_cast %parallel_loop3A_593 : i32 to index
          %parallel_loop3A_689 = tpu.vector_load %arg9[%parallel_loop3A_687, %parallel_loop3A_688] {strides = array<i32>} : memref<64x512xf32, #tpu.memory_space<vmem>>, vector<16xf32>,
          %parallel_loop3A_690 = arith.subf %parallel_loop3A_689, %broadcast_in_dim3A_517 : vector<16xf32>
          %parallel_loop3A_691 = arith.mulf %parallel_loop3A_690, %parallel_loop3A_690 : vector<16xf32>
          %parallel_loop3A_692 = arith.addf %parallel_loop3A_664, %parallel_loop3A_691 : vector<16xf32>
          %parallel_loop3A_693 = arith.constant 45 : i32
          %parallel_loop3A_694 = arith.index_cast %parallel_loop3A_693 : i32 to index
          %parallel_loop3A_695 = arith.index_cast %parallel_loop3A_593 : i32 to index
          %parallel_loop3A_696 = tpu.vector_load %arg9[%parallel_loop3A_694, %parallel_loop3A_695] {strides = array<i32>} : memref<64x512xf32, #tpu.memory_space<vmem>>, vector<16xf32>,
          %parallel_loop3A_697 = arith.subf %parallel_loop3A_696, %broadcast_in_dim3A_520 : vector<16xf32>
          %parallel_loop3A_698 = arith.mulf %parallel_loop3A_697, %parallel_loop3A_697 : vector<16xf32>
          %parallel_loop3A_699 = arith.addf %parallel_loop3A_671, %parallel_loop3A_698 : vector<16xf32>
          %parallel_loop3A_700 = arith.constant 46 : i32
          %parallel_loop3A_701 = arith.index_cast %parallel_loop3A_700 : i32 to index
          %parallel_loop3A_702 = arith.index_cast %parallel_loop3A_593 : i32 to index
          %parallel_loop3A_703 = tpu.vector_load %arg9[%parallel_loop3A_701, %parallel_loop3A_702] {strides = array<i32>} : memref<64x512xf32, #tpu.memory_space<vmem>>, vector<16xf32>,
          %parallel_loop3A_704 = arith.subf %parallel_loop3A_703, %broadcast_in_dim3A_523 : vector<16xf32>
          %parallel_loop3A_705 = arith.mulf %parallel_loop3A_704, %parallel_loop3A_704 : vector<16xf32>
          %parallel_loop3A_706 = arith.addf %parallel_loop3A_678, %parallel_loop3A_705 : vector<16xf32>
          %parallel_loop3A_707 = arith.constant 47 : i32
          %parallel_loop3A_708 = arith.index_cast %parallel_loop3A_707 : i32 to index
          %parallel_loop3A_709 = arith.index_cast %parallel_loop3A_593 : i32 to index
          %parallel_loop3A_710 = tpu.vector_load %arg9[%parallel_loop3A_708, %parallel_loop3A_709] {strides = array<i32>} : memref<64x512xf32, #tpu.memory_space<vmem>>, vector<16xf32>,
          %parallel_loop3A_711 = arith.subf %parallel_loop3A_710, %broadcast_in_dim3A_526 : vector<16xf32>
          %parallel_loop3A_712 = arith.mulf %parallel_loop3A_711, %parallel_loop3A_711 : vector<16xf32>
          %parallel_loop3A_713 = arith.addf %parallel_loop3A_685, %parallel_loop3A_712 : vector<16xf32>
          %parallel_loop3A_714 = arith.addf %parallel_loop3A_692, %parallel_loop3A_699 : vector<16xf32>
          %parallel_loop3A_715 = arith.addf %parallel_loop3A_706, %parallel_loop3A_713 : vector<16xf32>
          %parallel_loop3A_716 = arith.addf %parallel_loop3A_714, %parallel_loop3A_715 : vector<16xf32>
          %parallel_loop3A_717 = arith.index_cast %parallel_loop3A_593 : i32 to index
          %parallel_loop3A_718 = tpu.vector_load %arg10[%parallel_loop3A_717] {strides = array<i32>} : memref<512xf32, #tpu.memory_space<vmem>>, vector<16xf32>,
          %parallel_loop3A_719 = arith.addf %parallel_loop3A_716, %parallel_loop3A_718 : vector<16xf32>
          %parallel_loop3A_720 = arith.index_cast %parallel_loop3A_593 : i32 to index
          %parallel_loop3A_721 = tpu.vector_load %arg10[%parallel_loop3A_720] {strides = array<i32>} : memref<512xf32, #tpu.memory_space<vmem>>, vector<16xf32>,
          tpu.vector_store %arg10[%parallel_loop3A_720], %parallel_loop3A_719 {strides = array<i32>} : memref<512xf32, #tpu.memory_space<vmem>>, vector<16xf32>,
          scf.yield %parallel_loop3A_586, %parallel_loop3A_587 : vector<16xf32>, vector<16xi32>
        } {sc.loop_unroll_factor = 2 : i64, sc.parallel_access}
        %get3A_531 = arith.constant 48 : index
        %get3A_532 = tpu.vector_load %arg11[%get3A_531] {strides = array<i32>} : memref<64xf32, #tpu.memory_space<vmem>>, vector<16xf32>,
        %slice3A_533 = vector.extract_strided_slice %get3A_532 {offsets = [0], sizes = [1], strides = [1]} : vector<16xf32> to vector<1xf32>
        %squeeze3A_534 = vector.extract %slice3A_533[0] : f32 from vector<1xf32>
        %broadcast_in_dim3A_535 = vector.broadcast %squeeze3A_534 : f32 to vector<16xf32>
        %slice3A_536 = vector.extract_strided_slice %get3A_532 {offsets = [1], sizes = [1], strides = [1]} : vector<16xf32> to vector<1xf32>
        %squeeze3A_537 = vector.extract %slice3A_536[0] : f32 from vector<1xf32>
        %broadcast_in_dim3A_538 = vector.broadcast %squeeze3A_537 : f32 to vector<16xf32>
        %slice3A_539 = vector.extract_strided_slice %get3A_532 {offsets = [2], sizes = [1], strides = [1]} : vector<16xf32> to vector<1xf32>
        %squeeze3A_540 = vector.extract %slice3A_539[0] : f32 from vector<1xf32>
        %broadcast_in_dim3A_541 = vector.broadcast %squeeze3A_540 : f32 to vector<16xf32>
        %slice3A_542 = vector.extract_strided_slice %get3A_532 {offsets = [3], sizes = [1], strides = [1]} : vector<16xf32> to vector<1xf32>
        %squeeze3A_543 = vector.extract %slice3A_542[0] : f32 from vector<1xf32>
        %broadcast_in_dim3A_544 = vector.broadcast %squeeze3A_543 : f32 to vector<16xf32>
        %slice3A_545 = vector.extract_strided_slice %get3A_532 {offsets = [4], sizes = [1], strides = [1]} : vector<16xf32> to vector<1xf32>
        %squeeze3A_546 = vector.extract %slice3A_545[0] : f32 from vector<1xf32>
        %broadcast_in_dim3A_547 = vector.broadcast %squeeze3A_546 : f32 to vector<16xf32>
        %slice3A_548 = vector.extract_strided_slice %get3A_532 {offsets = [5], sizes = [1], strides = [1]} : vector<16xf32> to vector<1xf32>
        %squeeze3A_549 = vector.extract %slice3A_548[0] : f32 from vector<1xf32>
        %broadcast_in_dim3A_550 = vector.broadcast %squeeze3A_549 : f32 to vector<16xf32>
        %slice3A_551 = vector.extract_strided_slice %get3A_532 {offsets = [6], sizes = [1], strides = [1]} : vector<16xf32> to vector<1xf32>
        %squeeze3A_552 = vector.extract %slice3A_551[0] : f32 from vector<1xf32>
        %broadcast_in_dim3A_553 = vector.broadcast %squeeze3A_552 : f32 to vector<16xf32>
        %slice3A_554 = vector.extract_strided_slice %get3A_532 {offsets = [7], sizes = [1], strides = [1]} : vector<16xf32> to vector<1xf32>
        %squeeze3A_555 = vector.extract %slice3A_554[0] : f32 from vector<1xf32>
        %broadcast_in_dim3A_556 = vector.broadcast %squeeze3A_555 : f32 to vector<16xf32>
        %slice3A_557 = vector.extract_strided_slice %get3A_532 {offsets = [8], sizes = [1], strides = [1]} : vector<16xf32> to vector<1xf32>
        %squeeze3A_558 = vector.extract %slice3A_557[0] : f32 from vector<1xf32>
        %broadcast_in_dim3A_559 = vector.broadcast %squeeze3A_558 : f32 to vector<16xf32>
        %slice3A_560 = vector.extract_strided_slice %get3A_532 {offsets = [9], sizes = [1], strides = [1]} : vector<16xf32> to vector<1xf32>
        %squeeze3A_561 = vector.extract %slice3A_560[0] : f32 from vector<1xf32>
        %broadcast_in_dim3A_562 = vector.broadcast %squeeze3A_561 : f32 to vector<16xf32>
        %slice3A_563 = vector.extract_strided_slice %get3A_532 {offsets = [10], sizes = [1], strides = [1]} : vector<16xf32> to vector<1xf32>
        %squeeze3A_564 = vector.extract %slice3A_563[0] : f32 from vector<1xf32>
        %broadcast_in_dim3A_565 = vector.broadcast %squeeze3A_564 : f32 to vector<16xf32>
        %slice3A_566 = vector.extract_strided_slice %get3A_532 {offsets = [11], sizes = [1], strides = [1]} : vector<16xf32> to vector<1xf32>
        %squeeze3A_567 = vector.extract %slice3A_566[0] : f32 from vector<1xf32>
        %broadcast_in_dim3A_568 = vector.broadcast %squeeze3A_567 : f32 to vector<16xf32>
        %slice3A_569 = vector.extract_strided_slice %get3A_532 {offsets = [12], sizes = [1], strides = [1]} : vector<16xf32> to vector<1xf32>
        %squeeze3A_570 = vector.extract %slice3A_569[0] : f32 from vector<1xf32>
        %broadcast_in_dim3A_571 = vector.broadcast %squeeze3A_570 : f32 to vector<16xf32>
        %slice3A_572 = vector.extract_strided_slice %get3A_532 {offsets = [13], sizes = [1], strides = [1]} : vector<16xf32> to vector<1xf32>
        %squeeze3A_573 = vector.extract %slice3A_572[0] : f32 from vector<1xf32>
        %broadcast_in_dim3A_574 = vector.broadcast %squeeze3A_573 : f32 to vector<16xf32>
        %slice3A_575 = vector.extract_strided_slice %get3A_532 {offsets = [14], sizes = [1], strides = [1]} : vector<16xf32> to vector<1xf32>
        %squeeze3A_576 = vector.extract %slice3A_575[0] : f32 from vector<1xf32>
        %broadcast_in_dim3A_577 = vector.broadcast %squeeze3A_576 : f32 to vector<16xf32>
        %slice3A_578 = vector.extract_strided_slice %get3A_532 {offsets = [15], sizes = [1], strides = [1]} : vector<16xf32> to vector<1xf32>
        %squeeze3A_579 = vector.extract %slice3A_578[0] : f32 from vector<1xf32>
        %broadcast_in_dim3A_580 = vector.broadcast %squeeze3A_579 : f32 to vector<16xf32>
        %parallel_loop3A_581 = arith.constant 0 : i32
        %parallel_loop3A_582 = arith.constant 32 : i32
        %parallel_loop3A_583 = arith.constant 1 : i32
        %parallel_loop3A_584:2 = scf.for %parallel_loop3A_585 = %parallel_loop3A_581 to %parallel_loop3A_582 step %parallel_loop3A_583 iter_args(%parallel_loop3A_586 = %parallel_loop3A_530#0, %parallel_loop3A_587 = %parallel_loop3A_530#1) -> (vector<16xf32>, vector<16xi32>)  : i32 {
          %parallel_loop3A_588 = arith.constant 1 : i32
          %parallel_loop3A_589 = arith.muli %parallel_loop3A_585, %parallel_loop3A_588 : i32
          %parallel_loop3A_590 = arith.constant 0 : i32
          %parallel_loop3A_591 = arith.addi %parallel_loop3A_589, %parallel_loop3A_590 : i32
          %parallel_loop3A_592 = arith.constant 16 : i32
          %parallel_loop3A_593 = arith.muli %parallel_loop3A_591, %parallel_loop3A_592 : i32
          %parallel_loop3A_594 = arith.constant 0.000000e+00 : f32
          %parallel_loop3A_595 = vector.broadcast %parallel_loop3A_594 : f32 to vector<16xf32>
          %parallel_loop3A_596 = arith.constant 0.000000e+00 : f32
          %parallel_loop3A_597 = vector.broadcast %parallel_loop3A_596 : f32 to vector<16xf32>
          %parallel_loop3A_598 = arith.constant 0.000000e+00 : f32
          %parallel_loop3A_599 = vector.broadcast %parallel_loop3A_598 : f32 to vector<16xf32>
          %parallel_loop3A_600 = arith.constant 0.000000e+00 : f32
          %parallel_loop3A_601 = vector.broadcast %parallel_loop3A_600 : f32 to vector<16xf32>
          %parallel_loop3A_602 = arith.constant 48 : i32
          %parallel_loop3A_603 = arith.index_cast %parallel_loop3A_602 : i32 to index
          %parallel_loop3A_604 = arith.index_cast %parallel_loop3A_593 : i32 to index
          %parallel_loop3A_605 = tpu.vector_load %arg9[%parallel_loop3A_603, %parallel_loop3A_604] {strides = array<i32>} : memref<64x512xf32, #tpu.memory_space<vmem>>, vector<16xf32>,
          %parallel_loop3A_606 = arith.subf %parallel_loop3A_605, %broadcast_in_dim3A_535 : vector<16xf32>
          %parallel_loop3A_607 = arith.mulf %parallel_loop3A_606, %parallel_loop3A_606 : vector<16xf32>
          %parallel_loop3A_608 = arith.addf %parallel_loop3A_595, %parallel_loop3A_607 : vector<16xf32>
          %parallel_loop3A_609 = arith.constant 49 : i32
          %parallel_loop3A_610 = arith.index_cast %parallel_loop3A_609 : i32 to index
          %parallel_loop3A_611 = arith.index_cast %parallel_loop3A_593 : i32 to index
          %parallel_loop3A_612 = tpu.vector_load %arg9[%parallel_loop3A_610, %parallel_loop3A_611] {strides = array<i32>} : memref<64x512xf32, #tpu.memory_space<vmem>>, vector<16xf32>,
          %parallel_loop3A_613 = arith.subf %parallel_loop3A_612, %broadcast_in_dim3A_538 : vector<16xf32>
          %parallel_loop3A_614 = arith.mulf %parallel_loop3A_613, %parallel_loop3A_613 : vector<16xf32>
          %parallel_loop3A_615 = arith.addf %parallel_loop3A_597, %parallel_loop3A_614 : vector<16xf32>
          %parallel_loop3A_616 = arith.constant 50 : i32
          %parallel_loop3A_617 = arith.index_cast %parallel_loop3A_616 : i32 to index
          %parallel_loop3A_618 = arith.index_cast %parallel_loop3A_593 : i32 to index
          %parallel_loop3A_619 = tpu.vector_load %arg9[%parallel_loop3A_617, %parallel_loop3A_618] {strides = array<i32>} : memref<64x512xf32, #tpu.memory_space<vmem>>, vector<16xf32>,
          %parallel_loop3A_620 = arith.subf %parallel_loop3A_619, %broadcast_in_dim3A_541 : vector<16xf32>
          %parallel_loop3A_621 = arith.mulf %parallel_loop3A_620, %parallel_loop3A_620 : vector<16xf32>
          %parallel_loop3A_622 = arith.addf %parallel_loop3A_599, %parallel_loop3A_621 : vector<16xf32>
          %parallel_loop3A_623 = arith.constant 51 : i32
          %parallel_loop3A_624 = arith.index_cast %parallel_loop3A_623 : i32 to index
          %parallel_loop3A_625 = arith.index_cast %parallel_loop3A_593 : i32 to index
          %parallel_loop3A_626 = tpu.vector_load %arg9[%parallel_loop3A_624, %parallel_loop3A_625] {strides = array<i32>} : memref<64x512xf32, #tpu.memory_space<vmem>>, vector<16xf32>,
          %parallel_loop3A_627 = arith.subf %parallel_loop3A_626, %broadcast_in_dim3A_544 : vector<16xf32>
          %parallel_loop3A_628 = arith.mulf %parallel_loop3A_627, %parallel_loop3A_627 : vector<16xf32>
          %parallel_loop3A_629 = arith.addf %parallel_loop3A_601, %parallel_loop3A_628 : vector<16xf32>
          %parallel_loop3A_630 = arith.constant 52 : i32
          %parallel_loop3A_631 = arith.index_cast %parallel_loop3A_630 : i32 to index
          %parallel_loop3A_632 = arith.index_cast %parallel_loop3A_593 : i32 to index
          %parallel_loop3A_633 = tpu.vector_load %arg9[%parallel_loop3A_631, %parallel_loop3A_632] {strides = array<i32>} : memref<64x512xf32, #tpu.memory_space<vmem>>, vector<16xf32>,
          %parallel_loop3A_634 = arith.subf %parallel_loop3A_633, %broadcast_in_dim3A_547 : vector<16xf32>
          %parallel_loop3A_635 = arith.mulf %parallel_loop3A_634, %parallel_loop3A_634 : vector<16xf32>
          %parallel_loop3A_636 = arith.addf %parallel_loop3A_608, %parallel_loop3A_635 : vector<16xf32>
          %parallel_loop3A_637 = arith.constant 53 : i32
          %parallel_loop3A_638 = arith.index_cast %parallel_loop3A_637 : i32 to index
          %parallel_loop3A_639 = arith.index_cast %parallel_loop3A_593 : i32 to index
          %parallel_loop3A_640 = tpu.vector_load %arg9[%parallel_loop3A_638, %parallel_loop3A_639] {strides = array<i32>} : memref<64x512xf32, #tpu.memory_space<vmem>>, vector<16xf32>,
          %parallel_loop3A_641 = arith.subf %parallel_loop3A_640, %broadcast_in_dim3A_550 : vector<16xf32>
          %parallel_loop3A_642 = arith.mulf %parallel_loop3A_641, %parallel_loop3A_641 : vector<16xf32>
          %parallel_loop3A_643 = arith.addf %parallel_loop3A_615, %parallel_loop3A_642 : vector<16xf32>
          %parallel_loop3A_644 = arith.constant 54 : i32
          %parallel_loop3A_645 = arith.index_cast %parallel_loop3A_644 : i32 to index
          %parallel_loop3A_646 = arith.index_cast %parallel_loop3A_593 : i32 to index
          %parallel_loop3A_647 = tpu.vector_load %arg9[%parallel_loop3A_645, %parallel_loop3A_646] {strides = array<i32>} : memref<64x512xf32, #tpu.memory_space<vmem>>, vector<16xf32>,
          %parallel_loop3A_648 = arith.subf %parallel_loop3A_647, %broadcast_in_dim3A_553 : vector<16xf32>
          %parallel_loop3A_649 = arith.mulf %parallel_loop3A_648, %parallel_loop3A_648 : vector<16xf32>
          %parallel_loop3A_650 = arith.addf %parallel_loop3A_622, %parallel_loop3A_649 : vector<16xf32>
          %parallel_loop3A_651 = arith.constant 55 : i32
          %parallel_loop3A_652 = arith.index_cast %parallel_loop3A_651 : i32 to index
          %parallel_loop3A_653 = arith.index_cast %parallel_loop3A_593 : i32 to index
          %parallel_loop3A_654 = tpu.vector_load %arg9[%parallel_loop3A_652, %parallel_loop3A_653] {strides = array<i32>} : memref<64x512xf32, #tpu.memory_space<vmem>>, vector<16xf32>,
          %parallel_loop3A_655 = arith.subf %parallel_loop3A_654, %broadcast_in_dim3A_556 : vector<16xf32>
          %parallel_loop3A_656 = arith.mulf %parallel_loop3A_655, %parallel_loop3A_655 : vector<16xf32>
          %parallel_loop3A_657 = arith.addf %parallel_loop3A_629, %parallel_loop3A_656 : vector<16xf32>
          %parallel_loop3A_658 = arith.constant 56 : i32
          %parallel_loop3A_659 = arith.index_cast %parallel_loop3A_658 : i32 to index
          %parallel_loop3A_660 = arith.index_cast %parallel_loop3A_593 : i32 to index
          %parallel_loop3A_661 = tpu.vector_load %arg9[%parallel_loop3A_659, %parallel_loop3A_660] {strides = array<i32>} : memref<64x512xf32, #tpu.memory_space<vmem>>, vector<16xf32>,
          %parallel_loop3A_662 = arith.subf %parallel_loop3A_661, %broadcast_in_dim3A_559 : vector<16xf32>
          %parallel_loop3A_663 = arith.mulf %parallel_loop3A_662, %parallel_loop3A_662 : vector<16xf32>
          %parallel_loop3A_664 = arith.addf %parallel_loop3A_636, %parallel_loop3A_663 : vector<16xf32>
          %parallel_loop3A_665 = arith.constant 57 : i32
          %parallel_loop3A_666 = arith.index_cast %parallel_loop3A_665 : i32 to index
          %parallel_loop3A_667 = arith.index_cast %parallel_loop3A_593 : i32 to index
          %parallel_loop3A_668 = tpu.vector_load %arg9[%parallel_loop3A_666, %parallel_loop3A_667] {strides = array<i32>} : memref<64x512xf32, #tpu.memory_space<vmem>>, vector<16xf32>,
          %parallel_loop3A_669 = arith.subf %parallel_loop3A_668, %broadcast_in_dim3A_562 : vector<16xf32>
          %parallel_loop3A_670 = arith.mulf %parallel_loop3A_669, %parallel_loop3A_669 : vector<16xf32>
          %parallel_loop3A_671 = arith.addf %parallel_loop3A_643, %parallel_loop3A_670 : vector<16xf32>
          %parallel_loop3A_672 = arith.constant 58 : i32
          %parallel_loop3A_673 = arith.index_cast %parallel_loop3A_672 : i32 to index
          %parallel_loop3A_674 = arith.index_cast %parallel_loop3A_593 : i32 to index
          %parallel_loop3A_675 = tpu.vector_load %arg9[%parallel_loop3A_673, %parallel_loop3A_674] {strides = array<i32>} : memref<64x512xf32, #tpu.memory_space<vmem>>, vector<16xf32>,
          %parallel_loop3A_676 = arith.subf %parallel_loop3A_675, %broadcast_in_dim3A_565 : vector<16xf32>
          %parallel_loop3A_677 = arith.mulf %parallel_loop3A_676, %parallel_loop3A_676 : vector<16xf32>
          %parallel_loop3A_678 = arith.addf %parallel_loop3A_650, %parallel_loop3A_677 : vector<16xf32>
          %parallel_loop3A_679 = arith.constant 59 : i32
          %parallel_loop3A_680 = arith.index_cast %parallel_loop3A_679 : i32 to index
          %parallel_loop3A_681 = arith.index_cast %parallel_loop3A_593 : i32 to index
          %parallel_loop3A_682 = tpu.vector_load %arg9[%parallel_loop3A_680, %parallel_loop3A_681] {strides = array<i32>} : memref<64x512xf32, #tpu.memory_space<vmem>>, vector<16xf32>,
          %parallel_loop3A_683 = arith.subf %parallel_loop3A_682, %broadcast_in_dim3A_568 : vector<16xf32>
          %parallel_loop3A_684 = arith.mulf %parallel_loop3A_683, %parallel_loop3A_683 : vector<16xf32>
          %parallel_loop3A_685 = arith.addf %parallel_loop3A_657, %parallel_loop3A_684 : vector<16xf32>
          %parallel_loop3A_686 = arith.constant 60 : i32
          %parallel_loop3A_687 = arith.index_cast %parallel_loop3A_686 : i32 to index
          %parallel_loop3A_688 = arith.index_cast %parallel_loop3A_593 : i32 to index
          %parallel_loop3A_689 = tpu.vector_load %arg9[%parallel_loop3A_687, %parallel_loop3A_688] {strides = array<i32>} : memref<64x512xf32, #tpu.memory_space<vmem>>, vector<16xf32>,
          %parallel_loop3A_690 = arith.subf %parallel_loop3A_689, %broadcast_in_dim3A_571 : vector<16xf32>
          %parallel_loop3A_691 = arith.mulf %parallel_loop3A_690, %parallel_loop3A_690 : vector<16xf32>
          %parallel_loop3A_692 = arith.addf %parallel_loop3A_664, %parallel_loop3A_691 : vector<16xf32>
          %parallel_loop3A_693 = arith.constant 61 : i32
          %parallel_loop3A_694 = arith.index_cast %parallel_loop3A_693 : i32 to index
          %parallel_loop3A_695 = arith.index_cast %parallel_loop3A_593 : i32 to index
          %parallel_loop3A_696 = tpu.vector_load %arg9[%parallel_loop3A_694, %parallel_loop3A_695] {strides = array<i32>} : memref<64x512xf32, #tpu.memory_space<vmem>>, vector<16xf32>,
          %parallel_loop3A_697 = arith.subf %parallel_loop3A_696, %broadcast_in_dim3A_574 : vector<16xf32>
          %parallel_loop3A_698 = arith.mulf %parallel_loop3A_697, %parallel_loop3A_697 : vector<16xf32>
          %parallel_loop3A_699 = arith.addf %parallel_loop3A_671, %parallel_loop3A_698 : vector<16xf32>
          %parallel_loop3A_700 = arith.constant 62 : i32
          %parallel_loop3A_701 = arith.index_cast %parallel_loop3A_700 : i32 to index
          %parallel_loop3A_702 = arith.index_cast %parallel_loop3A_593 : i32 to index
          %parallel_loop3A_703 = tpu.vector_load %arg9[%parallel_loop3A_701, %parallel_loop3A_702] {strides = array<i32>} : memref<64x512xf32, #tpu.memory_space<vmem>>, vector<16xf32>,
          %parallel_loop3A_704 = arith.subf %parallel_loop3A_703, %broadcast_in_dim3A_577 : vector<16xf32>
          %parallel_loop3A_705 = arith.mulf %parallel_loop3A_704, %parallel_loop3A_704 : vector<16xf32>
          %parallel_loop3A_706 = arith.addf %parallel_loop3A_678, %parallel_loop3A_705 : vector<16xf32>
          %parallel_loop3A_707 = arith.constant 63 : i32
          %parallel_loop3A_708 = arith.index_cast %parallel_loop3A_707 : i32 to index
          %parallel_loop3A_709 = arith.index_cast %parallel_loop3A_593 : i32 to index
          %parallel_loop3A_710 = tpu.vector_load %arg9[%parallel_loop3A_708, %parallel_loop3A_709] {strides = array<i32>} : memref<64x512xf32, #tpu.memory_space<vmem>>, vector<16xf32>,
          %parallel_loop3A_711 = arith.subf %parallel_loop3A_710, %broadcast_in_dim3A_580 : vector<16xf32>
          %parallel_loop3A_712 = arith.mulf %parallel_loop3A_711, %parallel_loop3A_711 : vector<16xf32>
          %parallel_loop3A_713 = arith.addf %parallel_loop3A_685, %parallel_loop3A_712 : vector<16xf32>
          %parallel_loop3A_714 = arith.addf %parallel_loop3A_692, %parallel_loop3A_699 : vector<16xf32>
          %parallel_loop3A_715 = arith.addf %parallel_loop3A_706, %parallel_loop3A_713 : vector<16xf32>
          %parallel_loop3A_716 = arith.addf %parallel_loop3A_714, %parallel_loop3A_715 : vector<16xf32>
          %parallel_loop3A_717 = arith.index_cast %parallel_loop3A_593 : i32 to index
          %parallel_loop3A_718 = tpu.vector_load %arg10[%parallel_loop3A_717] {strides = array<i32>} : memref<512xf32, #tpu.memory_space<vmem>>, vector<16xf32>,
          %parallel_loop3A_719 = arith.addf %parallel_loop3A_716, %parallel_loop3A_718 : vector<16xf32>
          %parallel_loop3A_720 = arith.addi %mul3A_368, %parallel_loop3A_593 : i32
          %parallel_loop3A_721 = arith.index_cast %parallel_loop3A_720 : i32 to index
          %parallel_loop3A_722 = tpu.vector_load %arg6[%parallel_loop3A_721] {strides = array<i32>} : memref<8192xf32, #tpu.memory_space<vmem>>, vector<16xf32>,
          %parallel_loop3A_723 = arith.minimumf %parallel_loop3A_722, %parallel_loop3A_719 : vector<16xf32>
          %parallel_loop3A_724 = arith.index_cast %parallel_loop3A_720 : i32 to index
          %parallel_loop3A_725 = tpu.vector_load %arg6[%parallel_loop3A_724] {strides = array<i32>} : memref<8192xf32, #tpu.memory_space<vmem>>, vector<16xf32>,
          tpu.vector_store %arg6[%parallel_loop3A_724], %parallel_loop3A_723 {strides = array<i32>} : memref<8192xf32, #tpu.memory_space<vmem>>, vector<16xf32>,
          %parallel_loop3A_726 = arith.index_cast %parallel_loop3A_720 : i32 to index
          %parallel_loop3A_727 = tpu.vector_load %arg7[%parallel_loop3A_726] {strides = array<i32>} : memref<8192xf32, #tpu.memory_space<vmem>>, vector<16xf32>,
          %parallel_loop3A_728 = arith.mulf %parallel_loop3A_723, %parallel_loop3A_727 : vector<16xf32>
          %parallel_loop3A_729 = arith.cmpf ogt, %parallel_loop3A_728, %parallel_loop3A_586 : vector<16xf32>
          %parallel_loop3A_730 = arith.select %parallel_loop3A_729, %parallel_loop3A_728, %parallel_loop3A_586 : vector<16xi1>, vector<16xf32>
          %parallel_loop3A_731 = vector.broadcast %parallel_loop3A_720 : i32 to vector<16xi32>
          %parallel_loop3A_732 = arith.addi %parallel_loop3A_731, %iota3A : vector<16xi32>
          %parallel_loop3A_733 = arith.select %parallel_loop3A_729, %parallel_loop3A_732, %parallel_loop3A_587 : vector<16xi1>, vector<16xi32>
          scf.yield %parallel_loop3A_730, %parallel_loop3A_733 : vector<16xf32>, vector<16xi32>
        } {sc.loop_unroll_factor = 2 : i64, sc.parallel_access}
        scf.yield %parallel_loop3A_584#0, %parallel_loop3A_584#1 : vector<16xf32>, vector<16xi32>
      }
      %scan3A_78 = arith.constant 8 : i32
      %reduce_max3A_79 = arith.constant true
      %reduce_max3A_80 = vector.broadcast %reduce_max3A_79 : i1 to vector<16xi1>
      %reduce_max3A_81 = tpu.scan <max>, %scan3A_77#0 masked %reduce_max3A_80 : vector<16xf32>, vector<16xi1> -> vector<16xf32>
      %reduce_max3A_82 = vector.extract %reduce_max3A_81[15] : f32 from vector<16xf32>
      %eq3A_83 = vector.broadcast %reduce_max3A_82 : f32 to vector<16xf32>
      %eq3A_84 = arith.cmpf oeq, %scan3A_77#0, %eq3A_83 : vector<16xf32>
      %jit3A_85 = arith.constant 1073741824 : i32
      %broadcast_in_dim3A_86 = vector.broadcast %jit3A_85 : i32 to vector<16xi32>
      %select_n3A_87 = arith.select %eq3A_84, %scan3A_77#1, %broadcast_in_dim3A_86 : vector<16xi1>, vector<16xi32>
      %reduce_min3A_88 = arith.constant true
      %reduce_min3A_89 = vector.broadcast %reduce_min3A_88 : i1 to vector<16xi1>
      %reduce_min3A_90 = arith.constant -2147483648 : i32
      %reduce_min3A_91 = vector.broadcast %reduce_min3A_90 : i32 to vector<16xi32>
      %reduce_min3A_92 = arith.xori %select_n3A_87, %reduce_min3A_91 : vector<16xi32>
      %reduce_min3A_93 = tpu.scan <min>, %reduce_min3A_92 masked %reduce_min3A_89 : vector<16xi32>, vector<16xi1> -> vector<16xi32>
      %reduce_min3A_94 = arith.xori %reduce_min3A_93, %reduce_min3A_91 : vector<16xi32>
      %reduce_min3A_95 = vector.extract %reduce_min3A_94[15] : i32 from vector<16xi32>
      scf.yield %reduce_min3A_95 : i32
    }
    %scan3A_42 = arith.constant 63 : i32
    "tpu.region"() ({
      %run_scoped3A_51 = tpu.sem_alloc : memref<!tpu.dma_semaphore, #tpu.memory_space<semaphore_mem>>
      %dma_start3A_52 = arith.constant 0 : i32
      %dma_start3A_53 = tpu.memref_slice %arg2[%add3A, %scan3A_41, %dma_start3A_52] : memref<32x8192x64xf32, #tpu.memory_space<hbm>> -> memref<1x1x64xf32, #tpu.memory_space<hbm>>
      %dma_start3A_54 = tpu.memref_squeeze %dma_start3A_53 : memref<1x1x64xf32, #tpu.memory_space<hbm>> -> memref<64xf32, #tpu.memory_space<hbm>>
      %dma_start3A_55 = arith.constant 0 : i32
      %dma_start3A_56 = tpu.memref_slice %arg2[%add3A, %scan3A_41, %dma_start3A_55] : memref<32x8192x64xf32, #tpu.memory_space<hbm>> -> memref<1x1x64xf32, #tpu.memory_space<hbm>>
      %dma_start3A_57 = tpu.memref_squeeze %dma_start3A_56 : memref<1x1x64xf32, #tpu.memory_space<hbm>> -> memref<64xf32, #tpu.memory_space<hbm>>
      tpu.enqueue_dma source(%dma_start3A_57 : memref<64xf32, #tpu.memory_space<hbm>>) target(%arg11 : memref<64xf32, #tpu.memory_space<vmem>>) target_semaphore(%run_scoped3A_51 : memref<!tpu.dma_semaphore, #tpu.memory_space<semaphore_mem>>)
      %dma_wait3A_58 = arith.constant 0 : i32
      %dma_wait3A_59 = tpu.memref_slice %arg2[%add3A, %scan3A_41, %dma_wait3A_58] : memref<32x8192x64xf32, #tpu.memory_space<hbm>> -> memref<1x1x64xf32, #tpu.memory_space<hbm>>
      %dma_wait3A_60 = tpu.memref_squeeze %dma_wait3A_59 : memref<1x1x64xf32, #tpu.memory_space<hbm>> -> memref<64xf32, #tpu.memory_space<hbm>>
      %dma_wait3A_61 = arith.constant 0 : i32
      %dma_wait3A_62 = tpu.memref_slice %arg2[%add3A, %scan3A_41, %dma_wait3A_61] : memref<32x8192x64xf32, #tpu.memory_space<hbm>> -> memref<1x1x64xf32, #tpu.memory_space<hbm>>
      %dma_wait3A_63 = tpu.memref_squeeze %dma_wait3A_62 : memref<1x1x64xf32, #tpu.memory_space<hbm>> -> memref<64xf32, #tpu.memory_space<hbm>>
      tpu.wait_dma2 semaphore(%run_scoped3A_51 : memref<!tpu.dma_semaphore, #tpu.memory_space<semaphore_mem>>) src(%dma_wait3A_63 : memref<64xf32, #tpu.memory_space<hbm>>) dst(%arg11 : memref<64xf32, #tpu.memory_space<vmem>>)
      tpu.yield
    }) : () -> ()
    %run_scoped3A_43 = arith.constant 63 : i32
    "tpu.region"() ({
      %run_scoped3A_51 = tpu.sem_alloc : memref<!tpu.dma_semaphore, #tpu.memory_space<semaphore_mem>>
      %dma_start3A_52 = arith.constant 0 : i32
      %dma_start3A_53 = tpu.memref_slice %arg5[%add3A, %run_scoped3A_43, %dma_start3A_52] : memref<32x64x64xf32, #tpu.memory_space<hbm>> -> memref<1x1x64xf32, #tpu.memory_space<hbm>>
      %dma_start3A_54 = tpu.memref_squeeze %dma_start3A_53 : memref<1x1x64xf32, #tpu.memory_space<hbm>> -> memref<64xf32, #tpu.memory_space<hbm>>
      %dma_start3A_55 = arith.constant 0 : i32
      %dma_start3A_56 = tpu.memref_slice %arg5[%add3A, %run_scoped3A_43, %dma_start3A_55] : memref<32x64x64xf32, #tpu.memory_space<hbm>> -> memref<1x1x64xf32, #tpu.memory_space<hbm>>
      %dma_start3A_57 = tpu.memref_squeeze %dma_start3A_56 : memref<1x1x64xf32, #tpu.memory_space<hbm>> -> memref<64xf32, #tpu.memory_space<hbm>>
      tpu.enqueue_dma source(%arg11 : memref<64xf32, #tpu.memory_space<vmem>>) target(%dma_start3A_57 : memref<64xf32, #tpu.memory_space<hbm>>) target_semaphore(%run_scoped3A_51 : memref<!tpu.dma_semaphore, #tpu.memory_space<semaphore_mem>>)
      %dma_wait3A_58 = arith.constant 0 : i32
      %dma_wait3A_59 = tpu.memref_slice %arg5[%add3A, %run_scoped3A_43, %dma_wait3A_58] : memref<32x64x64xf32, #tpu.memory_space<hbm>> -> memref<1x1x64xf32, #tpu.memory_space<hbm>>
      %dma_wait3A_60 = tpu.memref_squeeze %dma_wait3A_59 : memref<1x1x64xf32, #tpu.memory_space<hbm>> -> memref<64xf32, #tpu.memory_space<hbm>>
      %dma_wait3A_61 = arith.constant 0 : i32
      %dma_wait3A_62 = tpu.memref_slice %arg5[%add3A, %run_scoped3A_43, %dma_wait3A_61] : memref<32x64x64xf32, #tpu.memory_space<hbm>> -> memref<1x1x64xf32, #tpu.memory_space<hbm>>
      %dma_wait3A_63 = tpu.memref_squeeze %dma_wait3A_62 : memref<1x1x64xf32, #tpu.memory_space<hbm>> -> memref<64xf32, #tpu.memory_space<hbm>>
      tpu.wait_dma2 semaphore(%run_scoped3A_51 : memref<!tpu.dma_semaphore, #tpu.memory_space<semaphore_mem>>) src(%arg11 : memref<64xf32, #tpu.memory_space<vmem>>) dst(%dma_wait3A_63 : memref<64xf32, #tpu.memory_space<hbm>>)
      tpu.yield
    }) : () -> ()
    %dma_wait3A = arith.constant 0 : i32
    %dma_wait3A_44 = arith.constant 0 : i32
    %dma_wait3A_45 = tpu.memref_slice %arg3[%add3A, %dma_wait3A, %dma_wait3A_44] : memref<32x64x8192xf32, #tpu.memory_space<hbm>> -> memref<1x64x512xf32, #tpu.memory_space<hbm>>
    %dma_wait3A_46 = tpu.memref_squeeze %dma_wait3A_45 : memref<1x64x512xf32, #tpu.memory_space<hbm>> -> memref<64x512xf32, #tpu.memory_space<hbm>>
    %dma_wait3A_47 = arith.constant 0 : i32
    %dma_wait3A_48 = arith.constant 0 : i32
    %dma_wait3A_49 = tpu.memref_slice %arg3[%add3A, %dma_wait3A_47, %dma_wait3A_48] : memref<32x64x8192xf32, #tpu.memory_space<hbm>> -> memref<1x64x512xf32, #tpu.memory_space<hbm>>
    %dma_wait3A_50 = tpu.memref_squeeze %dma_wait3A_49 : memref<1x64x512xf32, #tpu.memory_space<hbm>> -> memref<64x512xf32, #tpu.memory_space<hbm>>
    tpu.wait_dma2 semaphore(%arg12 : memref<!tpu.dma_semaphore, #tpu.memory_space<semaphore_mem>>) src(%dma_wait3A_50 : memref<64x512xf32, #tpu.memory_space<hbm>>) dst(%arg8 : memref<64x512xf32, #tpu.memory_space<vmem>>)
    return
  }
}

</mosaic_0001>

<sc_bundles>
// kernel: kernel.3.cloned.1.call-start
scs
__scs_entry_jumppad:
0x0: {  	(pc) =	sbr.rel $0x88, $3  }
0x1: {  	(tag) =	ssettag $0x0;
	lr =	simm.s32 $0x1  }
0x2: {  	[smem:$0x3FA0] =	sst lr;
	_ =	strace $0xD0000000  }
0x3: {  	_ = 	snop  }
0x4: {  	_ = 	snop  }
0x5: {  	_ = 	snop  }
0x6: {  	_ = 	snop  }
0x7: {  	_ = 	snop  }
__scs_overlays_trampoline_lowered:
0x8: {  	[smem:$0x3FAF] =	sst s0  }
0x9: {  	[smem:$0x3FB0] =	sst s1  }
0xa: {  	[smem:$0x3FB1] =	sst s2  }
0xb: {  	[smem:$0x3FB2] =	sst s3  }
0xc: {  	[smem:$0x3FB3] =	sst s4  }
0xd: {  	[smem:$0x3FB4] =	sst s5  }
0xe: {  	[smem:$0x3FB5] =	sst s6  }
0xf: {  	[smem:$0x3FB6] =	sst s7  }
0x10: {  	[smem:$0x3FB7] =	sst s8  }
0x11: {  	[smem:$0x3FB8] =	sst s9;
	s0 =	simm.s32 @!p0 $0x0  }
0x12: {  	s1 =	sld [smem:$0x3F9E];
	s0 =	simm.s32 @p0 $0x1  }
0x13: {  	[smem:$0x3FB9] =	sst s0;
	s0 =	simm.s32 @!p1 $0x0  }
0x14: {  	s2 =	sld [smem:$0x3F9D];
	s0 =	simm.s32 @p1 $0x1  }
0x15: {  	[smem:$0x3FBA] =	sst s0;
	s0 =	simm.s32 @!p2 $0x0  }
0x16: {  	s3 =	sld [smem:$0x3FDB];
	s0 =	simm.s32 @p2 $0x1  }
0x17: {  	s4 =	simm.s32 $0x1BF5;
	[smem:$0x3FBC] =	sst s0  }
0x18: {  	s0 =	sld [smem:$0x3F9F];
	_ =	swait.ge [sflag:s4], $0x0  }
0x19: {  	s7 =	sld [smem:$0x3FA0]  }
0x1a: {  	s8 =	sadd.s32 $0xFFFFE003, lr  }
0x1b: {  	s9 =	sadd.s32 $0xFFFFFEF7, lr;
	s5 =	simm.s32 $0xFFFFFFFF;
	p2 =	slt.u32 s8, $0xFFFFF086  }
0x1c: {  	p1 =	slt.u32 s9, $0xF7A;
	s5 =	simm.s32 @!p2 $0x0  }
0x1d: {  	s5 =	simm.s32 @p1 $0x1;
	p0 =	seq.s32 s7, s2  }
0x1e: {  	s7 =	smul.u32 @!p0 $0xF7A, s2;
	p2 =	seq.s32 @!p0 s5, $0x0  }
0x1f: {  	s9 =	smul.u32 $0xF7A, s1;
	s8 =	simm.s32 @!p0 $0x1BF5;
	p2 =	por !p2, p0  }
0x20: {  	[sflag:s8] =	ssyncset.s32 @!p0 $0xFFFFF086;
	s6 =	sadd.s32 @!p0 s3, s7;
	s7 =	simm.s32 @!p0 $0x108  }
0x21: {  	s3 =	sadd.s32 s3, s9;
	s6 =	sadd.s32 @!p0 $0x88, s6;
	s7 =	simm.s32 @p2 $0x1082  }
0x22: {  	[simem:s7], [sflag:s8] =	dma.local @!p0 [hbm:s6], $0xF7A  }
0x23: {  	s9 =	sor.u32 $0xD0000000, s2;
	s6 =	simm.s32 $0x108;
	_ =	swait.ge @!p0 [sflag:s8], $0x0  }
0x24: {  	s3 =	sadd.s32 $0x88, s3;
	s6 =	simm.s32 @!p1 $0x1082;
	[sflag:s4] =	ssyncset.s32 $0xFFFFF086  }
0x25: {  	[simem:s6], [sflag:s4] =	dma.local [hbm:s3], $0xF7A  }
0x26: {  	[smem:$0x3FA0] =	sst s1;
	(tag) =	ssettag s2;
	_ =	strace s9  }
0x27: {  	s1 =	sld [smem:$0x3FB0]  }
0x28: {  	s2 =	sld [smem:$0x3FB1]  }
0x29: {  	s4 =	sld [smem:$0x3FB3]  }
0x2a: {  	p0 =	seq.s32 s5, $0x0;
	s5 =	sld [smem:$0x3FB4]  }
0x2b: {  	s6 =	sld [smem:$0x3FB5]  }
0x2c: {  	s7 =	sld [smem:$0x3FB6]  }
0x2d: {  	s3 =	simm.s32 $0x108;
	s8 =	sld [smem:$0x3FB7]  }
0x2e: {  	s3 =	simm.s32 @!p0 $0x1082;
	s9 =	sld [smem:$0x3FB8]  }
0x2f: {  	lr =	sadd.s32 s0, s3;
	s0 =	sld [smem:$0x3FAF]  }
0x30: {  	s3 =	sld [smem:$0x3FB2]  }
0x31: {  	[smem:$0x3FBB] =	sst s10  }
0x32: {  	s10 =	sld [smem:$0x3FB9];
	_ =	sdelay $0x3  }
0x33: {  	p0 =	seq.s32 s10, $0x1;
	s10 =	sld [smem:$0x3FBB];
	_ =	sdelay $0x3  }
0x34: {  	[smem:$0x3FBB] =	sst s10  }
0x35: {  	s10 =	sld [smem:$0x3FBA];
	_ =	sdelay $0x3  }
0x36: {  	p1 =	seq.s32 s10, $0x1;
	s10 =	sld [smem:$0x3FBB];
	_ =	sdelay $0x3  }
0x37: {  	[smem:$0x3FBB] =	sst s10  }
0x38: {  	s10 =	sld [smem:$0x3FBC]  }
0x39: {  	_ = 	snop;
	(pc) =	sbr.ind lr, $3  }
0x3a: {  	_ = 	snop  }
0x3b: {  	_ = 	snop  }
0x3c: {  	p2 =	seq.s32 s10, $0x1;
	s10 =	sld [smem:$0x3FBB]  }
0x3d: {  	_ =	shalt  }
0x3e: {  	_ =	shalt  }
0x3f: {  	_ =	shalt  }
0x40: {  	_ =	shalt  }
0x41: {  	_ =	shalt  }
0x42: {  	_ =	shalt  }
0x43: {  	_ =	shalt  }
0x44: {  	_ =	shalt  }
0x45: {  	_ =	shalt  }
0x46: {  	_ =	shalt  }
0x47: {  	_ =	shalt  }
0x48: {  	_ =	shalt  }
0x49: {  	_ =	shalt  }
0x4a: {  	_ =	shalt  }
0x4b: {  	_ =	shalt  }
0x4c: {  	_ =	shalt  }
0x4d: {  	_ =	shalt  }
0x4e: {  	_ =	shalt  }
0x4f: {  	_ =	shalt  }
0x50: {  	_ =	shalt  }
0x51: {  	_ =	shalt  }
0x52: {  	_ =	shalt  }
0x53: {  	_ =	shalt  }
0x54: {  	_ =	shalt  }
0x55: {  	_ =	shalt  }
0x56: {  	_ =	shalt  }
0x57: {  	_ =	shalt  }
0x58: {  	_ =	shalt  }
0x59: {  	_ =	shalt  }
0x5a: {  	_ =	shalt  }
0x5b: {  	_ =	shalt  }
0x5c: {  	_ =	shalt  }
0x5d: {  	_ =	shalt  }
0x5e: {  	_ =	shalt  }
0x5f: {  	_ =	shalt  }
0x60: {  	_ =	shalt  }
0x61: {  	_ =	shalt  }
0x62: {  	_ =	shalt  }
0x63: {  	_ =	shalt  }
0x64: {  	_ =	shalt  }
0x65: {  	_ =	shalt  }
0x66: {  	_ =	shalt  }
0x67: {  	_ =	shalt  }
0x68: {  	_ =	shalt  }
0x69: {  	_ =	shalt  }
0x6a: {  	_ =	shalt  }
0x6b: {  	_ =	shalt  }
0x6c: {  	_ =	shalt  }
0x6d: {  	_ =	shalt  }
0x6e: {  	_ =	shalt  }
0x6f: {  	_ =	shalt  }
0x70: {  	_ =	shalt  }
0x71: {  	_ =	shalt  }
0x72: {  	_ =	shalt  }
0x73: {  	_ =	shalt  }
0x74: {  	_ =	shalt  }
0x75: {  	_ =	shalt  }
0x76: {  	_ =	shalt  }
0x77: {  	_ =	shalt  }
0x78: {  	_ =	shalt  }
0x79: {  	_ =	shalt  }
0x7a: {  	_ =	shalt  }
0x7b: {  	_ =	shalt  }
0x7c: {  	_ =	shalt  }
0x7d: {  	_ =	shalt  }
0x7e: {  	_ =	shalt  }
0x7f: {  	_ =	shalt  }
0x80: {  	_ =	shalt  }
0x81: {  	_ =	shalt  }
0x82: {  	_ =	shalt  }
0x83: {  	_ =	shalt  }
0x84: {  	_ =	shalt  }
0x85: {  	_ =	shalt  }
0x86: {  	_ =	shalt  }
0x87: {  	_ =	shalt  }
.Lfunc_end0:
.L_simem_size_0:
called_computation_lowered:
.L_overlay_start_0:
0x88: {  	s2 =	sld [smem:$0x3FD9]  }
0x89: {  	s3 =	sld [smem:$0x3FFE];
	_ =	sdelay $0x1  }
0x8a: {  	s1 =	srdreg.scid  }
0x8b: {  	s0 =	sand.u32 $0x1, s1  }
0x8c: {  	s14 =	sshll.u32 s0, $0xA;
	s2 =	sadd.s32 s3, s2  }
0x8d: {  	s2 =	sadd.s32 s2, s14  }
0x8e: {  	[smem:$0x3FC7] =	sst s2  }
0x8f: {  	_ = 	snop  }
0x90: {  	s2 =	sld [smem:$0x3FD0];
	_ =	sdelay $0x2  }
0x91: {  	s4 =	simm.s32 $0xA;
	s5 =	simm.s32 $0x10;
	s15 =	sld [smem:$0x3FC9]  }
0x92: {  	[smem:s5], [sflag:s4] =	dma.local [hbm:s2], $0x1  }
0x93: {  	_ =	swait.eq [sflag:s4], $0x1  }
0x94: {  	[sflag:s4] =	ssyncset.done $0x0  }
0x95: {  	[sflag:s4] =	ssyncadd.s32 $0xFFFFFFFF  }
0x96: {  	s16 =	sld [smem:$0x10];
	(tm) =	ssettm $0x1  }
0x97: {  	s17 =	sld [smem:$0x3FFB];
	_ =	sdelay $0x3  }
0x98: {  	_ =	strace s17  }
0x99: {  	s4 =	sld [smem:$0x3FFC];
	_ =	sdelay $0x3  }
0x9a: {  	_ =	strace s4  }
0x9b: {  	s4 =	sld [smem:$0x3FFD];
	_ =	sdelay $0x3  }
0x9c: {  	_ =	strace s4  }
0x9d: {  	_ =	strace $0x8FFFFFFF  }
0x9e: {  	s18 =	sld [smem:$0x3FDB];
	_ =	sdelay $0x1  }
0x9f: {  	s19 =	simm.s32 $_scs_section_size  }
0xa0: {  	s6 =	simm.s32 $_size__tile_overlayer_lowered;
	s7 =	simm.s32 $_tile_overlayer_lowered  }
0xa1: {  	s22 =	simm.s32 $0x1BFF;
	s21 =	sshll.u32 s7, $0x1;
	s4 =	sadd.s32 s19, s18  }
0xa2: {  	s8 =	simm.s32 $0x0;
	s20 =	sshll.u32 s6, $0x1;
	s6 =	sadd.s32 s21, s4  }
0xa3: {  	[timem:s8], [sflag:s22] =	dma.local [hbm:s6], s20  }
0xa4: {  	_ =	swait.ge [sflag:s22], s20  }
0xa5: {  	s5 =	ssub.s32 $0x0, s20;
	[sflag:s22] =	ssyncset.done $0x0  }
0xa6: {  	[sflag:s22] =	ssyncadd.s32 s5;
	_ =	sdelay $0x1  }
0xa7: {  	s23 =	simm.s32 $0x1B8B  }
0xa8: {  	_ =	swait.ge [sflag:s23], $0x1  }
0xa9: {  	[sflag:s23] =	ssyncset.done $0x0  }
0xaa: {  	s25 =	simm.s32 $0x1B8E;
	s24 =	sld [smem:$0x3FFE];
	[sflag:s23] =	ssyncadd.s32 $0xFFFFFFFF  }
0xab: {  	s26 =	simm.s32 $execute0_lowered;
	[smem:$0x3FD2] =	sst s25  }
0xac: {  	s6 =	sshll.u32 s26, $0x1;
	_ =	strace $0x80000046;
	[dreg:$0x1] =	wrdreg $0xFFFFFFFF  }
0xad: {  	s28 =	simm.s32 $_size_execute0_lowered;
	s4 =	sadd.s32 s4, s6;
	[dreg:$0x0] =	wrdreg $0x0  }
0xae: {  	s6 =	sshll.u32 s28, $0x1;
	[dreg:$0x2] =	wrdreg s4  }
0xaf: {  	[dreg:$0x3] =	wrdreg s6  }
0xb0: {  	[dreg:$0x4] =	wrdreg $0xC0  }
0xb1: {  	_ =	task [dreg:s8], $0x5FFFF  }
0xb2: {  	[dreg:$0x1] =	wrdreg $0xFFFFFFFF  }
0xb3: {  	[dreg:$0x0] =	wrdreg $0x60  }
0xb4: {  	[dreg:$0x2] =	wrdreg s24  }
0xb5: {  	[dreg:$0x3] =	wrdreg s15  }
0xb6: {  	[dreg:$0x4] =	wrdreg s16  }
0xb7: {  	[dreg:$0x5] =	wrdreg $0x9  }
0xb8: {  	_ =	task.clear_ibuf [dreg:s8], $0x6FFFF;
	_ =	strace $0x90000046  }
0xb9: {  	s29 =	simm.s32 $0x9;
	_ =	strace $0x80000048  }
0xba: {  	_ =	swait.ge [sflag:s29], $0x1  }
0xbb: {  	[sflag:s29] =	ssyncadd.s32 $0xFFFFFFFF  }
0xbc: {  	_ =	strace $0x90000048  }
0xbd: {  	_ =	sfence  }
0xbe: {  	s30 =	sld [smem:$0x0];
	_ =	sdelay $0x2  }
0xbf: {  	s31 =	sshll.u32 s1, $0xD;
	s1 =	sshrl.u32 s1, $0x2  }
0xc0: {  	s3 =	sand.u32 $0x4000, s31;
	s1 =	sadd.s32 s1, s30  }
0xc1: {  	s0 =	sor.u32 s3, s0;
	s1 =	sshll.u32 s1, $0x11  }
0xc2: {  	s0 =	sor.u32 s1, s0  }
0xc3: {  	s0 =	sadd.s32 $0x8F2B, s0  }
0xc4: {  	[sflag:s0] =	ssyncadd.remote.s32 $0x1  }
0xc5: {  	_ =	sfence.sel $0xFFFF  }
0xc6: {  	[dreg:$0x0] =	wrdreg $0xFFFFFFFF;
	(pc) =	sbr.abs _section_cstart, $3  }
0xc7: {  	[dreg:$0x1] =	wrdreg $0xFFFFFFFF  }
0xc8: {  	_ =	task.clear_ibuf [dreg:s8], $0x2FFFF;
	_ =	strace $0x9FFFFFFF  }
0xc9: {  	(tm) =	ssettm $0x7FFFFFFF  }
tec
execute0_lowered:
.L_overlay_start_1:
0x0: {  	(tag) =	ssettag $0x1  }
0x1: {  	s0 =	rddreg [dreg:$0x0]  }
0x2: {  	s6 =	rddreg [dreg:$0x1]  }
0x3: {  	s1 =	rddreg [dreg:$0x2]  }
0x4: {  	s3 =	simm.s32 $0x0;
	s2 =	srdreg.scid;
	s4 =	stileid.u32  }
0x5: {  	[smem:$0x7FF] =	sst s3;
	s2 =	sand.u32 $0x1, s2;
	s4 =	sshll.u32 s4, $0x1  }
0x6: {  	s5 =	sadd.s32 $0x400, s0;
	s7 =	sadd.s32 $0x400400, s0;
	_ =	strace $0x80000047  }
0x7: {  	s25 =	ssub.s32 $0x2, s2;
	[dreg:$0x8] =	wrdreg s5;
	s2 =	sor.u32 s2, s4  }
0x8: {  	[dreg:$0x9] =	wrdreg s7;
	s29 =	sshll.u32 s2, $0x10;
	s4 =	sshll.u32 s2, $0x13  }
0x9: {  	s31 =	sshll.u32 s2, $0xA;
	s2 =	sshll.u32 s2, $0x14;
	[dreg:$0xa] =	wrdreg s4  }
0xa: {  	s30 =	sadd.s32 s6, s29;
	[dreg:$0xd] =	wrdreg s2  }
0xb: {  	s3 =	sadd.s32 s7, s29;
	[dreg:$0xb] =	wrdreg s30  }
0xc: {  	s26 =	sshrl.u32 s25, $0x1;
	s1 =	sadd.s32 s1, s31;
	[dreg:$0xc] =	wrdreg s3  }
0xd: {  	s28 =	ssub.s32 s25, s26;
	[dreg:$0xe] =	wrdreg s1;
	s1 =	sadd.s32 $0x3F0, s1  }
0xe: {  	s0 =	smax.u32 s28, $0x1;
	[dreg:$0xf] =	wrdreg s1  }
0xf: {  	v0 =	vimm.f32 $9.999999680e+37;
	v1 =	vlaneseq.u32;
	s2 =	simm.s32 $0x0;
	[dreg:$0x10] =	wrdreg s0  }
.LBB2_1:
0x10: {  	[dreg:$0x11] =	wrdreg s2;
	s0 =	simm.s32 $0x40;
	s1 =	simm.s32 $0x0  }
.LBB2_2:
0x11: {  	p0 =	sne.s32 s0, $0x7FC0;
	[tilespmem:s1+$0x0] =	vst v0;
	s1 =	smov.u32 s0;
	s0 =	sadd.s32 $0x40, s0  }
.Ltmp0:
0x12: {  	(pc) =	sbr.rel @p0 .LBB2_2-.Ltmp0, $2  }
0x13: {  	_ =	sdelay $0x2  }
0x14: {  	s1 =	sshra.s32 s1, $0x2  }
0x15: {  	s0 =	rddreg [dreg:$0xb];
	s26 =	simm.s32 $0x1000;
	s2 =	simm.s32 $0x10000  }
0x16: {  	[tilespmem:s1+$0x0] =	vst v0;
	s3 =	simm.s32 $0x4000;
	s1 =	simm.s32 $0x2000;
	s28 =	rddreg [dreg:$0xc]  }
0x17: {  	[tilespmem:s3], [sflag:$0x1] =	stream.strided.gather [hbm4b:s0+s26], $0x8000, s2, s26, $0x38;
	[tilespmem:$0x14280] =	vst v63  }
0x18: {  	s29 =	simm.s32 $0x80;
	s30 =	simm.s32 $0x400;
	s31 =	simm.s32 $0x4  }
0x19: {  	[tilespmem:s1], [sflag:$0x4] =	stream.strided.gather [hbm4b:s28+s29], $0x2000, s30, s29, $0x38;
	[tilespmem:$0x14280] =	vst v63  }
0x1a: {  	_ =	swait.ge [sflag:s31], $0x2000  }
0x1b: {  	[sflag:s31] =	ssyncset.done $0x0  }
0x1c: {  	s0 =	simm.s32 $0x0;
	[sflag:s31] =	ssyncadd.s32 $0xFFFFE000  }
0x1d: {  	v4 =	vld [tilespmem:s0+$0x0]  }
0x1e: {  	v5 =	vld [tilespmem:s1+$0x0];
	_ =	sdelay $0x3  }
0x1f: {  	v3 =	vimm.f32 $-1.000000000e+00;
	v2 =	vimm.s32 $0x0;
	s2 =	simm.s32 $0x10;
	s3 =	simm.s32 $0x10  }
.LBB2_4:
0x20: {  	v6 =	vmul.f32 v5, v4;
	v4 =	vld [tilespmem:s3+$0x0];
	s1 =	sadd.s32 $0x10, s1;
	s4 =	smov.u32 s2;
	p0 =	sne.s32 s2, $0x1FF0  }
.Ltmp1:
0x21: {  	s2 =	sadd.s32 $0x10, s2;
	v5 =	vld [tilespmem:s1+$0x0];
	(pc) =	sbr.rel @p0 .LBB2_4-.Ltmp1, $3  }
0x22: {  	v7 =	vor.u32 s0, v1;
	s0 =	smov.u32 s4;
	vm0 =	vgt.f32 v6, v3  }
0x23: {  	v3 =	vsel vm0, v6, v3;
	v2 =	vsel vm0, v7, v2;
	_ =	sdelay $0x1  }
0x24: {  	s3 =	sadd.s32 $0x10, s3  }
0x25: {  	v4 =	vmul.f32 v5, v4;
	_ =	sdelay $0x1  }
0x26: {  	vm0 =	vgt.f32 v4, v3  }
0x27: {  	v3 =	vsel vm0, v4, v3  }
0x28: {  	(xrf0) =	vmax.scan.msk.f32 $0xffff, v3;
	_ =	sdelay $0x5  }
0x29: {  	v62, _, _ =	vpop (xrf0)  }
0x2a: {  	v63 =	vor.u32 s0, v1;
	v4 =	vbroadcast v62, $0xF  }
0x2b: {  	v2 =	vsel vm0, v63, v2  }
0x2c: {  	v2 =	vxor.u32 $0x80000000, v2;
	vm15 =	veq.f32 v3, v4  }
0x2d: {  	v2 =	vnsel vm15, $0xC0000000, v2  }
0x2e: {  	(xrf0) =	vmin.scan.msk.u32 $0xffff, v2;
	_ =	sdelay $0x5  }
0x2f: {  	v2, _, _ =	vpop (xrf0)  }
0x30: {  	(v2sf) =	vpush v2, $0xF;
	_ =	sdelay $0xe  }
0x31: {  	s1 =	simm.s32 $0x0;
	s0 =	spop (v2sf)  }
.LBB2_6:
0x32: {  	s3 =	sadd.s32 $0x1, s1  }
0x33: {  	s4 =	rddreg [dreg:$0xa];
	s2 =	sshll.u32 s3, $0xD  }
0x34: {  	[dreg:$0x12] =	wrdreg s3;
	s3 =	sshll.u32 s3, $0x7;
	s2 =	sand.u32 $0xF0000, s2  }
0x35: {  	s15 =	rddreg [dreg:$0x9];
	s3 =	sand.u32 $0x380, s3;
	s2 =	sadd.s32 s4, s2  }
0x36: {  	s16 =	simm.s32 $0x80;
	s17 =	simm.s32 $0x400;
	s2 =	sor.u32 s3, s2  }
0x37: {  	s5 =	simm.s32 $0x2000;
	s0 =	sshll.u32 s0, $0x7;
	s2 =	sshrl.u32 s2, $0x3  }
0x38: {  	s19 =	rddreg [dreg:$0xd];
	s18 =	sand.u32 $0xFFFFFC00, s0;
	s2 =	sadd.s32 s15, s2  }
0x39: {  	[tilespmem:s5], [sflag:$0x3] =	stream.strided.gather [hbm4b:s2+s16], $0x2000, s17, s16, $0x38;
	[tilespmem:$0x14280] =	vst v63  }
0x3a: {  	s0 =	sand.u32 $0x380, s0;
	s2 =	sadd.s32 s19, s18  }
0x3b: {  	s0 =	sor.u32 s0, s2  }
0x3c: {  	s20 =	rddreg [dreg:$0x8];
	s21 =	simm.s32 $0x14200;
	s0 =	sshrl.u32 s0, $0x3  }
0x3d: {  	s22 =	simm.s32 $0x0;
	s23 =	simm.s32 $0x4;
	s0 =	sadd.s32 s20, s0  }
0x3e: {  	[tilespmem:s21], [sflag:$0x4] =	stream.linear.gather [hbm4b:s0+s22], $0x80, $0x38;
	[tilespmem:$0x14280] =	vst v63  }
0x3f: {  	_ =	swait.ge [sflag:s23], $0x80  }
0x40: {  	s24 =	sshll.u32 s1, $0x4;
	[sflag:s23] =	ssyncset.done $0x0;
	s25 =	rddreg [dreg:$0xe]  }
0x41: {  	[sflag:s23] =	ssyncadd.s32 $0xFFFFFF80;
	s0 =	sadd.s32 s24, s25  }
0x42: {  	[hbm4b:s0+s22] =	stream.linear.scatter [tilespmem:s21], [sflag:$0x4], $0x80, $0x38;
	[tilespmem:$0x14280] =	vst v63  }
0x43: {  	_ =	swait.ge [sflag:s23], $0x80  }
0x44: {  	[sflag:s23] =	ssyncset.done $0x0  }
0x45: {  	s26 =	simm.s32 $0x3;
	s28 =	simm.s32 $0x10;
	[sflag:s23] =	ssyncadd.s32 $0xFFFFFF80  }
0x46: {  	s29 =	simm.s32 $0x2010;
	_ =	swait.ge [sflag:s26], $0x2000;
	[dreg:$0x13] =	wrdreg s28  }
0x47: {  	s30 =	simm.s32 $0x210;
	s31 =	simm.s32 $0x2210;
	[dreg:$0x14] =	wrdreg s29  }
0x48: {  	s6 =	simm.s32 $0x0;
	[dreg:$0x15] =	wrdreg s30;
	[sflag:s26] =	ssyncset.done $0x0  }
0x49: {  	v2 =	vimm.f32 $-1.000000000e+00;
	v3 =	vimm.s32 $0x0;
	s1 =	simm.s32 $0x0;
	[dreg:$0x16] =	wrdreg s31;
	[sflag:s26] =	ssyncadd.s32 $0xFFFFE000  }
.LBB2_7:
0x4a: {  	[dreg:$0x4] =	wrdreg s6  }
0x4b: {  	[dreg:$0x17] =	wrdreg s1  }
0x4c: {  	s0 =	sshll.u32 s1, $0xA;
	s12 =	rddreg [dreg:$0xb]  }
0x4d: {  	s13 =	simm.s32 $0x1000;
	s2 =	simm.s32 $0x10000;
	s0 =	sadd.s32 s0, s12  }
0x4e: {  	s3 =	simm.s32 $0xC000;
	s14 =	simm.s32 $0x1;
	s0 =	sadd.s32 $0x200, s0  }
0x4f: {  	[tilespmem:s3], [sflag:$0x2] =	stream.strided.gather [hbm4b:s0+s13], $0x8000, s2, s13, $0x38;
	[tilespmem:$0x14280] =	vst v63  }
0x50: {  	s11 =	simm.s32 $0x0;
	_ =	swait.ge [sflag:s14], $0x8000  }
0x51: {  	s4 =	sand.u32 $0xC00, s11;
	[sflag:s14] =	ssyncset.done $0x0  }
0x52: {  	s15 =	sand.u32 $0x60, s11;
	s5 =	sor.u32 $0x4000, s4;
	[sflag:s14] =	ssyncadd.s32 $0xFFFF8000  }
0x53: {  	s7 =	sor.u32 s15, s5;
	v7 =	vld [tilespmem:$0x14200]  }
0x54: {  	s18 =	sor.u32 $0x5100, s4;
	s8 =	sor.u32 $0x10, s15;
	v6 =	vld [tilespmem:s7+$0x200]  }
0x55: {  	s19 =	sor.u32 $0x5080, s4;
	s20 =	sor.u32 s8, s18;
	v20 =	vld [tilespmem:s7+$0x0]  }
0x56: {  	s9 =	sor.u32 $0x5180, s4;
	s10 =	sor.u32 s8, s19;
	v23 =	vld [tilespmem:s20+$0x0]  }
0x57: {  	s12 =	sor.u32 s8, s9;
	v25 =	vld [tilespmem:s10+$0x0]  }
0x58: {  	s21 =	sor.u32 $0x5000, s4;
	s22 =	sor.u32 s8, s5;
	v21 =	vld [tilespmem:s12+$0x0]  }
0x59: {  	s23 =	sor.u32 s8, s21;
	v22 =	vld [tilespmem:s22+$0x180]  }
0x5a: {  	v29 =	vld [tilespmem:s23+$0x0]  }
0x5b: {  	v24 =	vld [tilespmem:s22+$0x380]  }
0x5c: {  	v27 =	vld [tilespmem:s22+$0x100];
	v8 =	vbroadcast v7, $0x0  }
0x5d: {  	v28 =	vld [tilespmem:s22+$0x80];
	v9 =	vbroadcast v7, $0x1;
	v10 =	vbroadcast v7, $0x2  }
0x5e: {  	v30 =	vld [tilespmem:s7+$0x280];
	v11 =	vbroadcast v7, $0x3;
	v12 =	vbroadcast v7, $0x4  }
0x5f: {  	v31 =	vld [tilespmem:s7+$0x80];
	v13 =	vbroadcast v7, $0x5;
	v14 =	vbroadcast v7, $0x6  }
0x60: {  	v34 =	vld [tilespmem:s22+$0x300];
	v15 =	vbroadcast v7, $0x7;
	v19 =	vbroadcast v7, $0xB  }
0x61: {  	v35 =	vld [tilespmem:s7+$0x180];
	v17 =	vbroadcast v7, $0x8;
	v16 =	vbroadcast v7, $0x9;
	v32 =	vsub.f32 v6, v12  }
0x62: {  	s10 =	sor.u32 s15, s21;
	v33 =	vld [tilespmem:s22+$0x280];
	v18 =	vbroadcast v7, $0xA;
	v22 =	vsub.f32 v22, v11;
	v21 =	vsub.f32 v21, v19  }
0x63: {  	v26 =	vld [tilespmem:s10+$0x0];
	v5 =	vbroadcast v7, $0xC;
	v24 =	vsub.f32 v24, v15;
	v36 =	vsub.f32 v20, v8  }
0x64: {  	v39 =	vld [tilespmem:s7+$0x100];
	v4 =	vbroadcast v7, $0xD;
	v20 =	vsub.f32 v28, v9;
	v27 =	vsub.f32 v27, v10  }
0x65: {  	v37 =	vld [tilespmem:s22+$0x200];
	v6 =	vbroadcast v7, $0xE;
	v30 =	vsub.f32 v30, v13;
	v23 =	vsub.f32 v23, v18  }
0x66: {  	s26 =	sor.u32 s15, s9;
	v40 =	vld [tilespmem:s7+$0x380];
	v7 =	vbroadcast v7, $0xF;
	v34 =	vsub.f32 v34, v14;
	v35 =	vsub.f32 v35, v11  }
0x67: {  	s3 =	sor.u32 s15, s18;
	v43 =	vld [tilespmem:s26+$0x0];
	v45 =	vsub.f32 v25, v16;
	v38 =	vmul.f32 v32, v32;
	v22 =	vmul.f32 v22, v22  }
0x68: {  	v48 =	vld [tilespmem:s3+$0x0];
	v47 =	vsub.f32 v26, v17;
	v21 =	vmul.f32 v21, v21;
	v24 =	vmul.f32 v24, v24  }
0x69: {  	v41 =	vld [tilespmem:s22+$0x0];
	v25 =	vsub.f32 v33, v13;
	v20 =	vmul.f32 v20, v20;
	v42 =	vmul.f32 v36, v36  }
0x6a: {  	s24 =	sor.u32 $0x5300, s4;
	s28 =	sor.u32 $0x5280, s4;
	s0 =	sor.u32 s15, s19;
	v32 =	vld [tilespmem:s7+$0x300];
	v44 =	vmul.f32 v27, v27;
	v27 =	vsub.f32 v31, v9;
	v46 =	vmul.f32 v34, v34  }
0x6b: {  	s29 =	sor.u32 $0x5200, s4;
	s31 =	sor.u32 $0x5380, s4;
	s25 =	sor.u32 s8, s24;
	v34 =	vsub.f32 v37, v12;
	v37 =	vmul.f32 v23, v23;
	v31 =	vsub.f32 v40, v15;
	v40 =	vld [tilespmem:s0+$0x0]  }
0x6c: {  	s5 =	simm.s32 $0x0;
	s30 =	sor.u32 s15, s28;
	s16 =	sor.u32 s8, s29;
	v28 =	vld [tilespmem:s25+$0x0];
	v29 =	vsub.f32 v29, v17;
	v26 =	vmul.f32 v35, v35;
	v23 =	vmul.f32 v45, v45  }
0x6d: {  	s13 =	sor.u32 s15, s31;
	s4 =	sor.u32 s8, s28;
	s0 =	sor.u32 s15, s29;
	v36 =	vmul.f32 v27, v27;
	v27 =	vsub.f32 v39, v10;
	v35 =	vadd.f32 v38, v42;
	v42 =	vld [tilespmem:s30+$0x0]  }
0x6e: {  	s17 =	sor.u32 s8, s31;
	s6 =	sor.u32 s15, s24;
	s9 =	simm.s32 $0x100;
	v45 =	vsub.f32 v43, v19;
	v43 =	vsub.f32 v48, v18;
	v38 =	vmul.f32 v30, v30;
	v30 =	vld [tilespmem:s0+$0x0]  }
0x6f: {  	s19 =	simm.s32 $0x0;
	s12 =	simm.s32 $0x14000;
	s10 =	simm.s32 $0x14020;
	v39 =	vmul.f32 v47, v47;
	v44 =	vadd.f32 v46, v44;
	v33 =	vmul.f32 v27, v27;
	v27 =	vld [tilespmem:s13+$0x0]  }
.LBB2_8:
0x70: {  	s25 =	sand.u32 $0xC00, s9;
	s5 =	sadd.s32 $0x2, s5;
	v32 =	vsub.f32 v32, v14;
	v40 =	vsub.f32 v40, v16;
	v45 =	vmul.f32 v45, v45;
	v46 =	vld [tilespmem:s16+$0x0];
	s11 =	sadd.s32 $0x20, s11  }
0x71: {  	v34 =	vmul.f32 v34, v34;
	s18 =	sand.u32 $0x60, s11;
	s0 =	sor.u32 $0x4000, s25;
	s1 =	sor.u32 $0x5200, s25;
	v47 =	vld [tilespmem:s6+$0x0];
	v41 =	vsub.f32 v41, v8;
	v37 =	vadd.f32 v37, v44  }
0x72: {  	v28 =	vsub.f32 v28, v6;
	s3 =	sor.u32 $0x5100, s25;
	s6 =	sor.u32 $0x5180, s25;
	s28 =	sor.u32 s18, s0;
	v40 =	vmul.f32 v40, v40;
	v42 =	vsub.f32 v42, v4;
	v44 =	vld [tilespmem:s17+$0x0]  }
0x73: {  	v36 =	vadd.f32 v38, v36;
	v22 =	vadd.f32 v24, v22;
	s7 =	sor.u32 $0x5000, s25;
	s14 =	sor.u32 $0x5080, s25;
	v38 =	vmul.f32 v43, v43;
	s20 =	sor.u32 $0x10, s18;
	v48 =	vld [tilespmem:s28+$0x200]  }
0x74: {  	v31 =	vmul.f32 v31, v31;
	v35 =	vadd.f32 v39, v35;
	s17 =	sor.u32 s18, s7;
	v32 =	vmul.f32 v32, v32;
	s21 =	sor.u32 s20, s0;
	s0 =	sor.u32 s20, s3;
	v24 =	vld [tilespmem:s28+$0x0]  }
0x75: {  	s22 =	sor.u32 s20, s14;
	s23 =	sor.u32 s20, s6;
	s16 =	sor.u32 s20, s1;
	v36 =	vadd.f32 v40, v36;
	v39 =	vmul.f32 v42, v42;
	v40 =	vsub.f32 v46, v5;
	v42 =	vld [tilespmem:s4+$0x0]  }
0x76: {  	s15 =	sor.u32 s18, s3;
	s13 =	sor.u32 s18, s6;
	v26 =	vadd.f32 v31, v26;
	s3 =	sor.u32 s20, s7;
	v31 =	vmul.f32 v41, v41;
	v32 =	vadd.f32 v32, v33;
	v43 =	vld [tilespmem:s0+$0x0]  }
0x77: {  	s26 =	sor.u32 s18, s1;
	v21 =	vadd.f32 v21, v22;
	v22 =	vmul.f32 v28, v28;
	s7 =	sor.u32 s18, s14;
	s0 =	sor.u32 $0x5280, s25;
	v33 =	vld [tilespmem:s22+$0x0];
	v28 =	vsub.f32 v44, v7  }
0x78: {  	v29 =	vmul.f32 v29, v29;
	p0 =	slt.u32 s5, $0x1E;
	v26 =	vadd.f32 v45, v26;
	v32 =	vadd.f32 v38, v32;
	s1 =	sor.u32 s18, s0;
	s4 =	sor.u32 s20, s0;
	v41 =	vld [tilespmem:s23+$0x0]  }
0x79: {  	v25 =	vmul.f32 v25, v25;
	v27 =	vsub.f32 v27, v7;
	v30 =	vsub.f32 v30, v5;
	v38 =	vld [tilespmem:s21+$0x180]  }
0x7a: {  	v31 =	vadd.f32 v34, v31;
	v45 =	vsub.f32 v47, v6;
	s0 =	sor.u32 $0x5380, s25;
	v28 =	vmul.f32 v28, v28;
	v44 =	vld [tilespmem:s3+$0x0]  }
0x7b: {  	v27 =	vmul.f32 v27, v27;
	v36 =	vadd.f32 v39, v36;
	s22 =	sor.u32 s18, s0;
	v39 =	vsub.f32 v42, v4;
	v34 =	vld [tilespmem:s17+$0x0];
	s17 =	sor.u32 s20, s0  }
0x7c: {  	v37 =	vadd.f32 v22, v37;
	v45 =	vmul.f32 v45, v45;
	v42 =	vsub.f32 v48, v12;
	v46 =	vld [tilespmem:s21+$0x380]  }
0x7d: {  	v20 =	vadd.f32 v25, v20;
	v22 =	vmul.f32 v30, v30;
	v26 =	vadd.f32 v27, v26;
	v47 =	vld [tilespmem:s21+$0x100]  }
0x7e: {  	v29 =	vadd.f32 v29, v31;
	v27 =	vmul.f32 v42, v42;
	v25 =	vld [tilespmem:s21+$0x80];
	v30 =	vsub.f32 v38, v11  }
0x7f: {  	v35 =	vadd.f32 v22, v35;
	v32 =	vadd.f32 v45, v32;
	v31 =	vld [tilespmem:s28+$0x280]  }
0x80: {  	v20 =	vadd.f32 v23, v20;
	v38 =	vld [tilespmem:s28+$0x80];
	v22 =	vmul.f32 v30, v30;
	v30 =	vsub.f32 v41, v19  }
0x81: {  	v28 =	vadd.f32 v28, v21;
	v39 =	vmul.f32 v39, v39;
	v23 =	vld [tilespmem:s21+$0x280];
	v41 =	vsub.f32 v46, v15  }
0x82: {  	v35 =	vadd.f32 v36, v35;
	v36 =	vmul.f32 v40, v40;
	v42 =	vsub.f32 v24, v8;
	v45 =	vld [tilespmem:s21+$0x300]  }
0x83: {  	v21 =	vmul.f32 v30, v30;
	v30 =	vadd.f32 v39, v20;
	v40 =	vld [tilespmem:s28+$0x180];
	v25 =	vsub.f32 v25, v9  }
0x84: {  	v29 =	vadd.f32 v36, v29;
	v46 =	vsub.f32 v47, v10;
	v24 =	vmul.f32 v41, v41;
	v39 =	vld [tilespmem:s28+$0x100]  }
0x85: {  	v36 =	vadd.f32 v28, v37;
	v47 =	vsub.f32 v31, v13;
	v31 =	vld [tilespmem:s21+$0x200]  }
0x86: {  	s0 =	sor.u32 $0x5300, s25;
	v26 =	vadd.f32 v26, v32;
	v20 =	vmul.f32 v25, v25;
	v25 =	vsub.f32 v43, v18;
	v41 =	vld [tilespmem:s28+$0x380]  }
0x87: {  	s6 =	sor.u32 s18, s0;
	s0 =	sor.u32 s20, s0;
	v42 =	vmul.f32 v42, v42;
	v29 =	vadd.f32 v30, v29;
	v32 =	vld [tilespmem:s28+$0x300];
	v37 =	vsub.f32 v45, v14  }
0x88: {  	v26 =	vadd.f32 v26, v35;
	v46 =	vmul.f32 v46, v46;
	v30 =	vsub.f32 v40, v11;
	v28 =	vld [tilespmem:s0+$0x0]  }
0x89: {  	v33 =	vsub.f32 v33, v16;
	v35 =	vsub.f32 v38, v9;
	v43 =	vld [tilespmem:s13+$0x0];
	v48 =	vmul.f32 v37, v37  }
0x8a: {  	v49 =	vsub.f32 v34, v17;
	v37 =	vmul.f32 v25, v25;
	v50 =	vld [tilespmem:s15+$0x0];
	v34 =	vsub.f32 v31, v12;
	[tilespmem:s12+$0x0] =	vst v26;
	s12 =	smov.u32 s10  }
.Ltmp2:
0x8b: {  	v29 =	vadd.f32 v36, v29;
	s0 =	sand.u32 $0x180, s19;
	s19 =	smov.u32 s11;
	v26 =	vmul.f32 v30, v30;
	v31 =	vsub.f32 v41, v15;
	v40 =	vld [tilespmem:s7+$0x0];
	(pc) =	sbr.rel @p0 .LBB2_8-.Ltmp2, $4  }
0x8c: {  	v36 =	vmul.f32 v35, v35;
	v25 =	vsub.f32 v23, v13;
	s0 =	sor.u32 s8, s0;
	s8 =	smov.u32 s20;
	v30 =	vsub.f32 v39, v10;
	v41 =	vld [tilespmem:s21+$0x0]  }
0x8d: {  	v38 =	vmul.f32 v47, v47;
	v35 =	vadd.f32 v27, v42;
	v23 =	vmul.f32 v33, v33;
	v42 =	vld [tilespmem:s1+$0x0];
	[tilespmem:s0+$0x14000] =	vst v29  }
0x8e: {  	v33 =	vmul.f32 v30, v30;
	v29 =	vsub.f32 v44, v17;
	v45 =	vsub.f32 v43, v19;
	v27 =	vld [tilespmem:s22+$0x0]  }
0x8f: {  	s9 =	sadd.s32 $0x100, s9;
	v39 =	vmul.f32 v49, v49;
	s10 =	sadd.s32 $0x20, s10;
	v44 =	vadd.f32 v48, v46;
	v43 =	vsub.f32 v50, v18;
	v30 =	vld [tilespmem:s26+$0x0]  }
0x90: {  	v9 =	vsub.f32 v32, v14;
	v10 =	vsub.f32 v40, v16  }
0x91: {  	v16 =	vsub.f32 v28, v6;
	v18 =	vadd.f32 v38, v36  }
0x92: {  	v11 =	vmul.f32 v45, v45;
	v12 =	vld [tilespmem:s16+$0x0];
	v22 =	vadd.f32 v24, v22;
	v8 =	vsub.f32 v41, v8  }
0x93: {  	v17 =	vld [tilespmem:s17+$0x0];
	v28 =	vmul.f32 v31, v31;
	v14 =	vadd.f32 v37, v44;
	v31 =	vadd.f32 v39, v35  }
0x94: {  	v24 =	vld [tilespmem:s6+$0x0];
	v15 =	vsub.f32 v42, v4;
	v10 =	vmul.f32 v10, v10;
	v9 =	vmul.f32 v9, v9  }
0x95: {  	v13 =	vmul.f32 v34, v34;
	v26 =	vadd.f32 v28, v26;
	v21 =	vadd.f32 v21, v22  }
0x96: {  	v19 =	vmul.f32 v43, v43;
	v10 =	vadd.f32 v10, v18;
	v9 =	vadd.f32 v9, v33  }
0x97: {  	v16 =	vmul.f32 v16, v16;
	v18 =	vld [tilespmem:s4+$0x0];
	v11 =	vadd.f32 v11, v26;
	v12 =	vsub.f32 v12, v5  }
0x98: {  	v8 =	vmul.f32 v8, v8;
	v17 =	vsub.f32 v17, v7;
	v7 =	vsub.f32 v27, v7  }
0x99: {  	v22 =	vmul.f32 v25, v25;
	v5 =	vsub.f32 v30, v5;
	v6 =	vsub.f32 v24, v6  }
0x9a: {  	v15 =	vmul.f32 v15, v15;
	v8 =	vadd.f32 v13, v8;
	v13 =	vadd.f32 v16, v14  }
0x9b: {  	v9 =	vadd.f32 v19, v9;
	v19 =	vmul.f32 v29, v29;
	v7 =	vmul.f32 v7, v7  }
0x9c: {  	v10 =	vadd.f32 v15, v10;
	v5 =	vmul.f32 v5, v5;
	v4 =	vsub.f32 v18, v4  }
0x9d: {  	v14 =	vmul.f32 v17, v17;
	v7 =	vadd.f32 v7, v11;
	v11 =	vadd.f32 v22, v20  }
0x9e: {  	v6 =	vmul.f32 v6, v6;
	v12 =	vmul.f32 v12, v12;
	v8 =	vadd.f32 v19, v8  }
0x9f: {  	v5 =	vadd.f32 v5, v31;
	v11 =	vadd.f32 v23, v11;
	v4 =	vmul.f32 v4, v4  }
0xa0: {  	v6 =	vadd.f32 v6, v9;
	v9 =	vadd.f32 v14, v21  }
0xa1: {  	v8 =	vadd.f32 v12, v8;
	v4 =	vadd.f32 v4, v11  }
0xa2: {  	v5 =	vadd.f32 v10, v5;
	v6 =	vadd.f32 v7, v6  }
0xa3: {  	v7 =	vadd.f32 v9, v13;
	v4 =	vadd.f32 v4, v8  }
0xa4: {  	v5 =	vadd.f32 v6, v5  }
0xa5: {  	s0 =	sand.u32 $0x180, s19;
	s11 =	simm.s32 $0x0;
	v4 =	vadd.f32 v7, v4  }
0xa6: {  	s0 =	sor.u32 s8, s0;
	s5 =	sand.u32 $0xC00, s11;
	[tilespmem:s12+$0x0] =	vst v5  }
0xa7: {  	s1 =	sand.u32 $0x60, s11;
	s4 =	sor.u32 $0x6080, s5;
	[tilespmem:s0+$0x14000] =	vst v4  }
0xa8: {  	s7 =	sor.u32 $0x6100, s5;
	s3 =	sor.u32 s1, s4;
	v9 =	vld [tilespmem:$0x14210]  }
0xa9: {  	s9 =	sor.u32 $0x6180, s5;
	s24 =	sor.u32 s1, s7;
	v21 =	vld [tilespmem:s3+$0x0]  }
0xaa: {  	s25 =	sor.u32 $0x7000, s5;
	s10 =	sor.u32 s1, s9;
	v13 =	vld [tilespmem:s24+$0x0]  }
0xab: {  	s8 =	sor.u32 $0x10, s1;
	s26 =	sor.u32 $0x6300, s5;
	s28 =	sor.u32 s1, s25;
	v23 =	vld [tilespmem:s10+$0x0]  }
0xac: {  	s29 =	sor.u32 $0x6380, s5;
	s13 =	sor.u32 s8, s26;
	v24 =	vld [tilespmem:s28+$0x0]  }
0xad: {  	s6 =	sor.u32 $0x7080, s5;
	s14 =	sor.u32 s1, s29;
	v25 =	vld [tilespmem:s13+$0x0]  }
0xae: {  	s31 =	sor.u32 $0x6280, s5;
	s30 =	sor.u32 s1, s6;
	v6 =	vld [tilespmem:s14+$0x0]  }
0xaf: {  	s2 =	sor.u32 s8, s31;
	v20 =	vld [tilespmem:s30+$0x0]  }
0xb0: {  	s9 =	sor.u32 s8, s9;
	v27 =	vld [tilespmem:s2+$0x0]  }
0xb1: {  	s17 =	sor.u32 $0x6000, s5;
	s15 =	sor.u32 s1, s31;
	v29 =	vld [tilespmem:s9+$0x0]  }
0xb2: {  	s18 =	sor.u32 s8, s17;
	v31 =	vld [tilespmem:s15+$0x0]  }
0xb3: {  	s20 =	sor.u32 $0x7100, s5;
	s19 =	sor.u32 s1, s26;
	v56 =	vld [tilespmem:s18+$0x0]  }
0xb4: {  	s21 =	sor.u32 s8, s20;
	v57 =	vld [tilespmem:s19+$0x0]  }
0xb5: {  	s22 =	sor.u32 s1, s17;
	v58 =	vld [tilespmem:s21+$0x0]  }
0xb6: {  	s10 =	sor.u32 s8, s29;
	v60 =	vld [tilespmem:s22+$0x0]  }
0xb7: {  	s13 =	sor.u32 $0x6200, s5;
	v26 =	vld [tilespmem:s10+$0x0];
	s10 =	sor.u32 s8, s7;
	v8 =	vbroadcast v9, $0x0;
	v4 =	vbroadcast v9, $0x1  }
0xb8: {  	s0 =	sor.u32 $0x7180, s5;
	s16 =	sor.u32 s8, s13;
	v30 =	vld [tilespmem:s10+$0x0];
	v10 =	vbroadcast v9, $0x2;
	v16 =	vbroadcast v9, $0x7  }
0xb9: {  	s23 =	sor.u32 s1, s0;
	v50 =	vld [tilespmem:s16+$0x0];
	v11 =	vbroadcast v9, $0x3;
	v17 =	vbroadcast v9, $0x8  }
0xba: {  	v22 =	vld [tilespmem:s23+$0x0];
	s7 =	sor.u32 s1, s13;
	v12 =	vbroadcast v9, $0x4;
	v15 =	vbroadcast v9, $0x6;
	v59 =	vsub.f32 v6, v16  }
0xbb: {  	s12 =	sor.u32 s8, s4;
	v51 =	vld [tilespmem:s7+$0x0];
	v14 =	vbroadcast v9, $0x5;
	v61 =	vsub.f32 v13, v10;
	v24 =	vsub.f32 v24, v17  }
0xbc: {  	v49 =	vld [tilespmem:s12+$0x0];
	s23 =	sor.u32 s1, s20;
	v5 =	vbroadcast v9, $0x9;
	v25 =	vsub.f32 v25, v15;
	v21 =	vsub.f32 v21, v4  }
0xbd: {  	s3 =	sor.u32 s8, s25;
	v62 =	vld [tilespmem:s23+$0x0];
	v19 =	vbroadcast v9, $0xB;
	v23 =	vsub.f32 v23, v11;
	v31 =	vsub.f32 v31, v14  }
0xbe: {  	s26 =	sor.u32 $0x7300, s5;
	s0 =	sor.u32 s8, s0;
	v28 =	vld [tilespmem:s3+$0x0];
	v18 =	vbroadcast v9, $0xA;
	v30 =	vsub.f32 v30, v10;
	v32 =	vsub.f32 v50, v12  }
0xbf: {  	s24 =	sor.u32 $0x7200, s5;
	s30 =	sor.u32 s8, s26;
	v63 =	vld [tilespmem:s0+$0x0];
	v7 =	vbroadcast v9, $0xC;
	v22 =	vsub.f32 v22, v19;
	v29 =	vsub.f32 v29, v11  }
0xc0: {  	s25 =	sor.u32 s8, s24;
	v54 =	vld [tilespmem:s30+$0x0];
	v6 =	vbroadcast v9, $0xD;
	v34 =	vsub.f32 v56, v8;
	v33 =	vsub.f32 v51, v12  }
0xc1: {  	s29 =	sor.u32 $0x7280, s5;
	v52 =	vld [tilespmem:s25+$0x0];
	s7 =	sor.u32 s1, s24;
	v13 =	vbroadcast v9, $0xE;
	v26 =	vsub.f32 v26, v16;
	v35 =	vsub.f32 v57, v15  }
0xc2: {  	s5 =	sor.u32 $0x7380, s5;
	s31 =	sor.u32 s8, s29;
	v47 =	vld [tilespmem:s7+$0x0];
	v9 =	vbroadcast v9, $0xF;
	v36 =	vsub.f32 v58, v18;
	v40 =	vsub.f32 v62, v18  }
0xc3: {  	s2 =	sor.u32 s8, s5;
	v55 =	vld [tilespmem:s31+$0x0];
	v27 =	vsub.f32 v27, v14;
	v28 =	vsub.f32 v28, v17;
	v37 =	vmul.f32 v59, v59  }
0xc4: {  	s13 =	simm.s32 $0x100;
	v46 =	vld [tilespmem:s2+$0x0];
	s10 =	sor.u32 s8, s6;
	v41 =	vsub.f32 v63, v19;
	v39 =	vmul.f32 v61, v61;
	v30 =	vmul.f32 v30, v30  }
0xc5: {  	s4 =	simm.s32 $0x20;
	s28 =	sor.u32 s1, s26;
	v48 =	vld [tilespmem:s10+$0x0];
	s10 =	sand.u32 $0xC00, s13;
	v38 =	vsub.f32 v60, v8;
	v21 =	vmul.f32 v21, v21;
	v29 =	vmul.f32 v29, v29  }
0xc6: {  	v53 =	vld [tilespmem:s28+$0x0];
	s14 =	sor.u32 s1, s5;
	s5 =	sand.u32 $0x60, s4;
	s21 =	sor.u32 $0x7000, s10;
	v42 =	vsub.f32 v52, v7;
	v25 =	vmul.f32 v25, v25;
	v34 =	vmul.f32 v34, v34  }
0xc7: {  	s17 =	sor.u32 $0x10, s5;
	s30 =	sor.u32 $0x6280, s10;
	s24 =	sor.u32 s5, s21;
	v56 =	vld [tilespmem:s14+$0x0];
	v62 =	vsub.f32 v47, v7;
	v26 =	vmul.f32 v26, v26;
	v35 =	vmul.f32 v35, v35  }
0xc8: {  	s31 =	sor.u32 s17, s30;
	v50 =	vld [tilespmem:s24+$0x0];
	v36 =	vmul.f32 v36, v36;
	v41 =	vmul.f32 v41, v41;
	v44 =	vsub.f32 v54, v13  }
0xc9: {  	s25 =	sor.u32 $0x6380, s10;
	s12 =	sor.u32 s17, s21;
	v51 =	vld [tilespmem:s31+$0x0];
	v46 =	vsub.f32 v46, v9;
	v33 =	vmul.f32 v33, v33;
	v57 =	vmul.f32 v38, v38  }
0xca: {  	s3 =	sor.u32 s1, s29;
	s1 =	sor.u32 $0x7180, s10;
	s28 =	sor.u32 s5, s25;
	v52 =	vld [tilespmem:s12+$0x0];
	v45 =	vsub.f32 v55, v6;
	v59 =	vsub.f32 v20, v5;
	v24 =	vmul.f32 v24, v24  }
0xcb: {  	s18 =	sor.u32 s5, s1;
	s1 =	sor.u32 s17, s1;
	v23 =	vmul.f32 v23, v23;
	v60 =	vsub.f32 v53, v13;
	v61 =	vld [tilespmem:s28+$0x0];
	v26 =	vadd.f32 v26, v29  }
0xcc: {  	v40 =	vmul.f32 v40, v40;
	v55 =	vld [tilespmem:s1+$0x0];
	v35 =	vadd.f32 v35, v39;
	v25 =	vadd.f32 v25, v30  }
0xcd: {  	s20 =	sor.u32 $0x6180, s10;
	v29 =	vmul.f32 v31, v31;
	v31 =	vld [tilespmem:s3+$0x0];
	v33 =	vadd.f32 v33, v57;
	v23 =	vadd.f32 v37, v23  }
0xce: {  	s9 =	sor.u32 $0x6080, s10;
	s7 =	sor.u32 s17, s20;
	v30 =	vmul.f32 v32, v32;
	v32 =	vld [tilespmem:s18+$0x0];
	v39 =	vsub.f32 v56, v9;
	v56 =	vsub.f32 v48, v5  }
0xcf: {  	s16 =	sor.u32 $0x6100, s10;
	s15 =	sor.u32 s5, s9;
	v58 =	vmul.f32 v46, v46;
	v46 =	vld [tilespmem:s7+$0x0];
	v43 =	vsub.f32 v50, v17;
	v48 =	vsub.f32 v51, v14  }
0xd0: {  	s19 =	sor.u32 s5, s16;
	v22 =	vmul.f32 v22, v22;
	v21 =	vadd.f32 v29, v21;
	v29 =	vld [tilespmem:s15+$0x0];
	v26 =	vadd.f32 v41, v26  }
0xd1: {  	s23 =	sor.u32 $0x6300, s10;
	s22 =	sor.u32 s5, s20;
	v44 =	vmul.f32 v44, v44;
	v41 =	vld [tilespmem:s19+$0x0];
	v25 =	vadd.f32 v36, v25;
	v30 =	vadd.f32 v30, v34  }
0xd2: {  	s26 =	sor.u32 s17, s23;
	s18 =	sor.u32 $0x7080, s10;
	v63 =	vmul.f32 v59, v59;
	v34 =	vld [tilespmem:s22+$0x0];
	v24 =	vadd.f32 v24, v33;
	v35 =	vadd.f32 v40, v35  }
0xd3: {  	s29 =	sor.u32 s5, s18;
	v36 =	vld [tilespmem:s26+$0x0];
	v22 =	vadd.f32 v22, v23;
	v23 =	vmul.f32 v62, v62;
	v51 =	vsub.f32 v55, v19  }
0xd4: {  	s13 =	sor.u32 s17, s25;
	v28 =	vmul.f32 v28, v28;
	v20 =	vld [tilespmem:s29+$0x0];
	v25 =	vadd.f32 v44, v25;
	v26 =	vadd.f32 v58, v26  }
0xd5: {  	s0 =	sor.u32 s5, s23;
	s24 =	sor.u32 $0x7280, s10;
	v33 =	vld [tilespmem:s13+$0x0];
	v39 =	vmul.f32 v39, v39;
	v21 =	vadd.f32 v63, v21;
	v47 =	vadd.f32 v23, v24  }
0xd6: {  	v62 =	vld [tilespmem:s0+$0x0];
	s26 =	sor.u32 s17, s24;
	v23 =	vmul.f32 v60, v60;
	v60 =	vsub.f32 v61, v16;
	v58 =	vsub.f32 v49, v4  }
0xd7: {  	s12 =	sor.u32 $0x6000, s10;
	s3 =	sor.u32 s5, s30;
	v38 =	vld [tilespmem:s26+$0x0];
	v31 =	vsub.f32 v31, v6;
	v22 =	vadd.f32 v39, v22  }
0xd8: {  	s14 =	sor.u32 $0x7100, s10;
	v27 =	vmul.f32 v27, v27;
	s13 =	sor.u32 s17, s12;
	v24 =	vld [tilespmem:s3+$0x0];
	v53 =	vadd.f32 v26, v25;
	v26 =	vadd.f32 v28, v30  }
0xd9: {  	s2 =	sor.u32 $0x6200, s10;
	s15 =	sor.u32 s17, s14;
	v61 =	vld [tilespmem:s13+$0x0];
	v30 =	vmul.f32 v42, v42;
	v23 =	vadd.f32 v23, v35;
	v57 =	vsub.f32 v41, v10  }
0xda: {  	s7 =	sor.u32 s17, s2;
	v45 =	vmul.f32 v45, v45;
	v63 =	vld [tilespmem:s15+$0x0];
	v36 =	vsub.f32 v36, v15;
	v29 =	vsub.f32 v29, v4  }
0xdb: {  	s6 =	sor.u32 s17, s16;
	v28 =	vld [tilespmem:s7+$0x0];
	v31 =	vmul.f32 v31, v31;
	v33 =	vsub.f32 v33, v16;
	v49 =	vadd.f32 v30, v26  }
0xdc: {  	v25 =	vld [tilespmem:s6+$0x0];
	s6 =	sor.u32 s5, s2;
	v30 =	vmul.f32 v58, v58;
	v26 =	vsub.f32 v34, v11;
	v54 =	vadd.f32 v22, v23  }
0xdd: {  	s16 =	sor.u32 s5, s12;
	v59 =	vld [tilespmem:s6+$0x0];
	v23 =	vmul.f32 v60, v60;
	v21 =	vadd.f32 v31, v21;
	v40 =	vsub.f32 v24, v14  }
0xde: {  	s20 =	sor.u32 $0x7200, s10;
	s19 =	sor.u32 s5, s14;
	v34 =	vld [tilespmem:s16+$0x0];
	v24 =	vsub.f32 v32, v19;
	v41 =	vmul.f32 v29, v29;
	v29 =	vsub.f32 v61, v8  }
0xdf: {  	s22 =	sor.u32 $0x7300, s10;
	s0 =	sor.u32 s5, s20;
	v60 =	vld [tilespmem:s19+$0x0];
	v31 =	vmul.f32 v56, v56;
	v61 =	vsub.f32 v62, v15;
	v22 =	vadd.f32 v27, v30  }
0xe0: {  	s23 =	sor.u32 s5, s22;
	v37 =	vmul.f32 v57, v57;
	v39 =	vsub.f32 v63, v18;
	v32 =	vld [tilespmem:s0+$0x0];
	v30 =	vsub.f32 v28, v12  }
0xe1: {  	s25 =	sor.u32 $0x7380, s10;
	s1 =	sor.u32 s17, s22;
	v42 =	vmul.f32 v36, v36;
	v27 =	vld [tilespmem:s23+$0x0];
	v28 =	vsub.f32 v46, v11;
	v22 =	vadd.f32 v31, v22  }
0xe2: {  	s28 =	sand.u32 $0x180, s11;
	s29 =	sor.u32 s17, s25;
	v33 =	vmul.f32 v33, v33;
	v25 =	vsub.f32 v25, v10;
	v46 =	vld [tilespmem:s1+$0x0];
	v36 =	vmul.f32 v29, v29  }
0xe3: {  	s31 =	sand.u32 $0x180, s4;
	s12 =	sor.u32 s8, s28;
	v62 =	vadd.f32 v21, v47;
	v47 =	vld [tilespmem:s29+$0x0];
	v56 =	vmul.f32 v28, v28;
	v28 =	vadd.f32 v45, v22  }
0xe4: {  	s9 =	sor.u32 s17, s9;
	s21 =	sor.u32 s17, s20;
	s4 =	sor.u32 s17, s31;
	v29 =	vmul.f32 v43, v43;
	v44 =	vmul.f32 v39, v39;
	v21 =	vld [tilespmem:s12+$0x14000];
	v31 =	vsub.f32 v59, v12  }
0xe5: {  	s11 =	sor.u32 s5, s25;
	s30 =	sor.u32 s17, s18;
	s16 =	simm.s32 $0x14000;
	v35 =	vmul.f32 v25, v25;
	v25 =	vld [tilespmem:s21+$0x0];
	v57 =	vsub.f32 v60, v18;
	v63 =	vadd.f32 v28, v49  }
0xe6: {  	s8 =	simm.s32 $0x14020;
	s10 =	simm.s32 $0x14040;
	s17 =	simm.s32 $0x200;
	v50 =	vmul.f32 v61, v61;
	v22 =	vld [tilespmem:s16+$0x0];
	v45 =	vadd.f32 v54, v62;
	v28 =	vsub.f32 v52, v17  }
0xe7: {  	s7 =	sor.u32 s5, s24;
	s5 =	simm.s32 $0x2;
	s19 =	simm.s32 $0x40;
	v39 =	vmul.f32 v57, v57;
	v49 =	vadd.f32 v33, v56;
	v33 =	vld [tilespmem:s30+$0x0];
	v43 =	vadd.f32 v53, v63  }
.LBB2_10:
0xe8: {  	s25 =	sand.u32 $0x60, s19;
	s20 =	sand.u32 $0xC00, s17;
	s5 =	sadd.s32 $0x2, s5;
	v40 =	vmul.f32 v40, v40;
	v37 =	vadd.f32 v50, v37;
	v50 =	vld [tilespmem:s8+$0x0];
	v51 =	vmul.f32 v51, v51  }
0xe9: {  	v52 =	vsub.f32 v34, v8;
	v34 =	vmul.f32 v48, v48;
	v46 =	vsub.f32 v46, v13;
	s1 =	sor.u32 $0x6000, s20;
	s15 =	sor.u32 $0x6200, s20;
	s13 =	sor.u32 $0x7380, s20;
	v53 =	vld [tilespmem:s9+$0x0]  }
0xea: {  	v26 =	vmul.f32 v26, v26;
	s0 =	sor.u32 $0x6080, s20;
	s18 =	sor.u32 $0x7000, s20;
	s6 =	sor.u32 $0x7200, s20;
	v40 =	vadd.f32 v40, v41;
	v41 =	vsub.f32 v47, v9;
	v47 =	vld [tilespmem:s4+$0x14000]  }
0xeb: {  	v35 =	vadd.f32 v42, v35;
	s23 =	sor.u32 $0x6100, s20;
	s22 =	sor.u32 $0x7180, s20;
	v22 =	vadd.f32 v45, v22;
	s3 =	sor.u32 s25, s0;
	v42 =	vmul.f32 v46, v46;
	v48 =	vld [tilespmem:s7+$0x0]  }
0xec: {  	v30 =	vmul.f32 v30, v30;
	v54 =	vadd.f32 v43, v21;
	s24 =	sor.u32 $0x6180, s20;
	s9 =	sor.u32 s25, s23;
	v46 =	vadd.f32 v51, v49;
	v45 =	vld [tilespmem:s11+$0x0];
	s11 =	sor.u32 s25, s13  }
0xed: {  	v31 =	vmul.f32 v31, v31;
	s26 =	sor.u32 $0x10, s25;
	v35 =	vadd.f32 v44, v35;
	s7 =	sor.u32 s25, s22;
	v41 =	vmul.f32 v41, v41;
	v43 =	vld [tilespmem:s3+$0x0];
	s3 =	sor.u32 s25, s24;
	[tilespmem:s16+$0x0] =	vst v22  }
0xee: {  	s14 =	sor.u32 s25, s15;
	s21 =	sor.u32 s25, s6;
	v49 =	vmul.f32 v52, v52;
	v30 =	vadd.f32 v30, v36;
	v36 =	vsub.f32 v38, v6;
	s16 =	sor.u32 $0x6280, s20;
	v44 =	vld [tilespmem:s7+$0x0];
	[tilespmem:s12+$0x14000] =	vst v54  }
0xef: {  	s28 =	sor.u32 $0x6380, s20;
	v51 =	vsub.f32 v20, v5;
	v35 =	vadd.f32 v42, v35;
	v22 =	vmovc v50;
	s7 =	sor.u32 s25, s1;
	s12 =	sor.u32 $0x6300, s20;
	v38 =	vld [tilespmem:s9+$0x0];
	v21 =	vmov v47  }
0xf0: {  	v20 =	vadd.f32 v31, v49;
	v36 =	vmul.f32 v36, v36;
	s30 =	sor.u32 s26, s16;
	v31 =	vadd.f32 v41, v46;
	s9 =	sor.u32 s25, s18;
	v42 =	vld [tilespmem:s3+$0x0];
	s3 =	sor.u32 s25, s28  }
0xf1: {  	v24 =	vmul.f32 v24, v24;
	v27 =	vsub.f32 v27, v13;
	v25 =	vsub.f32 v25, v7;
	s23 =	sor.u32 s26, s23;
	v41 =	vld [tilespmem:s9+$0x0];
	s9 =	sor.u32 s26, s0;
	s0 =	sor.u32 s26, s12  }
0xf2: {  	v37 =	vadd.f32 v39, v37;
	s24 =	sor.u32 s26, s24;
	s31 =	sor.u32 s25, s16;
	s16 =	sor.u32 $0x7080, s20;
	v29 =	vadd.f32 v29, v20;
	v46 =	vld [tilespmem:s0+$0x0]  }
0xf3: {  	s29 =	sor.u32 s26, s15;
	v23 =	vadd.f32 v23, v26;
	v27 =	vmul.f32 v27, v27;
	v26 =	vsub.f32 v32, v7;
	s0 =	sor.u32 s25, s12;
	v39 =	vld [tilespmem:s3+$0x0];
	s3 =	sor.u32 s25, s16  }
0xf4: {  	v32 =	vmul.f32 v51, v51;
	v33 =	vsub.f32 v33, v5;
	v45 =	vsub.f32 v45, v9;
	s12 =	sor.u32 s26, s18;
	v20 =	vld [tilespmem:s3+$0x0];
	s3 =	sor.u32 s26, s1;
	s1 =	sor.u32 s26, s28  }
0xf5: {  	s15 =	sor.u32 s26, s6;
	v24 =	vadd.f32 v24, v23;
	v23 =	vmul.f32 v26, v26;
	v26 =	vmul.f32 v28, v28;
	s18 =	sor.u32 s26, s22;
	v47 =	vld [tilespmem:s1+$0x0];
	s1 =	sor.u32 s26, s16  }
0xf6: {  	p0 =	slt.u32 s5, $0x1E;
	s6 =	sor.u32 s26, s13;
	v48 =	vsub.f32 v48, v6;
	v49 =	vadd.f32 v31, v35;
	v45 =	vmul.f32 v45, v45;
	s16 =	smov.u32 s8;
	v28 =	vld [tilespmem:s30+$0x0]  }
0xf7: {  	v31 =	vadd.f32 v32, v40;
	v32 =	vadd.f32 v23, v29;
	v23 =	vmul.f32 v25, v25;
	s8 =	smov.u32 s10;
	v50 =	vld [tilespmem:s12+$0x0];
	s12 =	smov.u32 s4  }
0xf8: {  	v33 =	vmul.f32 v33, v33;
	v26 =	vadd.f32 v26, v30;
	v25 =	vsub.f32 v39, v16;
	v29 =	vld [tilespmem:s24+$0x0]  }
0xf9: {  	v30 =	vsub.f32 v38, v10;
	v38 =	vmul.f32 v48, v48;
	v39 =	vsub.f32 v53, v4;
	v35 =	vld [tilespmem:s23+$0x0]  }
0xfa: {  	v27 =	vadd.f32 v27, v37;
	v48 =	vsub.f32 v41, v17;
	v40 =	vld [tilespmem:s31+$0x0]  }
0xfb: {  	v51 =	vadd.f32 v23, v26;
	s4 =	sor.u32 $0x7100, s20;
	v46 =	vsub.f32 v46, v15;
	v39 =	vmul.f32 v39, v39;
	v41 =	vld [tilespmem:s29+$0x0]  }
0xfc: {  	v43 =	vsub.f32 v43, v4;
	v24 =	vadd.f32 v45, v24;
	s13 =	sor.u32 s25, s4;
	s4 =	sor.u32 s26, s4;
	v23 =	vmul.f32 v25, v25;
	v52 =	vld [tilespmem:s14+$0x0]  }
0xfd: {  	v26 =	vsub.f32 v42, v11;
	v38 =	vadd.f32 v38, v31;
	v25 =	vld [tilespmem:s3+$0x0]  }
0xfe: {  	v37 =	vmul.f32 v30, v30;
	v53 =	vadd.f32 v24, v27;
	v24 =	vadd.f32 v34, v39;
	v45 =	vld [tilespmem:s0+$0x0]  }
0xff: {  	v27 =	vsub.f32 v35, v10;
	v40 =	vsub.f32 v40, v14;
	v39 =	vld [tilespmem:s4+$0x0]  }
0x100: {  	v33 =	vadd.f32 v33, v24;
	v34 =	vld [tilespmem:s7+$0x0];
	v30 =	vsub.f32 v41, v12  }
0x101: {  	v24 =	vsub.f32 v44, v19;
	v35 =	vmul.f32 v27, v27;
	v27 =	vsub.f32 v29, v11;
	v54 =	vld [tilespmem:s13+$0x0]  }
0x102: {  	s0 =	sor.u32 $0x7300, s20;
	v41 =	vmul.f32 v43, v43;
	v31 =	vsub.f32 v52, v12;
	v29 =	vsub.f32 v25, v8;
	v43 =	vld [tilespmem:s18+$0x0]  }
0x103: {  	v42 =	vmul.f32 v46, v46;
	s3 =	sor.u32 s25, s0;
	v33 =	vadd.f32 v36, v33;
	v52 =	vmul.f32 v27, v27;
	v25 =	vld [tilespmem:s15+$0x0]  }
0x104: {  	s4 =	sor.u32 $0x7280, s20;
	s0 =	sor.u32 s26, s0;
	v45 =	vsub.f32 v45, v15;
	v27 =	vld [tilespmem:s3+$0x0];
	v36 =	vmul.f32 v29, v29;
	v39 =	vsub.f32 v39, v18  }
.Ltmp3:
0x105: {  	v55 =	vadd.f32 v38, v32;
	v47 =	vsub.f32 v47, v16;
	s7 =	sor.u32 s25, s4;
	v29 =	vmul.f32 v48, v48;
	s3 =	sor.u32 s26, s4;
	v46 =	vld [tilespmem:s0+$0x0];
	(pc) =	sbr.rel @p0 .LBB2_10-.Ltmp3, $4  }
0x106: {  	v33 =	vadd.f32 v33, v51;
	v54 =	vsub.f32 v54, v18;
	v44 =	vmul.f32 v39, v39;
	v38 =	vld [tilespmem:s3+$0x0]  }
0x107: {  	v56 =	vmul.f32 v47, v47;
	v48 =	vsub.f32 v28, v14;
	v28 =	vsub.f32 v50, v17;
	v47 =	vld [tilespmem:s6+$0x0]  }
0x108: {  	s10 =	sadd.s32 $0x20, s10;
	v50 =	vmul.f32 v45, v45;
	s0 =	sand.u32 $0x180, s19;
	v51 =	vsub.f32 v43, v19;
	v43 =	vadd.f32 v49, v33;
	v32 =	vld [tilespmem:s21+$0x0]  }
0x109: {  	s17 =	sadd.s32 $0x100, s17;
	s19 =	sadd.s32 $0x20, s19;
	v45 =	vadd.f32 v53, v55;
	s4 =	sor.u32 s26, s0;
	v49 =	vadd.f32 v56, v52;
	v39 =	vmul.f32 v54, v54;
	v33 =	vld [tilespmem:s1+$0x0]  }
0x10a: {  	v10 =	vmul.f32 v40, v40;
	v11 =	vadd.f32 v50, v37;
	v8 =	vsub.f32 v34, v8  }
0x10b: {  	v12 =	vmul.f32 v51, v51;
	v14 =	vsub.f32 v46, v13;
	v16 =	vadd.f32 v42, v35  }
0x10c: {  	v17 =	vmul.f32 v30, v30;
	v18 =	vmul.f32 v31, v31;
	v20 =	vsub.f32 v20, v5  }
0x10d: {  	v31 =	vmul.f32 v48, v48;
	v13 =	vsub.f32 v27, v13;
	v25 =	vsub.f32 v25, v7  }
0x10e: {  	v24 =	vmul.f32 v24, v24;
	v30 =	vsub.f32 v38, v6;
	v15 =	vsub.f32 v47, v9  }
0x10f: {  	v19 =	vld [tilespmem:s9+$0x0];
	v10 =	vadd.f32 v10, v41;
	v14 =	vmul.f32 v14, v14;
	v12 =	vadd.f32 v12, v49  }
0x110: {  	v16 =	vadd.f32 v44, v16;
	v17 =	vadd.f32 v17, v36;
	v15 =	vmul.f32 v15, v15  }
0x111: {  	v8 =	vmul.f32 v8, v8;
	v49 =	vld [tilespmem:s11+$0x0];
	v11 =	vadd.f32 v39, v11;
	v7 =	vsub.f32 v32, v7  }
0x112: {  	v13 =	vmul.f32 v13, v13;
	v14 =	vadd.f32 v14, v16;
	v12 =	vadd.f32 v15, v12;
	v15 =	vld [tilespmem:s7+$0x0]  }
0x113: {  	v8 =	vadd.f32 v18, v8;
	v16 =	vmul.f32 v26, v26;
	v5 =	vsub.f32 v33, v5  }
0x114: {  	v18 =	vmul.f32 v30, v30;
	v11 =	vadd.f32 v13, v11;
	v4 =	vsub.f32 v19, v4  }
0x115: {  	v19 =	vmul.f32 v20, v20;
	v7 =	vmul.f32 v7, v7;
	v8 =	vadd.f32 v29, v8  }
0x116: {  	v16 =	vadd.f32 v23, v16;
	v9 =	vsub.f32 v49, v9;
	v4 =	vmul.f32 v4, v4  }
0x117: {  	v20 =	vmul.f32 v28, v28;
	v10 =	vadd.f32 v19, v10;
	v6 =	vsub.f32 v15, v6  }
0x118: {  	v5 =	vmul.f32 v5, v5;
	v16 =	vadd.f32 v24, v16;
	v4 =	vadd.f32 v31, v4  }
0x119: {  	v7 =	vadd.f32 v7, v8;
	v9 =	vmul.f32 v9, v9;
	v6 =	vmul.f32 v6, v6  }
0x11a: {  	v8 =	vadd.f32 v20, v17;
	v15 =	vmul.f32 v25, v25;
	v4 =	vadd.f32 v5, v4  }
0x11b: {  	v5 =	vadd.f32 v9, v16;
	v6 =	vadd.f32 v6, v10  }
0x11c: {  	v9 =	vld [tilespmem:s8+$0x0];
	v8 =	vadd.f32 v15, v8;
	v4 =	vadd.f32 v18, v4  }
0x11d: {  	v5 =	vadd.f32 v5, v11;
	v10 =	vld [tilespmem:s4+$0x14000];
	v6 =	vadd.f32 v6, v7  }
0x11e: {  	v4 =	vadd.f32 v4, v8;
	v7 =	vadd.f32 v12, v14  }
0x11f: {  	v8 =	vadd.f32 v45, v22;
	v5 =	vadd.f32 v5, v6  }
0x120: {  	v6 =	vadd.f32 v43, v21;
	v4 =	vadd.f32 v7, v4  }
0x121: {  	[tilespmem:s16+$0x0] =	vst v8;
	v5 =	vadd.f32 v5, v9  }
0x122: {  	s11 =	simm.s32 $0x0;
	[tilespmem:s12+$0x14000] =	vst v6;
	v4 =	vadd.f32 v4, v10  }
0x123: {  	s5 =	sand.u32 $0xC00, s11;
	[tilespmem:s8+$0x0] =	vst v5  }
0x124: {  	s1 =	sand.u32 $0x60, s11;
	s0 =	sor.u32 $0x9180, s5;
	[tilespmem:s4+$0x14000] =	vst v4  }
0x125: {  	s22 =	sor.u32 $0x8100, s5;
	s23 =	sor.u32 s1, s0;
	v9 =	vld [tilespmem:$0x14220]  }
0x126: {  	s24 =	sor.u32 $0x8180, s5;
	s6 =	sor.u32 s1, s22;
	v22 =	vld [tilespmem:s23+$0x0]  }
0x127: {  	s25 =	sor.u32 $0x9000, s5;
	s10 =	sor.u32 s1, s24;
	v13 =	vld [tilespmem:s6+$0x0]  }
0x128: {  	s29 =	sor.u32 $0x8380, s5;
	s28 =	sor.u32 s1, s25;
	v23 =	vld [tilespmem:s10+$0x0]  }
0x129: {  	s31 =	sor.u32 $0x8280, s5;
	s14 =	sor.u32 s1, s29;
	v24 =	vld [tilespmem:s28+$0x0]  }
0x12a: {  	s26 =	sor.u32 $0x8300, s5;
	s15 =	sor.u32 s1, s31;
	v6 =	vld [tilespmem:s14+$0x0]  }
0x12b: {  	s19 =	sor.u32 s1, s26;
	s4 =	sor.u32 $0x8080, s5;
	v31 =	vld [tilespmem:s15+$0x0]  }
0x12c: {  	s8 =	sor.u32 $0x10, s1;
	s3 =	sor.u32 s1, s4;
	v55 =	vld [tilespmem:s19+$0x0]  }
0x12d: {  	s13 =	sor.u32 s8, s26;
	v21 =	vld [tilespmem:s3+$0x0]  }
0x12e: {  	s10 =	sor.u32 s8, s29;
	v25 =	vld [tilespmem:s13+$0x0]  }
0x12f: {  	s2 =	sor.u32 s8, s31;
	v26 =	vld [tilespmem:s10+$0x0]  }
0x130: {  	s17 =	sor.u32 $0x8000, s5;
	s9 =	sor.u32 s8, s24;
	v27 =	vld [tilespmem:s2+$0x0]  }
0x131: {  	s20 =	sor.u32 $0x9100, s5;
	s18 =	sor.u32 s8, s17;
	v29 =	vld [tilespmem:s9+$0x0]  }
0x132: {  	s21 =	sor.u32 s8, s20;
	v54 =	vld [tilespmem:s18+$0x0]  }
0x133: {  	s23 =	sor.u32 s1, s20;
	v56 =	vld [tilespmem:s21+$0x0]  }
0x134: {  	s0 =	sor.u32 s8, s0;
	v60 =	vld [tilespmem:s23+$0x0];
	v8 =	vbroadcast v9, $0x0;
	v4 =	vbroadcast v9, $0x1  }
0x135: {  	s10 =	sor.u32 s8, s22;
	v61 =	vld [tilespmem:s0+$0x0];
	v10 =	vbroadcast v9, $0x2;
	v16 =	vbroadcast v9, $0x7  }
0x136: {  	s6 =	sor.u32 $0x9080, s5;
	s12 =	sor.u32 s8, s4;
	v30 =	vld [tilespmem:s10+$0x0];
	v11 =	vbroadcast v9, $0x3;
	v17 =	vbroadcast v9, $0x8  }
0x137: {  	s30 =	sor.u32 s1, s6;
	v49 =	vld [tilespmem:s12+$0x0];
	v12 =	vbroadcast v9, $0x4;
	v15 =	vbroadcast v9, $0x6;
	v57 =	vsub.f32 v6, v16  }
0x138: {  	s3 =	sor.u32 s8, s25;
	v20 =	vld [tilespmem:s30+$0x0];
	v14 =	vbroadcast v9, $0x5;
	v59 =	vsub.f32 v13, v10;
	v24 =	vsub.f32 v24, v17  }
0x139: {  	s24 =	sor.u32 $0x9200, s5;
	s22 =	sor.u32 s1, s17;
	v28 =	vld [tilespmem:s3+$0x0];
	v19 =	vbroadcast v9, $0xB;
	v25 =	vsub.f32 v25, v15;
	v21 =	vsub.f32 v21, v4  }
0x13a: {  	s26 =	sor.u32 $0x9300, s5;
	s25 =	sor.u32 s8, s24;
	v58 =	vld [tilespmem:s22+$0x0];
	v5 =	vbroadcast v9, $0x9;
	v23 =	vsub.f32 v23, v11;
	v31 =	vsub.f32 v31, v14  }
0x13b: {  	s29 =	sor.u32 $0x9280, s5;
	s28 =	sor.u32 s1, s26;
	v62 =	vld [tilespmem:s25+$0x0];
	v18 =	vbroadcast v9, $0xA;
	v30 =	vsub.f32 v30, v10;
	v22 =	vsub.f32 v22, v19  }
0x13c: {  	s13 =	sor.u32 $0x8200, s5;
	s31 =	sor.u32 s8, s29;
	v63 =	vld [tilespmem:s28+$0x0];
	v7 =	vbroadcast v9, $0xC;
	v29 =	vsub.f32 v29, v11;
	v34 =	vsub.f32 v54, v8  }
0x13d: {  	s16 =	sor.u32 s8, s13;
	v53 =	vld [tilespmem:s31+$0x0];
	v6 =	vbroadcast v9, $0xD;
	v26 =	vsub.f32 v26, v16;
	v35 =	vsub.f32 v55, v15  }
0x13e: {  	s7 =	sor.u32 s1, s13;
	v50 =	vld [tilespmem:s16+$0x0];
	v13 =	vbroadcast v9, $0xE;
	v36 =	vsub.f32 v56, v18;
	v40 =	vsub.f32 v60, v18  }
0x13f: {  	s30 =	sor.u32 s8, s26;
	v51 =	vld [tilespmem:s7+$0x0];
	v9 =	vbroadcast v9, $0xF;
	v27 =	vsub.f32 v27, v14;
	v28 =	vsub.f32 v28, v17  }
0x140: {  	s5 =	sor.u32 $0x9380, s5;
	s10 =	sor.u32 s8, s6;
	v52 =	vld [tilespmem:s30+$0x0];
	v41 =	vsub.f32 v61, v19;
	v37 =	vmul.f32 v57, v57;
	v39 =	vmul.f32 v59, v59  }
0x141: {  	s2 =	sor.u32 s8, s5;
	s13 =	simm.s32 $0x100;
	v48 =	vld [tilespmem:s10+$0x0];
	v38 =	vsub.f32 v58, v8;
	v30 =	vmul.f32 v30, v30;
	v21 =	vmul.f32 v21, v21  }
0x142: {  	s4 =	simm.s32 $0x20;
	s7 =	sor.u32 s1, s24;
	s10 =	sand.u32 $0xC00, s13;
	v54 =	vld [tilespmem:s2+$0x0];
	v42 =	vsub.f32 v62, v7;
	v29 =	vmul.f32 v29, v29;
	v25 =	vmul.f32 v25, v25  }
0x143: {  	s14 =	sor.u32 s1, s5;
	s5 =	sand.u32 $0x60, s4;
	s25 =	sor.u32 $0x8380, s10;
	v55 =	vld [tilespmem:s7+$0x0];
	v32 =	vsub.f32 v50, v12;
	v34 =	vmul.f32 v34, v34;
	v26 =	vmul.f32 v26, v26  }
0x144: {  	s21 =	sor.u32 $0x9000, s10;
	s28 =	sor.u32 s5, s25;
	v56 =	vld [tilespmem:s14+$0x0];
	v33 =	vsub.f32 v51, v12;
	v35 =	vmul.f32 v35, v35;
	v36 =	vmul.f32 v36, v36  }
0x145: {  	s17 =	sor.u32 $0x10, s5;
	s30 =	sor.u32 $0x8280, s10;
	s24 =	sor.u32 s5, s21;
	v61 =	vld [tilespmem:s28+$0x0];
	v41 =	vmul.f32 v41, v41;
	v44 =	vsub.f32 v52, v13;
	v57 =	vmul.f32 v38, v38  }
0x146: {  	s31 =	sor.u32 s17, s30;
	v50 =	vld [tilespmem:s24+$0x0];
	v45 =	vsub.f32 v53, v6;
	v59 =	vsub.f32 v20, v5;
	v24 =	vmul.f32 v24, v24  }
0x147: {  	s12 =	sor.u32 s17, s21;
	v51 =	vld [tilespmem:s31+$0x0];
	v23 =	vmul.f32 v23, v23;
	v60 =	vsub.f32 v63, v13;
	v26 =	vadd.f32 v26, v29  }
0x148: {  	s3 =	sor.u32 s1, s29;
	s1 =	sor.u32 $0x9180, s10;
	v52 =	vld [tilespmem:s12+$0x0];
	v33 =	vmul.f32 v33, v33;
	v35 =	vadd.f32 v35, v39;
	v25 =	vadd.f32 v25, v30  }
0x149: {  	s18 =	sor.u32 s5, s1;
	v29 =	vmul.f32 v31, v31;
	v31 =	vld [tilespmem:s3+$0x0];
	v23 =	vadd.f32 v37, v23;
	v46 =	vsub.f32 v54, v9  }
0x14a: {  	s9 =	sor.u32 $0x8080, s10;
	s1 =	sor.u32 s17, s1;
	v30 =	vmul.f32 v32, v32;
	v32 =	vld [tilespmem:s18+$0x0];
	v33 =	vadd.f32 v33, v57;
	v62 =	vsub.f32 v55, v7  }
0x14b: {  	s16 =	sor.u32 $0x8100, s10;
	s15 =	sor.u32 s5, s9;
	v40 =	vmul.f32 v40, v40;
	v39 =	vsub.f32 v56, v9;
	v56 =	vsub.f32 v48, v5;
	v55 =	vld [tilespmem:s1+$0x0]  }
0x14c: {  	s20 =	sor.u32 $0x8180, s10;
	s19 =	sor.u32 s5, s16;
	v22 =	vmul.f32 v22, v22;
	v21 =	vadd.f32 v29, v21;
	v29 =	vld [tilespmem:s15+$0x0];
	v26 =	vadd.f32 v41, v26  }
0x14d: {  	s23 =	sor.u32 $0x8300, s10;
	s22 =	sor.u32 s5, s20;
	v44 =	vmul.f32 v44, v44;
	v41 =	vld [tilespmem:s19+$0x0];
	v25 =	vadd.f32 v36, v25;
	v30 =	vadd.f32 v30, v34  }
0x14e: {  	s26 =	sor.u32 s17, s23;
	s18 =	sor.u32 $0x9080, s10;
	v63 =	vmul.f32 v59, v59;
	v34 =	vld [tilespmem:s22+$0x0];
	v35 =	vadd.f32 v40, v35;
	v22 =	vadd.f32 v22, v23  }
0x14f: {  	s29 =	sor.u32 s5, s18;
	v36 =	vld [tilespmem:s26+$0x0];
	v43 =	vsub.f32 v50, v17;
	v48 =	vsub.f32 v51, v14;
	v58 =	vmul.f32 v46, v46  }
0x150: {  	s13 =	sor.u32 s17, s25;
	v20 =	vld [tilespmem:s29+$0x0];
	v24 =	vadd.f32 v24, v33;
	v23 =	vmul.f32 v62, v62;
	v25 =	vadd.f32 v44, v25  }
0x151: {  	s7 =	sor.u32 s17, s20;
	v28 =	vmul.f32 v28, v28;
	v33 =	vld [tilespmem:s13+$0x0];
	v21 =	vadd.f32 v63, v21;
	v26 =	vadd.f32 v58, v26  }
0x152: {  	s0 =	sor.u32 s5, s23;
	s24 =	sor.u32 $0x9280, s10;
	v46 =	vld [tilespmem:s7+$0x0];
	v39 =	vmul.f32 v39, v39;
	v31 =	vsub.f32 v31, v6;
	v47 =	vadd.f32 v23, v24  }
0x153: {  	s14 =	sor.u32 $0x9100, s10;
	s26 =	sor.u32 s17, s24;
	v62 =	vld [tilespmem:s0+$0x0];
	v23 =	vmul.f32 v60, v60;
	v60 =	vsub.f32 v61, v16;
	v58 =	vsub.f32 v49, v4  }
0x154: {  	s15 =	sor.u32 s17, s14;
	v38 =	vld [tilespmem:s26+$0x0];
	v22 =	vadd.f32 v39, v22;
	v51 =	vsub.f32 v55, v19  }
0x155: {  	v27 =	vmul.f32 v27, v27;
	s12 =	sor.u32 $0x8000, s10;
	s3 =	sor.u32 s5, s30;
	v63 =	vld [tilespmem:s15+$0x0];
	v53 =	vadd.f32 v26, v25;
	v26 =	vadd.f32 v28, v30  }
0x156: {  	s2 =	sor.u32 $0x8200, s10;
	s13 =	sor.u32 s17, s12;
	v24 =	vld [tilespmem:s3+$0x0];
	v30 =	vmul.f32 v42, v42;
	v57 =	vsub.f32 v41, v10;
	v23 =	vadd.f32 v23, v35  }
0x157: {  	s7 =	sor.u32 s17, s2;
	v61 =	vld [tilespmem:s13+$0x0];
	v31 =	vmul.f32 v31, v31;
	v36 =	vsub.f32 v36, v15;
	v29 =	vsub.f32 v29, v4  }
0x158: {  	s6 =	sor.u32 s17, s16;
	v45 =	vmul.f32 v45, v45;
	v28 =	vld [tilespmem:s7+$0x0];
	v33 =	vsub.f32 v33, v16;
	v49 =	vadd.f32 v30, v26  }
0x159: {  	v25 =	vld [tilespmem:s6+$0x0];
	s6 =	sor.u32 s5, s2;
	v30 =	vmul.f32 v58, v58;
	v26 =	vsub.f32 v34, v11;
	v21 =	vadd.f32 v31, v21  }
0x15a: {  	s16 =	sor.u32 s5, s12;
	v59 =	vld [tilespmem:s6+$0x0];
	v31 =	vmul.f32 v56, v56;
	v54 =	vadd.f32 v22, v23;
	v39 =	vsub.f32 v63, v18  }
0x15b: {  	s20 =	sor.u32 $0x9200, s10;
	s19 =	sor.u32 s5, s14;
	v34 =	vld [tilespmem:s16+$0x0];
	v23 =	vmul.f32 v60, v60;
	v40 =	vsub.f32 v24, v14;
	v24 =	vsub.f32 v32, v19  }
0x15c: {  	s22 =	sor.u32 $0x9300, s10;
	s0 =	sor.u32 s5, s20;
	v60 =	vld [tilespmem:s19+$0x0];
	v41 =	vmul.f32 v29, v29;
	v29 =	vsub.f32 v61, v8;
	v22 =	vadd.f32 v27, v30  }
0x15d: {  	s25 =	sor.u32 $0x9380, s10;
	s23 =	sor.u32 s5, s22;
	v37 =	vmul.f32 v57, v57;
	v61 =	vsub.f32 v62, v15;
	v32 =	vld [tilespmem:s0+$0x0];
	v30 =	vsub.f32 v28, v12  }
0x15e: {  	s28 =	sand.u32 $0x180, s11;
	s29 =	sor.u32 s17, s25;
	v42 =	vmul.f32 v36, v36;
	v27 =	vld [tilespmem:s23+$0x0];
	v28 =	vsub.f32 v46, v11;
	v22 =	vadd.f32 v31, v22  }
0x15f: {  	s12 =	sor.u32 s8, s28;
	v33 =	vmul.f32 v33, v33;
	v62 =	vadd.f32 v21, v47;
	v47 =	vld [tilespmem:s29+$0x0];
	v44 =	vmul.f32 v39, v39  }
0x160: {  	s9 =	sor.u32 s17, s9;
	s1 =	sor.u32 s17, s22;
	v21 =	vld [tilespmem:s12+$0x14000];
	v25 =	vsub.f32 v25, v10;
	v56 =	vmul.f32 v28, v28;
	v28 =	vadd.f32 v45, v22  }
0x161: {  	s11 =	sor.u32 s5, s25;
	s21 =	sor.u32 s17, s20;
	s31 =	sand.u32 $0x180, s4;
	v46 =	vld [tilespmem:s1+$0x0];
	v36 =	vmul.f32 v29, v29;
	v29 =	vmul.f32 v43, v43;
	v31 =	vsub.f32 v59, v12  }
0x162: {  	s4 =	sor.u32 s17, s31;
	s30 =	sor.u32 s17, s18;
	s16 =	simm.s32 $0x14000;
	v35 =	vmul.f32 v25, v25;
	v25 =	vld [tilespmem:s21+$0x0];
	v57 =	vsub.f32 v60, v18;
	v63 =	vadd.f32 v28, v49  }
0x163: {  	s10 =	simm.s32 $0x14040;
	s8 =	simm.s32 $0x14020;
	s17 =	simm.s32 $0x200;
	v50 =	vmul.f32 v61, v61;
	v22 =	vld [tilespmem:s16+$0x0];
	v45 =	vadd.f32 v54, v62;
	v28 =	vsub.f32 v52, v17  }
0x164: {  	s7 =	sor.u32 s5, s24;
	s5 =	simm.s32 $0x2;
	s19 =	simm.s32 $0x40;
	v39 =	vmul.f32 v57, v57;
	v49 =	vadd.f32 v33, v56;
	v33 =	vld [tilespmem:s30+$0x0];
	v43 =	vadd.f32 v53, v63  }
.LBB2_12:
0x165: {  	s25 =	sand.u32 $0x60, s19;
	s20 =	sand.u32 $0xC00, s17;
	s5 =	sadd.s32 $0x2, s5;
	v40 =	vmul.f32 v40, v40;
	v37 =	vadd.f32 v50, v37;
	v50 =	vld [tilespmem:s8+$0x0];
	v51 =	vmul.f32 v51, v51  }
0x166: {  	v52 =	vsub.f32 v34, v8;
	v34 =	vmul.f32 v48, v48;
	v46 =	vsub.f32 v46, v13;
	s1 =	sor.u32 $0x8000, s20;
	s15 =	sor.u32 $0x8200, s20;
	s13 =	sor.u32 $0x9380, s20;
	v53 =	vld [tilespmem:s9+$0x0]  }
0x167: {  	v26 =	vmul.f32 v26, v26;
	s0 =	sor.u32 $0x8080, s20;
	s18 =	sor.u32 $0x9000, s20;
	s6 =	sor.u32 $0x9200, s20;
	v40 =	vadd.f32 v40, v41;
	v41 =	vsub.f32 v47, v9;
	v47 =	vld [tilespmem:s4+$0x14000]  }
0x168: {  	v35 =	vadd.f32 v42, v35;
	s23 =	sor.u32 $0x8100, s20;
	s22 =	sor.u32 $0x9180, s20;
	v22 =	vadd.f32 v45, v22;
	s3 =	sor.u32 s25, s0;
	v42 =	vmul.f32 v46, v46;
	v48 =	vld [tilespmem:s7+$0x0]  }
0x169: {  	v30 =	vmul.f32 v30, v30;
	v54 =	vadd.f32 v43, v21;
	s24 =	sor.u32 $0x8180, s20;
	s9 =	sor.u32 s25, s23;
	v46 =	vadd.f32 v51, v49;
	v45 =	vld [tilespmem:s11+$0x0];
	s11 =	sor.u32 s25, s13  }
0x16a: {  	v31 =	vmul.f32 v31, v31;
	s26 =	sor.u32 $0x10, s25;
	v35 =	vadd.f32 v44, v35;
	s7 =	sor.u32 s25, s22;
	v41 =	vmul.f32 v41, v41;
	v43 =	vld [tilespmem:s3+$0x0];
	s3 =	sor.u32 s25, s24;
	[tilespmem:s16+$0x0] =	vst v22  }
0x16b: {  	s14 =	sor.u32 s25, s15;
	s21 =	sor.u32 s25, s6;
	v49 =	vmul.f32 v52, v52;
	v30 =	vadd.f32 v30, v36;
	v36 =	vsub.f32 v38, v6;
	s16 =	sor.u32 $0x8280, s20;
	v44 =	vld [tilespmem:s7+$0x0];
	[tilespmem:s12+$0x14000] =	vst v54  }
0x16c: {  	s28 =	sor.u32 $0x8380, s20;
	v51 =	vsub.f32 v20, v5;
	v35 =	vadd.f32 v42, v35;
	v22 =	vmovc v50;
	s7 =	sor.u32 s25, s1;
	s12 =	sor.u32 $0x8300, s20;
	v38 =	vld [tilespmem:s9+$0x0];
	v21 =	vmov v47  }
0x16d: {  	v20 =	vadd.f32 v31, v49;
	v36 =	vmul.f32 v36, v36;
	s29 =	sor.u32 s26, s16;
	v31 =	vadd.f32 v41, v46;
	s9 =	sor.u32 s25, s18;
	v42 =	vld [tilespmem:s3+$0x0];
	s3 =	sor.u32 s25, s28  }
0x16e: {  	v24 =	vmul.f32 v24, v24;
	v27 =	vsub.f32 v27, v13;
	v25 =	vsub.f32 v25, v7;
	s23 =	sor.u32 s26, s23;
	v41 =	vld [tilespmem:s9+$0x0];
	s9 =	sor.u32 s26, s0;
	s0 =	sor.u32 s26, s12  }
0x16f: {  	v37 =	vadd.f32 v39, v37;
	s24 =	sor.u32 s26, s24;
	s30 =	sor.u32 s25, s16;
	s16 =	sor.u32 $0x9080, s20;
	v29 =	vadd.f32 v29, v20;
	v46 =	vld [tilespmem:s0+$0x0]  }
0x170: {  	s31 =	sor.u32 s26, s15;
	v23 =	vadd.f32 v23, v26;
	v27 =	vmul.f32 v27, v27;
	v26 =	vsub.f32 v32, v7;
	s0 =	sor.u32 s25, s12;
	v39 =	vld [tilespmem:s3+$0x0];
	s3 =	sor.u32 s25, s16  }
0x171: {  	v32 =	vmul.f32 v51, v51;
	v33 =	vsub.f32 v33, v5;
	v45 =	vsub.f32 v45, v9;
	s12 =	sor.u32 s26, s18;
	v20 =	vld [tilespmem:s3+$0x0];
	s3 =	sor.u32 s26, s1;
	s1 =	sor.u32 s26, s28  }
0x172: {  	s15 =	sor.u32 s26, s6;
	v24 =	vadd.f32 v24, v23;
	v23 =	vmul.f32 v26, v26;
	v26 =	vmul.f32 v28, v28;
	s18 =	sor.u32 s26, s22;
	v47 =	vld [tilespmem:s1+$0x0];
	s1 =	sor.u32 s26, s16  }
0x173: {  	p0 =	slt.u32 s5, $0x1E;
	s6 =	sor.u32 s26, s13;
	v48 =	vsub.f32 v48, v6;
	v49 =	vadd.f32 v31, v35;
	v45 =	vmul.f32 v45, v45;
	s16 =	smov.u32 s8;
	v28 =	vld [tilespmem:s29+$0x0]  }
0x174: {  	v31 =	vadd.f32 v32, v40;
	v32 =	vadd.f32 v23, v29;
	v23 =	vmul.f32 v25, v25;
	s8 =	smov.u32 s10;
	v50 =	vld [tilespmem:s12+$0x0];
	s12 =	smov.u32 s4  }
0x175: {  	v33 =	vmul.f32 v33, v33;
	v26 =	vadd.f32 v26, v30;
	v25 =	vsub.f32 v39, v16;
	v29 =	vld [tilespmem:s24+$0x0]  }
0x176: {  	v30 =	vsub.f32 v38, v10;
	v38 =	vmul.f32 v48, v48;
	v39 =	vsub.f32 v53, v4;
	v35 =	vld [tilespmem:s23+$0x0]  }
0x177: {  	v27 =	vadd.f32 v27, v37;
	v48 =	vsub.f32 v41, v17;
	v40 =	vld [tilespmem:s30+$0x0]  }
0x178: {  	v51 =	vadd.f32 v23, v26;
	s4 =	sor.u32 $0x9100, s20;
	v46 =	vsub.f32 v46, v15;
	v39 =	vmul.f32 v39, v39;
	v41 =	vld [tilespmem:s31+$0x0]  }
0x179: {  	v43 =	vsub.f32 v43, v4;
	v24 =	vadd.f32 v45, v24;
	s13 =	sor.u32 s25, s4;
	s4 =	sor.u32 s26, s4;
	v23 =	vmul.f32 v25, v25;
	v52 =	vld [tilespmem:s14+$0x0]  }
0x17a: {  	v26 =	vsub.f32 v42, v11;
	v38 =	vadd.f32 v38, v31;
	v25 =	vld [tilespmem:s3+$0x0]  }
0x17b: {  	v37 =	vmul.f32 v30, v30;
	v53 =	vadd.f32 v24, v27;
	v24 =	vadd.f32 v34, v39;
	v45 =	vld [tilespmem:s0+$0x0]  }
0x17c: {  	v27 =	vsub.f32 v35, v10;
	v40 =	vsub.f32 v40, v14;
	v39 =	vld [tilespmem:s4+$0x0]  }
0x17d: {  	v33 =	vadd.f32 v33, v24;
	v34 =	vld [tilespmem:s7+$0x0];
	v30 =	vsub.f32 v41, v12  }
0x17e: {  	v24 =	vsub.f32 v44, v19;
	v35 =	vmul.f32 v27, v27;
	v27 =	vsub.f32 v29, v11;
	v54 =	vld [tilespmem:s13+$0x0]  }
0x17f: {  	s0 =	sor.u32 $0x9300, s20;
	v41 =	vmul.f32 v43, v43;
	v31 =	vsub.f32 v52, v12;
	v29 =	vsub.f32 v25, v8;
	v43 =	vld [tilespmem:s18+$0x0]  }
0x180: {  	v42 =	vmul.f32 v46, v46;
	s3 =	sor.u32 s25, s0;
	v33 =	vadd.f32 v36, v33;
	v52 =	vmul.f32 v27, v27;
	v25 =	vld [tilespmem:s15+$0x0]  }
0x181: {  	s4 =	sor.u32 $0x9280, s20;
	s0 =	sor.u32 s26, s0;
	v45 =	vsub.f32 v45, v15;
	v27 =	vld [tilespmem:s3+$0x0];
	v36 =	vmul.f32 v29, v29;
	v39 =	vsub.f32 v39, v18  }
.Ltmp4:
0x182: {  	v55 =	vadd.f32 v38, v32;
	v47 =	vsub.f32 v47, v16;
	s7 =	sor.u32 s25, s4;
	v29 =	vmul.f32 v48, v48;
	s3 =	sor.u32 s26, s4;
	v46 =	vld [tilespmem:s0+$0x0];
	(pc) =	sbr.rel @p0 .LBB2_12-.Ltmp4, $4  }
0x183: {  	v33 =	vadd.f32 v33, v51;
	v54 =	vsub.f32 v54, v18;
	v44 =	vmul.f32 v39, v39;
	v38 =	vld [tilespmem:s3+$0x0]  }
0x184: {  	v56 =	vmul.f32 v47, v47;
	v48 =	vsub.f32 v28, v14;
	v28 =	vsub.f32 v50, v17;
	v47 =	vld [tilespmem:s6+$0x0]  }
0x185: {  	s10 =	sadd.s32 $0x20, s10;
	v50 =	vmul.f32 v45, v45;
	s0 =	sand.u32 $0x180, s19;
	v51 =	vsub.f32 v43, v19;
	v43 =	vadd.f32 v49, v33;
	v32 =	vld [tilespmem:s21+$0x0]  }
0x186: {  	s17 =	sadd.s32 $0x100, s17;
	s19 =	sadd.s32 $0x20, s19;
	v45 =	vadd.f32 v53, v55;
	s4 =	sor.u32 s26, s0;
	v49 =	vadd.f32 v56, v52;
	v39 =	vmul.f32 v54, v54;
	v33 =	vld [tilespmem:s1+$0x0]  }
0x187: {  	v10 =	vmul.f32 v40, v40;
	v11 =	vadd.f32 v50, v37;
	v8 =	vsub.f32 v34, v8  }
0x188: {  	v12 =	vmul.f32 v51, v51;
	v14 =	vsub.f32 v46, v13;
	v16 =	vadd.f32 v42, v35  }
0x189: {  	v17 =	vmul.f32 v30, v30;
	v18 =	vmul.f32 v31, v31;
	v20 =	vsub.f32 v20, v5  }
0x18a: {  	v31 =	vmul.f32 v48, v48;
	v13 =	vsub.f32 v27, v13;
	v25 =	vsub.f32 v25, v7  }
0x18b: {  	v24 =	vmul.f32 v24, v24;
	v30 =	vsub.f32 v38, v6;
	v15 =	vsub.f32 v47, v9  }
0x18c: {  	v19 =	vld [tilespmem:s9+$0x0];
	v10 =	vadd.f32 v10, v41;
	v14 =	vmul.f32 v14, v14;
	v12 =	vadd.f32 v12, v49  }
0x18d: {  	v50 =	vld [tilespmem:s11+$0x0];
	v16 =	vadd.f32 v44, v16;
	v17 =	vadd.f32 v17, v36;
	v15 =	vmul.f32 v15, v15  }
0x18e: {  	v8 =	vmul.f32 v8, v8;
	v11 =	vadd.f32 v39, v11;
	v7 =	vsub.f32 v32, v7  }
0x18f: {  	v13 =	vmul.f32 v13, v13;
	v14 =	vadd.f32 v14, v16;
	v12 =	vadd.f32 v15, v12;
	v15 =	vld [tilespmem:s7+$0x0]  }
0x190: {  	v8 =	vadd.f32 v18, v8;
	v16 =	vmul.f32 v26, v26;
	v5 =	vsub.f32 v33, v5  }
0x191: {  	v18 =	vmul.f32 v30, v30;
	v11 =	vadd.f32 v13, v11;
	v4 =	vsub.f32 v19, v4  }
0x192: {  	v19 =	vmul.f32 v20, v20;
	v9 =	vsub.f32 v50, v9;
	v7 =	vmul.f32 v7, v7  }
0x193: {  	v20 =	vmul.f32 v28, v28;
	v8 =	vadd.f32 v29, v8;
	v4 =	vmul.f32 v4, v4  }
0x194: {  	v16 =	vadd.f32 v23, v16;
	v5 =	vmul.f32 v5, v5;
	v6 =	vsub.f32 v15, v6  }
0x195: {  	v9 =	vmul.f32 v9, v9;
	v10 =	vadd.f32 v19, v10;
	v4 =	vadd.f32 v31, v4  }
0x196: {  	v16 =	vadd.f32 v24, v16;
	v7 =	vadd.f32 v7, v8;
	v6 =	vmul.f32 v6, v6  }
0x197: {  	v8 =	vadd.f32 v20, v17;
	v15 =	vmul.f32 v25, v25;
	v4 =	vadd.f32 v5, v4  }
0x198: {  	v5 =	vadd.f32 v9, v16;
	v6 =	vadd.f32 v6, v10  }
0x199: {  	v9 =	vld [tilespmem:s8+$0x0];
	v8 =	vadd.f32 v15, v8;
	v4 =	vadd.f32 v18, v4  }
0x19a: {  	v5 =	vadd.f32 v5, v11;
	v10 =	vld [tilespmem:s4+$0x14000];
	v6 =	vadd.f32 v6, v7  }
0x19b: {  	v4 =	vadd.f32 v4, v8;
	v7 =	vadd.f32 v12, v14  }
0x19c: {  	v8 =	vadd.f32 v45, v22;
	v5 =	vadd.f32 v5, v6  }
0x19d: {  	v6 =	vadd.f32 v43, v21;
	v4 =	vadd.f32 v7, v4  }
0x19e: {  	[tilespmem:s16+$0x0] =	vst v8;
	v5 =	vadd.f32 v5, v9  }
0x19f: {  	s0 =	simm.s32 $0x0;
	[tilespmem:s12+$0x14000] =	vst v6;
	v4 =	vadd.f32 v4, v10  }
0x1a0: {  	s7 =	sand.u32 $0xC00, s0;
	[tilespmem:s8+$0x0] =	vst v5  }
0x1a1: {  	s30 =	sor.u32 $0xA180, s7;
	[tilespmem:s4+$0x14000] =	vst v4;
	s4 =	sand.u32 $0x60, s0  }
0x1a2: {  	s3 =	sor.u32 $0xA200, s7;
	v14 =	vld [tilespmem:$0x14230];
	s1 =	sor.u32 s4, s30  }
0x1a3: {  	s10 =	sor.u32 $0xA280, s7;
	s31 =	sor.u32 s4, s3;
	v19 =	vld [tilespmem:s1+$0x0]  }
0x1a4: {  	s2 =	sor.u32 $0xA080, s7;
	s5 =	sor.u32 s4, s10;
	v20 =	vld [tilespmem:s31+$0x0]  }
0x1a5: {  	s6 =	sor.u32 $0xB380, s7;
	s14 =	sor.u32 s4, s2;
	v21 =	vld [tilespmem:s5+$0x0]  }
0x1a6: {  	s18 =	sor.u32 $0xB000, s7;
	s15 =	sor.u32 s4, s6;
	v24 =	vld [tilespmem:s14+$0x0]  }
0x1a7: {  	s13 =	simm.s32 $0x10;
	s24 =	sor.u32 $0xB280, s7;
	s20 =	sor.u32 s4, s18;
	v22 =	vld [tilespmem:s15+$0x0]  }
0x1a8: {  	s11 =	sor.u32 s4, s24;
	s1 =	sor.u32 $0xB200, s7;
	s5 =	sand.u32 $0x70, s13;
	v30 =	vld [tilespmem:s20+$0x0]  }
0x1a9: {  	v57 =	vld [tilespmem:s11+$0x0];
	s8 =	sor.u32 s5, s1  }
0x1aa: {  	s9 =	sor.u32 $0xA000, s7;
	s0 =	sor.u32 s5, s30;
	v23 =	vld [tilespmem:s8+$0x0]  }
0x1ab: {  	s16 =	sor.u32 s5, s9;
	v25 =	vld [tilespmem:s0+$0x0]  }
0x1ac: {  	s3 =	sor.u32 s5, s3;
	v26 =	vld [tilespmem:s16+$0x0]  }
0x1ad: {  	s19 =	sor.u32 s5, s18;
	v28 =	vld [tilespmem:s3+$0x0];
	v5 =	vbroadcast v14, $0x0  }
0x1ae: {  	s21 =	sor.u32 $0xB180, s7;
	s10 =	sor.u32 s5, s10;
	v29 =	vld [tilespmem:s19+$0x0];
	v6 =	vbroadcast v14, $0x1;
	v4 =	vbroadcast v14, $0x2  }
0x1af: {  	s22 =	sor.u32 s5, s21;
	v31 =	vld [tilespmem:s10+$0x0];
	v9 =	vbroadcast v14, $0x3;
	v10 =	vbroadcast v14, $0x4  }
0x1b0: {  	s23 =	sor.u32 s5, s2;
	v51 =	vld [tilespmem:s22+$0x0];
	v11 =	vbroadcast v14, $0x5;
	v18 =	vbroadcast v14, $0xF  }
0x1b1: {  	s25 =	sor.u32 $0xA380, s7;
	s26 =	sor.u32 s5, s24;
	v53 =	vld [tilespmem:s23+$0x0];
	v7 =	vbroadcast v14, $0x6;
	v15 =	vbroadcast v14, $0x7  }
0x1b2: {  	s14 =	sor.u32 $0xA300, s7;
	s13 =	sor.u32 s5, s25;
	v54 =	vld [tilespmem:s26+$0x0];
	v16 =	vbroadcast v14, $0x8;
	v52 =	vsub.f32 v19, v9;
	v36 =	vsub.f32 v22, v18  }
0x1b3: {  	s28 =	sor.u32 $0xA100, s7;
	s30 =	sor.u32 s4, s14;
	v55 =	vld [tilespmem:s13+$0x0];
	v12 =	vbroadcast v14, $0x9;
	v20 =	vsub.f32 v20, v10;
	v21 =	vsub.f32 v21, v11  }
0x1b4: {  	s18 =	sor.u32 s5, s28;
	v56 =	vld [tilespmem:s30+$0x0];
	v13 =	vbroadcast v14, $0xC;
	v24 =	vsub.f32 v24, v6;
	v30 =	vsub.f32 v30, v16  }
0x1b5: {  	s3 =	sor.u32 s4, s25;
	v63 =	vld [tilespmem:s18+$0x0];
	v8 =	vbroadcast v14, $0xA;
	v26 =	vsub.f32 v26, v5;
	v28 =	vsub.f32 v28, v10  }
0x1b6: {  	s8 =	sor.u32 $0xB080, s7;
	s16 =	sor.u32 s5, s6;
	v59 =	vld [tilespmem:s3+$0x0];
	v17 =	vbroadcast v14, $0xB;
	v22 =	vsub.f32 v23, v13;
	v23 =	vsub.f32 v29, v16  }
0x1b7: {  	s31 =	sor.u32 $0xB100, s7;
	s7 =	sor.u32 $0xB300, s7;
	s17 =	sor.u32 s5, s8;
	v61 =	vld [tilespmem:s16+$0x0];
	v19 =	vbroadcast v14, $0xD;
	v25 =	vsub.f32 v25, v9;
	v31 =	vsub.f32 v31, v11  }
0x1b8: {  	s15 =	sor.u32 s4, s7;
	v27 =	vld [tilespmem:s17+$0x0];
	v14 =	vbroadcast v14, $0xE;
	v32 =	vsub.f32 v51, v17;
	v34 =	vsub.f32 v53, v6  }
0x1b9: {  	s19 =	sor.u32 s4, s8;
	v60 =	vld [tilespmem:s15+$0x0];
	v38 =	vsub.f32 v56, v7;
	v37 =	vsub.f32 v55, v15;
	v33 =	vmul.f32 v52, v52  }
0x1ba: {  	s17 =	sor.u32 s4, s9;
	v48 =	vld [tilespmem:s19+$0x0];
	v20 =	vmul.f32 v20, v20;
	v35 =	vsub.f32 v54, v19;
	v24 =	vmul.f32 v24, v24  }
0x1bb: {  	s29 =	sor.u32 s4, s28;
	v62 =	vld [tilespmem:s17+$0x0];
	v39 =	vsub.f32 v57, v19;
	v21 =	vmul.f32 v21, v21;
	v30 =	vmul.f32 v30, v30  }
0x1bc: {  	s1 =	sor.u32 s4, s1;
	v29 =	vld [tilespmem:s29+$0x0];
	v49 =	vsub.f32 v59, v15;
	v26 =	vmul.f32 v26, v26;
	v28 =	vmul.f32 v28, v28  }
0x1bd: {  	s0 =	sor.u32 s4, s21;
	s21 =	sor.u32 s5, s31;
	v51 =	vld [tilespmem:s1+$0x0];
	v54 =	vsub.f32 v61, v18;
	v23 =	vmul.f32 v23, v23;
	v25 =	vmul.f32 v25, v25  }
0x1be: {  	s2 =	simm.s32 $0x14010;
	v53 =	vld [tilespmem:s21+$0x0];
	v31 =	vmul.f32 v31, v31;
	v58 =	vmul.f32 v22, v22;
	v27 =	vsub.f32 v27, v12  }
0x1bf: {  	v55 =	vld [tilespmem:s2+$0xFFFFFFF0];
	v32 =	vmul.f32 v32, v32;
	v34 =	vmul.f32 v34, v34;
	v50 =	vsub.f32 v60, v14  }
0x1c0: {  	s20 =	sor.u32 s5, s14;
	s22 =	simm.s32 $0x100;
	v22 =	vld [tilespmem:s2+$0x0];
	v38 =	vmul.f32 v38, v38;
	v56 =	vsub.f32 v48, v12;
	v26 =	vadd.f32 v28, v26  }
0x1c1: {  	s26 =	simm.s32 $0x20;
	v60 =	vsub.f32 v63, v4;
	v28 =	vld [tilespmem:s0+$0x0];
	s0 =	sor.u32 s4, s31;
	v27 =	vmul.f32 v27, v27;
	v31 =	vadd.f32 v31, v34;
	s4 =	sand.u32 $0xC00, s22  }
0x1c2: {  	s23 =	sor.u32 s5, s7;
	s5 =	sand.u32 $0x60, s26;
	v52 =	vmul.f32 v37, v37;
	v21 =	vadd.f32 v21, v24;
	s3 =	sor.u32 $0xA180, s4;
	v23 =	vadd.f32 v23, v26;
	v26 =	vld [tilespmem:s0+$0x0]  }
0x1c3: {  	v35 =	vmul.f32 v35, v35;
	v34 =	vsub.f32 v62, v5;
	s28 =	sor.u32 $0xA280, s4;
	v27 =	vadd.f32 v27, v31;
	v31 =	vld [tilespmem:s20+$0x0];
	s24 =	sor.u32 s5, s3  }
0x1c4: {  	v25 =	vadd.f32 v52, v25;
	v59 =	vmul.f32 v56, v56;
	v29 =	vsub.f32 v29, v4;
	s31 =	sor.u32 $0xA080, s4;
	s30 =	sor.u32 s5, s28;
	v57 =	vld [tilespmem:s24+$0x0]  }
0x1c5: {  	s9 =	simm.s32 $0x30;
	v40 =	vmul.f32 v54, v54;
	s1 =	sor.u32 $0xB380, s4;
	v41 =	vsub.f32 v51, v13;
	v37 =	vsub.f32 v53, v8;
	s13 =	sor.u32 s5, s31;
	v61 =	vld [tilespmem:s30+$0x0]  }
0x1c6: {  	s10 =	sand.u32 $0x70, s9;
	s2 =	sor.u32 $0xB200, s4;
	v34 =	vmul.f32 v34, v34;
	v25 =	vadd.f32 v32, v25;
	s14 =	sor.u32 s5, s1;
	v21 =	vadd.f32 v59, v21;
	v44 =	vld [tilespmem:s13+$0x0]  }
0x1c7: {  	s0 =	sor.u32 s10, s2;
	v29 =	vmul.f32 v29, v29;
	v63 =	vld [tilespmem:s14+$0x0];
	v23 =	vadd.f32 v58, v23;
	v27 =	vadd.f32 v35, v27  }
0x1c8: {  	s25 =	sor.u32 $0xA200, s4;
	s3 =	sor.u32 s10, s3;
	v45 =	vld [tilespmem:s0+$0x0];
	v20 =	vadd.f32 v20, v34;
	v40 =	vadd.f32 v40, v25;
	v25 =	vmul.f32 v39, v39  }
0x1c9: {  	s18 =	sor.u32 s10, s25;
	v46 =	vld [tilespmem:s3+$0x0];
	v28 =	vsub.f32 v28, v17;
	v29 =	vadd.f32 v38, v29  }
0x1ca: {  	s29 =	sor.u32 s5, s25;
	s25 =	sor.u32 s10, s31;
	v48 =	vld [tilespmem:s18+$0x0];
	v38 =	vmul.f32 v49, v49;
	v20 =	vadd.f32 v30, v20;
	v21 =	vadd.f32 v25, v21  }
0x1cb: {  	s9 =	sor.u32 $0xA100, s4;
	v53 =	vld [tilespmem:s25+$0x0];
	v30 =	vmul.f32 v41, v41;
	v23 =	vadd.f32 v27, v23;
	v26 =	vsub.f32 v26, v8  }
0x1cc: {  	s19 =	sor.u32 $0xB000, s4;
	s18 =	sor.u32 s5, s9;
	v58 =	vld [tilespmem:s29+$0x0];
	v33 =	vadd.f32 v38, v33;
	v31 =	vsub.f32 v31, v7  }
0x1cd: {  	s21 =	sor.u32 s5, s19;
	v35 =	vmul.f32 v60, v60;
	v54 =	vld [tilespmem:s18+$0x0];
	v30 =	vadd.f32 v30, v20;
	v47 =	vsub.f32 v57, v9  }
0x1ce: {  	s7 =	sor.u32 $0xA000, s4;
	s20 =	sor.u32 s10, s19;
	v49 =	vld [tilespmem:s21+$0x0];
	v20 =	vsub.f32 v63, v18;
	v34 =	vsub.f32 v45, v13;
	v31 =	vmul.f32 v31, v31  }
0x1cf: {  	s22 =	sor.u32 $0xB180, s4;
	s15 =	sor.u32 s10, s7;
	v43 =	vsub.f32 v61, v11;
	v26 =	vmul.f32 v26, v26;
	v21 =	vadd.f32 v21, v30;
	v30 =	vld [tilespmem:s20+$0x0]  }
0x1d0: {  	s19 =	sor.u32 $0xA300, s4;
	s24 =	sor.u32 s10, s22;
	v28 =	vmul.f32 v28, v28;
	v38 =	vsub.f32 v48, v10;
	v25 =	vadd.f32 v31, v35;
	v31 =	vld [tilespmem:s15+$0x0]  }
0x1d1: {  	v57 =	vsub.f32 v53, v6;
	s20 =	sor.u32 s5, s19;
	v24 =	vadd.f32 v26, v29;
	v26 =	vmul.f32 v50, v50;
	v50 =	vld [tilespmem:s24+$0x0]  }
0x1d2: {  	v62 =	vmul.f32 v36, v36;
	v28 =	vadd.f32 v28, v33;
	v32 =	vsub.f32 v58, v10;
	v27 =	vld [tilespmem:s20+$0x0]  }
0x1d3: {  	v37 =	vmul.f32 v37, v37;
	s21 =	sor.u32 s5, s22;
	s22 =	sor.u32 $0xB100, s4;
	v39 =	vsub.f32 v54, v4;
	v24 =	vadd.f32 v26, v24;
	v26 =	vld [tilespmem:s23+$0x0]  }
0x1d4: {  	v56 =	vld [tilespmem:s21+$0x0];
	v63 =	vsub.f32 v49, v16;
	v28 =	vadd.f32 v62, v28;
	s24 =	sor.u32 s5, s22  }
0x1d5: {  	s8 =	rddreg [dreg:$0x13];
	s16 =	sor.u32 $0xB080, s4;
	v38 =	vmul.f32 v38, v38;
	v62 =	vsub.f32 v44, v6;
	v59 =	vld [tilespmem:s24+$0x0];
	v37 =	vadd.f32 v37, v25  }
0x1d6: {  	s17 =	sor.u32 s10, s16;
	v34 =	vmul.f32 v34, v34;
	v29 =	vld [tilespmem:s8+$0xFFFFFFF0];
	s23 =	sor.u32 s10, s28;
	s28 =	sor.u32 $0xB280, s4;
	v24 =	vadd.f32 v28, v24;
	v30 =	vsub.f32 v30, v16  }
0x1d7: {  	v60 =	vmul.f32 v57, v57;
	s31 =	sor.u32 s10, s28;
	v28 =	vld [tilespmem:s17+$0x0];
	v31 =	vsub.f32 v31, v5;
	v33 =	vsub.f32 v50, v17  }
0x1d8: {  	v54 =	vmul.f32 v39, v39;
	v42 =	vld [tilespmem:s31+$0x0];
	v27 =	vsub.f32 v27, v7;
	v25 =	vsub.f32 v26, v14  }
0x1d9: {  	s30 =	sor.u32 $0xA380, s4;
	s29 =	rddreg [dreg:$0x4];
	v21 =	vadd.f32 v24, v21;
	v30 =	vmul.f32 v30, v30;
	v31 =	vmul.f32 v31, v31  }
0x1da: {  	s3 =	sor.u32 s5, s30;
	s13 =	sadd.s32 $0x0, s29;
	v24 =	vld [tilespmem:s23+$0x0];
	v59 =	vsub.f32 v59, v8;
	v26 =	vsub.f32 v46, v9;
	v51 =	vmul.f32 v25, v25  }
0x1db: {  	s0 =	sadd.s32 $0x10, s13;
	v61 =	vld [tilespmem:s3+$0x0];
	s15 =	sor.u32 $0xB300, s4;
	s17 =	sor.u32 s10, s30;
	v27 =	vmul.f32 v27, v27;
	v52 =	vadd.f32 v21, v55;
	v31 =	vadd.f32 v38, v31  }
0x1dc: {  	s25 =	sor.u32 s5, s15;
	v45 =	vld [tilespmem:s17+$0x0];
	v21 =	vor.u32 s0, v1;
	v28 =	vsub.f32 v28, v12;
	v37 =	vadd.f32 v51, v37  }
0x1dd: {  	v53 =	vld [tilespmem:s25+$0x0];
	s11 =	sor.u32 s5, s28;
	v42 =	vsub.f32 v42, v19;
	v38 =	vsub.f32 v56, v17;
	v35 =	vmin.f32 v29, v52  }
0x1de: {  	v41 =	vld [tilespmem:s11+$0x0];
	v25 =	vmul.f32 v47, v47;
	v27 =	vadd.f32 v27, v54;
	[tilespmem:s8+$0xFFFFFFF0] =	vst v35;
	v29 =	vadd.f32 v40, v37  }
0x1df: {  	v55 =	vld [tilespmem:s8+$0x0];
	v26 =	vmul.f32 v26, v26;
	v24 =	vsub.f32 v24, v11;
	v30 =	vadd.f32 v30, v31;
	s23 =	rddreg [dreg:$0x14]  }
0x1e0: {  	s28 =	sor.u32 s5, s7;
	v31 =	vmul.f32 v33, v33;
	v52 =	vmul.f32 v28, v28;
	v58 =	vld [tilespmem:s23+$0xFFFFFFF0];
	v23 =	vadd.f32 v29, v23  }
0x1e1: {  	s29 =	sor.u32 s5, s16;
	v36 =	vld [tilespmem:s28+$0x0];
	v45 =	vsub.f32 v45, v15;
	v57 =	vmul.f32 v42, v42;
	v24 =	vmul.f32 v24, v24  }
0x1e2: {  	s4 =	simm.s32 $0x14030;
	v42 =	vsub.f32 v61, v15;
	v61 =	vmul.f32 v59, v59;
	v40 =	vld [tilespmem:s29+$0x0];
	v22 =	vadd.f32 v23, v22  }
0x1e3: {  	s1 =	sor.u32 s10, s1;
	v45 =	vmul.f32 v45, v45;
	v29 =	vmul.f32 v32, v32;
	v56 =	vadd.f32 v24, v60;
	v24 =	vld [tilespmem:s4+$0x0]  }
0x1e4: {  	s30 =	sor.u32 s10, s19;
	v32 =	vmul.f32 v63, v63;
	v23 =	vadd.f32 v34, v30;
	v30 =	vmin.f32 v55, v22;
	v55 =	vld [tilespmem:s1+$0x0]  }
0x1e5: {  	s0 =	sor.u32 s10, s9;
	v60 =	vmul.f32 v43, v43;
	v34 =	vsub.f32 v41, v19;
	v41 =	vld [tilespmem:s30+$0x0];
	v28 =	vmul.f32 v35, v58  }
0x1e6: {  	s21 =	sor.u32 s10, s22;
	s11 =	sadd.s32 $0x20, s8;
	v39 =	vadd.f32 v52, v56;
	v58 =	vmul.f32 v62, v62;
	v35 =	vmul.f32 v38, v38;
	v38 =	vld [tilespmem:s0+$0x0]  }
0x1e7: {  	s20 =	sor.u32 s10, s15;
	s25 =	simm.s32 $0x2;
	s31 =	sor.u32 s5, s2;
	v63 =	vor.u32 s13, v1;
	v43 =	vadd.f32 v61, v27;
	v62 =	vsub.f32 v53, v14;
	v22 =	vld [tilespmem:s11+$0x0]  }
0x1e8: {  	s5 =	simm.s32 $0x40;
	s19 =	sadd.s32 $0x20, s11;
	s9 =	sadd.s32 $0x20, s23;
	v27 =	vadd.f32 v57, v39;
	v39 =	vld [tilespmem:s31+$0x0];
	vm0 =	vgt.f32 v28, v2;
	[tilespmem:s8+$0x0] =	vst v30;
	v37 =	vadd.f32 v60, v58  }
0x1e9: {  	s17 =	simm.s32 $0x200;
	s10 =	simm.s32 $0x14050;
	s16 =	sadd.s32 $0x20, s9;
	v46 =	vmul.f32 v62, v62;
	v33 =	vld [tilespmem:s23+$0x0];
	v3 =	vsel vm0, v63, v3;
	v44 =	vsub.f32 v55, v18  }
.LBB2_14:
0x1ea: {  	s28 =	sand.u32 $0xC00, s17;
	v50 =	vld [tilespmem:s21+$0x0];
	v42 =	vmul.f32 v42, v42;
	v26 =	vadd.f32 v45, v26  }
0x1eb: {  	s18 =	sand.u32 $0x60, s5;
	v52 =	vld [tilespmem:s4+$0xFFFFFFF0];
	v2 =	vsel vm0, v28, v2;
	s3 =	sor.u32 $0xA180, s28;
	v49 =	vadd.f32 v46, v43;
	v23 =	vadd.f32 v27, v23  }
0x1ec: {  	s1 =	sadd.s32 $0x10, s5;
	v20 =	vmul.f32 v20, v20;
	s7 =	sor.u32 $0xA280, s28;
	s0 =	sor.u32 s18, s3;
	v25 =	vadd.f32 v42, v25;
	v26 =	vadd.f32 v31, v26;
	v31 =	vld [tilespmem:s20+$0x0]  }
0x1ed: {  	s13 =	sor.u32 $0xB080, s28;
	v44 =	vmul.f32 v44, v44;
	s23 =	sand.u32 $0x70, s1;
	s6 =	sor.u32 s18, s7;
	v56 =	vld [tilespmem:s0+$0x0];
	v47 =	vsub.f32 v36, v5;
	v40 =	vsub.f32 v40, v12  }
0x1ee: {  	s29 =	sor.u32 $0xA000, s28;
	v59 =	vmul.f32 v34, v34;
	s2 =	sor.u32 s18, s13;
	s13 =	sor.u32 s23, s13;
	v58 =	vld [tilespmem:s6+$0x0];
	v41 =	vsub.f32 v41, v7;
	v38 =	vsub.f32 v38, v4  }
0x1ef: {  	s22 =	sor.u32 $0xA200, s28;
	s8 =	sor.u32 s18, s29;
	v48 =	vld [tilespmem:s13+$0x0];
	v30 =	vmul.f32 v30, v33;
	v39 =	vsub.f32 v39, v13;
	v44 =	vadd.f32 v44, v26  }
0x1f0: {  	[dreg:$0x5] =	wrdreg s2;
	s2 =	sor.u32 s18, s22;
	s0 =	sor.u32 $0xB380, s28;
	v36 =	vld [tilespmem:s11+$0xFFFFFFF0];
	v60 =	vsub.f32 v50, v8;
	v25 =	vadd.f32 v35, v25;
	v51 =	vmul.f32 v47, v47  }
0x1f1: {  	[dreg:$0x6] =	wrdreg s8;
	s8 =	sor.u32 $0xB000, s28;
	v57 =	vld [tilespmem:s2+$0x0];
	s31 =	sor.u32 s18, s0;
	v41 =	vmul.f32 v41, v41;
	v61 =	vmul.f32 v38, v38;
	vm0 =	vgt.f32 v30, v2  }
0x1f2: {  	s21 =	sor.u32 $0xB200, s28;
	s12 =	sor.u32 s18, s8;
	v62 =	vld [tilespmem:s31+$0x0];
	v20 =	vadd.f32 v20, v25;
	v28 =	vadd.f32 v29, v51;
	v29 =	vmul.f32 v40, v40  }
0x1f3: {  	s31 =	sor.u32 s23, s21;
	v50 =	vld [tilespmem:s12+$0x0];
	v2 =	vsel vm0, v30, v2;
	v30 =	vadd.f32 v41, v61;
	v47 =	vsub.f32 v56, v9  }
0x1f4: {  	s3 =	sor.u32 s23, s3;
	v63 =	vld [tilespmem:s31+$0x0];
	v39 =	vmul.f32 v39, v39;
	v26 =	vadd.f32 v32, v28;
	v29 =	vadd.f32 v29, v37  }
0x1f5: {  	s29 =	sor.u32 s23, s29;
	s2 =	sor.u32 $0xB180, s28;
	v34 =	vmul.f32 v60, v60;
	v25 =	vld [tilespmem:s3+$0x0];
	v31 =	vsub.f32 v31, v14;
	v35 =	vsub.f32 v48, v12  }
0x1f6: {  	s30 =	sor.u32 $0xA380, s28;
	s31 =	sor.u32 s23, s2;
	v3 =	vsel vm0, v21, v3;
	v21 =	vld [tilespmem:s29+$0x0];
	v29 =	vadd.f32 v59, v29;
	v26 =	vadd.f32 v39, v26  }
0x1f7: {  	s1 =	sor.u32 s18, s30;
	s22 =	sor.u32 s23, s22;
	s3 =	sor.u32 s23, s30;
	v55 =	vld [tilespmem:s31+$0x0];
	v43 =	vadd.f32 v20, v49;
	v40 =	vsub.f32 v57, v10  }
0x1f8: {  	s30 =	sor.u32 s18, s2;
	s2 =	sor.u32 s23, s8;
	s8 =	sor.u32 s23, s7;
	v49 =	vld [tilespmem:s22+$0x0];
	v30 =	vadd.f32 v34, v30;
	v26 =	vadd.f32 v29, v26  }
0x1f9: {  	s14 =	sor.u32 $0xA080, s28;
	v54 =	vld [tilespmem:s8+$0x0];
	v20 =	vsub.f32 v62, v18;
	v38 =	vsub.f32 v50, v16  }
0x1fa: {  	s12 =	sor.u32 $0xB280, s28;
	s29 =	sor.u32 s23, s14;
	v37 =	vsub.f32 v63, v13;
	v29 =	vld [tilespmem:s2+$0x0];
	v32 =	vadd.f32 v43, v26  }
0x1fb: {  	v56 =	vld [tilespmem:s29+$0x0];
	s8 =	sor.u32 s23, s12;
	v31 =	vmul.f32 v31, v31;
	v53 =	vsub.f32 v25, v9;
	v21 =	vsub.f32 v21, v5  }
0x1fc: {  	s24 =	sor.u32 s18, s14;
	v57 =	vld [tilespmem:s8+$0x0];
	v39 =	vsub.f32 v58, v11;
	v32 =	vadd.f32 v32, v52  }
0x1fd: {  	s15 =	sor.u32 $0xA100, s28;
	s4 =	sor.u32 $0xB300, s28;
	v28 =	vld [tilespmem:s24+$0x0];
	v25 =	vmul.f32 v47, v47;
	v30 =	vadd.f32 v31, v30;
	v34 =	vsub.f32 v49, v10  }
0x1fe: {  	s6 =	sor.u32 s18, s15;
	s20 =	sor.u32 $0xA300, s28;
	s13 =	sor.u32 s23, s0;
	v63 =	vld [tilespmem:s19+$0x0];
	v33 =	vsub.f32 v55, v17;
	v55 =	vmul.f32 v35, v35;
	v32 =	vmin.f32 v36, v32  }
0x1ff: {  	s7 =	sor.u32 s23, s15;
	s15 =	sor.u32 s23, s20;
	s31 =	rddreg [dreg:$0x4];
	v58 =	vsub.f32 v54, v11;
	v31 =	vmul.f32 v34, v34;
	v34 =	vld [tilespmem:s3+$0x0];
	v29 =	vsub.f32 v29, v16;
	[tilespmem:s11+$0xFFFFFFF0] =	vst v32  }
0x200: {  	s22 =	sor.u32 $0xB100, s28;
	s24 =	sor.u32 s18, s20;
	s20 =	sor.u32 s23, s4;
	v37 =	vmul.f32 v37, v37;
	v61 =	vsub.f32 v56, v6;
	v21 =	vmul.f32 v21, v21;
	v27 =	vld [tilespmem:s6+$0x0]  }
0x201: {  	s2 =	sor.u32 s18, s21;
	s21 =	sor.u32 s23, s22;
	s23 =	sadd.s32 s26, s31;
	v43 =	vsub.f32 v57, v19;
	v59 =	vmul.f32 v29, v29;
	v29 =	vadd.f32 v44, v30;
	v30 =	vld [tilespmem:s24+$0x0]  }
0x202: {  	v39 =	vmul.f32 v39, v39;
	s28 =	sadd.s32 $0x10, s23;
	v26 =	vmul.f32 v53, v53;
	v53 =	vsub.f32 v28, v6;
	v60 =	vld [tilespmem:s30+$0x0]  }
0x203: {  	s0 =	sor.u32 s18, s22;
	v31 =	vadd.f32 v31, v21;
	v21 =	vor.u32 s28, v1;
	v50 =	vmul.f32 v43, v43;
	v62 =	vld [tilespmem:s9+$0xFFFFFFF0]  }
0x204: {  	s22 =	sor.u32 s18, s12;
	v36 =	vmul.f32 v58, v58;
	v49 =	vsub.f32 v34, v15;
	v54 =	vld [tilespmem:s0+$0x0];
	v23 =	vadd.f32 v29, v23  }
0x205: {  	v52 =	vld [tilespmem:s22+$0x0];
	v29 =	vmul.f32 v40, v40;
	v41 =	vadd.f32 v59, v31;
	v40 =	vmul.f32 v61, v61  }
0x206: {  	s14 =	sor.u32 s18, s4;
	v57 =	vld [tilespmem:s1+$0x0];
	v31 =	vmul.f32 v33, v33;
	v45 =	vmul.f32 v49, v49;
	v51 =	vadd.f32 v23, v24  }
0x207: {  	v48 =	vld [tilespmem:s14+$0x0];
	v23 =	vadd.f32 v37, v41;
	v59 =	vadd.f32 v36, v40;
	v37 =	vmul.f32 v53, v53  }
0x208: {  	s29 =	rddreg [dreg:$0x6];
	v24 =	vld [tilespmem:s10+$0x0];
	v27 =	vsub.f32 v27, v4;
	v56 =	vsub.f32 v30, v7;
	v30 =	vmin.f32 v22, v51  }
0x209: {  	s25 =	sadd.s32 $0x2, s25;
	v36 =	vld [tilespmem:s29+$0x0];
	v44 =	vsub.f32 v60, v17;
	v28 =	vmul.f32 v32, v62;
	v60 =	vsub.f32 v54, v8;
	[tilespmem:s11+$0x0] =	vst v30  }
0x20a: {  	p0 =	slt.u32 s25, $0x1E;
	s30 =	rddreg [dreg:$0x5];
	v34 =	vsub.f32 v52, v19;
	v27 =	vmul.f32 v27, v27;
	v58 =	vmul.f32 v56, v56;
	v51 =	vld [tilespmem:s13+$0x0]  }
.Ltmp5:
0x20b: {  	v40 =	vld [tilespmem:s30+$0x0];
	v32 =	vmul.f32 v38, v38;
	v61 =	vadd.f32 v55, v59;
	v37 =	vadd.f32 v39, v37;
	(pc) =	sbr.rel @p0 .LBB2_14-.Ltmp5, $4  }
0x20c: {  	v62 =	vsub.f32 v48, v14;
	v39 =	vld [tilespmem:s2+$0x0];
	v41 =	vmul.f32 v60, v60;
	v27 =	vadd.f32 v58, v27  }
0x20d: {  	s17 =	sadd.s32 $0x100, s17;
	s4 =	smov.u32 s10;
	s26 =	smov.u32 s5;
	v22 =	vmovc v63;
	v42 =	vsub.f32 v57, v15;
	v63 =	vor.u32 s23, v1;
	vm0 =	vgt.f32 v28, v2;
	v33 =	vld [tilespmem:s9+$0x0]  }
0x20e: {  	s5 =	sadd.s32 $0x20, s5;
	s10 =	sadd.s32 $0x20, s10;
	s11 =	smov.u32 s19;
	v35 =	vmul.f32 v44, v44;
	v38 =	vld [tilespmem:s7+$0x0];
	v46 =	vmul.f32 v62, v62;
	v43 =	vadd.f32 v41, v27  }
0x20f: {  	s19 =	sadd.s32 $0x20, s19;
	s9 =	smov.u32 s16;
	s16 =	sadd.s32 $0x20, s16;
	v3 =	vsel vm0, v63, v3;
	v41 =	vld [tilespmem:s15+$0x0];
	v27 =	vadd.f32 v50, v61;
	v44 =	vsub.f32 v51, v18  }
0x210: {  	v5 =	vsub.f32 v36, v5;
	v10 =	vld [tilespmem:s21+$0x0]  }
0x211: {  	v6 =	vmul.f32 v42, v42;
	v9 =	vadd.f32 v46, v43;
	v11 =	vadd.f32 v45, v26  }
0x212: {  	v12 =	vsub.f32 v40, v12;
	v13 =	vsub.f32 v39, v13;
	v5 =	vmul.f32 v5, v5  }
0x213: {  	v15 =	vld [tilespmem:s20+$0x0];
	v6 =	vadd.f32 v6, v25;
	v4 =	vsub.f32 v38, v4  }
0x214: {  	v12 =	vmul.f32 v12, v12;
	v7 =	vsub.f32 v41, v7;
	v5 =	vadd.f32 v29, v5  }
0x215: {  	v13 =	vmul.f32 v13, v13;
	v6 =	vadd.f32 v35, v6;
	v8 =	vsub.f32 v10, v8  }
0x216: {  	v12 =	vadd.f32 v12, v37;
	v4 =	vmul.f32 v4, v4;
	v7 =	vmul.f32 v7, v7  }
0x217: {  	v10 =	vmul.f32 v20, v20;
	v5 =	vadd.f32 v32, v5;
	v8 =	vmul.f32 v8, v8  }
0x218: {  	v4 =	vadd.f32 v7, v4;
	v7 =	vsub.f32 v15, v14;
	v14 =	vmul.f32 v34, v34  }
0x219: {  	v6 =	vadd.f32 v10, v6;
	v5 =	vadd.f32 v13, v5  }
0x21a: {  	v4 =	vadd.f32 v8, v4;
	v8 =	vadd.f32 v14, v12  }
0x21b: {  	v11 =	vadd.f32 v31, v11;
	v10 =	vld [tilespmem:s4+$0xFFFFFFF0];
	v7 =	vmul.f32 v7, v7  }
0x21c: {  	v16 =	vmul.f32 v44, v44;
	v6 =	vadd.f32 v6, v9;
	v5 =	vadd.f32 v8, v5  }
0x21d: {  	v4 =	vadd.f32 v7, v4;
	v7 =	vld [tilespmem:s11+$0xFFFFFFF0]  }
0x21e: {  	v11 =	vadd.f32 v16, v11;
	v5 =	vadd.f32 v6, v5  }
0x21f: {  	v8 =	vadd.f32 v27, v23  }
0x220: {  	v4 =	vadd.f32 v11, v4;
	v5 =	vadd.f32 v5, v10  }
0x221: {  	s0 =	rddreg [dreg:$0x17]  }
0x222: {  	s0 =	sshll.u32 s0, $0xD;
	v4 =	vadd.f32 v4, v8;
	v5 =	vmin.f32 v7, v5  }
0x223: {  	s0 =	sadd.s32 $0x2000, s0;
	[tilespmem:s11+$0xFFFFFFF0] =	vst v5  }
0x224: {  	s0 =	sand.u32 $0xE000, s0;
	v4 =	vadd.f32 v4, v24;
	s1 =	rddreg [dreg:$0xa]  }
0x225: {  	s25 =	rddreg [dreg:$0x1];
	s0 =	sor.u32 s1, s0  }
0x226: {  	s28 =	simm.s32 $0x1000;
	s2 =	simm.s32 $0x10000;
	v4 =	vmin.f32 v22, v4;
	s0 =	sshrl.u32 s0, $0x3  }
0x227: {  	s3 =	simm.s32 $0x4000;
	s29 =	simm.s32 $0x2;
	v6 =	vld [tilespmem:s9+$0xFFFFFFF0];
	[tilespmem:s11+$0x0] =	vst v4;
	s0 =	sadd.s32 s25, s0  }
0x228: {  	v7 =	vld [tilespmem:s9+$0x0];
	[tilespmem:s3], [sflag:$0x1] =	stream.strided.gather [hbm4b:s0+s28], $0x8000, s2, s28, $0x38  }
0x229: {  	s12 =	simm.s32 $0x0;
	_ =	swait.ge [sflag:s29], $0x8000  }
0x22a: {  	s30 =	sand.u32 $0xC00, s12;
	[sflag:s29] =	ssyncset.done $0x0  }
0x22b: {  	s1 =	sand.u32 $0x60, s12;
	s9 =	sor.u32 $0xC000, s30;
	[sflag:s29] =	ssyncadd.s32 $0xFFFF8000  }
0x22c: {  	s13 =	sor.u32 s1, s9;
	v8 =	vld [tilespmem:$0x14200]  }
0x22d: {  	s7 =	sor.u32 $0xD100, s30;
	s11 =	sor.u32 $0x10, s1;
	v20 =	vld [tilespmem:s13+$0x200]  }
0x22e: {  	s5 =	sor.u32 $0xD080, s30;
	s14 =	sor.u32 s11, s7;
	v23 =	vld [tilespmem:s13+$0x0]  }
0x22f: {  	s10 =	sor.u32 $0xD180, s30;
	s15 =	sor.u32 s11, s5;
	v25 =	vld [tilespmem:s14+$0x0]  }
0x230: {  	v9 =	vmul.f32 v30, v33;
	s16 =	sor.u32 s11, s10;
	v26 =	vld [tilespmem:s15+$0x0]  }
0x231: {  	v2 =	vsel vm0, v28, v2;
	s17 =	sor.u32 $0xD000, s30;
	s6 =	sor.u32 s11, s9;
	v22 =	vld [tilespmem:s16+$0x0]  }
0x232: {  	s18 =	sadd.s32 s26, s31;
	vm0 =	vgt.f32 v9, v2;
	s19 =	sor.u32 s11, s17;
	v5 =	vmul.f32 v5, v6;
	v24 =	vld [tilespmem:s6+$0x180]  }
0x233: {  	s8 =	sadd.s32 $0x10, s18;
	v2 =	vsel vm0, v9, v2;
	v3 =	vsel vm0, v21, v3;
	v29 =	vld [tilespmem:s19+$0x0]  }
0x234: {  	v10 =	vor.u32 s18, v1;
	v6 =	vor.u32 s8, v1;
	vm15 =	vgt.f32 v5, v2;
	v21 =	vld [tilespmem:s6+$0x380]  }
0x235: {  	v4 =	vmul.f32 v4, v7;
	v3 =	vsel vm15, v10, v3;
	v28 =	vld [tilespmem:s6+$0x100];
	v7 =	vbroadcast v8, $0x0  }
0x236: {  	v2 =	vsel vm15, v5, v2;
	v30 =	vld [tilespmem:s6+$0x80];
	v9 =	vbroadcast v8, $0x1;
	v10 =	vbroadcast v8, $0x2  }
0x237: {  	v31 =	vld [tilespmem:s13+$0x280];
	vm0 =	vgt.f32 v4, v2;
	v11 =	vbroadcast v8, $0x3;
	v12 =	vbroadcast v8, $0x4  }
0x238: {  	v49 =	vld [tilespmem:s13+$0x80];
	v2 =	vsel vm0, v4, v2;
	v13 =	vbroadcast v8, $0x5;
	v14 =	vbroadcast v8, $0x6  }
0x239: {  	v52 =	vld [tilespmem:s13+$0x180];
	v3 =	vsel vm0, v6, v3;
	v15 =	vbroadcast v8, $0x7;
	v17 =	vbroadcast v8, $0x8  }
0x23a: {  	s22 =	sor.u32 s1, s10;
	v56 =	vld [tilespmem:s6+$0x200];
	v16 =	vbroadcast v8, $0x9;
	v18 =	vbroadcast v8, $0xA;
	v20 =	vsub.f32 v20, v12  }
0x23b: {  	s3 =	sor.u32 s1, s17;
	v61 =	vld [tilespmem:s22+$0x0];
	v19 =	vbroadcast v8, $0xB;
	v24 =	vsub.f32 v24, v11;
	v54 =	vsub.f32 v21, v15  }
0x23c: {  	v27 =	vld [tilespmem:s3+$0x0];
	v5 =	vbroadcast v8, $0xC;
	v23 =	vsub.f32 v23, v7;
	v30 =	vsub.f32 v30, v9  }
0x23d: {  	v50 =	vld [tilespmem:s6+$0x280];
	v4 =	vbroadcast v8, $0xD;
	v57 =	vsub.f32 v28, v10;
	v59 =	vsub.f32 v31, v13  }
0x23e: {  	s23 =	sor.u32 s1, s7;
	v51 =	vld [tilespmem:s6+$0x300];
	v6 =	vbroadcast v8, $0xE;
	v25 =	vsub.f32 v25, v18;
	v31 =	vsub.f32 v52, v11  }
0x23f: {  	v47 =	vld [tilespmem:s23+$0x0];
	v8 =	vbroadcast v8, $0xF;
	v33 =	vsub.f32 v49, v9;
	v62 =	vsub.f32 v26, v16  }
0x240: {  	v55 =	vld [tilespmem:s13+$0x100];
	v34 =	vsub.f32 v56, v12;
	v45 =	vsub.f32 v61, v19;
	v53 =	vmul.f32 v20, v20  }
0x241: {  	v58 =	vld [tilespmem:s13+$0x380];
	v20 =	vsub.f32 v22, v19;
	v22 =	vmul.f32 v24, v24;
	v24 =	vmul.f32 v54, v54  }
0x242: {  	s24 =	sor.u32 s1, s5;
	v32 =	vld [tilespmem:s13+$0x300];
	v29 =	vsub.f32 v29, v17;
	v23 =	vmul.f32 v23, v23;
	v60 =	vmul.f32 v57, v57  }
0x243: {  	s20 =	sor.u32 $0xD300, s30;
	s25 =	sor.u32 $0xD280, s30;
	v40 =	vld [tilespmem:s24+$0x0];
	v21 =	vmul.f32 v20, v20;
	v20 =	vmul.f32 v30, v30;
	v30 =	vsub.f32 v51, v14  }
0x244: {  	s26 =	sor.u32 $0xD200, s30;
	s21 =	sor.u32 s11, s20;
	s28 =	sor.u32 s1, s25;
	v41 =	vld [tilespmem:s6+$0x0];
	v43 =	vsub.f32 v47, v18;
	v37 =	vmul.f32 v25, v25;
	v26 =	vmul.f32 v31, v31  }
0x245: {  	s5 =	simm.s32 $0x0;
	s9 =	simm.s32 $0x100;
	s29 =	sor.u32 $0xD380, s30;
	v42 =	vld [tilespmem:s28+$0x0];
	v63 =	vmul.f32 v30, v30;
	v30 =	vsub.f32 v27, v17;
	v27 =	vsub.f32 v55, v10  }
0x246: {  	s10 =	simm.s32 $0x14020;
	s4 =	sor.u32 s11, s25;
	s30 =	sor.u32 s1, s29;
	v28 =	vld [tilespmem:s21+$0x0];
	v31 =	vsub.f32 v58, v15;
	v36 =	vmul.f32 v33, v33;
	v25 =	vsub.f32 v50, v13  }
0x247: {  	s8 =	simm.s32 $0x14000;
	s16 =	sor.u32 s11, s26;
	s3 =	sor.u32 s1, s26;
	v38 =	vmul.f32 v59, v59;
	v35 =	vadd.f32 v53, v23;
	v33 =	vmul.f32 v27, v27;
	v27 =	vld [tilespmem:s30+$0x0]  }
0x248: {  	s17 =	sor.u32 s11, s29;
	s6 =	sor.u32 s1, s20;
	s19 =	simm.s32 $0x0;
	v23 =	vmul.f32 v62, v62;
	v39 =	vmul.f32 v30, v30;
	v30 =	vld [tilespmem:s3+$0x0];
	v44 =	vadd.f32 v63, v60  }
.LBB2_16:
0x249: {  	s18 =	sand.u32 $0xC00, s9;
	s5 =	sadd.s32 $0x2, s5;
	v32 =	vsub.f32 v32, v14;
	v40 =	vsub.f32 v40, v16;
	v45 =	vmul.f32 v45, v45;
	v46 =	vld [tilespmem:s16+$0x0];
	s12 =	sadd.s32 $0x20, s12  }
0x24a: {  	v34 =	vmul.f32 v34, v34;
	s25 =	sand.u32 $0x60, s12;
	s0 =	sor.u32 $0xC000, s18;
	s1 =	sor.u32 $0xD200, s18;
	v47 =	vld [tilespmem:s6+$0x0];
	v41 =	vsub.f32 v41, v7;
	v37 =	vadd.f32 v37, v44  }
0x24b: {  	v28 =	vsub.f32 v28, v6;
	s2 =	sor.u32 $0xD100, s18;
	s3 =	sor.u32 $0xD180, s18;
	s28 =	sor.u32 s25, s0;
	v40 =	vmul.f32 v40, v40;
	v42 =	vsub.f32 v42, v4;
	v44 =	vld [tilespmem:s17+$0x0]  }
0x24c: {  	v36 =	vadd.f32 v38, v36;
	v22 =	vadd.f32 v24, v22;
	s6 =	sor.u32 $0xD000, s18;
	s7 =	sor.u32 $0xD080, s18;
	v38 =	vmul.f32 v43, v43;
	s20 =	sor.u32 $0x10, s25;
	v48 =	vld [tilespmem:s28+$0x200]  }
0x24d: {  	v31 =	vmul.f32 v31, v31;
	v35 =	vadd.f32 v39, v35;
	s14 =	sor.u32 s25, s6;
	v32 =	vmul.f32 v32, v32;
	s21 =	sor.u32 s20, s0;
	s0 =	sor.u32 s20, s2;
	v24 =	vld [tilespmem:s28+$0x0]  }
0x24e: {  	s17 =	sor.u32 s20, s7;
	s22 =	sor.u32 s20, s3;
	s16 =	sor.u32 s20, s1;
	v36 =	vadd.f32 v40, v36;
	v39 =	vmul.f32 v42, v42;
	v40 =	vsub.f32 v46, v5;
	v42 =	vld [tilespmem:s4+$0x0]  }
0x24f: {  	s13 =	sor.u32 s25, s2;
	s15 =	sor.u32 s25, s3;
	v26 =	vadd.f32 v31, v26;
	s2 =	sor.u32 s20, s6;
	v31 =	vmul.f32 v41, v41;
	v32 =	vadd.f32 v32, v33;
	v43 =	vld [tilespmem:s0+$0x0]  }
0x250: {  	s26 =	sor.u32 s25, s1;
	v21 =	vadd.f32 v21, v22;
	v22 =	vmul.f32 v28, v28;
	s7 =	sor.u32 s25, s7;
	s0 =	sor.u32 $0xD280, s18;
	v33 =	vld [tilespmem:s17+$0x0];
	v28 =	vsub.f32 v44, v8  }
0x251: {  	v29 =	vmul.f32 v29, v29;
	p0 =	slt.u32 s5, $0x1E;
	v26 =	vadd.f32 v45, v26;
	v32 =	vadd.f32 v38, v32;
	s1 =	sor.u32 s25, s0;
	s4 =	sor.u32 s20, s0;
	v41 =	vld [tilespmem:s22+$0x0]  }
0x252: {  	v25 =	vmul.f32 v25, v25;
	v27 =	vsub.f32 v27, v8;
	v30 =	vsub.f32 v30, v5;
	v38 =	vld [tilespmem:s21+$0x180]  }
0x253: {  	v31 =	vadd.f32 v34, v31;
	v45 =	vsub.f32 v47, v6;
	s0 =	sor.u32 $0xD380, s18;
	v28 =	vmul.f32 v28, v28;
	v44 =	vld [tilespmem:s2+$0x0]  }
0x254: {  	v27 =	vmul.f32 v27, v27;
	v36 =	vadd.f32 v39, v36;
	s22 =	sor.u32 s25, s0;
	s17 =	sor.u32 s20, s0;
	v39 =	vsub.f32 v42, v4;
	v34 =	vld [tilespmem:s14+$0x0]  }
0x255: {  	v37 =	vadd.f32 v22, v37;
	v45 =	vmul.f32 v45, v45;
	v42 =	vsub.f32 v48, v12;
	v46 =	vld [tilespmem:s21+$0x380]  }
0x256: {  	v20 =	vadd.f32 v25, v20;
	v22 =	vmul.f32 v30, v30;
	v26 =	vadd.f32 v27, v26;
	v47 =	vld [tilespmem:s21+$0x100]  }
0x257: {  	v29 =	vadd.f32 v29, v31;
	v27 =	vmul.f32 v42, v42;
	v25 =	vld [tilespmem:s21+$0x80];
	v30 =	vsub.f32 v38, v11  }
0x258: {  	v35 =	vadd.f32 v22, v35;
	v32 =	vadd.f32 v45, v32;
	v31 =	vld [tilespmem:s28+$0x280]  }
0x259: {  	v20 =	vadd.f32 v23, v20;
	v38 =	vld [tilespmem:s28+$0x80];
	v22 =	vmul.f32 v30, v30;
	v30 =	vsub.f32 v41, v19  }
0x25a: {  	v28 =	vadd.f32 v28, v21;
	v39 =	vmul.f32 v39, v39;
	v23 =	vld [tilespmem:s21+$0x280];
	v41 =	vsub.f32 v46, v15  }
0x25b: {  	v35 =	vadd.f32 v36, v35;
	v36 =	vmul.f32 v40, v40;
	v42 =	vsub.f32 v24, v7;
	v45 =	vld [tilespmem:s21+$0x300]  }
0x25c: {  	v21 =	vmul.f32 v30, v30;
	v30 =	vadd.f32 v39, v20;
	v40 =	vld [tilespmem:s28+$0x180];
	v25 =	vsub.f32 v25, v9  }
0x25d: {  	v29 =	vadd.f32 v36, v29;
	v46 =	vsub.f32 v47, v10;
	v24 =	vmul.f32 v41, v41;
	v39 =	vld [tilespmem:s28+$0x100]  }
0x25e: {  	v36 =	vadd.f32 v28, v37;
	v47 =	vsub.f32 v31, v13;
	v31 =	vld [tilespmem:s21+$0x200]  }
0x25f: {  	s0 =	sor.u32 $0xD300, s18;
	v26 =	vadd.f32 v26, v32;
	v20 =	vmul.f32 v25, v25;
	v25 =	vsub.f32 v43, v18;
	v41 =	vld [tilespmem:s28+$0x380]  }
0x260: {  	s6 =	sor.u32 s25, s0;
	s0 =	sor.u32 s20, s0;
	v42 =	vmul.f32 v42, v42;
	v29 =	vadd.f32 v30, v29;
	v32 =	vld [tilespmem:s28+$0x300];
	v37 =	vsub.f32 v45, v14  }
0x261: {  	v26 =	vadd.f32 v26, v35;
	v46 =	vmul.f32 v46, v46;
	v30 =	vsub.f32 v40, v11;
	v28 =	vld [tilespmem:s0+$0x0]  }
0x262: {  	v33 =	vsub.f32 v33, v16;
	v35 =	vsub.f32 v38, v9;
	v43 =	vld [tilespmem:s15+$0x0];
	v48 =	vmul.f32 v37, v37  }
0x263: {  	v49 =	vsub.f32 v34, v17;
	v37 =	vmul.f32 v25, v25;
	v50 =	vld [tilespmem:s13+$0x0];
	v34 =	vsub.f32 v31, v12;
	[tilespmem:s8+$0x0] =	vst v26;
	s8 =	smov.u32 s10  }
.Ltmp6:
0x264: {  	v29 =	vadd.f32 v36, v29;
	s0 =	sand.u32 $0x180, s19;
	s19 =	smov.u32 s12;
	v26 =	vmul.f32 v30, v30;
	v31 =	vsub.f32 v41, v15;
	v40 =	vld [tilespmem:s7+$0x0];
	(pc) =	sbr.rel @p0 .LBB2_16-.Ltmp6, $4  }
0x265: {  	v36 =	vmul.f32 v35, v35;
	v25 =	vsub.f32 v23, v13;
	s0 =	sor.u32 s11, s0;
	s11 =	smov.u32 s20;
	v30 =	vsub.f32 v39, v10;
	v41 =	vld [tilespmem:s21+$0x0]  }
0x266: {  	v38 =	vmul.f32 v47, v47;
	v35 =	vadd.f32 v27, v42;
	v23 =	vmul.f32 v33, v33;
	v42 =	vld [tilespmem:s1+$0x0];
	[tilespmem:s0+$0x14000] =	vst v29  }
0x267: {  	v33 =	vmul.f32 v30, v30;
	v29 =	vsub.f32 v44, v17;
	v45 =	vsub.f32 v43, v19;
	v27 =	vld [tilespmem:s22+$0x0]  }
0x268: {  	s9 =	sadd.s32 $0x100, s9;
	v39 =	vmul.f32 v49, v49;
	s10 =	sadd.s32 $0x20, s10;
	v44 =	vadd.f32 v48, v46;
	v43 =	vsub.f32 v50, v18;
	v30 =	vld [tilespmem:s26+$0x0]  }
0x269: {  	v9 =	vsub.f32 v32, v14;
	v10 =	vsub.f32 v40, v16  }
0x26a: {  	v16 =	vsub.f32 v28, v6;
	v18 =	vadd.f32 v38, v36  }
0x26b: {  	v11 =	vmul.f32 v45, v45;
	v12 =	vld [tilespmem:s16+$0x0];
	v22 =	vadd.f32 v24, v22;
	v7 =	vsub.f32 v41, v7  }
0x26c: {  	v17 =	vld [tilespmem:s17+$0x0];
	v28 =	vmul.f32 v31, v31;
	v14 =	vadd.f32 v37, v44;
	v31 =	vadd.f32 v39, v35  }
0x26d: {  	v24 =	vld [tilespmem:s6+$0x0];
	v15 =	vsub.f32 v42, v4;
	v10 =	vmul.f32 v10, v10;
	v9 =	vmul.f32 v9, v9  }
0x26e: {  	v13 =	vmul.f32 v34, v34;
	v26 =	vadd.f32 v28, v26;
	v21 =	vadd.f32 v21, v22  }
0x26f: {  	v19 =	vmul.f32 v43, v43;
	v10 =	vadd.f32 v10, v18;
	v9 =	vadd.f32 v9, v33  }
0x270: {  	v16 =	vmul.f32 v16, v16;
	v18 =	vld [tilespmem:s4+$0x0];
	v11 =	vadd.f32 v11, v26;
	v12 =	vsub.f32 v12, v5  }
0x271: {  	v7 =	vmul.f32 v7, v7;
	v17 =	vsub.f32 v17, v8;
	v8 =	vsub.f32 v27, v8  }
0x272: {  	v22 =	vmul.f32 v25, v25;
	v5 =	vsub.f32 v30, v5;
	v6 =	vsub.f32 v24, v6  }
0x273: {  	v15 =	vmul.f32 v15, v15;
	v7 =	vadd.f32 v13, v7;
	v13 =	vadd.f32 v16, v14  }
0x274: {  	v9 =	vadd.f32 v19, v9;
	v19 =	vmul.f32 v29, v29;
	v8 =	vmul.f32 v8, v8  }
0x275: {  	v10 =	vadd.f32 v15, v10;
	v5 =	vmul.f32 v5, v5;
	v4 =	vsub.f32 v18, v4  }
0x276: {  	v14 =	vmul.f32 v17, v17;
	v8 =	vadd.f32 v8, v11;
	v11 =	vadd.f32 v22, v20  }
0x277: {  	v6 =	vmul.f32 v6, v6;
	v12 =	vmul.f32 v12, v12;
	v7 =	vadd.f32 v19, v7  }
0x278: {  	v5 =	vadd.f32 v5, v31;
	v11 =	vadd.f32 v23, v11;
	v4 =	vmul.f32 v4, v4  }
0x279: {  	v6 =	vadd.f32 v6, v9;
	v9 =	vadd.f32 v14, v21  }
0x27a: {  	v7 =	vadd.f32 v12, v7;
	v4 =	vadd.f32 v4, v11  }
0x27b: {  	v5 =	vadd.f32 v10, v5;
	v6 =	vadd.f32 v8, v6  }
0x27c: {  	v8 =	vadd.f32 v9, v13;
	v4 =	vadd.f32 v4, v7  }
0x27d: {  	v5 =	vadd.f32 v6, v5  }
0x27e: {  	s0 =	sand.u32 $0x180, s19;
	s12 =	simm.s32 $0x0;
	v4 =	vadd.f32 v8, v4  }
0x27f: {  	s0 =	sor.u32 s11, s0;
	s5 =	sand.u32 $0xC00, s12;
	[tilespmem:s8+$0x0] =	vst v5  }
0x280: {  	s1 =	sand.u32 $0x60, s12;
	s4 =	sor.u32 $0xE080, s5;
	[tilespmem:s0+$0x14000] =	vst v4  }
0x281: {  	s3 =	sor.u32 $0xE100, s5;
	s2 =	sor.u32 s1, s4;
	v9 =	vld [tilespmem:$0x14210]  }
0x282: {  	s7 =	sor.u32 $0xE180, s5;
	s17 =	sor.u32 s1, s3;
	v21 =	vld [tilespmem:s2+$0x0]  }
0x283: {  	s18 =	sor.u32 $0xF000, s5;
	s9 =	sor.u32 s1, s7;
	v13 =	vld [tilespmem:s17+$0x0]  }
0x284: {  	s10 =	sor.u32 $0xE300, s5;
	s19 =	sor.u32 s1, s18;
	s8 =	sor.u32 $0x10, s1;
	v23 =	vld [tilespmem:s9+$0x0]  }
0x285: {  	s20 =	sor.u32 $0xE380, s5;
	s21 =	sor.u32 s8, s10;
	v24 =	vld [tilespmem:s19+$0x0]  }
0x286: {  	s6 =	sor.u32 $0xF080, s5;
	s13 =	sor.u32 s1, s20;
	v25 =	vld [tilespmem:s21+$0x0]  }
0x287: {  	s23 =	sor.u32 $0xE280, s5;
	s22 =	sor.u32 s1, s6;
	v6 =	vld [tilespmem:s13+$0x0]  }
0x288: {  	s24 =	sor.u32 s8, s23;
	v20 =	vld [tilespmem:s22+$0x0]  }
0x289: {  	s7 =	sor.u32 s8, s7;
	v27 =	vld [tilespmem:s24+$0x0]  }
0x28a: {  	s25 =	sor.u32 s8, s3;
	v29 =	vld [tilespmem:s7+$0x0]  }
0x28b: {  	s26 =	sor.u32 $0xE200, s5;
	s28 =	sor.u32 s1, s23;
	v30 =	vld [tilespmem:s25+$0x0]  }
0x28c: {  	s29 =	sor.u32 s8, s26;
	v31 =	vld [tilespmem:s28+$0x0]  }
0x28d: {  	s3 =	sor.u32 s1, s26;
	v50 =	vld [tilespmem:s29+$0x0]  }
0x28e: {  	s30 =	sor.u32 $0xE000, s5;
	s10 =	sor.u32 s1, s10;
	v51 =	vld [tilespmem:s3+$0x0]  }
0x28f: {  	s14 =	sor.u32 s1, s30;
	s0 =	sor.u32 $0xF180, s5;
	v57 =	vld [tilespmem:s10+$0x0];
	v8 =	vbroadcast v9, $0x0  }
0x290: {  	s16 =	sor.u32 s1, s0;
	v60 =	vld [tilespmem:s14+$0x0];
	v4 =	vbroadcast v9, $0x1;
	v10 =	vbroadcast v9, $0x2  }
0x291: {  	s9 =	sor.u32 s8, s20;
	v22 =	vld [tilespmem:s16+$0x0];
	v11 =	vbroadcast v9, $0x3;
	v16 =	vbroadcast v9, $0x7  }
0x292: {  	s11 =	sor.u32 $0xF100, s5;
	v26 =	vld [tilespmem:s9+$0x0];
	s9 =	sor.u32 s8, s30;
	v15 =	vbroadcast v9, $0x6;
	v17 =	vbroadcast v9, $0x8  }
0x293: {  	s15 =	sor.u32 s1, s11;
	v56 =	vld [tilespmem:s9+$0x0];
	v12 =	vbroadcast v9, $0x4;
	v59 =	vsub.f32 v6, v16;
	v61 =	vsub.f32 v13, v10  }
0x294: {  	s13 =	sor.u32 s8, s11;
	v62 =	vld [tilespmem:s15+$0x0];
	v14 =	vbroadcast v9, $0x5;
	v24 =	vsub.f32 v24, v17;
	v25 =	vsub.f32 v25, v15  }
0x295: {  	s2 =	sor.u32 s8, s18;
	v58 =	vld [tilespmem:s13+$0x0];
	v19 =	vbroadcast v9, $0xB;
	v21 =	vsub.f32 v21, v4;
	v23 =	vsub.f32 v23, v11  }
0x296: {  	s0 =	sor.u32 s8, s0;
	v28 =	vld [tilespmem:s2+$0x0];
	v5 =	vbroadcast v9, $0x9;
	v31 =	vsub.f32 v31, v14;
	v30 =	vsub.f32 v30, v10  }
0x297: {  	s18 =	sor.u32 $0xF300, s5;
	s24 =	sor.u32 s8, s6;
	v63 =	vld [tilespmem:s0+$0x0];
	v18 =	vbroadcast v9, $0xA;
	v32 =	vsub.f32 v50, v12;
	v22 =	vsub.f32 v22, v19  }
0x298: {  	s16 =	sor.u32 $0xF200, s5;
	s21 =	sor.u32 s8, s18;
	v48 =	vld [tilespmem:s24+$0x0];
	v7 =	vbroadcast v9, $0xC;
	v29 =	vsub.f32 v29, v11;
	v34 =	vsub.f32 v56, v8  }
0x299: {  	s17 =	sor.u32 s8, s16;
	v54 =	vld [tilespmem:s21+$0x0];
	v6 =	vbroadcast v9, $0xD;
	v33 =	vsub.f32 v51, v12;
	v26 =	vsub.f32 v26, v16  }
0x29a: {  	s20 =	sor.u32 $0xF280, s5;
	s5 =	sor.u32 $0xF380, s5;
	s3 =	sor.u32 s1, s16;
	v52 =	vld [tilespmem:s17+$0x0];
	v13 =	vbroadcast v9, $0xE;
	v35 =	vsub.f32 v57, v15;
	v36 =	vsub.f32 v58, v18  }
0x29b: {  	s23 =	sor.u32 s8, s5;
	v47 =	vld [tilespmem:s3+$0x0];
	v9 =	vbroadcast v9, $0xF;
	v40 =	vsub.f32 v62, v18;
	v27 =	vsub.f32 v27, v14  }
0x29c: {  	s22 =	sor.u32 s8, s20;
	v46 =	vld [tilespmem:s23+$0x0];
	v28 =	vsub.f32 v28, v17;
	v37 =	vmul.f32 v59, v59;
	v39 =	vmul.f32 v61, v61  }
0x29d: {  	s26 =	simm.s32 $0x100;
	s25 =	sor.u32 s8, s4;
	v55 =	vld [tilespmem:s22+$0x0];
	v41 =	vsub.f32 v63, v19;
	v30 =	vmul.f32 v30, v30;
	v21 =	vmul.f32 v21, v21  }
0x29e: {  	s4 =	simm.s32 $0x20;
	s10 =	sand.u32 $0xC00, s26;
	s19 =	sor.u32 s1, s18;
	v49 =	vld [tilespmem:s25+$0x0];
	v38 =	vsub.f32 v60, v8;
	v29 =	vmul.f32 v29, v29;
	v25 =	vmul.f32 v25, v25  }
0x29f: {  	v53 =	vld [tilespmem:s19+$0x0];
	s28 =	sor.u32 s1, s5;
	s5 =	sand.u32 $0x60, s4;
	s19 =	sor.u32 $0xF000, s10;
	v42 =	vsub.f32 v52, v7;
	v34 =	vmul.f32 v34, v34;
	v26 =	vmul.f32 v26, v26  }
0x2a0: {  	s17 =	sor.u32 $0x10, s5;
	s22 =	sor.u32 s5, s19;
	v56 =	vld [tilespmem:s28+$0x0];
	v62 =	vsub.f32 v47, v7;
	v35 =	vmul.f32 v35, v35;
	v36 =	vmul.f32 v36, v36  }
0x2a1: {  	s2 =	sor.u32 s1, s20;
	s23 =	sor.u32 $0xE380, s10;
	s7 =	sor.u32 s17, s19;
	v50 =	vld [tilespmem:s22+$0x0];
	v41 =	vmul.f32 v41, v41;
	v44 =	vsub.f32 v54, v13;
	v46 =	vsub.f32 v46, v9  }
0x2a2: {  	s18 =	sor.u32 $0xF080, s10;
	s1 =	sor.u32 $0xF180, s10;
	s25 =	sor.u32 s5, s23;
	v52 =	vld [tilespmem:s7+$0x0];
	v33 =	vmul.f32 v33, v33;
	v57 =	vmul.f32 v38, v38;
	v45 =	vsub.f32 v55, v6  }
0x2a3: {  	s14 =	sor.u32 s5, s1;
	s26 =	sor.u32 s5, s18;
	v59 =	vsub.f32 v20, v5;
	v24 =	vmul.f32 v24, v24;
	v23 =	vmul.f32 v23, v23;
	v61 =	vld [tilespmem:s25+$0x0]  }
0x2a4: {  	s11 =	sor.u32 s17, s23;
	s1 =	sor.u32 s17, s1;
	s23 =	sor.u32 $0xF280, s10;
	v60 =	vsub.f32 v53, v13;
	v40 =	vmul.f32 v40, v40;
	v20 =	vld [tilespmem:s26+$0x0];
	v26 =	vadd.f32 v26, v29  }
0x2a5: {  	v22 =	vmul.f32 v22, v22;
	v55 =	vld [tilespmem:s1+$0x0];
	s25 =	sor.u32 s17, s23;
	v35 =	vadd.f32 v35, v39;
	v25 =	vadd.f32 v25, v30  }
0x2a6: {  	v38 =	vld [tilespmem:s25+$0x0];
	v29 =	vmul.f32 v31, v31;
	v33 =	vadd.f32 v33, v57;
	v23 =	vadd.f32 v37, v23  }
0x2a7: {  	s16 =	sor.u32 $0xE180, s10;
	v31 =	vld [tilespmem:s2+$0x0];
	v30 =	vmul.f32 v32, v32;
	v39 =	vsub.f32 v56, v9;
	v56 =	vsub.f32 v48, v5  }
0x2a8: {  	s9 =	sor.u32 $0xE080, s10;
	s6 =	sor.u32 s17, s16;
	v32 =	vld [tilespmem:s14+$0x0];
	v44 =	vmul.f32 v44, v44;
	v43 =	vsub.f32 v50, v17;
	v21 =	vadd.f32 v29, v21  }
0x2a9: {  	s30 =	sor.u32 $0xE100, s10;
	s29 =	sor.u32 s5, s9;
	v58 =	vmul.f32 v46, v46;
	v46 =	vld [tilespmem:s6+$0x0];
	v26 =	vadd.f32 v41, v26;
	v25 =	vadd.f32 v36, v25  }
0x2aa: {  	s15 =	sor.u32 s5, s30;
	v63 =	vmul.f32 v59, v59;
	v29 =	vld [tilespmem:s29+$0x0];
	v30 =	vadd.f32 v30, v34;
	v24 =	vadd.f32 v24, v33  }
0x2ab: {  	s21 =	sor.u32 $0xE300, s10;
	s20 =	sor.u32 s5, s16;
	v41 =	vld [tilespmem:s15+$0x0];
	v35 =	vadd.f32 v40, v35;
	v22 =	vadd.f32 v22, v23;
	v23 =	vmul.f32 v62, v62  }
0x2ac: {  	s24 =	sor.u32 s17, s21;
	v28 =	vmul.f32 v28, v28;
	v34 =	vld [tilespmem:s20+$0x0];
	v25 =	vadd.f32 v44, v25;
	v26 =	vadd.f32 v58, v26  }
0x2ad: {  	v36 =	vld [tilespmem:s24+$0x0];
	v39 =	vmul.f32 v39, v39;
	v21 =	vadd.f32 v63, v21;
	v47 =	vadd.f32 v23, v24  }
0x2ae: {  	s0 =	sor.u32 s5, s21;
	s28 =	sor.u32 $0xE280, s10;
	v33 =	vld [tilespmem:s11+$0x0];
	v23 =	vmul.f32 v60, v60;
	v60 =	vsub.f32 v61, v16;
	v58 =	vsub.f32 v49, v4  }
0x2af: {  	s29 =	sor.u32 s17, s28;
	v62 =	vld [tilespmem:s0+$0x0];
	v31 =	vsub.f32 v31, v6;
	v22 =	vadd.f32 v39, v22  }
0x2b0: {  	s7 =	sor.u32 $0xE000, s10;
	s2 =	sor.u32 s5, s28;
	v51 =	vld [tilespmem:s29+$0x0];
	v53 =	vadd.f32 v26, v25;
	v26 =	vadd.f32 v28, v30  }
0x2b1: {  	s13 =	sor.u32 $0xF100, s10;
	s11 =	sor.u32 s17, s7;
	v24 =	vld [tilespmem:s2+$0x0];
	v30 =	vmul.f32 v42, v42;
	v23 =	vadd.f32 v23, v35;
	v57 =	vsub.f32 v41, v10  }
0x2b2: {  	s3 =	sor.u32 s17, s30;
	s30 =	sor.u32 $0xE200, s10;
	v27 =	vmul.f32 v27, v27;
	s14 =	sor.u32 s17, s13;
	v61 =	vld [tilespmem:s11+$0x0];
	v36 =	vsub.f32 v36, v15;
	v29 =	vsub.f32 v29, v4  }
0x2b3: {  	s6 =	sor.u32 s17, s30;
	v45 =	vmul.f32 v45, v45;
	v63 =	vld [tilespmem:s14+$0x0];
	v33 =	vsub.f32 v33, v16;
	v49 =	vadd.f32 v30, v26  }
0x2b4: {  	v28 =	vld [tilespmem:s6+$0x0];
	v31 =	vmul.f32 v31, v31;
	v26 =	vsub.f32 v34, v11;
	v54 =	vadd.f32 v22, v23  }
0x2b5: {  	v25 =	vld [tilespmem:s3+$0x0];
	s3 =	sor.u32 s5, s30;
	v30 =	vmul.f32 v58, v58;
	v48 =	vsub.f32 v51, v14;
	v51 =	vsub.f32 v55, v19  }
0x2b6: {  	s15 =	sor.u32 s5, s7;
	v59 =	vld [tilespmem:s3+$0x0];
	v23 =	vmul.f32 v60, v60;
	v21 =	vadd.f32 v31, v21;
	v40 =	vsub.f32 v24, v14  }
0x2b7: {  	s16 =	sor.u32 s5, s13;
	s19 =	sor.u32 $0xF200, s10;
	v34 =	vld [tilespmem:s15+$0x0];
	v24 =	vsub.f32 v32, v19;
	v41 =	vmul.f32 v29, v29;
	v29 =	vsub.f32 v61, v8  }
0x2b8: {  	s21 =	sor.u32 $0xF300, s10;
	s0 =	sor.u32 s5, s19;
	v60 =	vld [tilespmem:s16+$0x0];
	v31 =	vmul.f32 v56, v56;
	v61 =	vsub.f32 v62, v15;
	v22 =	vadd.f32 v27, v30  }
0x2b9: {  	s22 =	sor.u32 s5, s21;
	v37 =	vmul.f32 v57, v57;
	v39 =	vsub.f32 v63, v18;
	v32 =	vld [tilespmem:s0+$0x0];
	v30 =	vsub.f32 v28, v12  }
0x2ba: {  	s1 =	sor.u32 s17, s21;
	s24 =	sor.u32 $0xF380, s10;
	v42 =	vmul.f32 v36, v36;
	v27 =	vld [tilespmem:s22+$0x0];
	v28 =	vsub.f32 v46, v11;
	v22 =	vadd.f32 v31, v22  }
0x2bb: {  	s26 =	sand.u32 $0x180, s12;
	s28 =	sor.u32 s17, s24;
	v33 =	vmul.f32 v33, v33;
	v25 =	vsub.f32 v25, v10;
	v46 =	vld [tilespmem:s1+$0x0];
	v36 =	vmul.f32 v29, v29  }
0x2bc: {  	s9 =	sor.u32 s17, s9;
	s12 =	sor.u32 s8, s26;
	v62 =	vadd.f32 v21, v47;
	v47 =	vld [tilespmem:s28+$0x0];
	v56 =	vmul.f32 v28, v28;
	v28 =	vadd.f32 v45, v22  }
0x2bd: {  	s8 =	simm.s32 $0x14020;
	s20 =	sor.u32 s17, s19;
	s7 =	sor.u32 s5, s23;
	v29 =	vmul.f32 v43, v43;
	v44 =	vmul.f32 v39, v39;
	v21 =	vld [tilespmem:s12+$0x14000];
	v31 =	vsub.f32 v59, v12  }
0x2be: {  	s10 =	simm.s32 $0x14040;
	s19 =	simm.s32 $0x40;
	s16 =	simm.s32 $0x14000;
	v35 =	vmul.f32 v25, v25;
	v25 =	vld [tilespmem:s20+$0x0];
	v57 =	vsub.f32 v60, v18;
	v63 =	vadd.f32 v28, v49  }
0x2bf: {  	s29 =	sor.u32 s17, s18;
	s11 =	sor.u32 s5, s24;
	s30 =	sand.u32 $0x180, s4;
	v50 =	vmul.f32 v61, v61;
	v22 =	vld [tilespmem:s16+$0x0];
	v45 =	vadd.f32 v54, v62;
	v28 =	vsub.f32 v52, v17  }
0x2c0: {  	s5 =	simm.s32 $0x2;
	s4 =	sor.u32 s17, s30;
	s17 =	simm.s32 $0x200;
	v39 =	vmul.f32 v57, v57;
	v49 =	vadd.f32 v33, v56;
	v33 =	vld [tilespmem:s29+$0x0];
	v43 =	vadd.f32 v53, v63  }
.LBB2_18:
0x2c1: {  	s25 =	sand.u32 $0x60, s19;
	s20 =	sand.u32 $0xC00, s17;
	s5 =	sadd.s32 $0x2, s5;
	v40 =	vmul.f32 v40, v40;
	v37 =	vadd.f32 v50, v37;
	v50 =	vld [tilespmem:s8+$0x0];
	v51 =	vmul.f32 v51, v51  }
0x2c2: {  	v52 =	vsub.f32 v34, v8;
	v34 =	vmul.f32 v48, v48;
	v46 =	vsub.f32 v46, v13;
	s1 =	sor.u32 $0xE000, s20;
	s15 =	sor.u32 $0xE200, s20;
	s13 =	sor.u32 $0xF380, s20;
	v53 =	vld [tilespmem:s9+$0x0]  }
0x2c3: {  	v26 =	vmul.f32 v26, v26;
	s0 =	sor.u32 $0xE080, s20;
	s18 =	sor.u32 $0xF000, s20;
	s6 =	sor.u32 $0xF200, s20;
	v40 =	vadd.f32 v40, v41;
	v41 =	vsub.f32 v47, v9;
	v47 =	vld [tilespmem:s4+$0x14000]  }
0x2c4: {  	v35 =	vadd.f32 v42, v35;
	s3 =	sor.u32 $0xE100, s20;
	s22 =	sor.u32 $0xF180, s20;
	v22 =	vadd.f32 v45, v22;
	s2 =	sor.u32 s25, s0;
	v42 =	vmul.f32 v46, v46;
	v48 =	vld [tilespmem:s7+$0x0]  }
0x2c5: {  	v30 =	vmul.f32 v30, v30;
	v54 =	vadd.f32 v43, v21;
	s23 =	sor.u32 $0xE180, s20;
	s9 =	sor.u32 s25, s3;
	v46 =	vadd.f32 v51, v49;
	v45 =	vld [tilespmem:s11+$0x0];
	s11 =	sor.u32 s25, s13  }
0x2c6: {  	v31 =	vmul.f32 v31, v31;
	s26 =	sor.u32 $0x10, s25;
	v35 =	vadd.f32 v44, v35;
	s7 =	sor.u32 s25, s22;
	v41 =	vmul.f32 v41, v41;
	v43 =	vld [tilespmem:s2+$0x0];
	s2 =	sor.u32 s25, s23;
	[tilespmem:s16+$0x0] =	vst v22  }
0x2c7: {  	s14 =	sor.u32 s25, s15;
	s21 =	sor.u32 s25, s6;
	v49 =	vmul.f32 v52, v52;
	v30 =	vadd.f32 v30, v36;
	v36 =	vsub.f32 v38, v6;
	s16 =	sor.u32 $0xE280, s20;
	v44 =	vld [tilespmem:s7+$0x0];
	[tilespmem:s12+$0x14000] =	vst v54  }
0x2c8: {  	s24 =	sor.u32 $0xE380, s20;
	v51 =	vsub.f32 v20, v5;
	v35 =	vadd.f32 v42, v35;
	v22 =	vmovc v50;
	s7 =	sor.u32 s25, s1;
	s12 =	sor.u32 $0xE300, s20;
	v38 =	vld [tilespmem:s9+$0x0];
	v21 =	vmov v47  }
0x2c9: {  	v20 =	vadd.f32 v31, v49;
	v36 =	vmul.f32 v36, v36;
	s28 =	sor.u32 s26, s16;
	v31 =	vadd.f32 v41, v46;
	s9 =	sor.u32 s25, s18;
	v42 =	vld [tilespmem:s2+$0x0];
	s2 =	sor.u32 s25, s24  }
0x2ca: {  	v24 =	vmul.f32 v24, v24;
	v27 =	vsub.f32 v27, v13;
	v25 =	vsub.f32 v25, v7;
	s3 =	sor.u32 s26, s3;
	v41 =	vld [tilespmem:s9+$0x0];
	s9 =	sor.u32 s26, s0;
	s0 =	sor.u32 s26, s12  }
0x2cb: {  	v37 =	vadd.f32 v39, v37;
	s23 =	sor.u32 s26, s23;
	s29 =	sor.u32 s25, s16;
	s16 =	sor.u32 $0xF080, s20;
	v29 =	vadd.f32 v29, v20;
	v46 =	vld [tilespmem:s0+$0x0]  }
0x2cc: {  	s30 =	sor.u32 s26, s15;
	v23 =	vadd.f32 v23, v26;
	v27 =	vmul.f32 v27, v27;
	v26 =	vsub.f32 v32, v7;
	s0 =	sor.u32 s25, s12;
	v39 =	vld [tilespmem:s2+$0x0];
	s2 =	sor.u32 s25, s16  }
0x2cd: {  	v32 =	vmul.f32 v51, v51;
	v33 =	vsub.f32 v33, v5;
	v45 =	vsub.f32 v45, v9;
	s12 =	sor.u32 s26, s18;
	v20 =	vld [tilespmem:s2+$0x0];
	s2 =	sor.u32 s26, s1;
	s1 =	sor.u32 s26, s24  }
0x2ce: {  	s15 =	sor.u32 s26, s6;
	v24 =	vadd.f32 v24, v23;
	v23 =	vmul.f32 v26, v26;
	v26 =	vmul.f32 v28, v28;
	s18 =	sor.u32 s26, s22;
	v47 =	vld [tilespmem:s1+$0x0];
	s1 =	sor.u32 s26, s16  }
0x2cf: {  	p0 =	slt.u32 s5, $0x1E;
	s6 =	sor.u32 s26, s13;
	v48 =	vsub.f32 v48, v6;
	v49 =	vadd.f32 v31, v35;
	v45 =	vmul.f32 v45, v45;
	s16 =	smov.u32 s8;
	v28 =	vld [tilespmem:s28+$0x0]  }
0x2d0: {  	v31 =	vadd.f32 v32, v40;
	v32 =	vadd.f32 v23, v29;
	v23 =	vmul.f32 v25, v25;
	s8 =	smov.u32 s10;
	v50 =	vld [tilespmem:s12+$0x0];
	s12 =	smov.u32 s4  }
0x2d1: {  	v33 =	vmul.f32 v33, v33;
	v26 =	vadd.f32 v26, v30;
	v25 =	vsub.f32 v39, v16;
	v29 =	vld [tilespmem:s23+$0x0]  }
0x2d2: {  	v30 =	vsub.f32 v38, v10;
	v38 =	vmul.f32 v48, v48;
	v39 =	vsub.f32 v53, v4;
	v35 =	vld [tilespmem:s3+$0x0]  }
0x2d3: {  	v27 =	vadd.f32 v27, v37;
	v48 =	vsub.f32 v41, v17;
	v40 =	vld [tilespmem:s29+$0x0]  }
0x2d4: {  	v51 =	vadd.f32 v23, v26;
	v46 =	vsub.f32 v46, v15;
	s3 =	sor.u32 $0xF100, s20;
	v39 =	vmul.f32 v39, v39;
	v41 =	vld [tilespmem:s30+$0x0]  }
0x2d5: {  	v43 =	vsub.f32 v43, v4;
	v24 =	vadd.f32 v45, v24;
	v23 =	vmul.f32 v25, v25;
	s4 =	sor.u32 s25, s3;
	s3 =	sor.u32 s26, s3;
	v52 =	vld [tilespmem:s14+$0x0]  }
0x2d6: {  	v26 =	vsub.f32 v42, v11;
	v38 =	vadd.f32 v38, v31;
	v25 =	vld [tilespmem:s2+$0x0]  }
0x2d7: {  	v37 =	vmul.f32 v30, v30;
	v53 =	vadd.f32 v24, v27;
	v24 =	vadd.f32 v34, v39;
	v45 =	vld [tilespmem:s0+$0x0]  }
0x2d8: {  	v27 =	vsub.f32 v35, v10;
	v40 =	vsub.f32 v40, v14;
	v39 =	vld [tilespmem:s3+$0x0]  }
0x2d9: {  	v33 =	vadd.f32 v33, v24;
	v34 =	vld [tilespmem:s7+$0x0];
	v30 =	vsub.f32 v41, v12  }
0x2da: {  	v24 =	vsub.f32 v44, v19;
	v35 =	vmul.f32 v27, v27;
	v27 =	vsub.f32 v29, v11;
	v54 =	vld [tilespmem:s4+$0x0]  }
0x2db: {  	s0 =	sor.u32 $0xF300, s20;
	v41 =	vmul.f32 v43, v43;
	v31 =	vsub.f32 v52, v12;
	v29 =	vsub.f32 v25, v8;
	v43 =	vld [tilespmem:s18+$0x0]  }
0x2dc: {  	v42 =	vmul.f32 v46, v46;
	s2 =	sor.u32 s25, s0;
	v33 =	vadd.f32 v36, v33;
	v52 =	vmul.f32 v27, v27;
	v25 =	vld [tilespmem:s15+$0x0]  }
0x2dd: {  	s3 =	sor.u32 $0xF280, s20;
	s0 =	sor.u32 s26, s0;
	v45 =	vsub.f32 v45, v15;
	v27 =	vld [tilespmem:s2+$0x0];
	v36 =	vmul.f32 v29, v29;
	v39 =	vsub.f32 v39, v18  }
.Ltmp7:
0x2de: {  	v55 =	vadd.f32 v38, v32;
	v47 =	vsub.f32 v47, v16;
	s7 =	sor.u32 s25, s3;
	v29 =	vmul.f32 v48, v48;
	s2 =	sor.u32 s26, s3;
	v46 =	vld [tilespmem:s0+$0x0];
	(pc) =	sbr.rel @p0 .LBB2_18-.Ltmp7, $4  }
0x2df: {  	v33 =	vadd.f32 v33, v51;
	v54 =	vsub.f32 v54, v18;
	v44 =	vmul.f32 v39, v39;
	v38 =	vld [tilespmem:s2+$0x0]  }
0x2e0: {  	v56 =	vmul.f32 v47, v47;
	v48 =	vsub.f32 v28, v14;
	v28 =	vsub.f32 v50, v17;
	v47 =	vld [tilespmem:s6+$0x0]  }
0x2e1: {  	s10 =	sadd.s32 $0x20, s10;
	v50 =	vmul.f32 v45, v45;
	s0 =	sand.u32 $0x180, s19;
	v51 =	vsub.f32 v43, v19;
	v43 =	vadd.f32 v49, v33;
	v32 =	vld [tilespmem:s21+$0x0]  }
0x2e2: {  	s17 =	sadd.s32 $0x100, s17;
	s19 =	sadd.s32 $0x20, s19;
	v45 =	vadd.f32 v53, v55;
	s4 =	sor.u32 s26, s0;
	v49 =	vadd.f32 v56, v52;
	v39 =	vmul.f32 v54, v54;
	v33 =	vld [tilespmem:s1+$0x0]  }
0x2e3: {  	v10 =	vmul.f32 v40, v40;
	v11 =	vadd.f32 v50, v37;
	v8 =	vsub.f32 v34, v8  }
0x2e4: {  	v12 =	vmul.f32 v51, v51;
	v14 =	vsub.f32 v46, v13;
	v16 =	vadd.f32 v42, v35  }
0x2e5: {  	v17 =	vmul.f32 v30, v30;
	v18 =	vmul.f32 v31, v31;
	v20 =	vsub.f32 v20, v5  }
0x2e6: {  	v31 =	vmul.f32 v48, v48;
	v13 =	vsub.f32 v27, v13;
	v25 =	vsub.f32 v25, v7  }
0x2e7: {  	v24 =	vmul.f32 v24, v24;
	v30 =	vsub.f32 v38, v6;
	v15 =	vsub.f32 v47, v9  }
0x2e8: {  	v19 =	vld [tilespmem:s9+$0x0];
	v10 =	vadd.f32 v10, v41;
	v14 =	vmul.f32 v14, v14;
	v12 =	vadd.f32 v12, v49  }
0x2e9: {  	v16 =	vadd.f32 v44, v16;
	v17 =	vadd.f32 v17, v36;
	v15 =	vmul.f32 v15, v15  }
0x2ea: {  	v8 =	vmul.f32 v8, v8;
	v49 =	vld [tilespmem:s11+$0x0];
	v11 =	vadd.f32 v39, v11;
	v7 =	vsub.f32 v32, v7  }
0x2eb: {  	v13 =	vmul.f32 v13, v13;
	v14 =	vadd.f32 v14, v16;
	v12 =	vadd.f32 v15, v12;
	v15 =	vld [tilespmem:s7+$0x0]  }
0x2ec: {  	v8 =	vadd.f32 v18, v8;
	v16 =	vmul.f32 v26, v26;
	v5 =	vsub.f32 v33, v5  }
0x2ed: {  	v18 =	vmul.f32 v30, v30;
	v11 =	vadd.f32 v13, v11;
	v4 =	vsub.f32 v19, v4  }
0x2ee: {  	v19 =	vmul.f32 v20, v20;
	v7 =	vmul.f32 v7, v7;
	v8 =	vadd.f32 v29, v8  }
0x2ef: {  	v16 =	vadd.f32 v23, v16;
	v9 =	vsub.f32 v49, v9;
	v4 =	vmul.f32 v4, v4  }
0x2f0: {  	v20 =	vmul.f32 v28, v28;
	v10 =	vadd.f32 v19, v10;
	v6 =	vsub.f32 v15, v6  }
0x2f1: {  	v5 =	vmul.f32 v5, v5;
	v16 =	vadd.f32 v24, v16;
	v4 =	vadd.f32 v31, v4  }
0x2f2: {  	v7 =	vadd.f32 v7, v8;
	v9 =	vmul.f32 v9, v9;
	v6 =	vmul.f32 v6, v6  }
0x2f3: {  	v8 =	vadd.f32 v20, v17;
	v15 =	vmul.f32 v25, v25;
	v4 =	vadd.f32 v5, v4  }
0x2f4: {  	v5 =	vadd.f32 v9, v16;
	v6 =	vadd.f32 v6, v10  }
0x2f5: {  	v9 =	vld [tilespmem:s8+$0x0];
	v8 =	vadd.f32 v15, v8;
	v4 =	vadd.f32 v18, v4  }
0x2f6: {  	v5 =	vadd.f32 v5, v11;
	v10 =	vld [tilespmem:s4+$0x14000];
	v6 =	vadd.f32 v6, v7  }
0x2f7: {  	v4 =	vadd.f32 v4, v8;
	v7 =	vadd.f32 v12, v14  }
0x2f8: {  	v8 =	vadd.f32 v45, v22;
	v5 =	vadd.f32 v5, v6  }
0x2f9: {  	v6 =	vadd.f32 v43, v21;
	v4 =	vadd.f32 v7, v4  }
0x2fa: {  	[tilespmem:s16+$0x0] =	vst v8;
	v5 =	vadd.f32 v5, v9  }
0x2fb: {  	s11 =	simm.s32 $0x0;
	[tilespmem:s12+$0x14000] =	vst v6;
	v4 =	vadd.f32 v4, v10  }
0x2fc: {  	s5 =	sand.u32 $0xC00, s11;
	[tilespmem:s8+$0x0] =	vst v5  }
0x2fd: {  	s1 =	sand.u32 $0x60, s11;
	s0 =	sor.u32 $0x11180, s5;
	[tilespmem:s4+$0x14000] =	vst v4  }
0x2fe: {  	s3 =	sor.u32 $0x10100, s5;
	s15 =	sor.u32 s1, s0;
	v9 =	vld [tilespmem:$0x14220]  }
0x2ff: {  	s6 =	sor.u32 s1, s3;
	s16 =	sor.u32 $0x10180, s5;
	v22 =	vld [tilespmem:s15+$0x0]  }
0x300: {  	s17 =	sor.u32 $0x11000, s5;
	s18 =	sor.u32 s1, s16;
	v13 =	vld [tilespmem:s6+$0x0]  }
0x301: {  	s20 =	sor.u32 $0x10380, s5;
	s19 =	sor.u32 s1, s17;
	v23 =	vld [tilespmem:s18+$0x0]  }
0x302: {  	s23 =	sor.u32 $0x10280, s5;
	s13 =	sor.u32 s1, s20;
	v24 =	vld [tilespmem:s19+$0x0]  }
0x303: {  	s30 =	sor.u32 $0x10000, s5;
	s28 =	sor.u32 s1, s23;
	v6 =	vld [tilespmem:s13+$0x0]  }
0x304: {  	s14 =	sor.u32 s1, s30;
	s4 =	sor.u32 $0x10080, s5;
	v31 =	vld [tilespmem:s28+$0x0]  }
0x305: {  	s10 =	sor.u32 $0x10300, s5;
	s8 =	sor.u32 $0x10, s1;
	s2 =	sor.u32 s1, s4;
	v58 =	vld [tilespmem:s14+$0x0]  }
0x306: {  	s21 =	sor.u32 s8, s10;
	v21 =	vld [tilespmem:s2+$0x0]  }
0x307: {  	s9 =	sor.u32 s8, s20;
	v25 =	vld [tilespmem:s21+$0x0]  }
0x308: {  	s24 =	sor.u32 s8, s23;
	v26 =	vld [tilespmem:s9+$0x0]  }
0x309: {  	s7 =	sor.u32 s8, s16;
	v27 =	vld [tilespmem:s24+$0x0]  }
0x30a: {  	s26 =	sor.u32 $0x10200, s5;
	s25 =	sor.u32 s8, s3;
	v29 =	vld [tilespmem:s7+$0x0]  }
0x30b: {  	s29 =	sor.u32 s8, s26;
	v30 =	vld [tilespmem:s25+$0x0]  }
0x30c: {  	s3 =	sor.u32 s1, s26;
	v50 =	vld [tilespmem:s29+$0x0];
	v8 =	vbroadcast v9, $0x0  }
0x30d: {  	s12 =	sor.u32 $0x11100, s5;
	s10 =	sor.u32 s1, s10;
	v51 =	vld [tilespmem:s3+$0x0];
	v4 =	vbroadcast v9, $0x1;
	v10 =	vbroadcast v9, $0x2  }
0x30e: {  	s13 =	sor.u32 s8, s12;
	v55 =	vld [tilespmem:s10+$0x0];
	v11 =	vbroadcast v9, $0x3;
	v16 =	vbroadcast v9, $0x7  }
0x30f: {  	s15 =	sor.u32 s1, s12;
	v56 =	vld [tilespmem:s13+$0x0];
	v12 =	vbroadcast v9, $0x4;
	v17 =	vbroadcast v9, $0x8  }
0x310: {  	s9 =	sor.u32 s8, s30;
	v60 =	vld [tilespmem:s15+$0x0];
	v14 =	vbroadcast v9, $0x5;
	v15 =	vbroadcast v9, $0x6;
	v57 =	vsub.f32 v6, v16  }
0x311: {  	s6 =	sor.u32 $0x11080, s5;
	s0 =	sor.u32 s8, s0;
	v54 =	vld [tilespmem:s9+$0x0];
	v5 =	vbroadcast v9, $0x9;
	v59 =	vsub.f32 v13, v10;
	v24 =	vsub.f32 v24, v17  }
0x312: {  	s22 =	sor.u32 s1, s6;
	v61 =	vld [tilespmem:s0+$0x0];
	v18 =	vbroadcast v9, $0xA;
	v25 =	vsub.f32 v25, v15;
	v21 =	vsub.f32 v21, v4  }
0x313: {  	s16 =	sor.u32 $0x11200, s5;
	s2 =	sor.u32 s8, s17;
	v20 =	vld [tilespmem:s22+$0x0];
	v19 =	vbroadcast v9, $0xB;
	v23 =	vsub.f32 v23, v11;
	v31 =	vsub.f32 v31, v14  }
0x314: {  	s18 =	sor.u32 $0x11300, s5;
	s17 =	sor.u32 s8, s16;
	v28 =	vld [tilespmem:s2+$0x0];
	v7 =	vbroadcast v9, $0xC;
	v30 =	vsub.f32 v30, v10;
	v32 =	vsub.f32 v50, v12  }
0x315: {  	s19 =	sor.u32 s1, s18;
	v62 =	vld [tilespmem:s17+$0x0];
	v6 =	vbroadcast v9, $0xD;
	v22 =	vsub.f32 v22, v19;
	v29 =	vsub.f32 v29, v11  }
0x316: {  	s21 =	sor.u32 s8, s18;
	v63 =	vld [tilespmem:s19+$0x0];
	v13 =	vbroadcast v9, $0xE;
	v34 =	vsub.f32 v54, v8;
	v33 =	vsub.f32 v51, v12  }
0x317: {  	s24 =	sor.u32 s8, s6;
	v52 =	vld [tilespmem:s21+$0x0];
	v9 =	vbroadcast v9, $0xF;
	v26 =	vsub.f32 v26, v16;
	v35 =	vsub.f32 v55, v15  }
0x318: {  	s20 =	sor.u32 $0x11280, s5;
	s25 =	sor.u32 s8, s4;
	v48 =	vld [tilespmem:s24+$0x0];
	v36 =	vsub.f32 v56, v18;
	v40 =	vsub.f32 v60, v18;
	v37 =	vmul.f32 v57, v57  }
0x319: {  	s5 =	sor.u32 $0x11380, s5;
	s22 =	sor.u32 s8, s20;
	v49 =	vld [tilespmem:s25+$0x0];
	v27 =	vsub.f32 v27, v14;
	v39 =	vmul.f32 v59, v59;
	v30 =	vmul.f32 v30, v30  }
0x31a: {  	s26 =	simm.s32 $0x100;
	s23 =	sor.u32 s8, s5;
	v53 =	vld [tilespmem:s22+$0x0];
	v28 =	vsub.f32 v28, v17;
	v21 =	vmul.f32 v21, v21;
	v29 =	vmul.f32 v29, v29  }
0x31b: {  	s3 =	sor.u32 s1, s16;
	s4 =	simm.s32 $0x20;
	s10 =	sand.u32 $0xC00, s26;
	v54 =	vld [tilespmem:s23+$0x0];
	v41 =	vsub.f32 v61, v19;
	v25 =	vmul.f32 v25, v25;
	v34 =	vmul.f32 v34, v34  }
0x31c: {  	s28 =	sor.u32 s1, s5;
	s5 =	sand.u32 $0x60, s4;
	s19 =	sor.u32 $0x11000, s10;
	v55 =	vld [tilespmem:s3+$0x0];
	v38 =	vsub.f32 v58, v8;
	v26 =	vmul.f32 v26, v26;
	v35 =	vmul.f32 v35, v35  }
0x31d: {  	s22 =	sor.u32 s5, s19;
	v56 =	vld [tilespmem:s28+$0x0];
	s23 =	sor.u32 $0x10380, s10;
	v42 =	vsub.f32 v62, v7;
	v36 =	vmul.f32 v36, v36;
	v41 =	vmul.f32 v41, v41  }
0x31e: {  	s18 =	sor.u32 $0x11080, s10;
	v50 =	vld [tilespmem:s22+$0x0];
	s25 =	sor.u32 s5, s23;
	v44 =	vsub.f32 v52, v13;
	v33 =	vmul.f32 v33, v33;
	v57 =	vmul.f32 v38, v38  }
0x31f: {  	s17 =	sor.u32 $0x10, s5;
	s26 =	sor.u32 s5, s18;
	v45 =	vsub.f32 v53, v6;
	v59 =	vsub.f32 v20, v5;
	v24 =	vmul.f32 v24, v24;
	v61 =	vld [tilespmem:s25+$0x0]  }
0x320: {  	s7 =	sor.u32 s17, s19;
	s12 =	sor.u32 s17, s23;
	s23 =	sor.u32 $0x11280, s10;
	v23 =	vmul.f32 v23, v23;
	v60 =	vsub.f32 v63, v13;
	v20 =	vld [tilespmem:s26+$0x0];
	v26 =	vadd.f32 v26, v29  }
0x321: {  	v40 =	vmul.f32 v40, v40;
	v52 =	vld [tilespmem:s7+$0x0];
	s25 =	sor.u32 s17, s23;
	v35 =	vadd.f32 v35, v39;
	v25 =	vadd.f32 v25, v30  }
0x322: {  	s2 =	sor.u32 s1, s20;
	s1 =	sor.u32 $0x11180, s10;
	v22 =	vmul.f32 v22, v22;
	v38 =	vld [tilespmem:s25+$0x0];
	v33 =	vadd.f32 v33, v57;
	v23 =	vadd.f32 v37, v23  }
0x323: {  	s14 =	sor.u32 s5, s1;
	v29 =	vmul.f32 v31, v31;
	v31 =	vld [tilespmem:s2+$0x0];
	v46 =	vsub.f32 v54, v9;
	v62 =	vsub.f32 v55, v7  }
0x324: {  	s9 =	sor.u32 $0x10080, s10;
	s1 =	sor.u32 s17, s1;
	v30 =	vmul.f32 v32, v32;
	v32 =	vld [tilespmem:s14+$0x0];
	v39 =	vsub.f32 v56, v9;
	v56 =	vsub.f32 v48, v5  }
0x325: {  	s30 =	sor.u32 $0x10100, s10;
	s29 =	sor.u32 s5, s9;
	v28 =	vmul.f32 v28, v28;
	v43 =	vsub.f32 v50, v17;
	v55 =	vld [tilespmem:s1+$0x0];
	v21 =	vadd.f32 v29, v21  }
0x326: {  	s16 =	sor.u32 $0x10180, s10;
	s15 =	sor.u32 s5, s30;
	v44 =	vmul.f32 v44, v44;
	v29 =	vld [tilespmem:s29+$0x0];
	v26 =	vadd.f32 v41, v26;
	v25 =	vadd.f32 v36, v25  }
0x327: {  	s21 =	sor.u32 $0x10300, s10;
	s20 =	sor.u32 s5, s16;
	v63 =	vmul.f32 v59, v59;
	v41 =	vld [tilespmem:s15+$0x0];
	v30 =	vadd.f32 v30, v34;
	v24 =	vadd.f32 v24, v33  }
0x328: {  	s24 =	sor.u32 s17, s21;
	v34 =	vld [tilespmem:s20+$0x0];
	v35 =	vadd.f32 v40, v35;
	v22 =	vadd.f32 v22, v23;
	v58 =	vmul.f32 v46, v46  }
0x329: {  	s28 =	sor.u32 $0x10280, s10;
	v36 =	vld [tilespmem:s24+$0x0];
	v23 =	vmul.f32 v62, v62;
	v25 =	vadd.f32 v44, v25;
	v21 =	vadd.f32 v63, v21  }
0x32a: {  	v33 =	vld [tilespmem:s12+$0x0];
	s29 =	sor.u32 s17, s28;
	v39 =	vmul.f32 v39, v39;
	v26 =	vadd.f32 v58, v26;
	v31 =	vsub.f32 v31, v6  }
0x32b: {  	s6 =	sor.u32 s17, s16;
	v51 =	vld [tilespmem:s29+$0x0];
	v47 =	vadd.f32 v23, v24;
	v23 =	vmul.f32 v60, v60;
	v60 =	vsub.f32 v61, v16  }
0x32c: {  	s13 =	sor.u32 $0x11100, s10;
	s0 =	sor.u32 s5, s21;
	v46 =	vld [tilespmem:s6+$0x0];
	v58 =	vsub.f32 v49, v4;
	v22 =	vadd.f32 v39, v22  }
0x32d: {  	s14 =	sor.u32 s17, s13;
	v62 =	vld [tilespmem:s0+$0x0];
	v53 =	vadd.f32 v26, v25;
	v26 =	vadd.f32 v28, v30  }
0x32e: {  	v27 =	vmul.f32 v27, v27;
	s7 =	sor.u32 $0x10000, s10;
	s2 =	sor.u32 s5, s28;
	v63 =	vld [tilespmem:s14+$0x0];
	v57 =	vsub.f32 v41, v10;
	v23 =	vadd.f32 v23, v35  }
0x32f: {  	s3 =	sor.u32 s17, s30;
	s30 =	sor.u32 $0x10200, s10;
	s12 =	sor.u32 s17, s7;
	v24 =	vld [tilespmem:s2+$0x0];
	v30 =	vmul.f32 v42, v42;
	v36 =	vsub.f32 v36, v15;
	v29 =	vsub.f32 v29, v4  }
0x330: {  	s6 =	sor.u32 s17, s30;
	v61 =	vld [tilespmem:s12+$0x0];
	v31 =	vmul.f32 v31, v31;
	v33 =	vsub.f32 v33, v16;
	v48 =	vsub.f32 v51, v14  }
0x331: {  	v45 =	vmul.f32 v45, v45;
	v28 =	vld [tilespmem:s6+$0x0];
	v51 =	vsub.f32 v55, v19;
	v49 =	vadd.f32 v30, v26  }
0x332: {  	v25 =	vld [tilespmem:s3+$0x0];
	s3 =	sor.u32 s5, s30;
	v30 =	vmul.f32 v58, v58;
	v26 =	vsub.f32 v34, v11;
	v21 =	vadd.f32 v31, v21  }
0x333: {  	s15 =	sor.u32 s5, s7;
	v59 =	vld [tilespmem:s3+$0x0];
	v31 =	vmul.f32 v56, v56;
	v54 =	vadd.f32 v22, v23;
	v23 =	vmul.f32 v60, v60  }
0x334: {  	s16 =	sor.u32 s5, s13;
	s19 =	sor.u32 $0x11200, s10;
	v34 =	vld [tilespmem:s15+$0x0];
	v37 =	vmul.f32 v57, v57;
	v39 =	vsub.f32 v63, v18;
	v40 =	vsub.f32 v24, v14  }
0x335: {  	s21 =	sor.u32 $0x11300, s10;
	s0 =	sor.u32 s5, s19;
	v60 =	vld [tilespmem:s16+$0x0];
	v41 =	vmul.f32 v29, v29;
	v24 =	vsub.f32 v32, v19;
	v22 =	vadd.f32 v27, v30  }
0x336: {  	s22 =	sor.u32 s5, s21;
	s24 =	sor.u32 $0x11380, s10;
	v42 =	vmul.f32 v36, v36;
	v29 =	vsub.f32 v61, v8;
	v32 =	vld [tilespmem:s0+$0x0];
	v30 =	vsub.f32 v28, v12  }
0x337: {  	s26 =	sand.u32 $0x180, s11;
	s28 =	sor.u32 s17, s24;
	v33 =	vmul.f32 v33, v33;
	v27 =	vld [tilespmem:s22+$0x0];
	v28 =	vsub.f32 v46, v11;
	v22 =	vadd.f32 v31, v22  }
0x338: {  	s12 =	sor.u32 s8, s26;
	v61 =	vsub.f32 v62, v15;
	v62 =	vadd.f32 v21, v47;
	v47 =	vld [tilespmem:s28+$0x0];
	v44 =	vmul.f32 v39, v39  }
0x339: {  	s9 =	sor.u32 s17, s9;
	s1 =	sor.u32 s17, s21;
	v21 =	vld [tilespmem:s12+$0x14000];
	v25 =	vsub.f32 v25, v10;
	v56 =	vmul.f32 v28, v28;
	v28 =	vadd.f32 v45, v22  }
0x33a: {  	s20 =	sor.u32 s17, s19;
	s7 =	sor.u32 s5, s23;
	s10 =	simm.s32 $0x14040;
	v46 =	vld [tilespmem:s1+$0x0];
	v36 =	vmul.f32 v29, v29;
	v29 =	vmul.f32 v43, v43;
	v31 =	vsub.f32 v59, v12  }
0x33b: {  	s11 =	sor.u32 s5, s24;
	s29 =	sor.u32 s17, s18;
	s16 =	simm.s32 $0x14000;
	v35 =	vmul.f32 v25, v25;
	v25 =	vld [tilespmem:s20+$0x0];
	v57 =	vsub.f32 v60, v18;
	v63 =	vadd.f32 v28, v49  }
0x33c: {  	s19 =	simm.s32 $0x40;
	s8 =	simm.s32 $0x14020;
	s30 =	sand.u32 $0x180, s4;
	v50 =	vmul.f32 v61, v61;
	v22 =	vld [tilespmem:s16+$0x0];
	v45 =	vadd.f32 v54, v62;
	v28 =	vsub.f32 v52, v17  }
0x33d: {  	s5 =	simm.s32 $0x2;
	s4 =	sor.u32 s17, s30;
	s17 =	simm.s32 $0x200;
	v39 =	vmul.f32 v57, v57;
	v49 =	vadd.f32 v33, v56;
	v33 =	vld [tilespmem:s29+$0x0];
	v43 =	vadd.f32 v53, v63  }
.LBB2_20:
0x33e: {  	s25 =	sand.u32 $0x60, s19;
	s20 =	sand.u32 $0xC00, s17;
	s5 =	sadd.s32 $0x2, s5;
	v40 =	vmul.f32 v40, v40;
	v37 =	vadd.f32 v50, v37;
	v50 =	vld [tilespmem:s8+$0x0];
	v51 =	vmul.f32 v51, v51  }
0x33f: {  	v52 =	vsub.f32 v34, v8;
	v34 =	vmul.f32 v48, v48;
	v46 =	vsub.f32 v46, v13;
	s1 =	sor.u32 $0x10000, s20;
	s15 =	sor.u32 $0x10200, s20;
	s13 =	sor.u32 $0x11380, s20;
	v53 =	vld [tilespmem:s9+$0x0]  }
0x340: {  	v26 =	vmul.f32 v26, v26;
	s0 =	sor.u32 $0x10080, s20;
	s18 =	sor.u32 $0x11000, s20;
	s6 =	sor.u32 $0x11200, s20;
	v40 =	vadd.f32 v40, v41;
	v41 =	vsub.f32 v47, v9;
	v47 =	vld [tilespmem:s4+$0x14000]  }
0x341: {  	v35 =	vadd.f32 v42, v35;
	s3 =	sor.u32 $0x10100, s20;
	s22 =	sor.u32 $0x11180, s20;
	v22 =	vadd.f32 v45, v22;
	s2 =	sor.u32 s25, s0;
	v42 =	vmul.f32 v46, v46;
	v48 =	vld [tilespmem:s7+$0x0]  }
0x342: {  	v30 =	vmul.f32 v30, v30;
	v54 =	vadd.f32 v43, v21;
	s23 =	sor.u32 $0x10180, s20;
	s9 =	sor.u32 s25, s3;
	v46 =	vadd.f32 v51, v49;
	v45 =	vld [tilespmem:s11+$0x0];
	s11 =	sor.u32 s25, s13  }
0x343: {  	v31 =	vmul.f32 v31, v31;
	s26 =	sor.u32 $0x10, s25;
	v35 =	vadd.f32 v44, v35;
	s7 =	sor.u32 s25, s22;
	v41 =	vmul.f32 v41, v41;
	v43 =	vld [tilespmem:s2+$0x0];
	s2 =	sor.u32 s25, s23;
	[tilespmem:s16+$0x0] =	vst v22  }
0x344: {  	s14 =	sor.u32 s25, s15;
	s21 =	sor.u32 s25, s6;
	v49 =	vmul.f32 v52, v52;
	v30 =	vadd.f32 v30, v36;
	v36 =	vsub.f32 v38, v6;
	s16 =	sor.u32 $0x10280, s20;
	v44 =	vld [tilespmem:s7+$0x0];
	[tilespmem:s12+$0x14000] =	vst v54  }
0x345: {  	s24 =	sor.u32 $0x10380, s20;
	v51 =	vsub.f32 v20, v5;
	v35 =	vadd.f32 v42, v35;
	v22 =	vmovc v50;
	s7 =	sor.u32 s25, s1;
	s12 =	sor.u32 $0x10300, s20;
	v38 =	vld [tilespmem:s9+$0x0];
	v21 =	vmov v47  }
0x346: {  	v20 =	vadd.f32 v31, v49;
	v36 =	vmul.f32 v36, v36;
	s28 =	sor.u32 s26, s16;
	v31 =	vadd.f32 v41, v46;
	s9 =	sor.u32 s25, s18;
	v42 =	vld [tilespmem:s2+$0x0];
	s2 =	sor.u32 s25, s24  }
0x347: {  	v24 =	vmul.f32 v24, v24;
	v27 =	vsub.f32 v27, v13;
	v25 =	vsub.f32 v25, v7;
	s3 =	sor.u32 s26, s3;
	v41 =	vld [tilespmem:s9+$0x0];
	s9 =	sor.u32 s26, s0;
	s0 =	sor.u32 s26, s12  }
0x348: {  	v37 =	vadd.f32 v39, v37;
	s23 =	sor.u32 s26, s23;
	s29 =	sor.u32 s25, s16;
	s16 =	sor.u32 $0x11080, s20;
	v29 =	vadd.f32 v29, v20;
	v46 =	vld [tilespmem:s0+$0x0]  }
0x349: {  	s30 =	sor.u32 s26, s15;
	v23 =	vadd.f32 v23, v26;
	v27 =	vmul.f32 v27, v27;
	v26 =	vsub.f32 v32, v7;
	s0 =	sor.u32 s25, s12;
	v39 =	vld [tilespmem:s2+$0x0];
	s2 =	sor.u32 s25, s16  }
0x34a: {  	v32 =	vmul.f32 v51, v51;
	v33 =	vsub.f32 v33, v5;
	v45 =	vsub.f32 v45, v9;
	s12 =	sor.u32 s26, s18;
	v20 =	vld [tilespmem:s2+$0x0];
	s2 =	sor.u32 s26, s1;
	s1 =	sor.u32 s26, s24  }
0x34b: {  	s15 =	sor.u32 s26, s6;
	v24 =	vadd.f32 v24, v23;
	v23 =	vmul.f32 v26, v26;
	v26 =	vmul.f32 v28, v28;
	s18 =	sor.u32 s26, s22;
	v47 =	vld [tilespmem:s1+$0x0];
	s1 =	sor.u32 s26, s16  }
0x34c: {  	p0 =	slt.u32 s5, $0x1E;
	s6 =	sor.u32 s26, s13;
	v48 =	vsub.f32 v48, v6;
	v49 =	vadd.f32 v31, v35;
	v45 =	vmul.f32 v45, v45;
	s16 =	smov.u32 s8;
	v28 =	vld [tilespmem:s28+$0x0]  }
0x34d: {  	v31 =	vadd.f32 v32, v40;
	v32 =	vadd.f32 v23, v29;
	v23 =	vmul.f32 v25, v25;
	s8 =	smov.u32 s10;
	v50 =	vld [tilespmem:s12+$0x0];
	s12 =	smov.u32 s4  }
0x34e: {  	v33 =	vmul.f32 v33, v33;
	v26 =	vadd.f32 v26, v30;
	v25 =	vsub.f32 v39, v16;
	v29 =	vld [tilespmem:s23+$0x0]  }
0x34f: {  	v30 =	vsub.f32 v38, v10;
	v38 =	vmul.f32 v48, v48;
	v39 =	vsub.f32 v53, v4;
	v35 =	vld [tilespmem:s3+$0x0]  }
0x350: {  	v27 =	vadd.f32 v27, v37;
	v48 =	vsub.f32 v41, v17;
	v40 =	vld [tilespmem:s29+$0x0]  }
0x351: {  	v51 =	vadd.f32 v23, v26;
	v46 =	vsub.f32 v46, v15;
	s3 =	sor.u32 $0x11100, s20;
	v39 =	vmul.f32 v39, v39;
	v41 =	vld [tilespmem:s30+$0x0]  }
0x352: {  	v43 =	vsub.f32 v43, v4;
	v24 =	vadd.f32 v45, v24;
	v23 =	vmul.f32 v25, v25;
	s4 =	sor.u32 s25, s3;
	s3 =	sor.u32 s26, s3;
	v52 =	vld [tilespmem:s14+$0x0]  }
0x353: {  	v26 =	vsub.f32 v42, v11;
	v38 =	vadd.f32 v38, v31;
	v25 =	vld [tilespmem:s2+$0x0]  }
0x354: {  	v37 =	vmul.f32 v30, v30;
	v53 =	vadd.f32 v24, v27;
	v24 =	vadd.f32 v34, v39;
	v45 =	vld [tilespmem:s0+$0x0]  }
0x355: {  	v27 =	vsub.f32 v35, v10;
	v40 =	vsub.f32 v40, v14;
	v39 =	vld [tilespmem:s3+$0x0]  }
0x356: {  	v33 =	vadd.f32 v33, v24;
	v34 =	vld [tilespmem:s7+$0x0];
	v30 =	vsub.f32 v41, v12  }
0x357: {  	v24 =	vsub.f32 v44, v19;
	v35 =	vmul.f32 v27, v27;
	v27 =	vsub.f32 v29, v11;
	v54 =	vld [tilespmem:s4+$0x0]  }
0x358: {  	s0 =	sor.u32 $0x11300, s20;
	v41 =	vmul.f32 v43, v43;
	v31 =	vsub.f32 v52, v12;
	v29 =	vsub.f32 v25, v8;
	v43 =	vld [tilespmem:s18+$0x0]  }
0x359: {  	v42 =	vmul.f32 v46, v46;
	s2 =	sor.u32 s25, s0;
	v33 =	vadd.f32 v36, v33;
	v52 =	vmul.f32 v27, v27;
	v25 =	vld [tilespmem:s15+$0x0]  }
0x35a: {  	s3 =	sor.u32 $0x11280, s20;
	s0 =	sor.u32 s26, s0;
	v45 =	vsub.f32 v45, v15;
	v27 =	vld [tilespmem:s2+$0x0];
	v36 =	vmul.f32 v29, v29;
	v39 =	vsub.f32 v39, v18  }
.Ltmp8:
0x35b: {  	v55 =	vadd.f32 v38, v32;
	v47 =	vsub.f32 v47, v16;
	s7 =	sor.u32 s25, s3;
	v29 =	vmul.f32 v48, v48;
	s2 =	sor.u32 s26, s3;
	v46 =	vld [tilespmem:s0+$0x0];
	(pc) =	sbr.rel @p0 .LBB2_20-.Ltmp8, $4  }
0x35c: {  	v33 =	vadd.f32 v33, v51;
	v54 =	vsub.f32 v54, v18;
	v44 =	vmul.f32 v39, v39;
	v38 =	vld [tilespmem:s2+$0x0]  }
0x35d: {  	v56 =	vmul.f32 v47, v47;
	v48 =	vsub.f32 v28, v14;
	v28 =	vsub.f32 v50, v17;
	v47 =	vld [tilespmem:s6+$0x0]  }
0x35e: {  	s10 =	sadd.s32 $0x20, s10;
	v50 =	vmul.f32 v45, v45;
	s0 =	sand.u32 $0x180, s19;
	v51 =	vsub.f32 v43, v19;
	v43 =	vadd.f32 v49, v33;
	v32 =	vld [tilespmem:s21+$0x0]  }
0x35f: {  	s17 =	sadd.s32 $0x100, s17;
	s19 =	sadd.s32 $0x20, s19;
	v45 =	vadd.f32 v53, v55;
	s4 =	sor.u32 s26, s0;
	v49 =	vadd.f32 v56, v52;
	v39 =	vmul.f32 v54, v54;
	v33 =	vld [tilespmem:s1+$0x0]  }
0x360: {  	v10 =	vmul.f32 v40, v40;
	v11 =	vadd.f32 v50, v37;
	v8 =	vsub.f32 v34, v8  }
0x361: {  	v12 =	vmul.f32 v51, v51;
	v14 =	vsub.f32 v46, v13;
	v16 =	vadd.f32 v42, v35  }
0x362: {  	v17 =	vmul.f32 v30, v30;
	v18 =	vmul.f32 v31, v31;
	v20 =	vsub.f32 v20, v5  }
0x363: {  	v31 =	vmul.f32 v48, v48;
	v13 =	vsub.f32 v27, v13;
	v25 =	vsub.f32 v25, v7  }
0x364: {  	v24 =	vmul.f32 v24, v24;
	v30 =	vsub.f32 v38, v6;
	v15 =	vsub.f32 v47, v9  }
0x365: {  	v19 =	vld [tilespmem:s9+$0x0];
	v10 =	vadd.f32 v10, v41;
	v14 =	vmul.f32 v14, v14;
	v12 =	vadd.f32 v12, v49  }
0x366: {  	v60 =	vld [tilespmem:s11+$0x0];
	v16 =	vadd.f32 v44, v16;
	v17 =	vadd.f32 v17, v36;
	v15 =	vmul.f32 v15, v15  }
0x367: {  	v8 =	vmul.f32 v8, v8;
	v11 =	vadd.f32 v39, v11;
	v7 =	vsub.f32 v32, v7  }
0x368: {  	v13 =	vmul.f32 v13, v13;
	v14 =	vadd.f32 v14, v16;
	v12 =	vadd.f32 v15, v12;
	v15 =	vld [tilespmem:s7+$0x0]  }
0x369: {  	v8 =	vadd.f32 v18, v8;
	v16 =	vmul.f32 v26, v26;
	v5 =	vsub.f32 v33, v5  }
0x36a: {  	v18 =	vmul.f32 v30, v30;
	v11 =	vadd.f32 v13, v11;
	v4 =	vsub.f32 v19, v4  }
0x36b: {  	v19 =	vmul.f32 v20, v20;
	v9 =	vsub.f32 v60, v9;
	v7 =	vmul.f32 v7, v7  }
0x36c: {  	v20 =	vmul.f32 v28, v28;
	v8 =	vadd.f32 v29, v8;
	v4 =	vmul.f32 v4, v4  }
0x36d: {  	v16 =	vadd.f32 v23, v16;
	v5 =	vmul.f32 v5, v5;
	v6 =	vsub.f32 v15, v6  }
0x36e: {  	v9 =	vmul.f32 v9, v9;
	v10 =	vadd.f32 v19, v10;
	v4 =	vadd.f32 v31, v4  }
0x36f: {  	v16 =	vadd.f32 v24, v16;
	v7 =	vadd.f32 v7, v8;
	v6 =	vmul.f32 v6, v6  }
0x370: {  	v8 =	vadd.f32 v20, v17;
	v15 =	vmul.f32 v25, v25;
	v4 =	vadd.f32 v5, v4  }
0x371: {  	v5 =	vadd.f32 v9, v16;
	v6 =	vadd.f32 v6, v10  }
0x372: {  	v9 =	vld [tilespmem:s8+$0x0];
	v8 =	vadd.f32 v15, v8;
	v4 =	vadd.f32 v18, v4  }
0x373: {  	v5 =	vadd.f32 v5, v11;
	v10 =	vld [tilespmem:s4+$0x14000];
	v6 =	vadd.f32 v6, v7  }
0x374: {  	v4 =	vadd.f32 v4, v8;
	v7 =	vadd.f32 v12, v14  }
0x375: {  	v8 =	vadd.f32 v45, v22;
	v5 =	vadd.f32 v5, v6  }
0x376: {  	v6 =	vadd.f32 v43, v21;
	v4 =	vadd.f32 v7, v4  }
0x377: {  	[tilespmem:s16+$0x0] =	vst v8;
	v5 =	vadd.f32 v5, v9  }
0x378: {  	s0 =	simm.s32 $0x0;
	[tilespmem:s12+$0x14000] =	vst v6;
	v4 =	vadd.f32 v4, v10  }
0x379: {  	s7 =	sand.u32 $0xC00, s0;
	[tilespmem:s8+$0x0] =	vst v5  }
0x37a: {  	s5 =	sand.u32 $0x60, s0;
	s2 =	sor.u32 $0x12180, s7;
	[tilespmem:s4+$0x14000] =	vst v4  }
0x37b: {  	s3 =	sor.u32 $0x12080, s7;
	s0 =	sor.u32 s5, s2;
	v18 =	vld [tilespmem:$0x14230]  }
0x37c: {  	s19 =	sor.u32 $0x12000, s7;
	s6 =	sor.u32 s5, s3;
	v19 =	vld [tilespmem:s0+$0x0]  }
0x37d: {  	s10 =	sor.u32 $0x13100, s7;
	s20 =	sor.u32 s5, s19;
	v21 =	vld [tilespmem:s6+$0x0]  }
0x37e: {  	s23 =	sor.u32 $0x12380, s7;
	s24 =	sor.u32 s5, s10;
	v23 =	vld [tilespmem:s20+$0x0]  }
0x37f: {  	s14 =	sor.u32 $0x13180, s7;
	s13 =	sor.u32 s5, s23;
	v27 =	vld [tilespmem:s24+$0x0]  }
0x380: {  	s15 =	sor.u32 $0x12100, s7;
	s28 =	sor.u32 s5, s14;
	v25 =	vld [tilespmem:s13+$0x0]  }
0x381: {  	s17 =	sor.u32 s5, s15;
	s6 =	sor.u32 $0x12280, s7;
	v28 =	vld [tilespmem:s28+$0x0]  }
0x382: {  	s26 =	simm.s32 $0x10;
	s0 =	sor.u32 $0x12200, s7;
	v29 =	vld [tilespmem:s17+$0x0];
	s22 =	sor.u32 s5, s6  }
0x383: {  	s9 =	sand.u32 $0x70, s26;
	s18 =	sor.u32 s5, s0;
	v7 =	vld [tilespmem:s22+$0x0]  }
0x384: {  	s29 =	sor.u32 $0x12300, s7;
	s2 =	sor.u32 s9, s2;
	v22 =	vld [tilespmem:s18+$0x0];
	v4 =	vbroadcast v18, $0x0  }
0x385: {  	s30 =	sor.u32 s5, s29;
	v30 =	vld [tilespmem:s2+$0x0];
	v6 =	vbroadcast v18, $0x1;
	v8 =	vbroadcast v18, $0x2  }
0x386: {  	s11 =	sor.u32 s9, s19;
	v61 =	vld [tilespmem:s30+$0x0];
	v9 =	vbroadcast v18, $0x3;
	v11 =	vbroadcast v18, $0x5  }
0x387: {  	s15 =	sor.u32 s9, s15;
	s4 =	sor.u32 $0x13200, s7;
	v62 =	vld [tilespmem:s11+$0x0];
	v10 =	vbroadcast v18, $0x4;
	v12 =	vbroadcast v18, $0x6  }
0x388: {  	s1 =	sor.u32 s5, s4;
	v49 =	vld [tilespmem:s15+$0x0];
	v13 =	vbroadcast v18, $0x7;
	v31 =	vsub.f32 v7, v11;
	v21 =	vsub.f32 v21, v6  }
0x389: {  	s13 =	sor.u32 s9, s29;
	v20 =	vld [tilespmem:s1+$0x0];
	v15 =	vbroadcast v18, $0x8;
	v19 =	vsub.f32 v19, v9;
	v22 =	vsub.f32 v22, v10  }
0x38a: {  	s3 =	sor.u32 s9, s3;
	s8 =	sor.u32 $0x13000, s7;
	v48 =	vld [tilespmem:s13+$0x0];
	v16 =	vbroadcast v18, $0xA;
	v25 =	vsub.f32 v25, v13;
	v29 =	vsub.f32 v29, v8  }
0x38b: {  	v63 =	vld [tilespmem:s3+$0x0];
	s26 =	sor.u32 s9, s8;
	s1 =	sor.u32 $0x13080, s7;
	v17 =	vbroadcast v18, $0xB;
	v23 =	vsub.f32 v23, v4;
	v32 =	vsub.f32 v61, v12  }
0x38c: {  	v58 =	vld [tilespmem:s26+$0x0];
	s21 =	sor.u32 s5, s1;
	v14 =	vbroadcast v18, $0xC;
	v30 =	vsub.f32 v30, v9;
	v52 =	vsub.f32 v62, v4  }
0x38d: {  	s25 =	sor.u32 s5, s8;
	s18 =	sor.u32 $0x13280, s7;
	v24 =	vld [tilespmem:s21+$0x0];
	v5 =	vbroadcast v18, $0x9;
	v28 =	vsub.f32 v28, v17;
	v34 =	vsub.f32 v49, v8  }
0x38e: {  	v26 =	vld [tilespmem:s25+$0x0];
	s19 =	sor.u32 s5, s18;
	v7 =	vbroadcast v18, $0xD;
	v20 =	vsub.f32 v20, v14;
	v27 =	vsub.f32 v27, v16  }
0x38f: {  	s16 =	sor.u32 s9, s23;
	v53 =	vld [tilespmem:s19+$0x0];
	v40 =	vsub.f32 v48, v12;
	v31 =	vmul.f32 v31, v31;
	v21 =	vmul.f32 v21, v21  }
0x390: {  	s23 =	sor.u32 $0x13300, s7;
	v50 =	vld [tilespmem:s16+$0x0];
	s20 =	sor.u32 s9, s14;
	v63 =	vsub.f32 v63, v6;
	v19 =	vmul.f32 v19, v19;
	v25 =	vmul.f32 v25, v25  }
0x391: {  	s3 =	sor.u32 s9, s23;
	v54 =	vld [tilespmem:s20+$0x0];
	v43 =	vsub.f32 v58, v15;
	v29 =	vmul.f32 v29, v29;
	v22 =	vmul.f32 v22, v22  }
0x392: {  	s17 =	sor.u32 s9, s0;
	v38 =	vld [tilespmem:s3+$0x0];
	v24 =	vsub.f32 v24, v5;
	v23 =	vmul.f32 v23, v23;
	v60 =	vmul.f32 v30, v30  }
0x393: {  	v51 =	vld [tilespmem:s17+$0x0];
	s21 =	sor.u32 s9, s10;
	v42 =	vmul.f32 v28, v28;
	v21 =	vadd.f32 v31, v21;
	v31 =	vsub.f32 v26, v15  }
0x394: {  	s28 =	sor.u32 s9, s6;
	s22 =	sor.u32 $0x13380, s7;
	v55 =	vld [tilespmem:s21+$0x0];
	v59 =	vsub.f32 v53, v7;
	v39 =	vmul.f32 v52, v52;
	v62 =	vmul.f32 v20, v20  }
0x395: {  	s24 =	sor.u32 s5, s22;
	v61 =	vld [tilespmem:s28+$0x0];
	v41 =	vmul.f32 v63, v63;
	v22 =	vadd.f32 v22, v23;
	v31 =	vmul.f32 v31, v31  }
0x396: {  	s25 =	sor.u32 s5, s23;
	v56 =	vld [tilespmem:s24+$0x0];
	v26 =	vadd.f32 v25, v19;
	v25 =	vmul.f32 v32, v32;
	v19 =	vbroadcast v18, $0xE  }
0x397: {  	s30 =	sor.u32 s9, s4;
	v57 =	vld [tilespmem:s25+$0x0];
	v18 =	vbroadcast v18, $0xF;
	v22 =	vadd.f32 v31, v22;
	v31 =	vsub.f32 v50, v13  }
0x398: {  	s11 =	rddreg [dreg:$0x15];
	v35 =	vld [tilespmem:s30+$0x0];
	s29 =	sor.u32 s9, s22;
	v23 =	vmul.f32 v24, v24;
	v25 =	vadd.f32 v25, v29;
	v29 =	vsub.f32 v51, v10  }
0x399: {  	s8 =	simm.s32 $0x14010;
	s16 =	sadd.s32 $0x20, s11;
	s1 =	sor.u32 s9, s1;
	v30 =	vld [tilespmem:s29+$0x0];
	v33 =	vsub.f32 v55, v16;
	v24 =	vmul.f32 v34, v34;
	v31 =	vmul.f32 v31, v31  }
0x39a: {  	s25 =	simm.s32 $0x0;
	s17 =	sor.u32 s9, s18;
	s5 =	simm.s32 $0x100;
	v20 =	vld [tilespmem:s11+$0x0];
	v45 =	vsub.f32 v61, v11;
	v34 =	vmul.f32 v29, v29;
	v29 =	vsub.f32 v54, v17  }
0x39b: {  	s10 =	simm.s32 $0x20;
	v37 =	vmul.f32 v59, v59;
	v44 =	vsub.f32 v56, v18;
	v28 =	vadd.f32 v31, v60;
	v31 =	vld [tilespmem:s1+$0x0];
	s1 =	sadd.s32 $0x0, s31;
	s31 =	rddreg [dreg:$0x16]  }
0x39c: {  	v36 =	vsub.f32 v57, v19;
	v29 =	vmul.f32 v29, v29;
	v32 =	vadd.f32 v62, v22;
	v22 =	vld [tilespmem:s8+$0x0];
	s19 =	sadd.s32 $0x20, s31;
	s4 =	sadd.s32 $0x200, s1;
	s12 =	smov.u32 s31  }
.LBB2_22:
0x39d: {  	s20 =	sand.u32 $0xC00, s5;
	v53 =	vld [tilespmem:s17+$0x0]  }
0x39e: {  	s9 =	sand.u32 $0x60, s10;
	v26 =	vadd.f32 v42, v26;
	v51 =	vmul.f32 v44, v44;
	v44 =	vld [tilespmem:s11+$0xFFFFFFF0];
	s7 =	sor.u32 $0x12180, s20;
	v27 =	vmul.f32 v27, v27  }
0x39f: {  	v45 =	vmul.f32 v45, v45;
	v34 =	vadd.f32 v34, v39;
	s6 =	sor.u32 $0x13200, s20;
	v21 =	vadd.f32 v23, v21;
	v23 =	vld [tilespmem:s8+$0xFFFFFFF0];
	s24 =	sor.u32 s9, s7  }
0x3a0: {  	s0 =	sadd.s32 $0x210, s1;
	v52 =	vmul.f32 v40, v40;
	s3 =	sor.u32 $0x12080, s20;
	v28 =	vadd.f32 v29, v28;
	s26 =	sor.u32 s9, s6;
	v46 =	vld [tilespmem:s24+$0x0];
	v25 =	vadd.f32 v27, v25  }
0x3a1: {  	[dreg:$0x7] =	wrdreg s0;
	s0 =	sor.u32 $0x12200, s20;
	v54 =	vmul.f32 v43, v43;
	s18 =	sor.u32 s9, s3;
	v26 =	vadd.f32 v51, v26;
	v27 =	vld [tilespmem:s26+$0x0];
	v21 =	vadd.f32 v37, v21  }
0x3a2: {  	s28 =	sor.u32 $0x12000, s20;
	s21 =	sor.u32 s9, s0;
	v55 =	vld [tilespmem:s18+$0x0];
	v56 =	vadd.f32 v45, v41;
	v24 =	vadd.f32 v52, v24  }
0x3a3: {  	s23 =	sor.u32 $0x13080, s20;
	s22 =	sor.u32 s9, s28;
	v57 =	vld [tilespmem:s21+$0x0];
	v34 =	vadd.f32 v54, v34;
	v38 =	vsub.f32 v38, v19  }
0x3a4: {  	s2 =	sadd.s32 $0x10, s10;
	s13 =	sor.u32 $0x12280, s20;
	v36 =	vmul.f32 v36, v36;
	s31 =	sor.u32 s9, s23;
	v58 =	vld [tilespmem:s22+$0x0];
	v35 =	vsub.f32 v35, v14;
	v30 =	vsub.f32 v30, v18  }
0x3a5: {  	v33 =	vmul.f32 v33, v33;
	s15 =	sor.u32 s9, s13;
	s21 =	sand.u32 $0x70, s2;
	v59 =	vld [tilespmem:s31+$0x0];
	v31 =	vsub.f32 v31, v5;
	v21 =	vadd.f32 v21, v32  }
0x3a6: {  	s14 =	sor.u32 $0x13100, s20;
	v61 =	vld [tilespmem:s15+$0x0];
	s7 =	sor.u32 s21, s7;
	v60 =	vsub.f32 v53, v7;
	v25 =	vadd.f32 v36, v25;
	v29 =	vmul.f32 v35, v35  }
0x3a7: {  	s30 =	sor.u32 $0x12100, s20;
	s24 =	sor.u32 $0x12300, s20;
	s28 =	sor.u32 s21, s28;
	v24 =	vadd.f32 v33, v24;
	v48 =	vld [tilespmem:s7+$0x0];
	v30 =	vmul.f32 v30, v30;
	v38 =	vmul.f32 v38, v38  }
0x3a8: {  	s29 =	sor.u32 s9, s30;
	s22 =	sor.u32 s21, s30;
	s30 =	sor.u32 s21, s24;
	v51 =	vld [tilespmem:s28+$0x0];
	v31 =	vmul.f32 v31, v31;
	v25 =	vadd.f32 v26, v25;
	v29 =	vadd.f32 v29, v34  }
0x3a9: {  	s1 =	sor.u32 s9, s14;
	s18 =	sor.u32 $0x13180, s20;
	v54 =	vld [tilespmem:s30+$0x0];
	v28 =	vadd.f32 v30, v28;
	v24 =	vadd.f32 v38, v24  }
0x3aa: {  	v33 =	vld [tilespmem:s1+$0x0];
	s1 =	smov.u32 s12;
	s12 =	sor.u32 s9, s18;
	v26 =	vsub.f32 v46, v9;
	v31 =	vadd.f32 v31, v56  }
0x3ab: {  	s26 =	sor.u32 $0x12380, s20;
	s31 =	sor.u32 s9, s24;
	v63 =	vld [tilespmem:s12+$0x0];
	v32 =	vmul.f32 v60, v60;
	v41 =	vsub.f32 v57, v10;
	v21 =	vadd.f32 v25, v21  }
0x3ac: {  	s2 =	sor.u32 s9, s26;
	v50 =	vld [tilespmem:s31+$0x0];
	v24 =	vadd.f32 v28, v24;
	v28 =	vsub.f32 v61, v11  }
0x3ad: {  	v30 =	vld [tilespmem:s2+$0x0];
	v31 =	vadd.f32 v32, v31;
	v37 =	vsub.f32 v48, v9  }
0x3ae: {  	v49 =	vor.u32 s4, v1;
	s17 =	sor.u32 $0x13000, s20;
	s12 =	rddreg [dreg:$0x7];
	v25 =	vld [tilespmem:s29+$0x0];
	v35 =	vsub.f32 v51, v4;
	v40 =	vsub.f32 v54, v12  }
0x3af: {  	s15 =	sor.u32 s9, s17;
	v32 =	vor.u32 s12, v1;
	v21 =	vadd.f32 v21, v23;
	v23 =	vsub.f32 v59, v5  }
0x3b0: {  	s3 =	sor.u32 s21, s3;
	v62 =	vld [tilespmem:s15+$0x0];
	v26 =	vmul.f32 v26, v26;
	v36 =	vsub.f32 v63, v17;
	v29 =	vadd.f32 v31, v29  }
0x3b1: {  	s24 =	sor.u32 s21, s26;
	v53 =	vld [tilespmem:s3+$0x0];
	v28 =	vmul.f32 v28, v28;
	v31 =	vsub.f32 v55, v6;
	v55 =	vsub.f32 v50, v12  }
0x3b2: {  	s0 =	sor.u32 s21, s0;
	v56 =	vld [tilespmem:s24+$0x0];
	v37 =	vmul.f32 v37, v37;
	v52 =	vmin.f32 v44, v21;
	v21 =	vadd.f32 v24, v29  }
0x3b3: {  	s26 =	sor.u32 $0x13280, s20;
	v57 =	vld [tilespmem:s0+$0x0];
	[tilespmem:s11+$0xFFFFFFF0] =	vst v52;
	v24 =	vmul.f32 v31, v31;
	v25 =	vsub.f32 v25, v8;
	v29 =	vsub.f32 v30, v13  }
0x3b4: {  	s29 =	sor.u32 s9, s26;
	v39 =	vmul.f32 v35, v35;
	v31 =	vsub.f32 v58, v4;
	v30 =	vld [tilespmem:s1+$0xFFFFFFF0];
	v22 =	vadd.f32 v21, v22  }
0x3b5: {  	v59 =	vld [tilespmem:s29+$0x0];
	s29 =	sor.u32 $0x13300, s20;
	v21 =	vadd.f32 v28, v24;
	v24 =	vmul.f32 v29, v29;
	v28 =	vsub.f32 v62, v15  }
0x3b6: {  	v29 =	vld [tilespmem:s22+$0x0];
	v31 =	vmul.f32 v31, v31;
	s31 =	sor.u32 s9, s29;
	v20 =	vmin.f32 v20, v22;
	v22 =	vmul.f32 v25, v25  }
0x3b7: {  	v47 =	vld [tilespmem:s31+$0x0];
	v25 =	vmul.f32 v41, v41;
	v26 =	vadd.f32 v24, v26;
	v24 =	vmul.f32 v55, v55;
	[tilespmem:s11+$0x0] =	vst v20  }
0x3b8: {  	s18 =	sor.u32 s21, s18;
	v43 =	vsub.f32 v53, v6;
	v23 =	vmul.f32 v23, v23;
	v42 =	vmul.f32 v36, v36;
	v58 =	vld [tilespmem:s1+$0x0]  }
0x3b9: {  	s15 =	sor.u32 s21, s14;
	v28 =	vmul.f32 v28, v28;
	v31 =	vadd.f32 v25, v31;
	v60 =	vld [tilespmem:s18+$0x0];
	v25 =	vadd.f32 v24, v22  }
0x3ba: {  	s14 =	sor.u32 s21, s17;
	s28 =	sor.u32 $0x13380, s20;
	v30 =	vmul.f32 v52, v30;
	v22 =	vsub.f32 v27, v14;
	v61 =	vld [tilespmem:s15+$0x0];
	v27 =	vsub.f32 v33, v16  }
0x3bb: {  	s30 =	sor.u32 s9, s28;
	v41 =	vmul.f32 v43, v43;
	v63 =	vsub.f32 v59, v7;
	v48 =	vld [tilespmem:s14+$0x0];
	v29 =	vsub.f32 v29, v8  }
0x3bc: {  	s2 =	sor.u32 s21, s29;
	vm0 =	vgt.f32 v30, v2;
	v62 =	vadd.f32 v28, v31;
	v31 =	vld [tilespmem:s30+$0x0];
	v28 =	vsub.f32 v57, v10  }
0x3bd: {  	s25 =	sadd.s32 $0x2, s25;
	s13 =	sor.u32 s21, s13;
	v38 =	vld [tilespmem:s2+$0x0];
	v22 =	vmul.f32 v22, v22;
	v24 =	vmul.f32 v29, v29;
	v29 =	vsub.f32 v56, v13  }
0x3be: {  	p0 =	slt.u32 s25, $0x1E;
	s7 =	sor.u32 s21, s6;
	v36 =	vsub.f32 v47, v19;
	v3 =	vsel vm0, v49, v3;
	v49 =	vld [tilespmem:s13+$0x0];
	v34 =	vmul.f32 v28, v28  }
.Ltmp9:
0x3bf: {  	s0 =	sor.u32 s21, s28;
	v35 =	vld [tilespmem:s7+$0x0];
	v20 =	vmul.f32 v20, v58;
	v50 =	vsub.f32 v60, v17;
	v28 =	vmul.f32 v29, v29;
	(pc) =	sbr.rel @p0 .LBB2_22-.Ltmp9, $4  }
0x3c0: {  	s5 =	sadd.s32 $0x100, s5;
	s8 =	sadd.s32 $0x20, s8;
	s23 =	sor.u32 s21, s23;
	v2 =	vsel vm0, v30, v2;
	v30 =	vld [tilespmem:s0+$0x0];
	v33 =	vsub.f32 v61, v16;
	v43 =	vsub.f32 v48, v15  }
0x3c1: {  	s17 =	sor.u32 s21, s26;
	s6 =	rddreg [dreg:$0x4];
	s11 =	smov.u32 s16;
	vm0 =	vgt.f32 v20, v2;
	v28 =	vadd.f32 v28, v37;
	v44 =	vsub.f32 v31, v18;
	v31 =	vld [tilespmem:s23+$0x0]  }
0x3c2: {  	s12 =	smov.u32 s19;
	s19 =	sadd.s32 $0x20, s19;
	s1 =	sadd.s32 s10, s6;
	v29 =	vmul.f32 v50, v50;
	v37 =	vmul.f32 v63, v63;
	v2 =	vsel vm0, v20, v2;
	v20 =	vld [tilespmem:s11+$0x0]  }
0x3c3: {  	s16 =	sadd.s32 $0x20, s16;
	s10 =	sadd.s32 $0x20, s10;
	s4 =	sadd.s32 $0x200, s1;
	v3 =	vsel vm0, v32, v3;
	v45 =	vsub.f32 v49, v11;
	v32 =	vadd.f32 v22, v62;
	v22 =	vld [tilespmem:s8+$0x0]  }
0x3c4: {  	v4 =	vadd.f32 v42, v26;
	v6 =	vmul.f32 v27, v27;
	v9 =	vadd.f32 v34, v39  }
0x3c5: {  	v8 =	vmul.f32 v44, v44;
	v10 =	vadd.f32 v23, v21;
	v12 =	vsub.f32 v38, v19  }
0x3c6: {  	v13 =	vmul.f32 v40, v40;
	v52 =	vsub.f32 v35, v14;
	v53 =	vmul.f32 v43, v43  }
0x3c7: {  	v15 =	vld [tilespmem:s17+$0x0];
	v17 =	vmul.f32 v33, v33;
	v56 =	vadd.f32 v29, v28;
	v16 =	vsub.f32 v30, v18  }
0x3c8: {  	v54 =	vmul.f32 v36, v36;
	v6 =	vadd.f32 v6, v25;
	v4 =	vadd.f32 v8, v4  }
0x3c9: {  	v11 =	vmul.f32 v45, v45;
	v10 =	vadd.f32 v37, v10;
	v13 =	vadd.f32 v13, v24  }
0x3ca: {  	v9 =	vadd.f32 v53, v9;
	v5 =	vsub.f32 v31, v5;
	v8 =	vmul.f32 v52, v52  }
0x3cb: {  	v12 =	vmul.f32 v12, v12;
	v11 =	vadd.f32 v11, v41;
	v10 =	vadd.f32 v10, v32  }
0x3cc: {  	v5 =	vmul.f32 v5, v5;
	v6 =	vadd.f32 v54, v6;
	v7 =	vsub.f32 v15, v7  }
0x3cd: {  	v57 =	vld [tilespmem:s8+$0xFFFFFFF0];
	v55 =	vmul.f32 v16, v16;
	v13 =	vadd.f32 v17, v13;
	v8 =	vadd.f32 v8, v9  }
0x3ce: {  	v5 =	vadd.f32 v5, v11;
	v4 =	vadd.f32 v4, v6;
	v7 =	vmul.f32 v7, v7  }
0x3cf: {  	v60 =	vld [tilespmem:s11+$0xFFFFFFF0];
	v58 =	vadd.f32 v55, v56;
	v59 =	vadd.f32 v12, v13  }
0x3d0: {  	v4 =	vadd.f32 v4, v10;
	v5 =	vadd.f32 v7, v5  }
0x3d1: {  	v6 =	vadd.f32 v58, v59  }
0x3d2: {  	v4 =	vadd.f32 v4, v57;
	v5 =	vadd.f32 v5, v8;
	_ =	sdelay $0x1  }
0x3d3: {  	v4 =	vmin.f32 v60, v4;
	v5 =	vadd.f32 v6, v5  }
0x3d4: {  	[tilespmem:s11+$0xFFFFFFF0] =	vst v4  }
0x3d5: {  	v61 =	vld [tilespmem:s12+$0xFFFFFFF0];
	v5 =	vadd.f32 v5, v22;
	_ =	sdelay $0x1  }
0x3d6: {  	v5 =	vmin.f32 v20, v5  }
0x3d7: {  	[tilespmem:s11+$0x0] =	vst v5  }
0x3d8: {  	v62 =	vld [tilespmem:s12+$0x0];
	s26 =	rddreg [dreg:$0x17]  }
0x3d9: {  	v4 =	vmul.f32 v4, v61;
	s28 =	rddreg [dreg:$0x13]  }
0x3da: {  	s0 =	sadd.s32 $0x210, s1;
	s29 =	rddreg [dreg:$0x14];
	s1 =	sadd.s32 $0x1, s26  }
0x3db: {  	s30 =	rddreg [dreg:$0x15];
	vm0 =	vgt.f32 v4, v2;
	p0 =	sne.s32 s1, $0x8  }
.Ltmp10:
0x3dc: {  	s31 =	rddreg [dreg:$0x16];
	v2 =	vsel vm0, v4, v2;
	v4 =	vor.u32 s0, v1;
	s0 =	sadd.s32 $0x400, s28;
	(pc) =	sbr.rel @p0 .LBB2_7-.Ltmp10, $4  }
0x3dd: {  	[dreg:$0x13] =	wrdreg s0;
	s0 =	sadd.s32 $0x400, s29;
	v5 =	vmul.f32 v5, v62  }
0x3de: {  	v63 =	vor.u32 s4, v1;
	[dreg:$0x14] =	wrdreg s0;
	s0 =	sadd.s32 $0x400, s30  }
0x3df: {  	v3 =	vsel vm0, v63, v3;
	[dreg:$0x15] =	wrdreg s0;
	s0 =	sadd.s32 $0x400, s31;
	vm15 =	vgt.f32 v5, v2  }
0x3e0: {  	s6 =	sadd.s32 $0x400, s6;
	[dreg:$0x16] =	wrdreg s0;
	v2 =	vsel vm15, v5, v2;
	v3 =	vsel vm15, v4, v3  }
0x3e1: {  	(xrf0) =	vmax.scan.msk.f32 $0xffff, v2;
	_ =	sdelay $0x5  }
0x3e2: {  	v4, _, _ =	vpop (xrf0)  }
0x3e3: {  	v4 =	vbroadcast v4, $0xF;
	_ =	sdelay $0x1  }
0x3e4: {  	vm0 =	veq.f32 v2, v4;
	v2 =	vxor.u32 $0x80000000, v3  }
0x3e5: {  	v2 =	vnsel vm0, $0xC0000000, v2  }
0x3e6: {  	(xrf0) =	vmin.scan.msk.u32 $0xffff, v2;
	_ =	sdelay $0x5  }
0x3e7: {  	v2, _, _ =	vpop (xrf0)  }
0x3e8: {  	(v2sf) =	vpush v2, $0xF;
	_ =	sdelay $0x8  }
0x3e9: {  	s1 =	rddreg [dreg:$0x12]  }
0x3ea: {  	p0 =	sne.s32 s1, $0x3F  }
.Ltmp11:
0x3eb: {  	_ = 	snop;
	(pc) =	sbr.rel @p0 .LBB2_6-.Ltmp11, $2  }
0x3ec: {  	_ =	sdelay $0x2  }
0x3ed: {  	s0 =	spop (v2sf)  }
0x3ee: {  	s0 =	sshll.u32 s0, $0x7  }
0x3ef: {  	s2 =	rddreg [dreg:$0xd];
	s1 =	sand.u32 $0xFFFFFC00, s0  }
0x3f0: {  	s0 =	sand.u32 $0x380, s0;
	s1 =	sadd.s32 s2, s1  }
0x3f1: {  	s0 =	sor.u32 s0, s1  }
0x3f2: {  	s24 =	rddreg [dreg:$0x8];
	s25 =	simm.s32 $0x0;
	s0 =	sshrl.u32 s0, $0x3  }
0x3f3: {  	s3 =	simm.s32 $0x14200;
	s26 =	simm.s32 $0x4;
	s0 =	sadd.s32 s24, s0  }
0x3f4: {  	[tilespmem:s3], [sflag:$0x4] =	stream.linear.gather [hbm4b:s0+s25], $0x80, $0x38;
	[tilespmem:$0x14280] =	vst v63  }
0x3f5: {  	_ =	swait.ge [sflag:s26], $0x80  }
0x3f6: {  	[sflag:s26] =	ssyncset.done $0x0  }
0x3f7: {  	s28 =	rddreg [dreg:$0xf];
	[sflag:s26] =	ssyncadd.s32 $0xFFFFFF80  }
0x3f8: {  	[hbm4b:s28+s25] =	stream.linear.scatter [tilespmem:s3], [sflag:$0x4], $0x80, $0x38;
	[tilespmem:$0x14280] =	vst v63  }
0x3f9: {  	_ =	swait.ge [sflag:s26], $0x80  }
0x3fa: {  	[sflag:s26] =	ssyncset.done $0x0  }
0x3fb: {  	s29 =	simm.s32 $0x1;
	[sflag:s26] =	ssyncadd.s32 $0xFFFFFF80  }
0x3fc: {  	_ =	swait.ge [sflag:s29], $0x8000  }
0x3fd: {  	s30 =	rddreg [dreg:$0x11]  }
0x3fe: {  	s31 =	rddreg [dreg:$0x10];
	s2 =	sadd.s32 $0x1, s30  }
0x3ff: {  	p0 =	sne.s32 s2, s31  }
.Ltmp12:
0x400: {  	_ = 	snop;
	(pc) =	sbr.rel @p0 .LBB2_1-.Ltmp12, $3  }
0x401: {  	_ =	sdelay $0x1  }
0x402: {  	[sflag:s29] =	ssyncset.done $0x0  }
0x403: {  	[sflag:s29] =	ssyncadd.s32 $0xFFFF8000  }
0x404: {  	_ =	sfence.sel $0x180000  }
0x405: {  	[bflag:$0x0] =	sbarrier.arrive $0xFFFF  }
0x406: {  	_ =	strace $0x90000047  }
0x407: {  	s0 =	stileid.u32;
	[bflag:$0x2] =	sbarrier.arrive $0xFFFF  }
0x408: {  	p0 =	sne.s32 s0, $0x0;
	s0 =	rddreg [dreg:$0x3]  }
0x409: {  	s0 =	sadd.s32 @!p0 $0x100000, s0  }
0x40a: {  	[sflag:s0] =	ssyncadd.tile.s32 @!p0 $0x1;
	_ =	shalt  }
.Lfunc_end2:
_tile_overlayer_lowered:
.L_overlay_start_2:
0x40b: {  	(tag) =	ssettag $0x2  }
0x40c: {  	s0 =	rddreg [dreg:$0x0];
	s2 =	stileid.u32  }
0x40d: {  	s1 =	rddreg [dreg:$0x1];
	p0 =	sne.s32 s2, $0x0  }
0x40e: {  	s3 =	rddreg [dreg:$0x2];
	[bflag:$0x3] =	sbarrier.arrive $0xFFFF;
	s2 =	simm.s32 @!p0 $0x1C04  }
0x40f: {  	[timem:s3], [sflag:s2] =	dma.local @!p0 [hbm:s0], s1  }
0x410: {  	s0 =	simm.s32 @!p0 $0x4  }
0x411: {  	_ =	swait.ge @!p0 [sflag:s0], s1  }
0x412: {  	s1 =	ssub.s32 @!p0 $0x0, s1;
	[sflag:s0] =	ssyncset.done @!p0 $0x0  }
0x413: {  	[sflag:s0] =	ssyncadd.s32 @!p0 s1  }
0x414: {  	[bflag:$0x3] =	sbarrier.arrive $0xFFFF  }
0x415: {  	_ =	shalt  }

</sc_bundles>
